<compile_context>
chip_gen: v7x
topology: tpu7x:2x2x1
jax: 0.10.2.dev20260603
libtpu: 0.0.44.dev20260713+nightly
codegen_flags: <defaults>
</compile_context>

<pallas_src>
import functools

import jax
import jax.numpy as jnp
from jax import lax
from jax.experimental import pallas as pl
from jax.experimental.pallas import tpu as pltpu
from jax.experimental.pallas import tpu_sc as plsc

C = 32
NW = 32
G = 128
CH = 8
CHUNK = CH * G
NBUF = 2
BKQ = 8192


def _eye128():
    r = lax.broadcasted_iota(jnp.int32, (4 * C, 4 * C), 0)
    c = lax.broadcasted_iota(jnp.int32, (4 * C, 4 * C), 1)
    return (r == c).astype(jnp.float32)


def _transpose_to_rows(x2d, n):
    n4 = n // 4
    nb = n4 // BKQ

    def body(x0, x1, x2, x3, o_ref):
        x = jnp.concatenate([x0[...], x1[...], x2[...], x3[...]], axis=0)
        o_ref[...] = lax.dot_general(
            x, _eye128(), (((0,), (0,)), ((), ())),
            preferred_element_type=jnp.float32)

    return pl.pallas_call(
        body,
        grid=(nb,),
        in_specs=[
            pl.BlockSpec((C, BKQ), lambda i, k=k: (0, k * nb + i))
            for k in range(4)
        ],
        out_specs=pl.BlockSpec((BKQ, 4 * C), lambda i: (i, 0)),
        out_shape=jax.ShapeDtypeStruct((n4, 4 * C), jnp.float32),
    )(x2d, x2d, x2d, x2d)


P = 16384


def _transpose_to_cols(ot4, n):
    n4 = n // 4
    nb = n4 // P

    def body(x_ref, o_ref):
        r = lax.broadcasted_iota(jnp.int32, (C, 4 * C), 0)
        l = lax.broadcasted_iota(jnp.int32, (C, 4 * C), 1)
        for k in range(4):
            sel = (l == C * k + r).astype(jnp.float32)
            o_ref[:, P * k:P * (k + 1)] = lax.dot_general(
                sel, x_ref[...], (((1,), (1,)), ((), ())),
                preferred_element_type=jnp.float32)

    return pl.pallas_call(
        body,
        grid=(nb,),
        in_specs=[pl.BlockSpec((P, 4 * C), lambda i: (i, 0))],
        out_specs=pl.BlockSpec((C, 4 * P), lambda i: (0, i)),
        out_shape=jax.ShapeDtypeStruct((C, n), jnp.float32),
    )(ot4)


def _sc_scatter_rows(xt, idx16, n):
    n4 = n // 4
    rows_per_w = n // NW
    iters = rows_per_w // CHUNK
    u_per_w = rows_per_w // 4
    slab_rows = u_per_w // 16
    mesh = plsc.VectorSubcoreMesh(core_axis_name="c", subcore_axis_name="s")

    @functools.partial(
        pl.kernel,
        mesh=mesh,
        compiler_params=pltpu.CompilerParams(
            use_tc_tiling_on_sc=False, needs_layout_passes=False),
        out_type=jax.ShapeDtypeStruct((n, C), jnp.float32),
        scratch_types=[
            pltpu.VMEM((4 * slab_rows, 16), jnp.int32),
            [[pltpu.VMEM((G,), jnp.int32) for _ in range(CH)]
             for _ in range(NBUF)],
            [pltpu.VMEM((CHUNK, C), jnp.float32) for _ in range(NBUF)],
            pltpu.SemaphoreType.DMA,
            [pltpu.SemaphoreType.DMA for _ in range(NBUF)],
            [pltpu.SemaphoreType.DMA for _ in range(NBUF)],
        ],
    )
    def scatter_kernel(xt_hbm, idx_hbm, out_hbm, idx_v, i_bufs, row_bufs,
                       isem, lsem, ssem):
        wid = lax.axis_index("s") * 2 + lax.axis_index("c")
        base = wid * rows_per_w

        for q in range(4):
            src_row = pl.multiple_of(
                q * (n4 // 16) + wid * slab_rows, slab_rows)
            pltpu.async_copy(
                idx_hbm.at[pl.ds(src_row, slab_rows)],
                idx_v.at[pl.ds(q * slab_rows, slab_rows)],
                isem,
            )
        pltpu.make_async_copy(
            idx_hbm.at[pl.ds(0, 4 * slab_rows)], idx_v, isem
        ).wait()

        lane = lax.iota(jnp.int32, 16)

        def issue_load(it, b):
            rbase = pl.multiple_of(base + it * CHUNK, CHUNK)
            pltpu.async_copy(xt_hbm.at[pl.ds(rbase, CHUNK)], row_bufs[b], lsem[b])

        for b in range(NBUF):
            issue_load(b, b)

        def outer(i2, carry):
            for b in range(NBUF):
                it = i2 * NBUF + b
                for g in range(CH):
                    gi = it * CH + g
                    for q in range(4):
                        for h in range(2):
                            p = idx_v[slab_rows * q + 2 * gi + h, :]
                            lp = P.bit_length() - 1
                            wv = (
                                (p & ~(4 * P - 1))
                                | ((p & (P - 1)) * 4)
                                | (lax.shift_right_logical(p, lp) & 3)
                            )
                            plsc.store_scatter(
                                i_bufs[b][g], [lane * 4 + (64 * h + q)], wv
                            )
                pltpu.make_async_copy(
                    xt_hbm.at[pl.ds(0, CHUNK)], row_bufs[b], lsem[b]
                ).wait()
                descs = [
                    pltpu.async_copy(
                        row_bufs[b].at[pl.ds(g * G, G)],
                        out_hbm.at[i_bufs[b][g]],
                        ssem[b],
                    )
                    for g in range(CH)
                ]
                for d in descs:
                    d.wait()

                @pl.when(it + NBUF < iters)
                def _():
                    issue_load(it + NBUF, b)

            return carry

        lax.fori_loop(0, iters // NBUF, outer, 0)

    return scatter_kernel(xt, idx16)


def kernel(x, indices):
    b, c, n = x.shape
    x2d = x.reshape(c, n)
    idx16 = indices.reshape(n // 16, 16)
    xt4 = _transpose_to_rows(x2d, n)
    out_t = _sc_scatter_rows(xt4.reshape(n, C), idx16, n)
    out2d = _transpose_to_cols(out_t.reshape(n // 4, 4 * C), n)
    return out2d.reshape(b, c, n)

# --- scband reference (transcript-rebuilt; emitter-appended) ---
"""Pipeline reference for scband-deformable-layer-reverse-18391049962082 (READ-ONLY COPY).

The authoritative reference and input builder live on the scoring server;
editing this copy changes nothing except your own understanding.
"""

import jax, jax.numpy as jnp
import numpy as np

B = 1
C = 32
N = 1048576

def setup_inputs(seed: int = 0) -> dict:
    key = jax.random.key(seed)
    x = jax.random.normal(jax.random.fold_in(key, 0), (B, C, N), dtype=jnp.float32)
    # indices must form a valid permutation per batch row so that the
    # scatter_add-built inverse-permutation stays in [0, N). arange = identity permutation.
    indices = jnp.broadcast_to(jnp.arange(N, dtype=jnp.int32)[None, :], (B, N))
    return {"x": x, "indices": indices}


def reference(x, indices):
    # x: [B, C, *] -> flatten(2)
    b, c = x.shape[0], x.shape[1]
    x = x.reshape(b, c, -1)
    n = indices.shape[-1]
    # index_re = zeros_like(indices); index_re.scatter_add_(1, indices, arange(n) expanded)
    pos = jnp.broadcast_to(jnp.arange(n, dtype=indices.dtype)[None, :], indices.shape)
    batch_idx = jnp.broadcast_to(jnp.arange(b)[:, None], indices.shape)
    index_re = jnp.zeros_like(indices).at[batch_idx, indices].add(pos)
    # x = gather(x, 2, index_re.unsqueeze(1).expand(-1, C, -1))
    idx = jnp.broadcast_to(index_re[:, None, :], (b, c, n))
    out = jnp.take_along_axis(x, idx, axis=2)
    return out

if __name__ == "__main__":
    import jax
    _d = setup_inputs()
    print(jax.jit(kernel)(*tuple(_d.values())))

</pallas_src>

<mosaic_0001>
#map = affine_map<(d0, d1) -> (0, 0)>
module attributes {stable_mosaic.version = 14 : i64} {
  func.func @scatter_kernel(%arg0: i32, %arg1: i32, %arg2: memref<1048576x32xf32, #tpu.memory_space<hbm>>, %arg3: memref<65536x16xi32, #tpu.memory_space<hbm>>, %arg4: memref<1048576x32xf32, #tpu.memory_space<hbm>>, %arg5: memref<2048x16xi32, #tpu.memory_space<vmem>>, %arg6: memref<128xi32, #tpu.memory_space<vmem>>, %arg7: memref<128xi32, #tpu.memory_space<vmem>>, %arg8: memref<128xi32, #tpu.memory_space<vmem>>, %arg9: memref<128xi32, #tpu.memory_space<vmem>>, %arg10: memref<128xi32, #tpu.memory_space<vmem>>, %arg11: memref<128xi32, #tpu.memory_space<vmem>>, %arg12: memref<128xi32, #tpu.memory_space<vmem>>, %arg13: memref<128xi32, #tpu.memory_space<vmem>>, %arg14: memref<128xi32, #tpu.memory_space<vmem>>, %arg15: memref<128xi32, #tpu.memory_space<vmem>>, %arg16: memref<128xi32, #tpu.memory_space<vmem>>, %arg17: memref<128xi32, #tpu.memory_space<vmem>>, %arg18: memref<128xi32, #tpu.memory_space<vmem>>, %arg19: memref<128xi32, #tpu.memory_space<vmem>>, %arg20: memref<128xi32, #tpu.memory_space<vmem>>, %arg21: memref<128xi32, #tpu.memory_space<vmem>>, %arg22: memref<1024x32xf32, #tpu.memory_space<vmem>>, %arg23: memref<1024x32xf32, #tpu.memory_space<vmem>>, %arg24: memref<!tpu.dma_semaphore, #tpu.memory_space<semaphore_mem>>, %arg25: memref<!tpu.dma_semaphore, #tpu.memory_space<semaphore_mem>>, %arg26: memref<!tpu.dma_semaphore, #tpu.memory_space<semaphore_mem>>, %arg27: memref<!tpu.dma_semaphore, #tpu.memory_space<semaphore_mem>>, %arg28: memref<!tpu.dma_semaphore, #tpu.memory_space<semaphore_mem>>) attributes {dimension_semantics = [#tpu.dimension_semantics<core_parallel>, #tpu.dimension_semantics<subcore_parallel>], iteration_bounds = array<i64: 2, 16>, scalar_prefetch = 0 : i64, scratch_operands = 24 : i64, tpu.core_type = #tpu.core_type<sc_vector_subcore>, window_params = [{transform_indices = #map}, {transform_indices = #map}, {transform_indices = #map}]} {
    %mul3A = arith.constant 2 : i32
    %mul3A_0 = arith.muli %arg1, %mul3A : i32
    %add3A = arith.addi %mul3A_0, %arg0 : i32
    %mul3A_1 = arith.constant 32768 : i32
    %mul3A_2 = arith.muli %add3A, %mul3A_1 : i32
    %mul3A_3 = arith.constant 512 : i32
    %mul3A_4 = arith.muli %add3A, %mul3A_3 : i32
    %add3A_5 = arith.constant 0 : i32
    %add3A_6 = arith.addi %add3A_5, %mul3A_4 : i32
    %multiple_of3A = tpu.assume_multiple %add3A_6, 512 : i32
    %dma_start3A = arith.constant 0 : i32
    %dma_start3A_7 = arith.constant 0 : i32
    %dma_start3A_8 = tpu.memref_slice %arg5[%dma_start3A, %dma_start3A_7] : memref<2048x16xi32, #tpu.memory_space<vmem>> -> memref<512x16xi32, #tpu.memory_space<vmem>>
    %dma_start3A_9 = arith.constant 0 : i32
    %dma_start3A_10 = tpu.memref_slice %arg3[%multiple_of3A, %dma_start3A_9] : memref<65536x16xi32, #tpu.memory_space<hbm>> -> memref<512x16xi32, #tpu.memory_space<hbm>>
    %dma_start3A_11 = arith.constant 0 : i32
    %dma_start3A_12 = arith.constant 0 : i32
    %dma_start3A_13 = tpu.memref_slice %arg5[%dma_start3A_11, %dma_start3A_12] : memref<2048x16xi32, #tpu.memory_space<vmem>> -> memref<512x16xi32, #tpu.memory_space<vmem>>
    %dma_start3A_14 = arith.constant 0 : i32
    %dma_start3A_15 = tpu.memref_slice %arg3[%multiple_of3A, %dma_start3A_14] : memref<65536x16xi32, #tpu.memory_space<hbm>> -> memref<512x16xi32, #tpu.memory_space<hbm>>
    tpu.enqueue_dma source(%dma_start3A_15 : memref<512x16xi32, #tpu.memory_space<hbm>>) target(%dma_start3A_13 : memref<512x16xi32, #tpu.memory_space<vmem>>) target_semaphore(%arg24 : memref<!tpu.dma_semaphore, #tpu.memory_space<semaphore_mem>>)
    %mul3A_16 = arith.constant 512 : i32
    %mul3A_17 = arith.muli %add3A, %mul3A_16 : i32
    %add3A_18 = arith.constant 16384 : i32
    %add3A_19 = arith.addi %add3A_18, %mul3A_17 : i32
    %multiple_of3A_20 = tpu.assume_multiple %add3A_19, 512 : i32
    %dma_start3A_21 = arith.constant 512 : i32
    %dma_start3A_22 = arith.constant 0 : i32
    %dma_start3A_23 = tpu.memref_slice %arg5[%dma_start3A_21, %dma_start3A_22] : memref<2048x16xi32, #tpu.memory_space<vmem>> -> memref<512x16xi32, #tpu.memory_space<vmem>>
    %dma_start3A_24 = arith.constant 0 : i32
    %dma_start3A_25 = tpu.memref_slice %arg3[%multiple_of3A_20, %dma_start3A_24] : memref<65536x16xi32, #tpu.memory_space<hbm>> -> memref<512x16xi32, #tpu.memory_space<hbm>>
    %dma_start3A_26 = arith.constant 512 : i32
    %dma_start3A_27 = arith.constant 0 : i32
    %dma_start3A_28 = tpu.memref_slice %arg5[%dma_start3A_26, %dma_start3A_27] : memref<2048x16xi32, #tpu.memory_space<vmem>> -> memref<512x16xi32, #tpu.memory_space<vmem>>
    %dma_start3A_29 = arith.constant 0 : i32
    %dma_start3A_30 = tpu.memref_slice %arg3[%multiple_of3A_20, %dma_start3A_29] : memref<65536x16xi32, #tpu.memory_space<hbm>> -> memref<512x16xi32, #tpu.memory_space<hbm>>
    tpu.enqueue_dma source(%dma_start3A_30 : memref<512x16xi32, #tpu.memory_space<hbm>>) target(%dma_start3A_28 : memref<512x16xi32, #tpu.memory_space<vmem>>) target_semaphore(%arg24 : memref<!tpu.dma_semaphore, #tpu.memory_space<semaphore_mem>>)
    %mul3A_31 = arith.constant 512 : i32
    %mul3A_32 = arith.muli %add3A, %mul3A_31 : i32
    %add3A_33 = arith.constant 32768 : i32
    %add3A_34 = arith.addi %add3A_33, %mul3A_32 : i32
    %multiple_of3A_35 = tpu.assume_multiple %add3A_34, 512 : i32
    %dma_start3A_36 = arith.constant 1024 : i32
    %dma_start3A_37 = arith.constant 0 : i32
    %dma_start3A_38 = tpu.memref_slice %arg5[%dma_start3A_36, %dma_start3A_37] : memref<2048x16xi32, #tpu.memory_space<vmem>> -> memref<512x16xi32, #tpu.memory_space<vmem>>
    %dma_start3A_39 = arith.constant 0 : i32
    %dma_start3A_40 = tpu.memref_slice %arg3[%multiple_of3A_35, %dma_start3A_39] : memref<65536x16xi32, #tpu.memory_space<hbm>> -> memref<512x16xi32, #tpu.memory_space<hbm>>
    %dma_start3A_41 = arith.constant 1024 : i32
    %dma_start3A_42 = arith.constant 0 : i32
    %dma_start3A_43 = tpu.memref_slice %arg5[%dma_start3A_41, %dma_start3A_42] : memref<2048x16xi32, #tpu.memory_space<vmem>> -> memref<512x16xi32, #tpu.memory_space<vmem>>
    %dma_start3A_44 = arith.constant 0 : i32
    %dma_start3A_45 = tpu.memref_slice %arg3[%multiple_of3A_35, %dma_start3A_44] : memref<65536x16xi32, #tpu.memory_space<hbm>> -> memref<512x16xi32, #tpu.memory_space<hbm>>
    tpu.enqueue_dma source(%dma_start3A_45 : memref<512x16xi32, #tpu.memory_space<hbm>>) target(%dma_start3A_43 : memref<512x16xi32, #tpu.memory_space<vmem>>) target_semaphore(%arg24 : memref<!tpu.dma_semaphore, #tpu.memory_space<semaphore_mem>>)
    %mul3A_46 = arith.constant 512 : i32
    %mul3A_47 = arith.muli %add3A, %mul3A_46 : i32
    %add3A_48 = arith.constant 49152 : i32
    %add3A_49 = arith.addi %add3A_48, %mul3A_47 : i32
    %multiple_of3A_50 = tpu.assume_multiple %add3A_49, 512 : i32
    %dma_start3A_51 = arith.constant 1536 : i32
    %dma_start3A_52 = arith.constant 0 : i32
    %dma_start3A_53 = tpu.memref_slice %arg5[%dma_start3A_51, %dma_start3A_52] : memref<2048x16xi32, #tpu.memory_space<vmem>> -> memref<512x16xi32, #tpu.memory_space<vmem>>
    %dma_start3A_54 = arith.constant 0 : i32
    %dma_start3A_55 = tpu.memref_slice %arg3[%multiple_of3A_50, %dma_start3A_54] : memref<65536x16xi32, #tpu.memory_space<hbm>> -> memref<512x16xi32, #tpu.memory_space<hbm>>
    %dma_start3A_56 = arith.constant 1536 : i32
    %dma_start3A_57 = arith.constant 0 : i32
    %dma_start3A_58 = tpu.memref_slice %arg5[%dma_start3A_56, %dma_start3A_57] : memref<2048x16xi32, #tpu.memory_space<vmem>> -> memref<512x16xi32, #tpu.memory_space<vmem>>
    %dma_start3A_59 = arith.constant 0 : i32
    %dma_start3A_60 = tpu.memref_slice %arg3[%multiple_of3A_50, %dma_start3A_59] : memref<65536x16xi32, #tpu.memory_space<hbm>> -> memref<512x16xi32, #tpu.memory_space<hbm>>
    tpu.enqueue_dma source(%dma_start3A_60 : memref<512x16xi32, #tpu.memory_space<hbm>>) target(%dma_start3A_58 : memref<512x16xi32, #tpu.memory_space<vmem>>) target_semaphore(%arg24 : memref<!tpu.dma_semaphore, #tpu.memory_space<semaphore_mem>>)
    %dma_wait3A = arith.constant 0 : i32
    %dma_wait3A_61 = arith.constant 0 : i32
    %dma_wait3A_62 = tpu.memref_slice %arg3[%dma_wait3A, %dma_wait3A_61] : memref<65536x16xi32, #tpu.memory_space<hbm>> -> memref<2048x16xi32, #tpu.memory_space<hbm>>
    %dma_wait3A_63 = arith.constant 0 : i32
    %dma_wait3A_64 = arith.constant 0 : i32
    %dma_wait3A_65 = tpu.memref_slice %arg3[%dma_wait3A_63, %dma_wait3A_64] : memref<65536x16xi32, #tpu.memory_space<hbm>> -> memref<2048x16xi32, #tpu.memory_space<hbm>>
    tpu.wait_dma2 semaphore(%arg24 : memref<!tpu.dma_semaphore, #tpu.memory_space<semaphore_mem>>) src(%dma_wait3A_65 : memref<2048x16xi32, #tpu.memory_space<hbm>>) dst(%arg5 : memref<2048x16xi32, #tpu.memory_space<vmem>>)
    %iota3A = tpu.iota {dimensions = array<i32: 0>} : vector<16xi32>
    %add3A_66 = arith.constant 0 : i32
    %add3A_67 = arith.addi %mul3A_2, %add3A_66 : i32
    %multiple_of3A_68 = tpu.assume_multiple %add3A_67, 1024 : i32
    %dma_start3A_69 = arith.constant 0 : i32
    %dma_start3A_70 = tpu.memref_slice %arg2[%multiple_of3A_68, %dma_start3A_69] : memref<1048576x32xf32, #tpu.memory_space<hbm>> -> memref<1024x32xf32, #tpu.memory_space<hbm>>
    %dma_start3A_71 = arith.constant 0 : i32
    %dma_start3A_72 = tpu.memref_slice %arg2[%multiple_of3A_68, %dma_start3A_71] : memref<1048576x32xf32, #tpu.memory_space<hbm>> -> memref<1024x32xf32, #tpu.memory_space<hbm>>
    tpu.enqueue_dma source(%dma_start3A_72 : memref<1024x32xf32, #tpu.memory_space<hbm>>) target(%arg22 : memref<1024x32xf32, #tpu.memory_space<vmem>>) target_semaphore(%arg25 : memref<!tpu.dma_semaphore, #tpu.memory_space<semaphore_mem>>)
    %add3A_73 = arith.constant 1024 : i32
    %add3A_74 = arith.addi %mul3A_2, %add3A_73 : i32
    %multiple_of3A_75 = tpu.assume_multiple %add3A_74, 1024 : i32
    %dma_start3A_76 = arith.constant 0 : i32
    %dma_start3A_77 = tpu.memref_slice %arg2[%multiple_of3A_75, %dma_start3A_76] : memref<1048576x32xf32, #tpu.memory_space<hbm>> -> memref<1024x32xf32, #tpu.memory_space<hbm>>
    %dma_start3A_78 = arith.constant 0 : i32
    %dma_start3A_79 = tpu.memref_slice %arg2[%multiple_of3A_75, %dma_start3A_78] : memref<1048576x32xf32, #tpu.memory_space<hbm>> -> memref<1024x32xf32, #tpu.memory_space<hbm>>
    tpu.enqueue_dma source(%dma_start3A_79 : memref<1024x32xf32, #tpu.memory_space<hbm>>) target(%arg23 : memref<1024x32xf32, #tpu.memory_space<vmem>>) target_semaphore(%arg26 : memref<!tpu.dma_semaphore, #tpu.memory_space<semaphore_mem>>)
    %scan3A = arith.constant 0 : i32
    %scan3A_80 = arith.constant 0 : i32
    %scan3A_81 = arith.constant 16 : i32
    %scan3A_82 = arith.addi %scan3A_80, %scan3A_81 : i32
    %scan3A_83 = arith.constant 1 : i32
    scf.for %scan3A_85 = %scan3A_80 to %scan3A_82 step %scan3A_83  : i32 {
      %mul3A_86 = arith.constant 2 : i32
      %mul3A_87 = arith.muli %scan3A_85, %mul3A_86 : i32
      %add3A_88 = arith.constant 0 : i32
      %add3A_89 = arith.addi %mul3A_87, %add3A_88 : i32
      %mul3A_90 = arith.constant 8 : i32
      %mul3A_91 = arith.muli %add3A_89, %mul3A_90 : i32
      %add3A_92 = arith.constant 0 : i32
      %add3A_93 = arith.addi %mul3A_91, %add3A_92 : i32
      %mul3A_94 = arith.constant 2 : i32
      %mul3A_95 = arith.muli %mul3A_94, %add3A_93 : i32
      %add3A_96 = arith.constant 0 : i32
      %add3A_97 = arith.addi %add3A_96, %mul3A_95 : i32
      %add3A_98 = arith.constant 0 : i32
      %add3A_99 = arith.addi %add3A_97, %add3A_98 : i32
      %get3A = arith.index_cast %add3A_99 : i32 to index
      %get3A_100 = arith.constant 0 : index
      %get3A_101 = tpu.vector_load %arg5[%get3A, %get3A_100] {strides = array<i32>} : memref<2048x16xi32, #tpu.memory_space<vmem>>, vector<16xi32>,
      %and3A = arith.constant -65536 : i32
      %and3A_102 = vector.broadcast %and3A : i32 to vector<16xi32>
      %and3A_103 = arith.andi %get3A_101, %and3A_102 : vector<16xi32>
      %and3A_104 = arith.constant 16383 : i32
      %and3A_105 = vector.broadcast %and3A_104 : i32 to vector<16xi32>
      %and3A_106 = arith.andi %get3A_101, %and3A_105 : vector<16xi32>
      %mul3A_107 = arith.constant 4 : i32
      %mul3A_108 = vector.broadcast %mul3A_107 : i32 to vector<16xi32>
      %mul3A_109 = arith.muli %and3A_106, %mul3A_108 : vector<16xi32>
      %or3A = arith.ori %and3A_103, %mul3A_109 : vector<16xi32>
      %shift_right_logical3A = arith.constant 14 : i32
      %shift_right_logical3A_110 = vector.broadcast %shift_right_logical3A : i32 to vector<16xi32>
      %shift_right_logical3A_111 = arith.shrui %get3A_101, %shift_right_logical3A_110 : vector<16xi32>
      %and3A_112 = arith.constant 3 : i32
      %and3A_113 = vector.broadcast %and3A_112 : i32 to vector<16xi32>
      %and3A_114 = arith.andi %shift_right_logical3A_111, %and3A_113 : vector<16xi32>
      %or3A_115 = arith.ori %or3A, %and3A_114 : vector<16xi32>
      %mul3A_116 = arith.constant 4 : i32
      %mul3A_117 = vector.broadcast %mul3A_116 : i32 to vector<16xi32>
      %mul3A_118 = arith.muli %iota3A, %mul3A_117 : vector<16xi32>
      %add3A_119 = arith.constant 0 : i32
      %add3A_120 = vector.broadcast %add3A_119 : i32 to vector<16xi32>
      %add3A_121 = arith.addi %mul3A_118, %add3A_120 : vector<16xi32>
      tpu.vector_store_idx %arg6[%add3A_121], %or3A_115 : memref<128xi32, #tpu.memory_space<vmem>>[vector<16xi32>], vector<16xi32>,
      %mul3A_122 = arith.constant 2 : i32
      %mul3A_123 = arith.muli %mul3A_122, %add3A_93 : i32
      %add3A_124 = arith.constant 0 : i32
      %add3A_125 = arith.addi %add3A_124, %mul3A_123 : i32
      %add3A_126 = arith.constant 1 : i32
      %add3A_127 = arith.addi %add3A_125, %add3A_126 : i32
      %get3A_128 = arith.index_cast %add3A_127 : i32 to index
      %get3A_129 = arith.constant 0 : index
      %get3A_130 = tpu.vector_load %arg5[%get3A_128, %get3A_129] {strides = array<i32>} : memref<2048x16xi32, #tpu.memory_space<vmem>>, vector<16xi32>,
      %and3A_131 = arith.constant -65536 : i32
      %and3A_132 = vector.broadcast %and3A_131 : i32 to vector<16xi32>
      %and3A_133 = arith.andi %get3A_130, %and3A_132 : vector<16xi32>
      %and3A_134 = arith.constant 16383 : i32
      %and3A_135 = vector.broadcast %and3A_134 : i32 to vector<16xi32>
      %and3A_136 = arith.andi %get3A_130, %and3A_135 : vector<16xi32>
      %mul3A_137 = arith.constant 4 : i32
      %mul3A_138 = vector.broadcast %mul3A_137 : i32 to vector<16xi32>
      %mul3A_139 = arith.muli %and3A_136, %mul3A_138 : vector<16xi32>
      %or3A_140 = arith.ori %and3A_133, %mul3A_139 : vector<16xi32>
      %shift_right_logical3A_141 = arith.constant 14 : i32
      %shift_right_logical3A_142 = vector.broadcast %shift_right_logical3A_141 : i32 to vector<16xi32>
      %shift_right_logical3A_143 = arith.shrui %get3A_130, %shift_right_logical3A_142 : vector<16xi32>
      %and3A_144 = arith.constant 3 : i32
      %and3A_145 = vector.broadcast %and3A_144 : i32 to vector<16xi32>
      %and3A_146 = arith.andi %shift_right_logical3A_143, %and3A_145 : vector<16xi32>
      %or3A_147 = arith.ori %or3A_140, %and3A_146 : vector<16xi32>
      %mul3A_148 = arith.constant 4 : i32
      %mul3A_149 = vector.broadcast %mul3A_148 : i32 to vector<16xi32>
      %mul3A_150 = arith.muli %iota3A, %mul3A_149 : vector<16xi32>
      %add3A_151 = arith.constant 64 : i32
      %add3A_152 = vector.broadcast %add3A_151 : i32 to vector<16xi32>
      %add3A_153 = arith.addi %mul3A_150, %add3A_152 : vector<16xi32>
      tpu.vector_store_idx %arg6[%add3A_153], %or3A_147 : memref<128xi32, #tpu.memory_space<vmem>>[vector<16xi32>], vector<16xi32>,
      %mul3A_154 = arith.constant 2 : i32
      %mul3A_155 = arith.muli %mul3A_154, %add3A_93 : i32
      %add3A_156 = arith.constant 512 : i32
      %add3A_157 = arith.addi %add3A_156, %mul3A_155 : i32
      %add3A_158 = arith.constant 0 : i32
      %add3A_159 = arith.addi %add3A_157, %add3A_158 : i32
      %get3A_160 = arith.index_cast %add3A_159 : i32 to index
      %get3A_161 = arith.constant 0 : index
      %get3A_162 = tpu.vector_load %arg5[%get3A_160, %get3A_161] {strides = array<i32>} : memref<2048x16xi32, #tpu.memory_space<vmem>>, vector<16xi32>,
      %and3A_163 = arith.constant -65536 : i32
      %and3A_164 = vector.broadcast %and3A_163 : i32 to vector<16xi32>
      %and3A_165 = arith.andi %get3A_162, %and3A_164 : vector<16xi32>
      %and3A_166 = arith.constant 16383 : i32
      %and3A_167 = vector.broadcast %and3A_166 : i32 to vector<16xi32>
      %and3A_168 = arith.andi %get3A_162, %and3A_167 : vector<16xi32>
      %mul3A_169 = arith.constant 4 : i32
      %mul3A_170 = vector.broadcast %mul3A_169 : i32 to vector<16xi32>
      %mul3A_171 = arith.muli %and3A_168, %mul3A_170 : vector<16xi32>
      %or3A_172 = arith.ori %and3A_165, %mul3A_171 : vector<16xi32>
      %shift_right_logical3A_173 = arith.constant 14 : i32
      %shift_right_logical3A_174 = vector.broadcast %shift_right_logical3A_173 : i32 to vector<16xi32>
      %shift_right_logical3A_175 = arith.shrui %get3A_162, %shift_right_logical3A_174 : vector<16xi32>
      %and3A_176 = arith.constant 3 : i32
      %and3A_177 = vector.broadcast %and3A_176 : i32 to vector<16xi32>
      %and3A_178 = arith.andi %shift_right_logical3A_175, %and3A_177 : vector<16xi32>
      %or3A_179 = arith.ori %or3A_172, %and3A_178 : vector<16xi32>
      %mul3A_180 = arith.constant 4 : i32
      %mul3A_181 = vector.broadcast %mul3A_180 : i32 to vector<16xi32>
      %mul3A_182 = arith.muli %iota3A, %mul3A_181 : vector<16xi32>
      %add3A_183 = arith.constant 1 : i32
      %add3A_184 = vector.broadcast %add3A_183 : i32 to vector<16xi32>
      %add3A_185 = arith.addi %mul3A_182, %add3A_184 : vector<16xi32>
      tpu.vector_store_idx %arg6[%add3A_185], %or3A_179 : memref<128xi32, #tpu.memory_space<vmem>>[vector<16xi32>], vector<16xi32>,
      %mul3A_186 = arith.constant 2 : i32
      %mul3A_187 = arith.muli %mul3A_186, %add3A_93 : i32
      %add3A_188 = arith.constant 512 : i32
      %add3A_189 = arith.addi %add3A_188, %mul3A_187 : i32
      %add3A_190 = arith.constant 1 : i32
      %add3A_191 = arith.addi %add3A_189, %add3A_190 : i32
      %get3A_192 = arith.index_cast %add3A_191 : i32 to index
      %get3A_193 = arith.constant 0 : index
      %get3A_194 = tpu.vector_load %arg5[%get3A_192, %get3A_193] {strides = array<i32>} : memref<2048x16xi32, #tpu.memory_space<vmem>>, vector<16xi32>,
      %and3A_195 = arith.constant -65536 : i32
      %and3A_196 = vector.broadcast %and3A_195 : i32 to vector<16xi32>
      %and3A_197 = arith.andi %get3A_194, %and3A_196 : vector<16xi32>
      %and3A_198 = arith.constant 16383 : i32
      %and3A_199 = vector.broadcast %and3A_198 : i32 to vector<16xi32>
      %and3A_200 = arith.andi %get3A_194, %and3A_199 : vector<16xi32>
      %mul3A_201 = arith.constant 4 : i32
      %mul3A_202 = vector.broadcast %mul3A_201 : i32 to vector<16xi32>
      %mul3A_203 = arith.muli %and3A_200, %mul3A_202 : vector<16xi32>
      %or3A_204 = arith.ori %and3A_197, %mul3A_203 : vector<16xi32>
      %shift_right_logical3A_205 = arith.constant 14 : i32
      %shift_right_logical3A_206 = vector.broadcast %shift_right_logical3A_205 : i32 to vector<16xi32>
      %shift_right_logical3A_207 = arith.shrui %get3A_194, %shift_right_logical3A_206 : vector<16xi32>
      %and3A_208 = arith.constant 3 : i32
      %and3A_209 = vector.broadcast %and3A_208 : i32 to vector<16xi32>
      %and3A_210 = arith.andi %shift_right_logical3A_207, %and3A_209 : vector<16xi32>
      %or3A_211 = arith.ori %or3A_204, %and3A_210 : vector<16xi32>
      %mul3A_212 = arith.constant 4 : i32
      %mul3A_213 = vector.broadcast %mul3A_212 : i32 to vector<16xi32>
      %mul3A_214 = arith.muli %iota3A, %mul3A_213 : vector<16xi32>
      %add3A_215 = arith.constant 65 : i32
      %add3A_216 = vector.broadcast %add3A_215 : i32 to vector<16xi32>
      %add3A_217 = arith.addi %mul3A_214, %add3A_216 : vector<16xi32>
      tpu.vector_store_idx %arg6[%add3A_217], %or3A_211 : memref<128xi32, #tpu.memory_space<vmem>>[vector<16xi32>], vector<16xi32>,
      %mul3A_218 = arith.constant 2 : i32
      %mul3A_219 = arith.muli %mul3A_218, %add3A_93 : i32
      %add3A_220 = arith.constant 1024 : i32
      %add3A_221 = arith.addi %add3A_220, %mul3A_219 : i32
      %add3A_222 = arith.constant 0 : i32
      %add3A_223 = arith.addi %add3A_221, %add3A_222 : i32
      %get3A_224 = arith.index_cast %add3A_223 : i32 to index
      %get3A_225 = arith.constant 0 : index
      %get3A_226 = tpu.vector_load %arg5[%get3A_224, %get3A_225] {strides = array<i32>} : memref<2048x16xi32, #tpu.memory_space<vmem>>, vector<16xi32>,
      %and3A_227 = arith.constant -65536 : i32
      %and3A_228 = vector.broadcast %and3A_227 : i32 to vector<16xi32>
      %and3A_229 = arith.andi %get3A_226, %and3A_228 : vector<16xi32>
      %and3A_230 = arith.constant 16383 : i32
      %and3A_231 = vector.broadcast %and3A_230 : i32 to vector<16xi32>
      %and3A_232 = arith.andi %get3A_226, %and3A_231 : vector<16xi32>
      %mul3A_233 = arith.constant 4 : i32
      %mul3A_234 = vector.broadcast %mul3A_233 : i32 to vector<16xi32>
      %mul3A_235 = arith.muli %and3A_232, %mul3A_234 : vector<16xi32>
      %or3A_236 = arith.ori %and3A_229, %mul3A_235 : vector<16xi32>
      %shift_right_logical3A_237 = arith.constant 14 : i32
      %shift_right_logical3A_238 = vector.broadcast %shift_right_logical3A_237 : i32 to vector<16xi32>
      %shift_right_logical3A_239 = arith.shrui %get3A_226, %shift_right_logical3A_238 : vector<16xi32>
      %and3A_240 = arith.constant 3 : i32
      %and3A_241 = vector.broadcast %and3A_240 : i32 to vector<16xi32>
      %and3A_242 = arith.andi %shift_right_logical3A_239, %and3A_241 : vector<16xi32>
      %or3A_243 = arith.ori %or3A_236, %and3A_242 : vector<16xi32>
      %mul3A_244 = arith.constant 4 : i32
      %mul3A_245 = vector.broadcast %mul3A_244 : i32 to vector<16xi32>
      %mul3A_246 = arith.muli %iota3A, %mul3A_245 : vector<16xi32>
      %add3A_247 = arith.constant 2 : i32
      %add3A_248 = vector.broadcast %add3A_247 : i32 to vector<16xi32>
      %add3A_249 = arith.addi %mul3A_246, %add3A_248 : vector<16xi32>
      tpu.vector_store_idx %arg6[%add3A_249], %or3A_243 : memref<128xi32, #tpu.memory_space<vmem>>[vector<16xi32>], vector<16xi32>,
      %mul3A_250 = arith.constant 2 : i32
      %mul3A_251 = arith.muli %mul3A_250, %add3A_93 : i32
      %add3A_252 = arith.constant 1024 : i32
      %add3A_253 = arith.addi %add3A_252, %mul3A_251 : i32
      %add3A_254 = arith.constant 1 : i32
      %add3A_255 = arith.addi %add3A_253, %add3A_254 : i32
      %get3A_256 = arith.index_cast %add3A_255 : i32 to index
      %get3A_257 = arith.constant 0 : index
      %get3A_258 = tpu.vector_load %arg5[%get3A_256, %get3A_257] {strides = array<i32>} : memref<2048x16xi32, #tpu.memory_space<vmem>>, vector<16xi32>,
      %and3A_259 = arith.constant -65536 : i32
      %and3A_260 = vector.broadcast %and3A_259 : i32 to vector<16xi32>
      %and3A_261 = arith.andi %get3A_258, %and3A_260 : vector<16xi32>
      %and3A_262 = arith.constant 16383 : i32
      %and3A_263 = vector.broadcast %and3A_262 : i32 to vector<16xi32>
      %and3A_264 = arith.andi %get3A_258, %and3A_263 : vector<16xi32>
      %mul3A_265 = arith.constant 4 : i32
      %mul3A_266 = vector.broadcast %mul3A_265 : i32 to vector<16xi32>
      %mul3A_267 = arith.muli %and3A_264, %mul3A_266 : vector<16xi32>
      %or3A_268 = arith.ori %and3A_261, %mul3A_267 : vector<16xi32>
      %shift_right_logical3A_269 = arith.constant 14 : i32
      %shift_right_logical3A_270 = vector.broadcast %shift_right_logical3A_269 : i32 to vector<16xi32>
      %shift_right_logical3A_271 = arith.shrui %get3A_258, %shift_right_logical3A_270 : vector<16xi32>
      %and3A_272 = arith.constant 3 : i32
      %and3A_273 = vector.broadcast %and3A_272 : i32 to vector<16xi32>
      %and3A_274 = arith.andi %shift_right_logical3A_271, %and3A_273 : vector<16xi32>
      %or3A_275 = arith.ori %or3A_268, %and3A_274 : vector<16xi32>
      %mul3A_276 = arith.constant 4 : i32
      %mul3A_277 = vector.broadcast %mul3A_276 : i32 to vector<16xi32>
      %mul3A_278 = arith.muli %iota3A, %mul3A_277 : vector<16xi32>
      %add3A_279 = arith.constant 66 : i32
      %add3A_280 = vector.broadcast %add3A_279 : i32 to vector<16xi32>
      %add3A_281 = arith.addi %mul3A_278, %add3A_280 : vector<16xi32>
      tpu.vector_store_idx %arg6[%add3A_281], %or3A_275 : memref<128xi32, #tpu.memory_space<vmem>>[vector<16xi32>], vector<16xi32>,
      %mul3A_282 = arith.constant 2 : i32
      %mul3A_283 = arith.muli %mul3A_282, %add3A_93 : i32
      %add3A_284 = arith.constant 1536 : i32
      %add3A_285 = arith.addi %add3A_284, %mul3A_283 : i32
      %add3A_286 = arith.constant 0 : i32
      %add3A_287 = arith.addi %add3A_285, %add3A_286 : i32
      %get3A_288 = arith.index_cast %add3A_287 : i32 to index
      %get3A_289 = arith.constant 0 : index
      %get3A_290 = tpu.vector_load %arg5[%get3A_288, %get3A_289] {strides = array<i32>} : memref<2048x16xi32, #tpu.memory_space<vmem>>, vector<16xi32>,
      %and3A_291 = arith.constant -65536 : i32
      %and3A_292 = vector.broadcast %and3A_291 : i32 to vector<16xi32>
      %and3A_293 = arith.andi %get3A_290, %and3A_292 : vector<16xi32>
      %and3A_294 = arith.constant 16383 : i32
      %and3A_295 = vector.broadcast %and3A_294 : i32 to vector<16xi32>
      %and3A_296 = arith.andi %get3A_290, %and3A_295 : vector<16xi32>
      %mul3A_297 = arith.constant 4 : i32
      %mul3A_298 = vector.broadcast %mul3A_297 : i32 to vector<16xi32>
      %mul3A_299 = arith.muli %and3A_296, %mul3A_298 : vector<16xi32>
      %or3A_300 = arith.ori %and3A_293, %mul3A_299 : vector<16xi32>
      %shift_right_logical3A_301 = arith.constant 14 : i32
      %shift_right_logical3A_302 = vector.broadcast %shift_right_logical3A_301 : i32 to vector<16xi32>
      %shift_right_logical3A_303 = arith.shrui %get3A_290, %shift_right_logical3A_302 : vector<16xi32>
      %and3A_304 = arith.constant 3 : i32
      %and3A_305 = vector.broadcast %and3A_304 : i32 to vector<16xi32>
      %and3A_306 = arith.andi %shift_right_logical3A_303, %and3A_305 : vector<16xi32>
      %or3A_307 = arith.ori %or3A_300, %and3A_306 : vector<16xi32>
      %mul3A_308 = arith.constant 4 : i32
      %mul3A_309 = vector.broadcast %mul3A_308 : i32 to vector<16xi32>
      %mul3A_310 = arith.muli %iota3A, %mul3A_309 : vector<16xi32>
      %add3A_311 = arith.constant 3 : i32
      %add3A_312 = vector.broadcast %add3A_311 : i32 to vector<16xi32>
      %add3A_313 = arith.addi %mul3A_310, %add3A_312 : vector<16xi32>
      tpu.vector_store_idx %arg6[%add3A_313], %or3A_307 : memref<128xi32, #tpu.memory_space<vmem>>[vector<16xi32>], vector<16xi32>,
      %mul3A_314 = arith.constant 2 : i32
      %mul3A_315 = arith.muli %mul3A_314, %add3A_93 : i32
      %add3A_316 = arith.constant 1536 : i32
      %add3A_317 = arith.addi %add3A_316, %mul3A_315 : i32
      %add3A_318 = arith.constant 1 : i32
      %add3A_319 = arith.addi %add3A_317, %add3A_318 : i32
      %get3A_320 = arith.index_cast %add3A_319 : i32 to index
      %get3A_321 = arith.constant 0 : index
      %get3A_322 = tpu.vector_load %arg5[%get3A_320, %get3A_321] {strides = array<i32>} : memref<2048x16xi32, #tpu.memory_space<vmem>>, vector<16xi32>,
      %and3A_323 = arith.constant -65536 : i32
      %and3A_324 = vector.broadcast %and3A_323 : i32 to vector<16xi32>
      %and3A_325 = arith.andi %get3A_322, %and3A_324 : vector<16xi32>
      %and3A_326 = arith.constant 16383 : i32
      %and3A_327 = vector.broadcast %and3A_326 : i32 to vector<16xi32>
      %and3A_328 = arith.andi %get3A_322, %and3A_327 : vector<16xi32>
      %mul3A_329 = arith.constant 4 : i32
      %mul3A_330 = vector.broadcast %mul3A_329 : i32 to vector<16xi32>
      %mul3A_331 = arith.muli %and3A_328, %mul3A_330 : vector<16xi32>
      %or3A_332 = arith.ori %and3A_325, %mul3A_331 : vector<16xi32>
      %shift_right_logical3A_333 = arith.constant 14 : i32
      %shift_right_logical3A_334 = vector.broadcast %shift_right_logical3A_333 : i32 to vector<16xi32>
      %shift_right_logical3A_335 = arith.shrui %get3A_322, %shift_right_logical3A_334 : vector<16xi32>
      %and3A_336 = arith.constant 3 : i32
      %and3A_337 = vector.broadcast %and3A_336 : i32 to vector<16xi32>
      %and3A_338 = arith.andi %shift_right_logical3A_335, %and3A_337 : vector<16xi32>
      %or3A_339 = arith.ori %or3A_332, %and3A_338 : vector<16xi32>
      %mul3A_340 = arith.constant 4 : i32
      %mul3A_341 = vector.broadcast %mul3A_340 : i32 to vector<16xi32>
      %mul3A_342 = arith.muli %iota3A, %mul3A_341 : vector<16xi32>
      %add3A_343 = arith.constant 67 : i32
      %add3A_344 = vector.broadcast %add3A_343 : i32 to vector<16xi32>
      %add3A_345 = arith.addi %mul3A_342, %add3A_344 : vector<16xi32>
      tpu.vector_store_idx %arg6[%add3A_345], %or3A_339 : memref<128xi32, #tpu.memory_space<vmem>>[vector<16xi32>], vector<16xi32>,
      %mul3A_346 = arith.constant 8 : i32
      %mul3A_347 = arith.muli %add3A_89, %mul3A_346 : i32
      %add3A_348 = arith.constant 1 : i32
      %add3A_349 = arith.addi %mul3A_347, %add3A_348 : i32
      %mul3A_350 = arith.constant 2 : i32
      %mul3A_351 = arith.muli %mul3A_350, %add3A_349 : i32
      %add3A_352 = arith.constant 0 : i32
      %add3A_353 = arith.addi %add3A_352, %mul3A_351 : i32
      %add3A_354 = arith.constant 0 : i32
      %add3A_355 = arith.addi %add3A_353, %add3A_354 : i32
      %get3A_356 = arith.index_cast %add3A_355 : i32 to index
      %get3A_357 = arith.constant 0 : index
      %get3A_358 = tpu.vector_load %arg5[%get3A_356, %get3A_357] {strides = array<i32>} : memref<2048x16xi32, #tpu.memory_space<vmem>>, vector<16xi32>,
      %and3A_359 = arith.constant -65536 : i32
      %and3A_360 = vector.broadcast %and3A_359 : i32 to vector<16xi32>
      %and3A_361 = arith.andi %get3A_358, %and3A_360 : vector<16xi32>
      %and3A_362 = arith.constant 16383 : i32
      %and3A_363 = vector.broadcast %and3A_362 : i32 to vector<16xi32>
      %and3A_364 = arith.andi %get3A_358, %and3A_363 : vector<16xi32>
      %mul3A_365 = arith.constant 4 : i32
      %mul3A_366 = vector.broadcast %mul3A_365 : i32 to vector<16xi32>
      %mul3A_367 = arith.muli %and3A_364, %mul3A_366 : vector<16xi32>
      %or3A_368 = arith.ori %and3A_361, %mul3A_367 : vector<16xi32>
      %shift_right_logical3A_369 = arith.constant 14 : i32
      %shift_right_logical3A_370 = vector.broadcast %shift_right_logical3A_369 : i32 to vector<16xi32>
      %shift_right_logical3A_371 = arith.shrui %get3A_358, %shift_right_logical3A_370 : vector<16xi32>
      %and3A_372 = arith.constant 3 : i32
      %and3A_373 = vector.broadcast %and3A_372 : i32 to vector<16xi32>
      %and3A_374 = arith.andi %shift_right_logical3A_371, %and3A_373 : vector<16xi32>
      %or3A_375 = arith.ori %or3A_368, %and3A_374 : vector<16xi32>
      %mul3A_376 = arith.constant 4 : i32
      %mul3A_377 = vector.broadcast %mul3A_376 : i32 to vector<16xi32>
      %mul3A_378 = arith.muli %iota3A, %mul3A_377 : vector<16xi32>
      %add3A_379 = arith.constant 0 : i32
      %add3A_380 = vector.broadcast %add3A_379 : i32 to vector<16xi32>
      %add3A_381 = arith.addi %mul3A_378, %add3A_380 : vector<16xi32>
      tpu.vector_store_idx %arg7[%add3A_381], %or3A_375 : memref<128xi32, #tpu.memory_space<vmem>>[vector<16xi32>], vector<16xi32>,
      %mul3A_382 = arith.constant 2 : i32
      %mul3A_383 = arith.muli %mul3A_382, %add3A_349 : i32
      %add3A_384 = arith.constant 0 : i32
      %add3A_385 = arith.addi %add3A_384, %mul3A_383 : i32
      %add3A_386 = arith.constant 1 : i32
      %add3A_387 = arith.addi %add3A_385, %add3A_386 : i32
      %get3A_388 = arith.index_cast %add3A_387 : i32 to index
      %get3A_389 = arith.constant 0 : index
      %get3A_390 = tpu.vector_load %arg5[%get3A_388, %get3A_389] {strides = array<i32>} : memref<2048x16xi32, #tpu.memory_space<vmem>>, vector<16xi32>,
      %and3A_391 = arith.constant -65536 : i32
      %and3A_392 = vector.broadcast %and3A_391 : i32 to vector<16xi32>
      %and3A_393 = arith.andi %get3A_390, %and3A_392 : vector<16xi32>
      %and3A_394 = arith.constant 16383 : i32
      %and3A_395 = vector.broadcast %and3A_394 : i32 to vector<16xi32>
      %and3A_396 = arith.andi %get3A_390, %and3A_395 : vector<16xi32>
      %mul3A_397 = arith.constant 4 : i32
      %mul3A_398 = vector.broadcast %mul3A_397 : i32 to vector<16xi32>
      %mul3A_399 = arith.muli %and3A_396, %mul3A_398 : vector<16xi32>
      %or3A_400 = arith.ori %and3A_393, %mul3A_399 : vector<16xi32>
      %shift_right_logical3A_401 = arith.constant 14 : i32
      %shift_right_logical3A_402 = vector.broadcast %shift_right_logical3A_401 : i32 to vector<16xi32>
      %shift_right_logical3A_403 = arith.shrui %get3A_390, %shift_right_logical3A_402 : vector<16xi32>
      %and3A_404 = arith.constant 3 : i32
      %and3A_405 = vector.broadcast %and3A_404 : i32 to vector<16xi32>
      %and3A_406 = arith.andi %shift_right_logical3A_403, %and3A_405 : vector<16xi32>
      %or3A_407 = arith.ori %or3A_400, %and3A_406 : vector<16xi32>
      %mul3A_408 = arith.constant 4 : i32
      %mul3A_409 = vector.broadcast %mul3A_408 : i32 to vector<16xi32>
      %mul3A_410 = arith.muli %iota3A, %mul3A_409 : vector<16xi32>
      %add3A_411 = arith.constant 64 : i32
      %add3A_412 = vector.broadcast %add3A_411 : i32 to vector<16xi32>
      %add3A_413 = arith.addi %mul3A_410, %add3A_412 : vector<16xi32>
      tpu.vector_store_idx %arg7[%add3A_413], %or3A_407 : memref<128xi32, #tpu.memory_space<vmem>>[vector<16xi32>], vector<16xi32>,
      %mul3A_414 = arith.constant 2 : i32
      %mul3A_415 = arith.muli %mul3A_414, %add3A_349 : i32
      %add3A_416 = arith.constant 512 : i32
      %add3A_417 = arith.addi %add3A_416, %mul3A_415 : i32
      %add3A_418 = arith.constant 0 : i32
      %add3A_419 = arith.addi %add3A_417, %add3A_418 : i32
      %get3A_420 = arith.index_cast %add3A_419 : i32 to index
      %get3A_421 = arith.constant 0 : index
      %get3A_422 = tpu.vector_load %arg5[%get3A_420, %get3A_421] {strides = array<i32>} : memref<2048x16xi32, #tpu.memory_space<vmem>>, vector<16xi32>,
      %and3A_423 = arith.constant -65536 : i32
      %and3A_424 = vector.broadcast %and3A_423 : i32 to vector<16xi32>
      %and3A_425 = arith.andi %get3A_422, %and3A_424 : vector<16xi32>
      %and3A_426 = arith.constant 16383 : i32
      %and3A_427 = vector.broadcast %and3A_426 : i32 to vector<16xi32>
      %and3A_428 = arith.andi %get3A_422, %and3A_427 : vector<16xi32>
      %mul3A_429 = arith.constant 4 : i32
      %mul3A_430 = vector.broadcast %mul3A_429 : i32 to vector<16xi32>
      %mul3A_431 = arith.muli %and3A_428, %mul3A_430 : vector<16xi32>
      %or3A_432 = arith.ori %and3A_425, %mul3A_431 : vector<16xi32>
      %shift_right_logical3A_433 = arith.constant 14 : i32
      %shift_right_logical3A_434 = vector.broadcast %shift_right_logical3A_433 : i32 to vector<16xi32>
      %shift_right_logical3A_435 = arith.shrui %get3A_422, %shift_right_logical3A_434 : vector<16xi32>
      %and3A_436 = arith.constant 3 : i32
      %and3A_437 = vector.broadcast %and3A_436 : i32 to vector<16xi32>
      %and3A_438 = arith.andi %shift_right_logical3A_435, %and3A_437 : vector<16xi32>
      %or3A_439 = arith.ori %or3A_432, %and3A_438 : vector<16xi32>
      %mul3A_440 = arith.constant 4 : i32
      %mul3A_441 = vector.broadcast %mul3A_440 : i32 to vector<16xi32>
      %mul3A_442 = arith.muli %iota3A, %mul3A_441 : vector<16xi32>
      %add3A_443 = arith.constant 1 : i32
      %add3A_444 = vector.broadcast %add3A_443 : i32 to vector<16xi32>
      %add3A_445 = arith.addi %mul3A_442, %add3A_444 : vector<16xi32>
      tpu.vector_store_idx %arg7[%add3A_445], %or3A_439 : memref<128xi32, #tpu.memory_space<vmem>>[vector<16xi32>], vector<16xi32>,
      %mul3A_446 = arith.constant 2 : i32
      %mul3A_447 = arith.muli %mul3A_446, %add3A_349 : i32
      %add3A_448 = arith.constant 512 : i32
      %add3A_449 = arith.addi %add3A_448, %mul3A_447 : i32
      %add3A_450 = arith.constant 1 : i32
      %add3A_451 = arith.addi %add3A_449, %add3A_450 : i32
      %get3A_452 = arith.index_cast %add3A_451 : i32 to index
      %get3A_453 = arith.constant 0 : index
      %get3A_454 = tpu.vector_load %arg5[%get3A_452, %get3A_453] {strides = array<i32>} : memref<2048x16xi32, #tpu.memory_space<vmem>>, vector<16xi32>,
      %and3A_455 = arith.constant -65536 : i32
      %and3A_456 = vector.broadcast %and3A_455 : i32 to vector<16xi32>
      %and3A_457 = arith.andi %get3A_454, %and3A_456 : vector<16xi32>
      %and3A_458 = arith.constant 16383 : i32
      %and3A_459 = vector.broadcast %and3A_458 : i32 to vector<16xi32>
      %and3A_460 = arith.andi %get3A_454, %and3A_459 : vector<16xi32>
      %mul3A_461 = arith.constant 4 : i32
      %mul3A_462 = vector.broadcast %mul3A_461 : i32 to vector<16xi32>
      %mul3A_463 = arith.muli %and3A_460, %mul3A_462 : vector<16xi32>
      %or3A_464 = arith.ori %and3A_457, %mul3A_463 : vector<16xi32>
      %shift_right_logical3A_465 = arith.constant 14 : i32
      %shift_right_logical3A_466 = vector.broadcast %shift_right_logical3A_465 : i32 to vector<16xi32>
      %shift_right_logical3A_467 = arith.shrui %get3A_454, %shift_right_logical3A_466 : vector<16xi32>
      %and3A_468 = arith.constant 3 : i32
      %and3A_469 = vector.broadcast %and3A_468 : i32 to vector<16xi32>
      %and3A_470 = arith.andi %shift_right_logical3A_467, %and3A_469 : vector<16xi32>
      %or3A_471 = arith.ori %or3A_464, %and3A_470 : vector<16xi32>
      %mul3A_472 = arith.constant 4 : i32
      %mul3A_473 = vector.broadcast %mul3A_472 : i32 to vector<16xi32>
      %mul3A_474 = arith.muli %iota3A, %mul3A_473 : vector<16xi32>
      %add3A_475 = arith.constant 65 : i32
      %add3A_476 = vector.broadcast %add3A_475 : i32 to vector<16xi32>
      %add3A_477 = arith.addi %mul3A_474, %add3A_476 : vector<16xi32>
      tpu.vector_store_idx %arg7[%add3A_477], %or3A_471 : memref<128xi32, #tpu.memory_space<vmem>>[vector<16xi32>], vector<16xi32>,
      %mul3A_478 = arith.constant 2 : i32
      %mul3A_479 = arith.muli %mul3A_478, %add3A_349 : i32
      %add3A_480 = arith.constant 1024 : i32
      %add3A_481 = arith.addi %add3A_480, %mul3A_479 : i32
      %add3A_482 = arith.constant 0 : i32
      %add3A_483 = arith.addi %add3A_481, %add3A_482 : i32
      %get3A_484 = arith.index_cast %add3A_483 : i32 to index
      %get3A_485 = arith.constant 0 : index
      %get3A_486 = tpu.vector_load %arg5[%get3A_484, %get3A_485] {strides = array<i32>} : memref<2048x16xi32, #tpu.memory_space<vmem>>, vector<16xi32>,
      %and3A_487 = arith.constant -65536 : i32
      %and3A_488 = vector.broadcast %and3A_487 : i32 to vector<16xi32>
      %and3A_489 = arith.andi %get3A_486, %and3A_488 : vector<16xi32>
      %and3A_490 = arith.constant 16383 : i32
      %and3A_491 = vector.broadcast %and3A_490 : i32 to vector<16xi32>
      %and3A_492 = arith.andi %get3A_486, %and3A_491 : vector<16xi32>
      %mul3A_493 = arith.constant 4 : i32
      %mul3A_494 = vector.broadcast %mul3A_493 : i32 to vector<16xi32>
      %mul3A_495 = arith.muli %and3A_492, %mul3A_494 : vector<16xi32>
      %or3A_496 = arith.ori %and3A_489, %mul3A_495 : vector<16xi32>
      %shift_right_logical3A_497 = arith.constant 14 : i32
      %shift_right_logical3A_498 = vector.broadcast %shift_right_logical3A_497 : i32 to vector<16xi32>
      %shift_right_logical3A_499 = arith.shrui %get3A_486, %shift_right_logical3A_498 : vector<16xi32>
      %and3A_500 = arith.constant 3 : i32
      %and3A_501 = vector.broadcast %and3A_500 : i32 to vector<16xi32>
      %and3A_502 = arith.andi %shift_right_logical3A_499, %and3A_501 : vector<16xi32>
      %or3A_503 = arith.ori %or3A_496, %and3A_502 : vector<16xi32>
      %mul3A_504 = arith.constant 4 : i32
      %mul3A_505 = vector.broadcast %mul3A_504 : i32 to vector<16xi32>
      %mul3A_506 = arith.muli %iota3A, %mul3A_505 : vector<16xi32>
      %add3A_507 = arith.constant 2 : i32
      %add3A_508 = vector.broadcast %add3A_507 : i32 to vector<16xi32>
      %add3A_509 = arith.addi %mul3A_506, %add3A_508 : vector<16xi32>
      tpu.vector_store_idx %arg7[%add3A_509], %or3A_503 : memref<128xi32, #tpu.memory_space<vmem>>[vector<16xi32>], vector<16xi32>,
      %mul3A_510 = arith.constant 2 : i32
      %mul3A_511 = arith.muli %mul3A_510, %add3A_349 : i32
      %add3A_512 = arith.constant 1024 : i32
      %add3A_513 = arith.addi %add3A_512, %mul3A_511 : i32
      %add3A_514 = arith.constant 1 : i32
      %add3A_515 = arith.addi %add3A_513, %add3A_514 : i32
      %get3A_516 = arith.index_cast %add3A_515 : i32 to index
      %get3A_517 = arith.constant 0 : index
      %get3A_518 = tpu.vector_load %arg5[%get3A_516, %get3A_517] {strides = array<i32>} : memref<2048x16xi32, #tpu.memory_space<vmem>>, vector<16xi32>,
      %and3A_519 = arith.constant -65536 : i32
      %and3A_520 = vector.broadcast %and3A_519 : i32 to vector<16xi32>
      %and3A_521 = arith.andi %get3A_518, %and3A_520 : vector<16xi32>
      %and3A_522 = arith.constant 16383 : i32
      %and3A_523 = vector.broadcast %and3A_522 : i32 to vector<16xi32>
      %and3A_524 = arith.andi %get3A_518, %and3A_523 : vector<16xi32>
      %mul3A_525 = arith.constant 4 : i32
      %mul3A_526 = vector.broadcast %mul3A_525 : i32 to vector<16xi32>
      %mul3A_527 = arith.muli %and3A_524, %mul3A_526 : vector<16xi32>
      %or3A_528 = arith.ori %and3A_521, %mul3A_527 : vector<16xi32>
      %shift_right_logical3A_529 = arith.constant 14 : i32
      %shift_right_logical3A_530 = vector.broadcast %shift_right_logical3A_529 : i32 to vector<16xi32>
      %shift_right_logical3A_531 = arith.shrui %get3A_518, %shift_right_logical3A_530 : vector<16xi32>
      %and3A_532 = arith.constant 3 : i32
      %and3A_533 = vector.broadcast %and3A_532 : i32 to vector<16xi32>
      %and3A_534 = arith.andi %shift_right_logical3A_531, %and3A_533 : vector<16xi32>
      %or3A_535 = arith.ori %or3A_528, %and3A_534 : vector<16xi32>
      %mul3A_536 = arith.constant 4 : i32
      %mul3A_537 = vector.broadcast %mul3A_536 : i32 to vector<16xi32>
      %mul3A_538 = arith.muli %iota3A, %mul3A_537 : vector<16xi32>
      %add3A_539 = arith.constant 66 : i32
      %add3A_540 = vector.broadcast %add3A_539 : i32 to vector<16xi32>
      %add3A_541 = arith.addi %mul3A_538, %add3A_540 : vector<16xi32>
      tpu.vector_store_idx %arg7[%add3A_541], %or3A_535 : memref<128xi32, #tpu.memory_space<vmem>>[vector<16xi32>], vector<16xi32>,
      %mul3A_542 = arith.constant 2 : i32
      %mul3A_543 = arith.muli %mul3A_542, %add3A_349 : i32
      %add3A_544 = arith.constant 1536 : i32
      %add3A_545 = arith.addi %add3A_544, %mul3A_543 : i32
      %add3A_546 = arith.constant 0 : i32
      %add3A_547 = arith.addi %add3A_545, %add3A_546 : i32
      %get3A_548 = arith.index_cast %add3A_547 : i32 to index
      %get3A_549 = arith.constant 0 : index
      %get3A_550 = tpu.vector_load %arg5[%get3A_548, %get3A_549] {strides = array<i32>} : memref<2048x16xi32, #tpu.memory_space<vmem>>, vector<16xi32>,
      %and3A_551 = arith.constant -65536 : i32
      %and3A_552 = vector.broadcast %and3A_551 : i32 to vector<16xi32>
      %and3A_553 = arith.andi %get3A_550, %and3A_552 : vector<16xi32>
      %and3A_554 = arith.constant 16383 : i32
      %and3A_555 = vector.broadcast %and3A_554 : i32 to vector<16xi32>
      %and3A_556 = arith.andi %get3A_550, %and3A_555 : vector<16xi32>
      %mul3A_557 = arith.constant 4 : i32
      %mul3A_558 = vector.broadcast %mul3A_557 : i32 to vector<16xi32>
      %mul3A_559 = arith.muli %and3A_556, %mul3A_558 : vector<16xi32>
      %or3A_560 = arith.ori %and3A_553, %mul3A_559 : vector<16xi32>
      %shift_right_logical3A_561 = arith.constant 14 : i32
      %shift_right_logical3A_562 = vector.broadcast %shift_right_logical3A_561 : i32 to vector<16xi32>
      %shift_right_logical3A_563 = arith.shrui %get3A_550, %shift_right_logical3A_562 : vector<16xi32>
      %and3A_564 = arith.constant 3 : i32
      %and3A_565 = vector.broadcast %and3A_564 : i32 to vector<16xi32>
      %and3A_566 = arith.andi %shift_right_logical3A_563, %and3A_565 : vector<16xi32>
      %or3A_567 = arith.ori %or3A_560, %and3A_566 : vector<16xi32>
      %mul3A_568 = arith.constant 4 : i32
      %mul3A_569 = vector.broadcast %mul3A_568 : i32 to vector<16xi32>
      %mul3A_570 = arith.muli %iota3A, %mul3A_569 : vector<16xi32>
      %add3A_571 = arith.constant 3 : i32
      %add3A_572 = vector.broadcast %add3A_571 : i32 to vector<16xi32>
      %add3A_573 = arith.addi %mul3A_570, %add3A_572 : vector<16xi32>
      tpu.vector_store_idx %arg7[%add3A_573], %or3A_567 : memref<128xi32, #tpu.memory_space<vmem>>[vector<16xi32>], vector<16xi32>,
      %mul3A_574 = arith.constant 2 : i32
      %mul3A_575 = arith.muli %mul3A_574, %add3A_349 : i32
      %add3A_576 = arith.constant 1536 : i32
      %add3A_577 = arith.addi %add3A_576, %mul3A_575 : i32
      %add3A_578 = arith.constant 1 : i32
      %add3A_579 = arith.addi %add3A_577, %add3A_578 : i32
      %get3A_580 = arith.index_cast %add3A_579 : i32 to index
      %get3A_581 = arith.constant 0 : index
      %get3A_582 = tpu.vector_load %arg5[%get3A_580, %get3A_581] {strides = array<i32>} : memref<2048x16xi32, #tpu.memory_space<vmem>>, vector<16xi32>,
      %and3A_583 = arith.constant -65536 : i32
      %and3A_584 = vector.broadcast %and3A_583 : i32 to vector<16xi32>
      %and3A_585 = arith.andi %get3A_582, %and3A_584 : vector<16xi32>
      %and3A_586 = arith.constant 16383 : i32
      %and3A_587 = vector.broadcast %and3A_586 : i32 to vector<16xi32>
      %and3A_588 = arith.andi %get3A_582, %and3A_587 : vector<16xi32>
      %mul3A_589 = arith.constant 4 : i32
      %mul3A_590 = vector.broadcast %mul3A_589 : i32 to vector<16xi32>
      %mul3A_591 = arith.muli %and3A_588, %mul3A_590 : vector<16xi32>
      %or3A_592 = arith.ori %and3A_585, %mul3A_591 : vector<16xi32>
      %shift_right_logical3A_593 = arith.constant 14 : i32
      %shift_right_logical3A_594 = vector.broadcast %shift_right_logical3A_593 : i32 to vector<16xi32>
      %shift_right_logical3A_595 = arith.shrui %get3A_582, %shift_right_logical3A_594 : vector<16xi32>
      %and3A_596 = arith.constant 3 : i32
      %and3A_597 = vector.broadcast %and3A_596 : i32 to vector<16xi32>
      %and3A_598 = arith.andi %shift_right_logical3A_595, %and3A_597 : vector<16xi32>
      %or3A_599 = arith.ori %or3A_592, %and3A_598 : vector<16xi32>
      %mul3A_600 = arith.constant 4 : i32
      %mul3A_601 = vector.broadcast %mul3A_600 : i32 to vector<16xi32>
      %mul3A_602 = arith.muli %iota3A, %mul3A_601 : vector<16xi32>
      %add3A_603 = arith.constant 67 : i32
      %add3A_604 = vector.broadcast %add3A_603 : i32 to vector<16xi32>
      %add3A_605 = arith.addi %mul3A_602, %add3A_604 : vector<16xi32>
      tpu.vector_store_idx %arg7[%add3A_605], %or3A_599 : memref<128xi32, #tpu.memory_space<vmem>>[vector<16xi32>], vector<16xi32>,
      %mul3A_606 = arith.constant 8 : i32
      %mul3A_607 = arith.muli %add3A_89, %mul3A_606 : i32
      %add3A_608 = arith.constant 2 : i32
      %add3A_609 = arith.addi %mul3A_607, %add3A_608 : i32
      %mul3A_610 = arith.constant 2 : i32
      %mul3A_611 = arith.muli %mul3A_610, %add3A_609 : i32
      %add3A_612 = arith.constant 0 : i32
      %add3A_613 = arith.addi %add3A_612, %mul3A_611 : i32
      %add3A_614 = arith.constant 0 : i32
      %add3A_615 = arith.addi %add3A_613, %add3A_614 : i32
      %get3A_616 = arith.index_cast %add3A_615 : i32 to index
      %get3A_617 = arith.constant 0 : index
      %get3A_618 = tpu.vector_load %arg5[%get3A_616, %get3A_617] {strides = array<i32>} : memref<2048x16xi32, #tpu.memory_space<vmem>>, vector<16xi32>,
      %and3A_619 = arith.constant -65536 : i32
      %and3A_620 = vector.broadcast %and3A_619 : i32 to vector<16xi32>
      %and3A_621 = arith.andi %get3A_618, %and3A_620 : vector<16xi32>
      %and3A_622 = arith.constant 16383 : i32
      %and3A_623 = vector.broadcast %and3A_622 : i32 to vector<16xi32>
      %and3A_624 = arith.andi %get3A_618, %and3A_623 : vector<16xi32>
      %mul3A_625 = arith.constant 4 : i32
      %mul3A_626 = vector.broadcast %mul3A_625 : i32 to vector<16xi32>
      %mul3A_627 = arith.muli %and3A_624, %mul3A_626 : vector<16xi32>
      %or3A_628 = arith.ori %and3A_621, %mul3A_627 : vector<16xi32>
      %shift_right_logical3A_629 = arith.constant 14 : i32
      %shift_right_logical3A_630 = vector.broadcast %shift_right_logical3A_629 : i32 to vector<16xi32>
      %shift_right_logical3A_631 = arith.shrui %get3A_618, %shift_right_logical3A_630 : vector<16xi32>
      %and3A_632 = arith.constant 3 : i32
      %and3A_633 = vector.broadcast %and3A_632 : i32 to vector<16xi32>
      %and3A_634 = arith.andi %shift_right_logical3A_631, %and3A_633 : vector<16xi32>
      %or3A_635 = arith.ori %or3A_628, %and3A_634 : vector<16xi32>
      %mul3A_636 = arith.constant 4 : i32
      %mul3A_637 = vector.broadcast %mul3A_636 : i32 to vector<16xi32>
      %mul3A_638 = arith.muli %iota3A, %mul3A_637 : vector<16xi32>
      %add3A_639 = arith.constant 0 : i32
      %add3A_640 = vector.broadcast %add3A_639 : i32 to vector<16xi32>
      %add3A_641 = arith.addi %mul3A_638, %add3A_640 : vector<16xi32>
      tpu.vector_store_idx %arg8[%add3A_641], %or3A_635 : memref<128xi32, #tpu.memory_space<vmem>>[vector<16xi32>], vector<16xi32>,
      %mul3A_642 = arith.constant 2 : i32
      %mul3A_643 = arith.muli %mul3A_642, %add3A_609 : i32
      %add3A_644 = arith.constant 0 : i32
      %add3A_645 = arith.addi %add3A_644, %mul3A_643 : i32
      %add3A_646 = arith.constant 1 : i32
      %add3A_647 = arith.addi %add3A_645, %add3A_646 : i32
      %get3A_648 = arith.index_cast %add3A_647 : i32 to index
      %get3A_649 = arith.constant 0 : index
      %get3A_650 = tpu.vector_load %arg5[%get3A_648, %get3A_649] {strides = array<i32>} : memref<2048x16xi32, #tpu.memory_space<vmem>>, vector<16xi32>,
      %and3A_651 = arith.constant -65536 : i32
      %and3A_652 = vector.broadcast %and3A_651 : i32 to vector<16xi32>
      %and3A_653 = arith.andi %get3A_650, %and3A_652 : vector<16xi32>
      %and3A_654 = arith.constant 16383 : i32
      %and3A_655 = vector.broadcast %and3A_654 : i32 to vector<16xi32>
      %and3A_656 = arith.andi %get3A_650, %and3A_655 : vector<16xi32>
      %mul3A_657 = arith.constant 4 : i32
      %mul3A_658 = vector.broadcast %mul3A_657 : i32 to vector<16xi32>
      %mul3A_659 = arith.muli %and3A_656, %mul3A_658 : vector<16xi32>
      %or3A_660 = arith.ori %and3A_653, %mul3A_659 : vector<16xi32>
      %shift_right_logical3A_661 = arith.constant 14 : i32
      %shift_right_logical3A_662 = vector.broadcast %shift_right_logical3A_661 : i32 to vector<16xi32>
      %shift_right_logical3A_663 = arith.shrui %get3A_650, %shift_right_logical3A_662 : vector<16xi32>
      %and3A_664 = arith.constant 3 : i32
      %and3A_665 = vector.broadcast %and3A_664 : i32 to vector<16xi32>
      %and3A_666 = arith.andi %shift_right_logical3A_663, %and3A_665 : vector<16xi32>
      %or3A_667 = arith.ori %or3A_660, %and3A_666 : vector<16xi32>
      %mul3A_668 = arith.constant 4 : i32
      %mul3A_669 = vector.broadcast %mul3A_668 : i32 to vector<16xi32>
      %mul3A_670 = arith.muli %iota3A, %mul3A_669 : vector<16xi32>
      %add3A_671 = arith.constant 64 : i32
      %add3A_672 = vector.broadcast %add3A_671 : i32 to vector<16xi32>
      %add3A_673 = arith.addi %mul3A_670, %add3A_672 : vector<16xi32>
      tpu.vector_store_idx %arg8[%add3A_673], %or3A_667 : memref<128xi32, #tpu.memory_space<vmem>>[vector<16xi32>], vector<16xi32>,
      %mul3A_674 = arith.constant 2 : i32
      %mul3A_675 = arith.muli %mul3A_674, %add3A_609 : i32
      %add3A_676 = arith.constant 512 : i32
      %add3A_677 = arith.addi %add3A_676, %mul3A_675 : i32
      %add3A_678 = arith.constant 0 : i32
      %add3A_679 = arith.addi %add3A_677, %add3A_678 : i32
      %get3A_680 = arith.index_cast %add3A_679 : i32 to index
      %get3A_681 = arith.constant 0 : index
      %get3A_682 = tpu.vector_load %arg5[%get3A_680, %get3A_681] {strides = array<i32>} : memref<2048x16xi32, #tpu.memory_space<vmem>>, vector<16xi32>,
      %and3A_683 = arith.constant -65536 : i32
      %and3A_684 = vector.broadcast %and3A_683 : i32 to vector<16xi32>
      %and3A_685 = arith.andi %get3A_682, %and3A_684 : vector<16xi32>
      %and3A_686 = arith.constant 16383 : i32
      %and3A_687 = vector.broadcast %and3A_686 : i32 to vector<16xi32>
      %and3A_688 = arith.andi %get3A_682, %and3A_687 : vector<16xi32>
      %mul3A_689 = arith.constant 4 : i32
      %mul3A_690 = vector.broadcast %mul3A_689 : i32 to vector<16xi32>
      %mul3A_691 = arith.muli %and3A_688, %mul3A_690 : vector<16xi32>
      %or3A_692 = arith.ori %and3A_685, %mul3A_691 : vector<16xi32>
      %shift_right_logical3A_693 = arith.constant 14 : i32
      %shift_right_logical3A_694 = vector.broadcast %shift_right_logical3A_693 : i32 to vector<16xi32>
      %shift_right_logical3A_695 = arith.shrui %get3A_682, %shift_right_logical3A_694 : vector<16xi32>
      %and3A_696 = arith.constant 3 : i32
      %and3A_697 = vector.broadcast %and3A_696 : i32 to vector<16xi32>
      %and3A_698 = arith.andi %shift_right_logical3A_695, %and3A_697 : vector<16xi32>
      %or3A_699 = arith.ori %or3A_692, %and3A_698 : vector<16xi32>
      %mul3A_700 = arith.constant 4 : i32
      %mul3A_701 = vector.broadcast %mul3A_700 : i32 to vector<16xi32>
      %mul3A_702 = arith.muli %iota3A, %mul3A_701 : vector<16xi32>
      %add3A_703 = arith.constant 1 : i32
      %add3A_704 = vector.broadcast %add3A_703 : i32 to vector<16xi32>
      %add3A_705 = arith.addi %mul3A_702, %add3A_704 : vector<16xi32>
      tpu.vector_store_idx %arg8[%add3A_705], %or3A_699 : memref<128xi32, #tpu.memory_space<vmem>>[vector<16xi32>], vector<16xi32>,
      %mul3A_706 = arith.constant 2 : i32
      %mul3A_707 = arith.muli %mul3A_706, %add3A_609 : i32
      %add3A_708 = arith.constant 512 : i32
      %add3A_709 = arith.addi %add3A_708, %mul3A_707 : i32
      %add3A_710 = arith.constant 1 : i32
      %add3A_711 = arith.addi %add3A_709, %add3A_710 : i32
      %get3A_712 = arith.index_cast %add3A_711 : i32 to index
      %get3A_713 = arith.constant 0 : index
      %get3A_714 = tpu.vector_load %arg5[%get3A_712, %get3A_713] {strides = array<i32>} : memref<2048x16xi32, #tpu.memory_space<vmem>>, vector<16xi32>,
      %and3A_715 = arith.constant -65536 : i32
      %and3A_716 = vector.broadcast %and3A_715 : i32 to vector<16xi32>
      %and3A_717 = arith.andi %get3A_714, %and3A_716 : vector<16xi32>
      %and3A_718 = arith.constant 16383 : i32
      %and3A_719 = vector.broadcast %and3A_718 : i32 to vector<16xi32>
      %and3A_720 = arith.andi %get3A_714, %and3A_719 : vector<16xi32>
      %mul3A_721 = arith.constant 4 : i32
      %mul3A_722 = vector.broadcast %mul3A_721 : i32 to vector<16xi32>
      %mul3A_723 = arith.muli %and3A_720, %mul3A_722 : vector<16xi32>
      %or3A_724 = arith.ori %and3A_717, %mul3A_723 : vector<16xi32>
      %shift_right_logical3A_725 = arith.constant 14 : i32
      %shift_right_logical3A_726 = vector.broadcast %shift_right_logical3A_725 : i32 to vector<16xi32>
      %shift_right_logical3A_727 = arith.shrui %get3A_714, %shift_right_logical3A_726 : vector<16xi32>
      %and3A_728 = arith.constant 3 : i32
      %and3A_729 = vector.broadcast %and3A_728 : i32 to vector<16xi32>
      %and3A_730 = arith.andi %shift_right_logical3A_727, %and3A_729 : vector<16xi32>
      %or3A_731 = arith.ori %or3A_724, %and3A_730 : vector<16xi32>
      %mul3A_732 = arith.constant 4 : i32
      %mul3A_733 = vector.broadcast %mul3A_732 : i32 to vector<16xi32>
      %mul3A_734 = arith.muli %iota3A, %mul3A_733 : vector<16xi32>
      %add3A_735 = arith.constant 65 : i32
      %add3A_736 = vector.broadcast %add3A_735 : i32 to vector<16xi32>
      %add3A_737 = arith.addi %mul3A_734, %add3A_736 : vector<16xi32>
      tpu.vector_store_idx %arg8[%add3A_737], %or3A_731 : memref<128xi32, #tpu.memory_space<vmem>>[vector<16xi32>], vector<16xi32>,
      %mul3A_738 = arith.constant 2 : i32
      %mul3A_739 = arith.muli %mul3A_738, %add3A_609 : i32
      %add3A_740 = arith.constant 1024 : i32
      %add3A_741 = arith.addi %add3A_740, %mul3A_739 : i32
      %add3A_742 = arith.constant 0 : i32
      %add3A_743 = arith.addi %add3A_741, %add3A_742 : i32
      %get3A_744 = arith.index_cast %add3A_743 : i32 to index
      %get3A_745 = arith.constant 0 : index
      %get3A_746 = tpu.vector_load %arg5[%get3A_744, %get3A_745] {strides = array<i32>} : memref<2048x16xi32, #tpu.memory_space<vmem>>, vector<16xi32>,
      %and3A_747 = arith.constant -65536 : i32
      %and3A_748 = vector.broadcast %and3A_747 : i32 to vector<16xi32>
      %and3A_749 = arith.andi %get3A_746, %and3A_748 : vector<16xi32>
      %and3A_750 = arith.constant 16383 : i32
      %and3A_751 = vector.broadcast %and3A_750 : i32 to vector<16xi32>
      %and3A_752 = arith.andi %get3A_746, %and3A_751 : vector<16xi32>
      %mul3A_753 = arith.constant 4 : i32
      %mul3A_754 = vector.broadcast %mul3A_753 : i32 to vector<16xi32>
      %mul3A_755 = arith.muli %and3A_752, %mul3A_754 : vector<16xi32>
      %or3A_756 = arith.ori %and3A_749, %mul3A_755 : vector<16xi32>
      %shift_right_logical3A_757 = arith.constant 14 : i32
      %shift_right_logical3A_758 = vector.broadcast %shift_right_logical3A_757 : i32 to vector<16xi32>
      %shift_right_logical3A_759 = arith.shrui %get3A_746, %shift_right_logical3A_758 : vector<16xi32>
      %and3A_760 = arith.constant 3 : i32
      %and3A_761 = vector.broadcast %and3A_760 : i32 to vector<16xi32>
      %and3A_762 = arith.andi %shift_right_logical3A_759, %and3A_761 : vector<16xi32>
      %or3A_763 = arith.ori %or3A_756, %and3A_762 : vector<16xi32>
      %mul3A_764 = arith.constant 4 : i32
      %mul3A_765 = vector.broadcast %mul3A_764 : i32 to vector<16xi32>
      %mul3A_766 = arith.muli %iota3A, %mul3A_765 : vector<16xi32>
      %add3A_767 = arith.constant 2 : i32
      %add3A_768 = vector.broadcast %add3A_767 : i32 to vector<16xi32>
      %add3A_769 = arith.addi %mul3A_766, %add3A_768 : vector<16xi32>
      tpu.vector_store_idx %arg8[%add3A_769], %or3A_763 : memref<128xi32, #tpu.memory_space<vmem>>[vector<16xi32>], vector<16xi32>,
      %mul3A_770 = arith.constant 2 : i32
      %mul3A_771 = arith.muli %mul3A_770, %add3A_609 : i32
      %add3A_772 = arith.constant 1024 : i32
      %add3A_773 = arith.addi %add3A_772, %mul3A_771 : i32
      %add3A_774 = arith.constant 1 : i32
      %add3A_775 = arith.addi %add3A_773, %add3A_774 : i32
      %get3A_776 = arith.index_cast %add3A_775 : i32 to index
      %get3A_777 = arith.constant 0 : index
      %get3A_778 = tpu.vector_load %arg5[%get3A_776, %get3A_777] {strides = array<i32>} : memref<2048x16xi32, #tpu.memory_space<vmem>>, vector<16xi32>,
      %and3A_779 = arith.constant -65536 : i32
      %and3A_780 = vector.broadcast %and3A_779 : i32 to vector<16xi32>
      %and3A_781 = arith.andi %get3A_778, %and3A_780 : vector<16xi32>
      %and3A_782 = arith.constant 16383 : i32
      %and3A_783 = vector.broadcast %and3A_782 : i32 to vector<16xi32>
      %and3A_784 = arith.andi %get3A_778, %and3A_783 : vector<16xi32>
      %mul3A_785 = arith.constant 4 : i32
      %mul3A_786 = vector.broadcast %mul3A_785 : i32 to vector<16xi32>
      %mul3A_787 = arith.muli %and3A_784, %mul3A_786 : vector<16xi32>
      %or3A_788 = arith.ori %and3A_781, %mul3A_787 : vector<16xi32>
      %shift_right_logical3A_789 = arith.constant 14 : i32
      %shift_right_logical3A_790 = vector.broadcast %shift_right_logical3A_789 : i32 to vector<16xi32>
      %shift_right_logical3A_791 = arith.shrui %get3A_778, %shift_right_logical3A_790 : vector<16xi32>
      %and3A_792 = arith.constant 3 : i32
      %and3A_793 = vector.broadcast %and3A_792 : i32 to vector<16xi32>
      %and3A_794 = arith.andi %shift_right_logical3A_791, %and3A_793 : vector<16xi32>
      %or3A_795 = arith.ori %or3A_788, %and3A_794 : vector<16xi32>
      %mul3A_796 = arith.constant 4 : i32
      %mul3A_797 = vector.broadcast %mul3A_796 : i32 to vector<16xi32>
      %mul3A_798 = arith.muli %iota3A, %mul3A_797 : vector<16xi32>
      %add3A_799 = arith.constant 66 : i32
      %add3A_800 = vector.broadcast %add3A_799 : i32 to vector<16xi32>
      %add3A_801 = arith.addi %mul3A_798, %add3A_800 : vector<16xi32>
      tpu.vector_store_idx %arg8[%add3A_801], %or3A_795 : memref<128xi32, #tpu.memory_space<vmem>>[vector<16xi32>], vector<16xi32>,
      %mul3A_802 = arith.constant 2 : i32
      %mul3A_803 = arith.muli %mul3A_802, %add3A_609 : i32
      %add3A_804 = arith.constant 1536 : i32
      %add3A_805 = arith.addi %add3A_804, %mul3A_803 : i32
      %add3A_806 = arith.constant 0 : i32
      %add3A_807 = arith.addi %add3A_805, %add3A_806 : i32
      %get3A_808 = arith.index_cast %add3A_807 : i32 to index
      %get3A_809 = arith.constant 0 : index
      %get3A_810 = tpu.vector_load %arg5[%get3A_808, %get3A_809] {strides = array<i32>} : memref<2048x16xi32, #tpu.memory_space<vmem>>, vector<16xi32>,
      %and3A_811 = arith.constant -65536 : i32
      %and3A_812 = vector.broadcast %and3A_811 : i32 to vector<16xi32>
      %and3A_813 = arith.andi %get3A_810, %and3A_812 : vector<16xi32>
      %and3A_814 = arith.constant 16383 : i32
      %and3A_815 = vector.broadcast %and3A_814 : i32 to vector<16xi32>
      %and3A_816 = arith.andi %get3A_810, %and3A_815 : vector<16xi32>
      %mul3A_817 = arith.constant 4 : i32
      %mul3A_818 = vector.broadcast %mul3A_817 : i32 to vector<16xi32>
      %mul3A_819 = arith.muli %and3A_816, %mul3A_818 : vector<16xi32>
      %or3A_820 = arith.ori %and3A_813, %mul3A_819 : vector<16xi32>
      %shift_right_logical3A_821 = arith.constant 14 : i32
      %shift_right_logical3A_822 = vector.broadcast %shift_right_logical3A_821 : i32 to vector<16xi32>
      %shift_right_logical3A_823 = arith.shrui %get3A_810, %shift_right_logical3A_822 : vector<16xi32>
      %and3A_824 = arith.constant 3 : i32
      %and3A_825 = vector.broadcast %and3A_824 : i32 to vector<16xi32>
      %and3A_826 = arith.andi %shift_right_logical3A_823, %and3A_825 : vector<16xi32>
      %or3A_827 = arith.ori %or3A_820, %and3A_826 : vector<16xi32>
      %mul3A_828 = arith.constant 4 : i32
      %mul3A_829 = vector.broadcast %mul3A_828 : i32 to vector<16xi32>
      %mul3A_830 = arith.muli %iota3A, %mul3A_829 : vector<16xi32>
      %add3A_831 = arith.constant 3 : i32
      %add3A_832 = vector.broadcast %add3A_831 : i32 to vector<16xi32>
      %add3A_833 = arith.addi %mul3A_830, %add3A_832 : vector<16xi32>
      tpu.vector_store_idx %arg8[%add3A_833], %or3A_827 : memref<128xi32, #tpu.memory_space<vmem>>[vector<16xi32>], vector<16xi32>,
      %mul3A_834 = arith.constant 2 : i32
      %mul3A_835 = arith.muli %mul3A_834, %add3A_609 : i32
      %add3A_836 = arith.constant 1536 : i32
      %add3A_837 = arith.addi %add3A_836, %mul3A_835 : i32
      %add3A_838 = arith.constant 1 : i32
      %add3A_839 = arith.addi %add3A_837, %add3A_838 : i32
      %get3A_840 = arith.index_cast %add3A_839 : i32 to index
      %get3A_841 = arith.constant 0 : index
      %get3A_842 = tpu.vector_load %arg5[%get3A_840, %get3A_841] {strides = array<i32>} : memref<2048x16xi32, #tpu.memory_space<vmem>>, vector<16xi32>,
      %and3A_843 = arith.constant -65536 : i32
      %and3A_844 = vector.broadcast %and3A_843 : i32 to vector<16xi32>
      %and3A_845 = arith.andi %get3A_842, %and3A_844 : vector<16xi32>
      %and3A_846 = arith.constant 16383 : i32
      %and3A_847 = vector.broadcast %and3A_846 : i32 to vector<16xi32>
      %and3A_848 = arith.andi %get3A_842, %and3A_847 : vector<16xi32>
      %mul3A_849 = arith.constant 4 : i32
      %mul3A_850 = vector.broadcast %mul3A_849 : i32 to vector<16xi32>
      %mul3A_851 = arith.muli %and3A_848, %mul3A_850 : vector<16xi32>
      %or3A_852 = arith.ori %and3A_845, %mul3A_851 : vector<16xi32>
      %shift_right_logical3A_853 = arith.constant 14 : i32
      %shift_right_logical3A_854 = vector.broadcast %shift_right_logical3A_853 : i32 to vector<16xi32>
      %shift_right_logical3A_855 = arith.shrui %get3A_842, %shift_right_logical3A_854 : vector<16xi32>
      %and3A_856 = arith.constant 3 : i32
      %and3A_857 = vector.broadcast %and3A_856 : i32 to vector<16xi32>
      %and3A_858 = arith.andi %shift_right_logical3A_855, %and3A_857 : vector<16xi32>
      %or3A_859 = arith.ori %or3A_852, %and3A_858 : vector<16xi32>
      %mul3A_860 = arith.constant 4 : i32
      %mul3A_861 = vector.broadcast %mul3A_860 : i32 to vector<16xi32>
      %mul3A_862 = arith.muli %iota3A, %mul3A_861 : vector<16xi32>
      %add3A_863 = arith.constant 67 : i32
      %add3A_864 = vector.broadcast %add3A_863 : i32 to vector<16xi32>
      %add3A_865 = arith.addi %mul3A_862, %add3A_864 : vector<16xi32>
      tpu.vector_store_idx %arg8[%add3A_865], %or3A_859 : memref<128xi32, #tpu.memory_space<vmem>>[vector<16xi32>], vector<16xi32>,
      %mul3A_866 = arith.constant 8 : i32
      %mul3A_867 = arith.muli %add3A_89, %mul3A_866 : i32
      %add3A_868 = arith.constant 3 : i32
      %add3A_869 = arith.addi %mul3A_867, %add3A_868 : i32
      %mul3A_870 = arith.constant 2 : i32
      %mul3A_871 = arith.muli %mul3A_870, %add3A_869 : i32
      %add3A_872 = arith.constant 0 : i32
      %add3A_873 = arith.addi %add3A_872, %mul3A_871 : i32
      %add3A_874 = arith.constant 0 : i32
      %add3A_875 = arith.addi %add3A_873, %add3A_874 : i32
      %get3A_876 = arith.index_cast %add3A_875 : i32 to index
      %get3A_877 = arith.constant 0 : index
      %get3A_878 = tpu.vector_load %arg5[%get3A_876, %get3A_877] {strides = array<i32>} : memref<2048x16xi32, #tpu.memory_space<vmem>>, vector<16xi32>,
      %and3A_879 = arith.constant -65536 : i32
      %and3A_880 = vector.broadcast %and3A_879 : i32 to vector<16xi32>
      %and3A_881 = arith.andi %get3A_878, %and3A_880 : vector<16xi32>
      %and3A_882 = arith.constant 16383 : i32
      %and3A_883 = vector.broadcast %and3A_882 : i32 to vector<16xi32>
      %and3A_884 = arith.andi %get3A_878, %and3A_883 : vector<16xi32>
      %mul3A_885 = arith.constant 4 : i32
      %mul3A_886 = vector.broadcast %mul3A_885 : i32 to vector<16xi32>
      %mul3A_887 = arith.muli %and3A_884, %mul3A_886 : vector<16xi32>
      %or3A_888 = arith.ori %and3A_881, %mul3A_887 : vector<16xi32>
      %shift_right_logical3A_889 = arith.constant 14 : i32
      %shift_right_logical3A_890 = vector.broadcast %shift_right_logical3A_889 : i32 to vector<16xi32>
      %shift_right_logical3A_891 = arith.shrui %get3A_878, %shift_right_logical3A_890 : vector<16xi32>
      %and3A_892 = arith.constant 3 : i32
      %and3A_893 = vector.broadcast %and3A_892 : i32 to vector<16xi32>
      %and3A_894 = arith.andi %shift_right_logical3A_891, %and3A_893 : vector<16xi32>
      %or3A_895 = arith.ori %or3A_888, %and3A_894 : vector<16xi32>
      %mul3A_896 = arith.constant 4 : i32
      %mul3A_897 = vector.broadcast %mul3A_896 : i32 to vector<16xi32>
      %mul3A_898 = arith.muli %iota3A, %mul3A_897 : vector<16xi32>
      %add3A_899 = arith.constant 0 : i32
      %add3A_900 = vector.broadcast %add3A_899 : i32 to vector<16xi32>
      %add3A_901 = arith.addi %mul3A_898, %add3A_900 : vector<16xi32>
      tpu.vector_store_idx %arg9[%add3A_901], %or3A_895 : memref<128xi32, #tpu.memory_space<vmem>>[vector<16xi32>], vector<16xi32>,
      %mul3A_902 = arith.constant 2 : i32
      %mul3A_903 = arith.muli %mul3A_902, %add3A_869 : i32
      %add3A_904 = arith.constant 0 : i32
      %add3A_905 = arith.addi %add3A_904, %mul3A_903 : i32
      %add3A_906 = arith.constant 1 : i32
      %add3A_907 = arith.addi %add3A_905, %add3A_906 : i32
      %get3A_908 = arith.index_cast %add3A_907 : i32 to index
      %get3A_909 = arith.constant 0 : index
      %get3A_910 = tpu.vector_load %arg5[%get3A_908, %get3A_909] {strides = array<i32>} : memref<2048x16xi32, #tpu.memory_space<vmem>>, vector<16xi32>,
      %and3A_911 = arith.constant -65536 : i32
      %and3A_912 = vector.broadcast %and3A_911 : i32 to vector<16xi32>
      %and3A_913 = arith.andi %get3A_910, %and3A_912 : vector<16xi32>
      %and3A_914 = arith.constant 16383 : i32
      %and3A_915 = vector.broadcast %and3A_914 : i32 to vector<16xi32>
      %and3A_916 = arith.andi %get3A_910, %and3A_915 : vector<16xi32>
      %mul3A_917 = arith.constant 4 : i32
      %mul3A_918 = vector.broadcast %mul3A_917 : i32 to vector<16xi32>
      %mul3A_919 = arith.muli %and3A_916, %mul3A_918 : vector<16xi32>
      %or3A_920 = arith.ori %and3A_913, %mul3A_919 : vector<16xi32>
      %shift_right_logical3A_921 = arith.constant 14 : i32
      %shift_right_logical3A_922 = vector.broadcast %shift_right_logical3A_921 : i32 to vector<16xi32>
      %shift_right_logical3A_923 = arith.shrui %get3A_910, %shift_right_logical3A_922 : vector<16xi32>
      %and3A_924 = arith.constant 3 : i32
      %and3A_925 = vector.broadcast %and3A_924 : i32 to vector<16xi32>
      %and3A_926 = arith.andi %shift_right_logical3A_923, %and3A_925 : vector<16xi32>
      %or3A_927 = arith.ori %or3A_920, %and3A_926 : vector<16xi32>
      %mul3A_928 = arith.constant 4 : i32
      %mul3A_929 = vector.broadcast %mul3A_928 : i32 to vector<16xi32>
      %mul3A_930 = arith.muli %iota3A, %mul3A_929 : vector<16xi32>
      %add3A_931 = arith.constant 64 : i32
      %add3A_932 = vector.broadcast %add3A_931 : i32 to vector<16xi32>
      %add3A_933 = arith.addi %mul3A_930, %add3A_932 : vector<16xi32>
      tpu.vector_store_idx %arg9[%add3A_933], %or3A_927 : memref<128xi32, #tpu.memory_space<vmem>>[vector<16xi32>], vector<16xi32>,
      %mul3A_934 = arith.constant 2 : i32
      %mul3A_935 = arith.muli %mul3A_934, %add3A_869 : i32
      %add3A_936 = arith.constant 512 : i32
      %add3A_937 = arith.addi %add3A_936, %mul3A_935 : i32
      %add3A_938 = arith.constant 0 : i32
      %add3A_939 = arith.addi %add3A_937, %add3A_938 : i32
      %get3A_940 = arith.index_cast %add3A_939 : i32 to index
      %get3A_941 = arith.constant 0 : index
      %get3A_942 = tpu.vector_load %arg5[%get3A_940, %get3A_941] {strides = array<i32>} : memref<2048x16xi32, #tpu.memory_space<vmem>>, vector<16xi32>,
      %and3A_943 = arith.constant -65536 : i32
      %and3A_944 = vector.broadcast %and3A_943 : i32 to vector<16xi32>
      %and3A_945 = arith.andi %get3A_942, %and3A_944 : vector<16xi32>
      %and3A_946 = arith.constant 16383 : i32
      %and3A_947 = vector.broadcast %and3A_946 : i32 to vector<16xi32>
      %and3A_948 = arith.andi %get3A_942, %and3A_947 : vector<16xi32>
      %mul3A_949 = arith.constant 4 : i32
      %mul3A_950 = vector.broadcast %mul3A_949 : i32 to vector<16xi32>
      %mul3A_951 = arith.muli %and3A_948, %mul3A_950 : vector<16xi32>
      %or3A_952 = arith.ori %and3A_945, %mul3A_951 : vector<16xi32>
      %shift_right_logical3A_953 = arith.constant 14 : i32
      %shift_right_logical3A_954 = vector.broadcast %shift_right_logical3A_953 : i32 to vector<16xi32>
      %shift_right_logical3A_955 = arith.shrui %get3A_942, %shift_right_logical3A_954 : vector<16xi32>
      %and3A_956 = arith.constant 3 : i32
      %and3A_957 = vector.broadcast %and3A_956 : i32 to vector<16xi32>
      %and3A_958 = arith.andi %shift_right_logical3A_955, %and3A_957 : vector<16xi32>
      %or3A_959 = arith.ori %or3A_952, %and3A_958 : vector<16xi32>
      %mul3A_960 = arith.constant 4 : i32
      %mul3A_961 = vector.broadcast %mul3A_960 : i32 to vector<16xi32>
      %mul3A_962 = arith.muli %iota3A, %mul3A_961 : vector<16xi32>
      %add3A_963 = arith.constant 1 : i32
      %add3A_964 = vector.broadcast %add3A_963 : i32 to vector<16xi32>
      %add3A_965 = arith.addi %mul3A_962, %add3A_964 : vector<16xi32>
      tpu.vector_store_idx %arg9[%add3A_965], %or3A_959 : memref<128xi32, #tpu.memory_space<vmem>>[vector<16xi32>], vector<16xi32>,
      %mul3A_966 = arith.constant 2 : i32
      %mul3A_967 = arith.muli %mul3A_966, %add3A_869 : i32
      %add3A_968 = arith.constant 512 : i32
      %add3A_969 = arith.addi %add3A_968, %mul3A_967 : i32
      %add3A_970 = arith.constant 1 : i32
      %add3A_971 = arith.addi %add3A_969, %add3A_970 : i32
      %get3A_972 = arith.index_cast %add3A_971 : i32 to index
      %get3A_973 = arith.constant 0 : index
      %get3A_974 = tpu.vector_load %arg5[%get3A_972, %get3A_973] {strides = array<i32>} : memref<2048x16xi32, #tpu.memory_space<vmem>>, vector<16xi32>,
      %and3A_975 = arith.constant -65536 : i32
      %and3A_976 = vector.broadcast %and3A_975 : i32 to vector<16xi32>
      %and3A_977 = arith.andi %get3A_974, %and3A_976 : vector<16xi32>
      %and3A_978 = arith.constant 16383 : i32
      %and3A_979 = vector.broadcast %and3A_978 : i32 to vector<16xi32>
      %and3A_980 = arith.andi %get3A_974, %and3A_979 : vector<16xi32>
      %mul3A_981 = arith.constant 4 : i32
      %mul3A_982 = vector.broadcast %mul3A_981 : i32 to vector<16xi32>
      %mul3A_983 = arith.muli %and3A_980, %mul3A_982 : vector<16xi32>
      %or3A_984 = arith.ori %and3A_977, %mul3A_983 : vector<16xi32>
      %shift_right_logical3A_985 = arith.constant 14 : i32
      %shift_right_logical3A_986 = vector.broadcast %shift_right_logical3A_985 : i32 to vector<16xi32>
      %shift_right_logical3A_987 = arith.shrui %get3A_974, %shift_right_logical3A_986 : vector<16xi32>
      %and3A_988 = arith.constant 3 : i32
      %and3A_989 = vector.broadcast %and3A_988 : i32 to vector<16xi32>
      %and3A_990 = arith.andi %shift_right_logical3A_987, %and3A_989 : vector<16xi32>
      %or3A_991 = arith.ori %or3A_984, %and3A_990 : vector<16xi32>
      %mul3A_992 = arith.constant 4 : i32
      %mul3A_993 = vector.broadcast %mul3A_992 : i32 to vector<16xi32>
      %mul3A_994 = arith.muli %iota3A, %mul3A_993 : vector<16xi32>
      %add3A_995 = arith.constant 65 : i32
      %add3A_996 = vector.broadcast %add3A_995 : i32 to vector<16xi32>
      %add3A_997 = arith.addi %mul3A_994, %add3A_996 : vector<16xi32>
      tpu.vector_store_idx %arg9[%add3A_997], %or3A_991 : memref<128xi32, #tpu.memory_space<vmem>>[vector<16xi32>], vector<16xi32>,
      %mul3A_998 = arith.constant 2 : i32
      %mul3A_999 = arith.muli %mul3A_998, %add3A_869 : i32
      %add3A_1000 = arith.constant 1024 : i32
      %add3A_1001 = arith.addi %add3A_1000, %mul3A_999 : i32
      %add3A_1002 = arith.constant 0 : i32
      %add3A_1003 = arith.addi %add3A_1001, %add3A_1002 : i32
      %get3A_1004 = arith.index_cast %add3A_1003 : i32 to index
      %get3A_1005 = arith.constant 0 : index
      %get3A_1006 = tpu.vector_load %arg5[%get3A_1004, %get3A_1005] {strides = array<i32>} : memref<2048x16xi32, #tpu.memory_space<vmem>>, vector<16xi32>,
      %and3A_1007 = arith.constant -65536 : i32
      %and3A_1008 = vector.broadcast %and3A_1007 : i32 to vector<16xi32>
      %and3A_1009 = arith.andi %get3A_1006, %and3A_1008 : vector<16xi32>
      %and3A_1010 = arith.constant 16383 : i32
      %and3A_1011 = vector.broadcast %and3A_1010 : i32 to vector<16xi32>
      %and3A_1012 = arith.andi %get3A_1006, %and3A_1011 : vector<16xi32>
      %mul3A_1013 = arith.constant 4 : i32
      %mul3A_1014 = vector.broadcast %mul3A_1013 : i32 to vector<16xi32>
      %mul3A_1015 = arith.muli %and3A_1012, %mul3A_1014 : vector<16xi32>
      %or3A_1016 = arith.ori %and3A_1009, %mul3A_1015 : vector<16xi32>
      %shift_right_logical3A_1017 = arith.constant 14 : i32
      %shift_right_logical3A_1018 = vector.broadcast %shift_right_logical3A_1017 : i32 to vector<16xi32>
      %shift_right_logical3A_1019 = arith.shrui %get3A_1006, %shift_right_logical3A_1018 : vector<16xi32>
      %and3A_1020 = arith.constant 3 : i32
      %and3A_1021 = vector.broadcast %and3A_1020 : i32 to vector<16xi32>
      %and3A_1022 = arith.andi %shift_right_logical3A_1019, %and3A_1021 : vector<16xi32>
      %or3A_1023 = arith.ori %or3A_1016, %and3A_1022 : vector<16xi32>
      %mul3A_1024 = arith.constant 4 : i32
      %mul3A_1025 = vector.broadcast %mul3A_1024 : i32 to vector<16xi32>
      %mul3A_1026 = arith.muli %iota3A, %mul3A_1025 : vector<16xi32>
      %add3A_1027 = arith.constant 2 : i32
      %add3A_1028 = vector.broadcast %add3A_1027 : i32 to vector<16xi32>
      %add3A_1029 = arith.addi %mul3A_1026, %add3A_1028 : vector<16xi32>
      tpu.vector_store_idx %arg9[%add3A_1029], %or3A_1023 : memref<128xi32, #tpu.memory_space<vmem>>[vector<16xi32>], vector<16xi32>,
      %mul3A_1030 = arith.constant 2 : i32
      %mul3A_1031 = arith.muli %mul3A_1030, %add3A_869 : i32
      %add3A_1032 = arith.constant 1024 : i32
      %add3A_1033 = arith.addi %add3A_1032, %mul3A_1031 : i32
      %add3A_1034 = arith.constant 1 : i32
      %add3A_1035 = arith.addi %add3A_1033, %add3A_1034 : i32
      %get3A_1036 = arith.index_cast %add3A_1035 : i32 to index
      %get3A_1037 = arith.constant 0 : index
      %get3A_1038 = tpu.vector_load %arg5[%get3A_1036, %get3A_1037] {strides = array<i32>} : memref<2048x16xi32, #tpu.memory_space<vmem>>, vector<16xi32>,
      %and3A_1039 = arith.constant -65536 : i32
      %and3A_1040 = vector.broadcast %and3A_1039 : i32 to vector<16xi32>
      %and3A_1041 = arith.andi %get3A_1038, %and3A_1040 : vector<16xi32>
      %and3A_1042 = arith.constant 16383 : i32
      %and3A_1043 = vector.broadcast %and3A_1042 : i32 to vector<16xi32>
      %and3A_1044 = arith.andi %get3A_1038, %and3A_1043 : vector<16xi32>
      %mul3A_1045 = arith.constant 4 : i32
      %mul3A_1046 = vector.broadcast %mul3A_1045 : i32 to vector<16xi32>
      %mul3A_1047 = arith.muli %and3A_1044, %mul3A_1046 : vector<16xi32>
      %or3A_1048 = arith.ori %and3A_1041, %mul3A_1047 : vector<16xi32>
      %shift_right_logical3A_1049 = arith.constant 14 : i32
      %shift_right_logical3A_1050 = vector.broadcast %shift_right_logical3A_1049 : i32 to vector<16xi32>
      %shift_right_logical3A_1051 = arith.shrui %get3A_1038, %shift_right_logical3A_1050 : vector<16xi32>
      %and3A_1052 = arith.constant 3 : i32
      %and3A_1053 = vector.broadcast %and3A_1052 : i32 to vector<16xi32>
      %and3A_1054 = arith.andi %shift_right_logical3A_1051, %and3A_1053 : vector<16xi32>
      %or3A_1055 = arith.ori %or3A_1048, %and3A_1054 : vector<16xi32>
      %mul3A_1056 = arith.constant 4 : i32
      %mul3A_1057 = vector.broadcast %mul3A_1056 : i32 to vector<16xi32>
      %mul3A_1058 = arith.muli %iota3A, %mul3A_1057 : vector<16xi32>
      %add3A_1059 = arith.constant 66 : i32
      %add3A_1060 = vector.broadcast %add3A_1059 : i32 to vector<16xi32>
      %add3A_1061 = arith.addi %mul3A_1058, %add3A_1060 : vector<16xi32>
      tpu.vector_store_idx %arg9[%add3A_1061], %or3A_1055 : memref<128xi32, #tpu.memory_space<vmem>>[vector<16xi32>], vector<16xi32>,
      %mul3A_1062 = arith.constant 2 : i32
      %mul3A_1063 = arith.muli %mul3A_1062, %add3A_869 : i32
      %add3A_1064 = arith.constant 1536 : i32
      %add3A_1065 = arith.addi %add3A_1064, %mul3A_1063 : i32
      %add3A_1066 = arith.constant 0 : i32
      %add3A_1067 = arith.addi %add3A_1065, %add3A_1066 : i32
      %get3A_1068 = arith.index_cast %add3A_1067 : i32 to index
      %get3A_1069 = arith.constant 0 : index
      %get3A_1070 = tpu.vector_load %arg5[%get3A_1068, %get3A_1069] {strides = array<i32>} : memref<2048x16xi32, #tpu.memory_space<vmem>>, vector<16xi32>,
      %and3A_1071 = arith.constant -65536 : i32
      %and3A_1072 = vector.broadcast %and3A_1071 : i32 to vector<16xi32>
      %and3A_1073 = arith.andi %get3A_1070, %and3A_1072 : vector<16xi32>
      %and3A_1074 = arith.constant 16383 : i32
      %and3A_1075 = vector.broadcast %and3A_1074 : i32 to vector<16xi32>
      %and3A_1076 = arith.andi %get3A_1070, %and3A_1075 : vector<16xi32>
      %mul3A_1077 = arith.constant 4 : i32
      %mul3A_1078 = vector.broadcast %mul3A_1077 : i32 to vector<16xi32>
      %mul3A_1079 = arith.muli %and3A_1076, %mul3A_1078 : vector<16xi32>
      %or3A_1080 = arith.ori %and3A_1073, %mul3A_1079 : vector<16xi32>
      %shift_right_logical3A_1081 = arith.constant 14 : i32
      %shift_right_logical3A_1082 = vector.broadcast %shift_right_logical3A_1081 : i32 to vector<16xi32>
      %shift_right_logical3A_1083 = arith.shrui %get3A_1070, %shift_right_logical3A_1082 : vector<16xi32>
      %and3A_1084 = arith.constant 3 : i32
      %and3A_1085 = vector.broadcast %and3A_1084 : i32 to vector<16xi32>
      %and3A_1086 = arith.andi %shift_right_logical3A_1083, %and3A_1085 : vector<16xi32>
      %or3A_1087 = arith.ori %or3A_1080, %and3A_1086 : vector<16xi32>
      %mul3A_1088 = arith.constant 4 : i32
      %mul3A_1089 = vector.broadcast %mul3A_1088 : i32 to vector<16xi32>
      %mul3A_1090 = arith.muli %iota3A, %mul3A_1089 : vector<16xi32>
      %add3A_1091 = arith.constant 3 : i32
      %add3A_1092 = vector.broadcast %add3A_1091 : i32 to vector<16xi32>
      %add3A_1093 = arith.addi %mul3A_1090, %add3A_1092 : vector<16xi32>
      tpu.vector_store_idx %arg9[%add3A_1093], %or3A_1087 : memref<128xi32, #tpu.memory_space<vmem>>[vector<16xi32>], vector<16xi32>,
      %mul3A_1094 = arith.constant 2 : i32
      %mul3A_1095 = arith.muli %mul3A_1094, %add3A_869 : i32
      %add3A_1096 = arith.constant 1536 : i32
      %add3A_1097 = arith.addi %add3A_1096, %mul3A_1095 : i32
      %add3A_1098 = arith.constant 1 : i32
      %add3A_1099 = arith.addi %add3A_1097, %add3A_1098 : i32
      %get3A_1100 = arith.index_cast %add3A_1099 : i32 to index
      %get3A_1101 = arith.constant 0 : index
      %get3A_1102 = tpu.vector_load %arg5[%get3A_1100, %get3A_1101] {strides = array<i32>} : memref<2048x16xi32, #tpu.memory_space<vmem>>, vector<16xi32>,
      %and3A_1103 = arith.constant -65536 : i32
      %and3A_1104 = vector.broadcast %and3A_1103 : i32 to vector<16xi32>
      %and3A_1105 = arith.andi %get3A_1102, %and3A_1104 : vector<16xi32>
      %and3A_1106 = arith.constant 16383 : i32
      %and3A_1107 = vector.broadcast %and3A_1106 : i32 to vector<16xi32>
      %and3A_1108 = arith.andi %get3A_1102, %and3A_1107 : vector<16xi32>
      %mul3A_1109 = arith.constant 4 : i32
      %mul3A_1110 = vector.broadcast %mul3A_1109 : i32 to vector<16xi32>
      %mul3A_1111 = arith.muli %and3A_1108, %mul3A_1110 : vector<16xi32>
      %or3A_1112 = arith.ori %and3A_1105, %mul3A_1111 : vector<16xi32>
      %shift_right_logical3A_1113 = arith.constant 14 : i32
      %shift_right_logical3A_1114 = vector.broadcast %shift_right_logical3A_1113 : i32 to vector<16xi32>
      %shift_right_logical3A_1115 = arith.shrui %get3A_1102, %shift_right_logical3A_1114 : vector<16xi32>
      %and3A_1116 = arith.constant 3 : i32
      %and3A_1117 = vector.broadcast %and3A_1116 : i32 to vector<16xi32>
      %and3A_1118 = arith.andi %shift_right_logical3A_1115, %and3A_1117 : vector<16xi32>
      %or3A_1119 = arith.ori %or3A_1112, %and3A_1118 : vector<16xi32>
      %mul3A_1120 = arith.constant 4 : i32
      %mul3A_1121 = vector.broadcast %mul3A_1120 : i32 to vector<16xi32>
      %mul3A_1122 = arith.muli %iota3A, %mul3A_1121 : vector<16xi32>
      %add3A_1123 = arith.constant 67 : i32
      %add3A_1124 = vector.broadcast %add3A_1123 : i32 to vector<16xi32>
      %add3A_1125 = arith.addi %mul3A_1122, %add3A_1124 : vector<16xi32>
      tpu.vector_store_idx %arg9[%add3A_1125], %or3A_1119 : memref<128xi32, #tpu.memory_space<vmem>>[vector<16xi32>], vector<16xi32>,
      %mul3A_1126 = arith.constant 8 : i32
      %mul3A_1127 = arith.muli %add3A_89, %mul3A_1126 : i32
      %add3A_1128 = arith.constant 4 : i32
      %add3A_1129 = arith.addi %mul3A_1127, %add3A_1128 : i32
      %mul3A_1130 = arith.constant 2 : i32
      %mul3A_1131 = arith.muli %mul3A_1130, %add3A_1129 : i32
      %add3A_1132 = arith.constant 0 : i32
      %add3A_1133 = arith.addi %add3A_1132, %mul3A_1131 : i32
      %add3A_1134 = arith.constant 0 : i32
      %add3A_1135 = arith.addi %add3A_1133, %add3A_1134 : i32
      %get3A_1136 = arith.index_cast %add3A_1135 : i32 to index
      %get3A_1137 = arith.constant 0 : index
      %get3A_1138 = tpu.vector_load %arg5[%get3A_1136, %get3A_1137] {strides = array<i32>} : memref<2048x16xi32, #tpu.memory_space<vmem>>, vector<16xi32>,
      %and3A_1139 = arith.constant -65536 : i32
      %and3A_1140 = vector.broadcast %and3A_1139 : i32 to vector<16xi32>
      %and3A_1141 = arith.andi %get3A_1138, %and3A_1140 : vector<16xi32>
      %and3A_1142 = arith.constant 16383 : i32
      %and3A_1143 = vector.broadcast %and3A_1142 : i32 to vector<16xi32>
      %and3A_1144 = arith.andi %get3A_1138, %and3A_1143 : vector<16xi32>
      %mul3A_1145 = arith.constant 4 : i32
      %mul3A_1146 = vector.broadcast %mul3A_1145 : i32 to vector<16xi32>
      %mul3A_1147 = arith.muli %and3A_1144, %mul3A_1146 : vector<16xi32>
      %or3A_1148 = arith.ori %and3A_1141, %mul3A_1147 : vector<16xi32>
      %shift_right_logical3A_1149 = arith.constant 14 : i32
      %shift_right_logical3A_1150 = vector.broadcast %shift_right_logical3A_1149 : i32 to vector<16xi32>
      %shift_right_logical3A_1151 = arith.shrui %get3A_1138, %shift_right_logical3A_1150 : vector<16xi32>
      %and3A_1152 = arith.constant 3 : i32
      %and3A_1153 = vector.broadcast %and3A_1152 : i32 to vector<16xi32>
      %and3A_1154 = arith.andi %shift_right_logical3A_1151, %and3A_1153 : vector<16xi32>
      %or3A_1155 = arith.ori %or3A_1148, %and3A_1154 : vector<16xi32>
      %mul3A_1156 = arith.constant 4 : i32
      %mul3A_1157 = vector.broadcast %mul3A_1156 : i32 to vector<16xi32>
      %mul3A_1158 = arith.muli %iota3A, %mul3A_1157 : vector<16xi32>
      %add3A_1159 = arith.constant 0 : i32
      %add3A_1160 = vector.broadcast %add3A_1159 : i32 to vector<16xi32>
      %add3A_1161 = arith.addi %mul3A_1158, %add3A_1160 : vector<16xi32>
      tpu.vector_store_idx %arg10[%add3A_1161], %or3A_1155 : memref<128xi32, #tpu.memory_space<vmem>>[vector<16xi32>], vector<16xi32>,
      %mul3A_1162 = arith.constant 2 : i32
      %mul3A_1163 = arith.muli %mul3A_1162, %add3A_1129 : i32
      %add3A_1164 = arith.constant 0 : i32
      %add3A_1165 = arith.addi %add3A_1164, %mul3A_1163 : i32
      %add3A_1166 = arith.constant 1 : i32
      %add3A_1167 = arith.addi %add3A_1165, %add3A_1166 : i32
      %get3A_1168 = arith.index_cast %add3A_1167 : i32 to index
      %get3A_1169 = arith.constant 0 : index
      %get3A_1170 = tpu.vector_load %arg5[%get3A_1168, %get3A_1169] {strides = array<i32>} : memref<2048x16xi32, #tpu.memory_space<vmem>>, vector<16xi32>,
      %and3A_1171 = arith.constant -65536 : i32
      %and3A_1172 = vector.broadcast %and3A_1171 : i32 to vector<16xi32>
      %and3A_1173 = arith.andi %get3A_1170, %and3A_1172 : vector<16xi32>
      %and3A_1174 = arith.constant 16383 : i32
      %and3A_1175 = vector.broadcast %and3A_1174 : i32 to vector<16xi32>
      %and3A_1176 = arith.andi %get3A_1170, %and3A_1175 : vector<16xi32>
      %mul3A_1177 = arith.constant 4 : i32
      %mul3A_1178 = vector.broadcast %mul3A_1177 : i32 to vector<16xi32>
      %mul3A_1179 = arith.muli %and3A_1176, %mul3A_1178 : vector<16xi32>
      %or3A_1180 = arith.ori %and3A_1173, %mul3A_1179 : vector<16xi32>
      %shift_right_logical3A_1181 = arith.constant 14 : i32
      %shift_right_logical3A_1182 = vector.broadcast %shift_right_logical3A_1181 : i32 to vector<16xi32>
      %shift_right_logical3A_1183 = arith.shrui %get3A_1170, %shift_right_logical3A_1182 : vector<16xi32>
      %and3A_1184 = arith.constant 3 : i32
      %and3A_1185 = vector.broadcast %and3A_1184 : i32 to vector<16xi32>
      %and3A_1186 = arith.andi %shift_right_logical3A_1183, %and3A_1185 : vector<16xi32>
      %or3A_1187 = arith.ori %or3A_1180, %and3A_1186 : vector<16xi32>
      %mul3A_1188 = arith.constant 4 : i32
      %mul3A_1189 = vector.broadcast %mul3A_1188 : i32 to vector<16xi32>
      %mul3A_1190 = arith.muli %iota3A, %mul3A_1189 : vector<16xi32>
      %add3A_1191 = arith.constant 64 : i32
      %add3A_1192 = vector.broadcast %add3A_1191 : i32 to vector<16xi32>
      %add3A_1193 = arith.addi %mul3A_1190, %add3A_1192 : vector<16xi32>
      tpu.vector_store_idx %arg10[%add3A_1193], %or3A_1187 : memref<128xi32, #tpu.memory_space<vmem>>[vector<16xi32>], vector<16xi32>,
      %mul3A_1194 = arith.constant 2 : i32
      %mul3A_1195 = arith.muli %mul3A_1194, %add3A_1129 : i32
      %add3A_1196 = arith.constant 512 : i32
      %add3A_1197 = arith.addi %add3A_1196, %mul3A_1195 : i32
      %add3A_1198 = arith.constant 0 : i32
      %add3A_1199 = arith.addi %add3A_1197, %add3A_1198 : i32
      %get3A_1200 = arith.index_cast %add3A_1199 : i32 to index
      %get3A_1201 = arith.constant 0 : index
      %get3A_1202 = tpu.vector_load %arg5[%get3A_1200, %get3A_1201] {strides = array<i32>} : memref<2048x16xi32, #tpu.memory_space<vmem>>, vector<16xi32>,
      %and3A_1203 = arith.constant -65536 : i32
      %and3A_1204 = vector.broadcast %and3A_1203 : i32 to vector<16xi32>
      %and3A_1205 = arith.andi %get3A_1202, %and3A_1204 : vector<16xi32>
      %and3A_1206 = arith.constant 16383 : i32
      %and3A_1207 = vector.broadcast %and3A_1206 : i32 to vector<16xi32>
      %and3A_1208 = arith.andi %get3A_1202, %and3A_1207 : vector<16xi32>
      %mul3A_1209 = arith.constant 4 : i32
      %mul3A_1210 = vector.broadcast %mul3A_1209 : i32 to vector<16xi32>
      %mul3A_1211 = arith.muli %and3A_1208, %mul3A_1210 : vector<16xi32>
      %or3A_1212 = arith.ori %and3A_1205, %mul3A_1211 : vector<16xi32>
      %shift_right_logical3A_1213 = arith.constant 14 : i32
      %shift_right_logical3A_1214 = vector.broadcast %shift_right_logical3A_1213 : i32 to vector<16xi32>
      %shift_right_logical3A_1215 = arith.shrui %get3A_1202, %shift_right_logical3A_1214 : vector<16xi32>
      %and3A_1216 = arith.constant 3 : i32
      %and3A_1217 = vector.broadcast %and3A_1216 : i32 to vector<16xi32>
      %and3A_1218 = arith.andi %shift_right_logical3A_1215, %and3A_1217 : vector<16xi32>
      %or3A_1219 = arith.ori %or3A_1212, %and3A_1218 : vector<16xi32>
      %mul3A_1220 = arith.constant 4 : i32
      %mul3A_1221 = vector.broadcast %mul3A_1220 : i32 to vector<16xi32>
      %mul3A_1222 = arith.muli %iota3A, %mul3A_1221 : vector<16xi32>
      %add3A_1223 = arith.constant 1 : i32
      %add3A_1224 = vector.broadcast %add3A_1223 : i32 to vector<16xi32>
      %add3A_1225 = arith.addi %mul3A_1222, %add3A_1224 : vector<16xi32>
      tpu.vector_store_idx %arg10[%add3A_1225], %or3A_1219 : memref<128xi32, #tpu.memory_space<vmem>>[vector<16xi32>], vector<16xi32>,
      %mul3A_1226 = arith.constant 2 : i32
      %mul3A_1227 = arith.muli %mul3A_1226, %add3A_1129 : i32
      %add3A_1228 = arith.constant 512 : i32
      %add3A_1229 = arith.addi %add3A_1228, %mul3A_1227 : i32
      %add3A_1230 = arith.constant 1 : i32
      %add3A_1231 = arith.addi %add3A_1229, %add3A_1230 : i32
      %get3A_1232 = arith.index_cast %add3A_1231 : i32 to index
      %get3A_1233 = arith.constant 0 : index
      %get3A_1234 = tpu.vector_load %arg5[%get3A_1232, %get3A_1233] {strides = array<i32>} : memref<2048x16xi32, #tpu.memory_space<vmem>>, vector<16xi32>,
      %and3A_1235 = arith.constant -65536 : i32
      %and3A_1236 = vector.broadcast %and3A_1235 : i32 to vector<16xi32>
      %and3A_1237 = arith.andi %get3A_1234, %and3A_1236 : vector<16xi32>
      %and3A_1238 = arith.constant 16383 : i32
      %and3A_1239 = vector.broadcast %and3A_1238 : i32 to vector<16xi32>
      %and3A_1240 = arith.andi %get3A_1234, %and3A_1239 : vector<16xi32>
      %mul3A_1241 = arith.constant 4 : i32
      %mul3A_1242 = vector.broadcast %mul3A_1241 : i32 to vector<16xi32>
      %mul3A_1243 = arith.muli %and3A_1240, %mul3A_1242 : vector<16xi32>
      %or3A_1244 = arith.ori %and3A_1237, %mul3A_1243 : vector<16xi32>
      %shift_right_logical3A_1245 = arith.constant 14 : i32
      %shift_right_logical3A_1246 = vector.broadcast %shift_right_logical3A_1245 : i32 to vector<16xi32>
      %shift_right_logical3A_1247 = arith.shrui %get3A_1234, %shift_right_logical3A_1246 : vector<16xi32>
      %and3A_1248 = arith.constant 3 : i32
      %and3A_1249 = vector.broadcast %and3A_1248 : i32 to vector<16xi32>
      %and3A_1250 = arith.andi %shift_right_logical3A_1247, %and3A_1249 : vector<16xi32>
      %or3A_1251 = arith.ori %or3A_1244, %and3A_1250 : vector<16xi32>
      %mul3A_1252 = arith.constant 4 : i32
      %mul3A_1253 = vector.broadcast %mul3A_1252 : i32 to vector<16xi32>
      %mul3A_1254 = arith.muli %iota3A, %mul3A_1253 : vector<16xi32>
      %add3A_1255 = arith.constant 65 : i32
      %add3A_1256 = vector.broadcast %add3A_1255 : i32 to vector<16xi32>
      %add3A_1257 = arith.addi %mul3A_1254, %add3A_1256 : vector<16xi32>
      tpu.vector_store_idx %arg10[%add3A_1257], %or3A_1251 : memref<128xi32, #tpu.memory_space<vmem>>[vector<16xi32>], vector<16xi32>,
      %mul3A_1258 = arith.constant 2 : i32
      %mul3A_1259 = arith.muli %mul3A_1258, %add3A_1129 : i32
      %add3A_1260 = arith.constant 1024 : i32
      %add3A_1261 = arith.addi %add3A_1260, %mul3A_1259 : i32
      %add3A_1262 = arith.constant 0 : i32
      %add3A_1263 = arith.addi %add3A_1261, %add3A_1262 : i32
      %get3A_1264 = arith.index_cast %add3A_1263 : i32 to index
      %get3A_1265 = arith.constant 0 : index
      %get3A_1266 = tpu.vector_load %arg5[%get3A_1264, %get3A_1265] {strides = array<i32>} : memref<2048x16xi32, #tpu.memory_space<vmem>>, vector<16xi32>,
      %and3A_1267 = arith.constant -65536 : i32
      %and3A_1268 = vector.broadcast %and3A_1267 : i32 to vector<16xi32>
      %and3A_1269 = arith.andi %get3A_1266, %and3A_1268 : vector<16xi32>
      %and3A_1270 = arith.constant 16383 : i32
      %and3A_1271 = vector.broadcast %and3A_1270 : i32 to vector<16xi32>
      %and3A_1272 = arith.andi %get3A_1266, %and3A_1271 : vector<16xi32>
      %mul3A_1273 = arith.constant 4 : i32
      %mul3A_1274 = vector.broadcast %mul3A_1273 : i32 to vector<16xi32>
      %mul3A_1275 = arith.muli %and3A_1272, %mul3A_1274 : vector<16xi32>
      %or3A_1276 = arith.ori %and3A_1269, %mul3A_1275 : vector<16xi32>
      %shift_right_logical3A_1277 = arith.constant 14 : i32
      %shift_right_logical3A_1278 = vector.broadcast %shift_right_logical3A_1277 : i32 to vector<16xi32>
      %shift_right_logical3A_1279 = arith.shrui %get3A_1266, %shift_right_logical3A_1278 : vector<16xi32>
      %and3A_1280 = arith.constant 3 : i32
      %and3A_1281 = vector.broadcast %and3A_1280 : i32 to vector<16xi32>
      %and3A_1282 = arith.andi %shift_right_logical3A_1279, %and3A_1281 : vector<16xi32>
      %or3A_1283 = arith.ori %or3A_1276, %and3A_1282 : vector<16xi32>
      %mul3A_1284 = arith.constant 4 : i32
      %mul3A_1285 = vector.broadcast %mul3A_1284 : i32 to vector<16xi32>
      %mul3A_1286 = arith.muli %iota3A, %mul3A_1285 : vector<16xi32>
      %add3A_1287 = arith.constant 2 : i32
      %add3A_1288 = vector.broadcast %add3A_1287 : i32 to vector<16xi32>
      %add3A_1289 = arith.addi %mul3A_1286, %add3A_1288 : vector<16xi32>
      tpu.vector_store_idx %arg10[%add3A_1289], %or3A_1283 : memref<128xi32, #tpu.memory_space<vmem>>[vector<16xi32>], vector<16xi32>,
      %mul3A_1290 = arith.constant 2 : i32
      %mul3A_1291 = arith.muli %mul3A_1290, %add3A_1129 : i32
      %add3A_1292 = arith.constant 1024 : i32
      %add3A_1293 = arith.addi %add3A_1292, %mul3A_1291 : i32
      %add3A_1294 = arith.constant 1 : i32
      %add3A_1295 = arith.addi %add3A_1293, %add3A_1294 : i32
      %get3A_1296 = arith.index_cast %add3A_1295 : i32 to index
      %get3A_1297 = arith.constant 0 : index
      %get3A_1298 = tpu.vector_load %arg5[%get3A_1296, %get3A_1297] {strides = array<i32>} : memref<2048x16xi32, #tpu.memory_space<vmem>>, vector<16xi32>,
      %and3A_1299 = arith.constant -65536 : i32
      %and3A_1300 = vector.broadcast %and3A_1299 : i32 to vector<16xi32>
      %and3A_1301 = arith.andi %get3A_1298, %and3A_1300 : vector<16xi32>
      %and3A_1302 = arith.constant 16383 : i32
      %and3A_1303 = vector.broadcast %and3A_1302 : i32 to vector<16xi32>
      %and3A_1304 = arith.andi %get3A_1298, %and3A_1303 : vector<16xi32>
      %mul3A_1305 = arith.constant 4 : i32
      %mul3A_1306 = vector.broadcast %mul3A_1305 : i32 to vector<16xi32>
      %mul3A_1307 = arith.muli %and3A_1304, %mul3A_1306 : vector<16xi32>
      %or3A_1308 = arith.ori %and3A_1301, %mul3A_1307 : vector<16xi32>
      %shift_right_logical3A_1309 = arith.constant 14 : i32
      %shift_right_logical3A_1310 = vector.broadcast %shift_right_logical3A_1309 : i32 to vector<16xi32>
      %shift_right_logical3A_1311 = arith.shrui %get3A_1298, %shift_right_logical3A_1310 : vector<16xi32>
      %and3A_1312 = arith.constant 3 : i32
      %and3A_1313 = vector.broadcast %and3A_1312 : i32 to vector<16xi32>
      %and3A_1314 = arith.andi %shift_right_logical3A_1311, %and3A_1313 : vector<16xi32>
      %or3A_1315 = arith.ori %or3A_1308, %and3A_1314 : vector<16xi32>
      %mul3A_1316 = arith.constant 4 : i32
      %mul3A_1317 = vector.broadcast %mul3A_1316 : i32 to vector<16xi32>
      %mul3A_1318 = arith.muli %iota3A, %mul3A_1317 : vector<16xi32>
      %add3A_1319 = arith.constant 66 : i32
      %add3A_1320 = vector.broadcast %add3A_1319 : i32 to vector<16xi32>
      %add3A_1321 = arith.addi %mul3A_1318, %add3A_1320 : vector<16xi32>
      tpu.vector_store_idx %arg10[%add3A_1321], %or3A_1315 : memref<128xi32, #tpu.memory_space<vmem>>[vector<16xi32>], vector<16xi32>,
      %mul3A_1322 = arith.constant 2 : i32
      %mul3A_1323 = arith.muli %mul3A_1322, %add3A_1129 : i32
      %add3A_1324 = arith.constant 1536 : i32
      %add3A_1325 = arith.addi %add3A_1324, %mul3A_1323 : i32
      %add3A_1326 = arith.constant 0 : i32
      %add3A_1327 = arith.addi %add3A_1325, %add3A_1326 : i32
      %get3A_1328 = arith.index_cast %add3A_1327 : i32 to index
      %get3A_1329 = arith.constant 0 : index
      %get3A_1330 = tpu.vector_load %arg5[%get3A_1328, %get3A_1329] {strides = array<i32>} : memref<2048x16xi32, #tpu.memory_space<vmem>>, vector<16xi32>,
      %and3A_1331 = arith.constant -65536 : i32
      %and3A_1332 = vector.broadcast %and3A_1331 : i32 to vector<16xi32>
      %and3A_1333 = arith.andi %get3A_1330, %and3A_1332 : vector<16xi32>
      %and3A_1334 = arith.constant 16383 : i32
      %and3A_1335 = vector.broadcast %and3A_1334 : i32 to vector<16xi32>
      %and3A_1336 = arith.andi %get3A_1330, %and3A_1335 : vector<16xi32>
      %mul3A_1337 = arith.constant 4 : i32
      %mul3A_1338 = vector.broadcast %mul3A_1337 : i32 to vector<16xi32>
      %mul3A_1339 = arith.muli %and3A_1336, %mul3A_1338 : vector<16xi32>
      %or3A_1340 = arith.ori %and3A_1333, %mul3A_1339 : vector<16xi32>
      %shift_right_logical3A_1341 = arith.constant 14 : i32
      %shift_right_logical3A_1342 = vector.broadcast %shift_right_logical3A_1341 : i32 to vector<16xi32>
      %shift_right_logical3A_1343 = arith.shrui %get3A_1330, %shift_right_logical3A_1342 : vector<16xi32>
      %and3A_1344 = arith.constant 3 : i32
      %and3A_1345 = vector.broadcast %and3A_1344 : i32 to vector<16xi32>
      %and3A_1346 = arith.andi %shift_right_logical3A_1343, %and3A_1345 : vector<16xi32>
      %or3A_1347 = arith.ori %or3A_1340, %and3A_1346 : vector<16xi32>
      %mul3A_1348 = arith.constant 4 : i32
      %mul3A_1349 = vector.broadcast %mul3A_1348 : i32 to vector<16xi32>
      %mul3A_1350 = arith.muli %iota3A, %mul3A_1349 : vector<16xi32>
      %add3A_1351 = arith.constant 3 : i32
      %add3A_1352 = vector.broadcast %add3A_1351 : i32 to vector<16xi32>
      %add3A_1353 = arith.addi %mul3A_1350, %add3A_1352 : vector<16xi32>
      tpu.vector_store_idx %arg10[%add3A_1353], %or3A_1347 : memref<128xi32, #tpu.memory_space<vmem>>[vector<16xi32>], vector<16xi32>,
      %mul3A_1354 = arith.constant 2 : i32
      %mul3A_1355 = arith.muli %mul3A_1354, %add3A_1129 : i32
      %add3A_1356 = arith.constant 1536 : i32
      %add3A_1357 = arith.addi %add3A_1356, %mul3A_1355 : i32
      %add3A_1358 = arith.constant 1 : i32
      %add3A_1359 = arith.addi %add3A_1357, %add3A_1358 : i32
      %get3A_1360 = arith.index_cast %add3A_1359 : i32 to index
      %get3A_1361 = arith.constant 0 : index
      %get3A_1362 = tpu.vector_load %arg5[%get3A_1360, %get3A_1361] {strides = array<i32>} : memref<2048x16xi32, #tpu.memory_space<vmem>>, vector<16xi32>,
      %and3A_1363 = arith.constant -65536 : i32
      %and3A_1364 = vector.broadcast %and3A_1363 : i32 to vector<16xi32>
      %and3A_1365 = arith.andi %get3A_1362, %and3A_1364 : vector<16xi32>
      %and3A_1366 = arith.constant 16383 : i32
      %and3A_1367 = vector.broadcast %and3A_1366 : i32 to vector<16xi32>
      %and3A_1368 = arith.andi %get3A_1362, %and3A_1367 : vector<16xi32>
      %mul3A_1369 = arith.constant 4 : i32
      %mul3A_1370 = vector.broadcast %mul3A_1369 : i32 to vector<16xi32>
      %mul3A_1371 = arith.muli %and3A_1368, %mul3A_1370 : vector<16xi32>
      %or3A_1372 = arith.ori %and3A_1365, %mul3A_1371 : vector<16xi32>
      %shift_right_logical3A_1373 = arith.constant 14 : i32
      %shift_right_logical3A_1374 = vector.broadcast %shift_right_logical3A_1373 : i32 to vector<16xi32>
      %shift_right_logical3A_1375 = arith.shrui %get3A_1362, %shift_right_logical3A_1374 : vector<16xi32>
      %and3A_1376 = arith.constant 3 : i32
      %and3A_1377 = vector.broadcast %and3A_1376 : i32 to vector<16xi32>
      %and3A_1378 = arith.andi %shift_right_logical3A_1375, %and3A_1377 : vector<16xi32>
      %or3A_1379 = arith.ori %or3A_1372, %and3A_1378 : vector<16xi32>
      %mul3A_1380 = arith.constant 4 : i32
      %mul3A_1381 = vector.broadcast %mul3A_1380 : i32 to vector<16xi32>
      %mul3A_1382 = arith.muli %iota3A, %mul3A_1381 : vector<16xi32>
      %add3A_1383 = arith.constant 67 : i32
      %add3A_1384 = vector.broadcast %add3A_1383 : i32 to vector<16xi32>
      %add3A_1385 = arith.addi %mul3A_1382, %add3A_1384 : vector<16xi32>
      tpu.vector_store_idx %arg10[%add3A_1385], %or3A_1379 : memref<128xi32, #tpu.memory_space<vmem>>[vector<16xi32>], vector<16xi32>,
      %mul3A_1386 = arith.constant 8 : i32
      %mul3A_1387 = arith.muli %add3A_89, %mul3A_1386 : i32
      %add3A_1388 = arith.constant 5 : i32
      %add3A_1389 = arith.addi %mul3A_1387, %add3A_1388 : i32
      %mul3A_1390 = arith.constant 2 : i32
      %mul3A_1391 = arith.muli %mul3A_1390, %add3A_1389 : i32
      %add3A_1392 = arith.constant 0 : i32
      %add3A_1393 = arith.addi %add3A_1392, %mul3A_1391 : i32
      %add3A_1394 = arith.constant 0 : i32
      %add3A_1395 = arith.addi %add3A_1393, %add3A_1394 : i32
      %get3A_1396 = arith.index_cast %add3A_1395 : i32 to index
      %get3A_1397 = arith.constant 0 : index
      %get3A_1398 = tpu.vector_load %arg5[%get3A_1396, %get3A_1397] {strides = array<i32>} : memref<2048x16xi32, #tpu.memory_space<vmem>>, vector<16xi32>,
      %and3A_1399 = arith.constant -65536 : i32
      %and3A_1400 = vector.broadcast %and3A_1399 : i32 to vector<16xi32>
      %and3A_1401 = arith.andi %get3A_1398, %and3A_1400 : vector<16xi32>
      %and3A_1402 = arith.constant 16383 : i32
      %and3A_1403 = vector.broadcast %and3A_1402 : i32 to vector<16xi32>
      %and3A_1404 = arith.andi %get3A_1398, %and3A_1403 : vector<16xi32>
      %mul3A_1405 = arith.constant 4 : i32
      %mul3A_1406 = vector.broadcast %mul3A_1405 : i32 to vector<16xi32>
      %mul3A_1407 = arith.muli %and3A_1404, %mul3A_1406 : vector<16xi32>
      %or3A_1408 = arith.ori %and3A_1401, %mul3A_1407 : vector<16xi32>
      %shift_right_logical3A_1409 = arith.constant 14 : i32
      %shift_right_logical3A_1410 = vector.broadcast %shift_right_logical3A_1409 : i32 to vector<16xi32>
      %shift_right_logical3A_1411 = arith.shrui %get3A_1398, %shift_right_logical3A_1410 : vector<16xi32>
      %and3A_1412 = arith.constant 3 : i32
      %and3A_1413 = vector.broadcast %and3A_1412 : i32 to vector<16xi32>
      %and3A_1414 = arith.andi %shift_right_logical3A_1411, %and3A_1413 : vector<16xi32>
      %or3A_1415 = arith.ori %or3A_1408, %and3A_1414 : vector<16xi32>
      %mul3A_1416 = arith.constant 4 : i32
      %mul3A_1417 = vector.broadcast %mul3A_1416 : i32 to vector<16xi32>
      %mul3A_1418 = arith.muli %iota3A, %mul3A_1417 : vector<16xi32>
      %add3A_1419 = arith.constant 0 : i32
      %add3A_1420 = vector.broadcast %add3A_1419 : i32 to vector<16xi32>
      %add3A_1421 = arith.addi %mul3A_1418, %add3A_1420 : vector<16xi32>
      tpu.vector_store_idx %arg11[%add3A_1421], %or3A_1415 : memref<128xi32, #tpu.memory_space<vmem>>[vector<16xi32>], vector<16xi32>,
      %mul3A_1422 = arith.constant 2 : i32
      %mul3A_1423 = arith.muli %mul3A_1422, %add3A_1389 : i32
      %add3A_1424 = arith.constant 0 : i32
      %add3A_1425 = arith.addi %add3A_1424, %mul3A_1423 : i32
      %add3A_1426 = arith.constant 1 : i32
      %add3A_1427 = arith.addi %add3A_1425, %add3A_1426 : i32
      %get3A_1428 = arith.index_cast %add3A_1427 : i32 to index
      %get3A_1429 = arith.constant 0 : index
      %get3A_1430 = tpu.vector_load %arg5[%get3A_1428, %get3A_1429] {strides = array<i32>} : memref<2048x16xi32, #tpu.memory_space<vmem>>, vector<16xi32>,
      %and3A_1431 = arith.constant -65536 : i32
      %and3A_1432 = vector.broadcast %and3A_1431 : i32 to vector<16xi32>
      %and3A_1433 = arith.andi %get3A_1430, %and3A_1432 : vector<16xi32>
      %and3A_1434 = arith.constant 16383 : i32
      %and3A_1435 = vector.broadcast %and3A_1434 : i32 to vector<16xi32>
      %and3A_1436 = arith.andi %get3A_1430, %and3A_1435 : vector<16xi32>
      %mul3A_1437 = arith.constant 4 : i32
      %mul3A_1438 = vector.broadcast %mul3A_1437 : i32 to vector<16xi32>
      %mul3A_1439 = arith.muli %and3A_1436, %mul3A_1438 : vector<16xi32>
      %or3A_1440 = arith.ori %and3A_1433, %mul3A_1439 : vector<16xi32>
      %shift_right_logical3A_1441 = arith.constant 14 : i32
      %shift_right_logical3A_1442 = vector.broadcast %shift_right_logical3A_1441 : i32 to vector<16xi32>
      %shift_right_logical3A_1443 = arith.shrui %get3A_1430, %shift_right_logical3A_1442 : vector<16xi32>
      %and3A_1444 = arith.constant 3 : i32
      %and3A_1445 = vector.broadcast %and3A_1444 : i32 to vector<16xi32>
      %and3A_1446 = arith.andi %shift_right_logical3A_1443, %and3A_1445 : vector<16xi32>
      %or3A_1447 = arith.ori %or3A_1440, %and3A_1446 : vector<16xi32>
      %mul3A_1448 = arith.constant 4 : i32
      %mul3A_1449 = vector.broadcast %mul3A_1448 : i32 to vector<16xi32>
      %mul3A_1450 = arith.muli %iota3A, %mul3A_1449 : vector<16xi32>
      %add3A_1451 = arith.constant 64 : i32
      %add3A_1452 = vector.broadcast %add3A_1451 : i32 to vector<16xi32>
      %add3A_1453 = arith.addi %mul3A_1450, %add3A_1452 : vector<16xi32>
      tpu.vector_store_idx %arg11[%add3A_1453], %or3A_1447 : memref<128xi32, #tpu.memory_space<vmem>>[vector<16xi32>], vector<16xi32>,
      %mul3A_1454 = arith.constant 2 : i32
      %mul3A_1455 = arith.muli %mul3A_1454, %add3A_1389 : i32
      %add3A_1456 = arith.constant 512 : i32
      %add3A_1457 = arith.addi %add3A_1456, %mul3A_1455 : i32
      %add3A_1458 = arith.constant 0 : i32
      %add3A_1459 = arith.addi %add3A_1457, %add3A_1458 : i32
      %get3A_1460 = arith.index_cast %add3A_1459 : i32 to index
      %get3A_1461 = arith.constant 0 : index
      %get3A_1462 = tpu.vector_load %arg5[%get3A_1460, %get3A_1461] {strides = array<i32>} : memref<2048x16xi32, #tpu.memory_space<vmem>>, vector<16xi32>,
      %and3A_1463 = arith.constant -65536 : i32
      %and3A_1464 = vector.broadcast %and3A_1463 : i32 to vector<16xi32>
      %and3A_1465 = arith.andi %get3A_1462, %and3A_1464 : vector<16xi32>
      %and3A_1466 = arith.constant 16383 : i32
      %and3A_1467 = vector.broadcast %and3A_1466 : i32 to vector<16xi32>
      %and3A_1468 = arith.andi %get3A_1462, %and3A_1467 : vector<16xi32>
      %mul3A_1469 = arith.constant 4 : i32
      %mul3A_1470 = vector.broadcast %mul3A_1469 : i32 to vector<16xi32>
      %mul3A_1471 = arith.muli %and3A_1468, %mul3A_1470 : vector<16xi32>
      %or3A_1472 = arith.ori %and3A_1465, %mul3A_1471 : vector<16xi32>
      %shift_right_logical3A_1473 = arith.constant 14 : i32
      %shift_right_logical3A_1474 = vector.broadcast %shift_right_logical3A_1473 : i32 to vector<16xi32>
      %shift_right_logical3A_1475 = arith.shrui %get3A_1462, %shift_right_logical3A_1474 : vector<16xi32>
      %and3A_1476 = arith.constant 3 : i32
      %and3A_1477 = vector.broadcast %and3A_1476 : i32 to vector<16xi32>
      %and3A_1478 = arith.andi %shift_right_logical3A_1475, %and3A_1477 : vector<16xi32>
      %or3A_1479 = arith.ori %or3A_1472, %and3A_1478 : vector<16xi32>
      %mul3A_1480 = arith.constant 4 : i32
      %mul3A_1481 = vector.broadcast %mul3A_1480 : i32 to vector<16xi32>
      %mul3A_1482 = arith.muli %iota3A, %mul3A_1481 : vector<16xi32>
      %add3A_1483 = arith.constant 1 : i32
      %add3A_1484 = vector.broadcast %add3A_1483 : i32 to vector<16xi32>
      %add3A_1485 = arith.addi %mul3A_1482, %add3A_1484 : vector<16xi32>
      tpu.vector_store_idx %arg11[%add3A_1485], %or3A_1479 : memref<128xi32, #tpu.memory_space<vmem>>[vector<16xi32>], vector<16xi32>,
      %mul3A_1486 = arith.constant 2 : i32
      %mul3A_1487 = arith.muli %mul3A_1486, %add3A_1389 : i32
      %add3A_1488 = arith.constant 512 : i32
      %add3A_1489 = arith.addi %add3A_1488, %mul3A_1487 : i32
      %add3A_1490 = arith.constant 1 : i32
      %add3A_1491 = arith.addi %add3A_1489, %add3A_1490 : i32
      %get3A_1492 = arith.index_cast %add3A_1491 : i32 to index
      %get3A_1493 = arith.constant 0 : index
      %get3A_1494 = tpu.vector_load %arg5[%get3A_1492, %get3A_1493] {strides = array<i32>} : memref<2048x16xi32, #tpu.memory_space<vmem>>, vector<16xi32>,
      %and3A_1495 = arith.constant -65536 : i32
      %and3A_1496 = vector.broadcast %and3A_1495 : i32 to vector<16xi32>
      %and3A_1497 = arith.andi %get3A_1494, %and3A_1496 : vector<16xi32>
      %and3A_1498 = arith.constant 16383 : i32
      %and3A_1499 = vector.broadcast %and3A_1498 : i32 to vector<16xi32>
      %and3A_1500 = arith.andi %get3A_1494, %and3A_1499 : vector<16xi32>
      %mul3A_1501 = arith.constant 4 : i32
      %mul3A_1502 = vector.broadcast %mul3A_1501 : i32 to vector<16xi32>
      %mul3A_1503 = arith.muli %and3A_1500, %mul3A_1502 : vector<16xi32>
      %or3A_1504 = arith.ori %and3A_1497, %mul3A_1503 : vector<16xi32>
      %shift_right_logical3A_1505 = arith.constant 14 : i32
      %shift_right_logical3A_1506 = vector.broadcast %shift_right_logical3A_1505 : i32 to vector<16xi32>
      %shift_right_logical3A_1507 = arith.shrui %get3A_1494, %shift_right_logical3A_1506 : vector<16xi32>
      %and3A_1508 = arith.constant 3 : i32
      %and3A_1509 = vector.broadcast %and3A_1508 : i32 to vector<16xi32>
      %and3A_1510 = arith.andi %shift_right_logical3A_1507, %and3A_1509 : vector<16xi32>
      %or3A_1511 = arith.ori %or3A_1504, %and3A_1510 : vector<16xi32>
      %mul3A_1512 = arith.constant 4 : i32
      %mul3A_1513 = vector.broadcast %mul3A_1512 : i32 to vector<16xi32>
      %mul3A_1514 = arith.muli %iota3A, %mul3A_1513 : vector<16xi32>
      %add3A_1515 = arith.constant 65 : i32
      %add3A_1516 = vector.broadcast %add3A_1515 : i32 to vector<16xi32>
      %add3A_1517 = arith.addi %mul3A_1514, %add3A_1516 : vector<16xi32>
      tpu.vector_store_idx %arg11[%add3A_1517], %or3A_1511 : memref<128xi32, #tpu.memory_space<vmem>>[vector<16xi32>], vector<16xi32>,
      %mul3A_1518 = arith.constant 2 : i32
      %mul3A_1519 = arith.muli %mul3A_1518, %add3A_1389 : i32
      %add3A_1520 = arith.constant 1024 : i32
      %add3A_1521 = arith.addi %add3A_1520, %mul3A_1519 : i32
      %add3A_1522 = arith.constant 0 : i32
      %add3A_1523 = arith.addi %add3A_1521, %add3A_1522 : i32
      %get3A_1524 = arith.index_cast %add3A_1523 : i32 to index
      %get3A_1525 = arith.constant 0 : index
      %get3A_1526 = tpu.vector_load %arg5[%get3A_1524, %get3A_1525] {strides = array<i32>} : memref<2048x16xi32, #tpu.memory_space<vmem>>, vector<16xi32>,
      %and3A_1527 = arith.constant -65536 : i32
      %and3A_1528 = vector.broadcast %and3A_1527 : i32 to vector<16xi32>
      %and3A_1529 = arith.andi %get3A_1526, %and3A_1528 : vector<16xi32>
      %and3A_1530 = arith.constant 16383 : i32
      %and3A_1531 = vector.broadcast %and3A_1530 : i32 to vector<16xi32>
      %and3A_1532 = arith.andi %get3A_1526, %and3A_1531 : vector<16xi32>
      %mul3A_1533 = arith.constant 4 : i32
      %mul3A_1534 = vector.broadcast %mul3A_1533 : i32 to vector<16xi32>
      %mul3A_1535 = arith.muli %and3A_1532, %mul3A_1534 : vector<16xi32>
      %or3A_1536 = arith.ori %and3A_1529, %mul3A_1535 : vector<16xi32>
      %shift_right_logical3A_1537 = arith.constant 14 : i32
      %shift_right_logical3A_1538 = vector.broadcast %shift_right_logical3A_1537 : i32 to vector<16xi32>
      %shift_right_logical3A_1539 = arith.shrui %get3A_1526, %shift_right_logical3A_1538 : vector<16xi32>
      %and3A_1540 = arith.constant 3 : i32
      %and3A_1541 = vector.broadcast %and3A_1540 : i32 to vector<16xi32>
      %and3A_1542 = arith.andi %shift_right_logical3A_1539, %and3A_1541 : vector<16xi32>
      %or3A_1543 = arith.ori %or3A_1536, %and3A_1542 : vector<16xi32>
      %mul3A_1544 = arith.constant 4 : i32
      %mul3A_1545 = vector.broadcast %mul3A_1544 : i32 to vector<16xi32>
      %mul3A_1546 = arith.muli %iota3A, %mul3A_1545 : vector<16xi32>
      %add3A_1547 = arith.constant 2 : i32
      %add3A_1548 = vector.broadcast %add3A_1547 : i32 to vector<16xi32>
      %add3A_1549 = arith.addi %mul3A_1546, %add3A_1548 : vector<16xi32>
      tpu.vector_store_idx %arg11[%add3A_1549], %or3A_1543 : memref<128xi32, #tpu.memory_space<vmem>>[vector<16xi32>], vector<16xi32>,
      %mul3A_1550 = arith.constant 2 : i32
      %mul3A_1551 = arith.muli %mul3A_1550, %add3A_1389 : i32
      %add3A_1552 = arith.constant 1024 : i32
      %add3A_1553 = arith.addi %add3A_1552, %mul3A_1551 : i32
      %add3A_1554 = arith.constant 1 : i32
      %add3A_1555 = arith.addi %add3A_1553, %add3A_1554 : i32
      %get3A_1556 = arith.index_cast %add3A_1555 : i32 to index
      %get3A_1557 = arith.constant 0 : index
      %get3A_1558 = tpu.vector_load %arg5[%get3A_1556, %get3A_1557] {strides = array<i32>} : memref<2048x16xi32, #tpu.memory_space<vmem>>, vector<16xi32>,
      %and3A_1559 = arith.constant -65536 : i32
      %and3A_1560 = vector.broadcast %and3A_1559 : i32 to vector<16xi32>
      %and3A_1561 = arith.andi %get3A_1558, %and3A_1560 : vector<16xi32>
      %and3A_1562 = arith.constant 16383 : i32
      %and3A_1563 = vector.broadcast %and3A_1562 : i32 to vector<16xi32>
      %and3A_1564 = arith.andi %get3A_1558, %and3A_1563 : vector<16xi32>
      %mul3A_1565 = arith.constant 4 : i32
      %mul3A_1566 = vector.broadcast %mul3A_1565 : i32 to vector<16xi32>
      %mul3A_1567 = arith.muli %and3A_1564, %mul3A_1566 : vector<16xi32>
      %or3A_1568 = arith.ori %and3A_1561, %mul3A_1567 : vector<16xi32>
      %shift_right_logical3A_1569 = arith.constant 14 : i32
      %shift_right_logical3A_1570 = vector.broadcast %shift_right_logical3A_1569 : i32 to vector<16xi32>
      %shift_right_logical3A_1571 = arith.shrui %get3A_1558, %shift_right_logical3A_1570 : vector<16xi32>
      %and3A_1572 = arith.constant 3 : i32
      %and3A_1573 = vector.broadcast %and3A_1572 : i32 to vector<16xi32>
      %and3A_1574 = arith.andi %shift_right_logical3A_1571, %and3A_1573 : vector<16xi32>
      %or3A_1575 = arith.ori %or3A_1568, %and3A_1574 : vector<16xi32>
      %mul3A_1576 = arith.constant 4 : i32
      %mul3A_1577 = vector.broadcast %mul3A_1576 : i32 to vector<16xi32>
      %mul3A_1578 = arith.muli %iota3A, %mul3A_1577 : vector<16xi32>
      %add3A_1579 = arith.constant 66 : i32
      %add3A_1580 = vector.broadcast %add3A_1579 : i32 to vector<16xi32>
      %add3A_1581 = arith.addi %mul3A_1578, %add3A_1580 : vector<16xi32>
      tpu.vector_store_idx %arg11[%add3A_1581], %or3A_1575 : memref<128xi32, #tpu.memory_space<vmem>>[vector<16xi32>], vector<16xi32>,
      %mul3A_1582 = arith.constant 2 : i32
      %mul3A_1583 = arith.muli %mul3A_1582, %add3A_1389 : i32
      %add3A_1584 = arith.constant 1536 : i32
      %add3A_1585 = arith.addi %add3A_1584, %mul3A_1583 : i32
      %add3A_1586 = arith.constant 0 : i32
      %add3A_1587 = arith.addi %add3A_1585, %add3A_1586 : i32
      %get3A_1588 = arith.index_cast %add3A_1587 : i32 to index
      %get3A_1589 = arith.constant 0 : index
      %get3A_1590 = tpu.vector_load %arg5[%get3A_1588, %get3A_1589] {strides = array<i32>} : memref<2048x16xi32, #tpu.memory_space<vmem>>, vector<16xi32>,
      %and3A_1591 = arith.constant -65536 : i32
      %and3A_1592 = vector.broadcast %and3A_1591 : i32 to vector<16xi32>
      %and3A_1593 = arith.andi %get3A_1590, %and3A_1592 : vector<16xi32>
      %and3A_1594 = arith.constant 16383 : i32
      %and3A_1595 = vector.broadcast %and3A_1594 : i32 to vector<16xi32>
      %and3A_1596 = arith.andi %get3A_1590, %and3A_1595 : vector<16xi32>
      %mul3A_1597 = arith.constant 4 : i32
      %mul3A_1598 = vector.broadcast %mul3A_1597 : i32 to vector<16xi32>
      %mul3A_1599 = arith.muli %and3A_1596, %mul3A_1598 : vector<16xi32>
      %or3A_1600 = arith.ori %and3A_1593, %mul3A_1599 : vector<16xi32>
      %shift_right_logical3A_1601 = arith.constant 14 : i32
      %shift_right_logical3A_1602 = vector.broadcast %shift_right_logical3A_1601 : i32 to vector<16xi32>
      %shift_right_logical3A_1603 = arith.shrui %get3A_1590, %shift_right_logical3A_1602 : vector<16xi32>
      %and3A_1604 = arith.constant 3 : i32
      %and3A_1605 = vector.broadcast %and3A_1604 : i32 to vector<16xi32>
      %and3A_1606 = arith.andi %shift_right_logical3A_1603, %and3A_1605 : vector<16xi32>
      %or3A_1607 = arith.ori %or3A_1600, %and3A_1606 : vector<16xi32>
      %mul3A_1608 = arith.constant 4 : i32
      %mul3A_1609 = vector.broadcast %mul3A_1608 : i32 to vector<16xi32>
      %mul3A_1610 = arith.muli %iota3A, %mul3A_1609 : vector<16xi32>
      %add3A_1611 = arith.constant 3 : i32
      %add3A_1612 = vector.broadcast %add3A_1611 : i32 to vector<16xi32>
      %add3A_1613 = arith.addi %mul3A_1610, %add3A_1612 : vector<16xi32>
      tpu.vector_store_idx %arg11[%add3A_1613], %or3A_1607 : memref<128xi32, #tpu.memory_space<vmem>>[vector<16xi32>], vector<16xi32>,
      %mul3A_1614 = arith.constant 2 : i32
      %mul3A_1615 = arith.muli %mul3A_1614, %add3A_1389 : i32
      %add3A_1616 = arith.constant 1536 : i32
      %add3A_1617 = arith.addi %add3A_1616, %mul3A_1615 : i32
      %add3A_1618 = arith.constant 1 : i32
      %add3A_1619 = arith.addi %add3A_1617, %add3A_1618 : i32
      %get3A_1620 = arith.index_cast %add3A_1619 : i32 to index
      %get3A_1621 = arith.constant 0 : index
      %get3A_1622 = tpu.vector_load %arg5[%get3A_1620, %get3A_1621] {strides = array<i32>} : memref<2048x16xi32, #tpu.memory_space<vmem>>, vector<16xi32>,
      %and3A_1623 = arith.constant -65536 : i32
      %and3A_1624 = vector.broadcast %and3A_1623 : i32 to vector<16xi32>
      %and3A_1625 = arith.andi %get3A_1622, %and3A_1624 : vector<16xi32>
      %and3A_1626 = arith.constant 16383 : i32
      %and3A_1627 = vector.broadcast %and3A_1626 : i32 to vector<16xi32>
      %and3A_1628 = arith.andi %get3A_1622, %and3A_1627 : vector<16xi32>
      %mul3A_1629 = arith.constant 4 : i32
      %mul3A_1630 = vector.broadcast %mul3A_1629 : i32 to vector<16xi32>
      %mul3A_1631 = arith.muli %and3A_1628, %mul3A_1630 : vector<16xi32>
      %or3A_1632 = arith.ori %and3A_1625, %mul3A_1631 : vector<16xi32>
      %shift_right_logical3A_1633 = arith.constant 14 : i32
      %shift_right_logical3A_1634 = vector.broadcast %shift_right_logical3A_1633 : i32 to vector<16xi32>
      %shift_right_logical3A_1635 = arith.shrui %get3A_1622, %shift_right_logical3A_1634 : vector<16xi32>
      %and3A_1636 = arith.constant 3 : i32
      %and3A_1637 = vector.broadcast %and3A_1636 : i32 to vector<16xi32>
      %and3A_1638 = arith.andi %shift_right_logical3A_1635, %and3A_1637 : vector<16xi32>
      %or3A_1639 = arith.ori %or3A_1632, %and3A_1638 : vector<16xi32>
      %mul3A_1640 = arith.constant 4 : i32
      %mul3A_1641 = vector.broadcast %mul3A_1640 : i32 to vector<16xi32>
      %mul3A_1642 = arith.muli %iota3A, %mul3A_1641 : vector<16xi32>
      %add3A_1643 = arith.constant 67 : i32
      %add3A_1644 = vector.broadcast %add3A_1643 : i32 to vector<16xi32>
      %add3A_1645 = arith.addi %mul3A_1642, %add3A_1644 : vector<16xi32>
      tpu.vector_store_idx %arg11[%add3A_1645], %or3A_1639 : memref<128xi32, #tpu.memory_space<vmem>>[vector<16xi32>], vector<16xi32>,
      %mul3A_1646 = arith.constant 8 : i32
      %mul3A_1647 = arith.muli %add3A_89, %mul3A_1646 : i32
      %add3A_1648 = arith.constant 6 : i32
      %add3A_1649 = arith.addi %mul3A_1647, %add3A_1648 : i32
      %mul3A_1650 = arith.constant 2 : i32
      %mul3A_1651 = arith.muli %mul3A_1650, %add3A_1649 : i32
      %add3A_1652 = arith.constant 0 : i32
      %add3A_1653 = arith.addi %add3A_1652, %mul3A_1651 : i32
      %add3A_1654 = arith.constant 0 : i32
      %add3A_1655 = arith.addi %add3A_1653, %add3A_1654 : i32
      %get3A_1656 = arith.index_cast %add3A_1655 : i32 to index
      %get3A_1657 = arith.constant 0 : index
      %get3A_1658 = tpu.vector_load %arg5[%get3A_1656, %get3A_1657] {strides = array<i32>} : memref<2048x16xi32, #tpu.memory_space<vmem>>, vector<16xi32>,
      %and3A_1659 = arith.constant -65536 : i32
      %and3A_1660 = vector.broadcast %and3A_1659 : i32 to vector<16xi32>
      %and3A_1661 = arith.andi %get3A_1658, %and3A_1660 : vector<16xi32>
      %and3A_1662 = arith.constant 16383 : i32
      %and3A_1663 = vector.broadcast %and3A_1662 : i32 to vector<16xi32>
      %and3A_1664 = arith.andi %get3A_1658, %and3A_1663 : vector<16xi32>
      %mul3A_1665 = arith.constant 4 : i32
      %mul3A_1666 = vector.broadcast %mul3A_1665 : i32 to vector<16xi32>
      %mul3A_1667 = arith.muli %and3A_1664, %mul3A_1666 : vector<16xi32>
      %or3A_1668 = arith.ori %and3A_1661, %mul3A_1667 : vector<16xi32>
      %shift_right_logical3A_1669 = arith.constant 14 : i32
      %shift_right_logical3A_1670 = vector.broadcast %shift_right_logical3A_1669 : i32 to vector<16xi32>
      %shift_right_logical3A_1671 = arith.shrui %get3A_1658, %shift_right_logical3A_1670 : vector<16xi32>
      %and3A_1672 = arith.constant 3 : i32
      %and3A_1673 = vector.broadcast %and3A_1672 : i32 to vector<16xi32>
      %and3A_1674 = arith.andi %shift_right_logical3A_1671, %and3A_1673 : vector<16xi32>
      %or3A_1675 = arith.ori %or3A_1668, %and3A_1674 : vector<16xi32>
      %mul3A_1676 = arith.constant 4 : i32
      %mul3A_1677 = vector.broadcast %mul3A_1676 : i32 to vector<16xi32>
      %mul3A_1678 = arith.muli %iota3A, %mul3A_1677 : vector<16xi32>
      %add3A_1679 = arith.constant 0 : i32
      %add3A_1680 = vector.broadcast %add3A_1679 : i32 to vector<16xi32>
      %add3A_1681 = arith.addi %mul3A_1678, %add3A_1680 : vector<16xi32>
      tpu.vector_store_idx %arg12[%add3A_1681], %or3A_1675 : memref<128xi32, #tpu.memory_space<vmem>>[vector<16xi32>], vector<16xi32>,
      %mul3A_1682 = arith.constant 2 : i32
      %mul3A_1683 = arith.muli %mul3A_1682, %add3A_1649 : i32
      %add3A_1684 = arith.constant 0 : i32
      %add3A_1685 = arith.addi %add3A_1684, %mul3A_1683 : i32
      %add3A_1686 = arith.constant 1 : i32
      %add3A_1687 = arith.addi %add3A_1685, %add3A_1686 : i32
      %get3A_1688 = arith.index_cast %add3A_1687 : i32 to index
      %get3A_1689 = arith.constant 0 : index
      %get3A_1690 = tpu.vector_load %arg5[%get3A_1688, %get3A_1689] {strides = array<i32>} : memref<2048x16xi32, #tpu.memory_space<vmem>>, vector<16xi32>,
      %and3A_1691 = arith.constant -65536 : i32
      %and3A_1692 = vector.broadcast %and3A_1691 : i32 to vector<16xi32>
      %and3A_1693 = arith.andi %get3A_1690, %and3A_1692 : vector<16xi32>
      %and3A_1694 = arith.constant 16383 : i32
      %and3A_1695 = vector.broadcast %and3A_1694 : i32 to vector<16xi32>
      %and3A_1696 = arith.andi %get3A_1690, %and3A_1695 : vector<16xi32>
      %mul3A_1697 = arith.constant 4 : i32
      %mul3A_1698 = vector.broadcast %mul3A_1697 : i32 to vector<16xi32>
      %mul3A_1699 = arith.muli %and3A_1696, %mul3A_1698 : vector<16xi32>
      %or3A_1700 = arith.ori %and3A_1693, %mul3A_1699 : vector<16xi32>
      %shift_right_logical3A_1701 = arith.constant 14 : i32
      %shift_right_logical3A_1702 = vector.broadcast %shift_right_logical3A_1701 : i32 to vector<16xi32>
      %shift_right_logical3A_1703 = arith.shrui %get3A_1690, %shift_right_logical3A_1702 : vector<16xi32>
      %and3A_1704 = arith.constant 3 : i32
      %and3A_1705 = vector.broadcast %and3A_1704 : i32 to vector<16xi32>
      %and3A_1706 = arith.andi %shift_right_logical3A_1703, %and3A_1705 : vector<16xi32>
      %or3A_1707 = arith.ori %or3A_1700, %and3A_1706 : vector<16xi32>
      %mul3A_1708 = arith.constant 4 : i32
      %mul3A_1709 = vector.broadcast %mul3A_1708 : i32 to vector<16xi32>
      %mul3A_1710 = arith.muli %iota3A, %mul3A_1709 : vector<16xi32>
      %add3A_1711 = arith.constant 64 : i32
      %add3A_1712 = vector.broadcast %add3A_1711 : i32 to vector<16xi32>
      %add3A_1713 = arith.addi %mul3A_1710, %add3A_1712 : vector<16xi32>
      tpu.vector_store_idx %arg12[%add3A_1713], %or3A_1707 : memref<128xi32, #tpu.memory_space<vmem>>[vector<16xi32>], vector<16xi32>,
      %mul3A_1714 = arith.constant 2 : i32
      %mul3A_1715 = arith.muli %mul3A_1714, %add3A_1649 : i32
      %add3A_1716 = arith.constant 512 : i32
      %add3A_1717 = arith.addi %add3A_1716, %mul3A_1715 : i32
      %add3A_1718 = arith.constant 0 : i32
      %add3A_1719 = arith.addi %add3A_1717, %add3A_1718 : i32
      %get3A_1720 = arith.index_cast %add3A_1719 : i32 to index
      %get3A_1721 = arith.constant 0 : index
      %get3A_1722 = tpu.vector_load %arg5[%get3A_1720, %get3A_1721] {strides = array<i32>} : memref<2048x16xi32, #tpu.memory_space<vmem>>, vector<16xi32>,
      %and3A_1723 = arith.constant -65536 : i32
      %and3A_1724 = vector.broadcast %and3A_1723 : i32 to vector<16xi32>
      %and3A_1725 = arith.andi %get3A_1722, %and3A_1724 : vector<16xi32>
      %and3A_1726 = arith.constant 16383 : i32
      %and3A_1727 = vector.broadcast %and3A_1726 : i32 to vector<16xi32>
      %and3A_1728 = arith.andi %get3A_1722, %and3A_1727 : vector<16xi32>
      %mul3A_1729 = arith.constant 4 : i32
      %mul3A_1730 = vector.broadcast %mul3A_1729 : i32 to vector<16xi32>
      %mul3A_1731 = arith.muli %and3A_1728, %mul3A_1730 : vector<16xi32>
      %or3A_1732 = arith.ori %and3A_1725, %mul3A_1731 : vector<16xi32>
      %shift_right_logical3A_1733 = arith.constant 14 : i32
      %shift_right_logical3A_1734 = vector.broadcast %shift_right_logical3A_1733 : i32 to vector<16xi32>
      %shift_right_logical3A_1735 = arith.shrui %get3A_1722, %shift_right_logical3A_1734 : vector<16xi32>
      %and3A_1736 = arith.constant 3 : i32
      %and3A_1737 = vector.broadcast %and3A_1736 : i32 to vector<16xi32>
      %and3A_1738 = arith.andi %shift_right_logical3A_1735, %and3A_1737 : vector<16xi32>
      %or3A_1739 = arith.ori %or3A_1732, %and3A_1738 : vector<16xi32>
      %mul3A_1740 = arith.constant 4 : i32
      %mul3A_1741 = vector.broadcast %mul3A_1740 : i32 to vector<16xi32>
      %mul3A_1742 = arith.muli %iota3A, %mul3A_1741 : vector<16xi32>
      %add3A_1743 = arith.constant 1 : i32
      %add3A_1744 = vector.broadcast %add3A_1743 : i32 to vector<16xi32>
      %add3A_1745 = arith.addi %mul3A_1742, %add3A_1744 : vector<16xi32>
      tpu.vector_store_idx %arg12[%add3A_1745], %or3A_1739 : memref<128xi32, #tpu.memory_space<vmem>>[vector<16xi32>], vector<16xi32>,
      %mul3A_1746 = arith.constant 2 : i32
      %mul3A_1747 = arith.muli %mul3A_1746, %add3A_1649 : i32
      %add3A_1748 = arith.constant 512 : i32
      %add3A_1749 = arith.addi %add3A_1748, %mul3A_1747 : i32
      %add3A_1750 = arith.constant 1 : i32
      %add3A_1751 = arith.addi %add3A_1749, %add3A_1750 : i32
      %get3A_1752 = arith.index_cast %add3A_1751 : i32 to index
      %get3A_1753 = arith.constant 0 : index
      %get3A_1754 = tpu.vector_load %arg5[%get3A_1752, %get3A_1753] {strides = array<i32>} : memref<2048x16xi32, #tpu.memory_space<vmem>>, vector<16xi32>,
      %and3A_1755 = arith.constant -65536 : i32
      %and3A_1756 = vector.broadcast %and3A_1755 : i32 to vector<16xi32>
      %and3A_1757 = arith.andi %get3A_1754, %and3A_1756 : vector<16xi32>
      %and3A_1758 = arith.constant 16383 : i32
      %and3A_1759 = vector.broadcast %and3A_1758 : i32 to vector<16xi32>
      %and3A_1760 = arith.andi %get3A_1754, %and3A_1759 : vector<16xi32>
      %mul3A_1761 = arith.constant 4 : i32
      %mul3A_1762 = vector.broadcast %mul3A_1761 : i32 to vector<16xi32>
      %mul3A_1763 = arith.muli %and3A_1760, %mul3A_1762 : vector<16xi32>
      %or3A_1764 = arith.ori %and3A_1757, %mul3A_1763 : vector<16xi32>
      %shift_right_logical3A_1765 = arith.constant 14 : i32
      %shift_right_logical3A_1766 = vector.broadcast %shift_right_logical3A_1765 : i32 to vector<16xi32>
      %shift_right_logical3A_1767 = arith.shrui %get3A_1754, %shift_right_logical3A_1766 : vector<16xi32>
      %and3A_1768 = arith.constant 3 : i32
      %and3A_1769 = vector.broadcast %and3A_1768 : i32 to vector<16xi32>
      %and3A_1770 = arith.andi %shift_right_logical3A_1767, %and3A_1769 : vector<16xi32>
      %or3A_1771 = arith.ori %or3A_1764, %and3A_1770 : vector<16xi32>
      %mul3A_1772 = arith.constant 4 : i32
      %mul3A_1773 = vector.broadcast %mul3A_1772 : i32 to vector<16xi32>
      %mul3A_1774 = arith.muli %iota3A, %mul3A_1773 : vector<16xi32>
      %add3A_1775 = arith.constant 65 : i32
      %add3A_1776 = vector.broadcast %add3A_1775 : i32 to vector<16xi32>
      %add3A_1777 = arith.addi %mul3A_1774, %add3A_1776 : vector<16xi32>
      tpu.vector_store_idx %arg12[%add3A_1777], %or3A_1771 : memref<128xi32, #tpu.memory_space<vmem>>[vector<16xi32>], vector<16xi32>,
      %mul3A_1778 = arith.constant 2 : i32
      %mul3A_1779 = arith.muli %mul3A_1778, %add3A_1649 : i32
      %add3A_1780 = arith.constant 1024 : i32
      %add3A_1781 = arith.addi %add3A_1780, %mul3A_1779 : i32
      %add3A_1782 = arith.constant 0 : i32
      %add3A_1783 = arith.addi %add3A_1781, %add3A_1782 : i32
      %get3A_1784 = arith.index_cast %add3A_1783 : i32 to index
      %get3A_1785 = arith.constant 0 : index
      %get3A_1786 = tpu.vector_load %arg5[%get3A_1784, %get3A_1785] {strides = array<i32>} : memref<2048x16xi32, #tpu.memory_space<vmem>>, vector<16xi32>,
      %and3A_1787 = arith.constant -65536 : i32
      %and3A_1788 = vector.broadcast %and3A_1787 : i32 to vector<16xi32>
      %and3A_1789 = arith.andi %get3A_1786, %and3A_1788 : vector<16xi32>
      %and3A_1790 = arith.constant 16383 : i32
      %and3A_1791 = vector.broadcast %and3A_1790 : i32 to vector<16xi32>
      %and3A_1792 = arith.andi %get3A_1786, %and3A_1791 : vector<16xi32>
      %mul3A_1793 = arith.constant 4 : i32
      %mul3A_1794 = vector.broadcast %mul3A_1793 : i32 to vector<16xi32>
      %mul3A_1795 = arith.muli %and3A_1792, %mul3A_1794 : vector<16xi32>
      %or3A_1796 = arith.ori %and3A_1789, %mul3A_1795 : vector<16xi32>
      %shift_right_logical3A_1797 = arith.constant 14 : i32
      %shift_right_logical3A_1798 = vector.broadcast %shift_right_logical3A_1797 : i32 to vector<16xi32>
      %shift_right_logical3A_1799 = arith.shrui %get3A_1786, %shift_right_logical3A_1798 : vector<16xi32>
      %and3A_1800 = arith.constant 3 : i32
      %and3A_1801 = vector.broadcast %and3A_1800 : i32 to vector<16xi32>
      %and3A_1802 = arith.andi %shift_right_logical3A_1799, %and3A_1801 : vector<16xi32>
      %or3A_1803 = arith.ori %or3A_1796, %and3A_1802 : vector<16xi32>
      %mul3A_1804 = arith.constant 4 : i32
      %mul3A_1805 = vector.broadcast %mul3A_1804 : i32 to vector<16xi32>
      %mul3A_1806 = arith.muli %iota3A, %mul3A_1805 : vector<16xi32>
      %add3A_1807 = arith.constant 2 : i32
      %add3A_1808 = vector.broadcast %add3A_1807 : i32 to vector<16xi32>
      %add3A_1809 = arith.addi %mul3A_1806, %add3A_1808 : vector<16xi32>
      tpu.vector_store_idx %arg12[%add3A_1809], %or3A_1803 : memref<128xi32, #tpu.memory_space<vmem>>[vector<16xi32>], vector<16xi32>,
      %mul3A_1810 = arith.constant 2 : i32
      %mul3A_1811 = arith.muli %mul3A_1810, %add3A_1649 : i32
      %add3A_1812 = arith.constant 1024 : i32
      %add3A_1813 = arith.addi %add3A_1812, %mul3A_1811 : i32
      %add3A_1814 = arith.constant 1 : i32
      %add3A_1815 = arith.addi %add3A_1813, %add3A_1814 : i32
      %get3A_1816 = arith.index_cast %add3A_1815 : i32 to index
      %get3A_1817 = arith.constant 0 : index
      %get3A_1818 = tpu.vector_load %arg5[%get3A_1816, %get3A_1817] {strides = array<i32>} : memref<2048x16xi32, #tpu.memory_space<vmem>>, vector<16xi32>,
      %and3A_1819 = arith.constant -65536 : i32
      %and3A_1820 = vector.broadcast %and3A_1819 : i32 to vector<16xi32>
      %and3A_1821 = arith.andi %get3A_1818, %and3A_1820 : vector<16xi32>
      %and3A_1822 = arith.constant 16383 : i32
      %and3A_1823 = vector.broadcast %and3A_1822 : i32 to vector<16xi32>
      %and3A_1824 = arith.andi %get3A_1818, %and3A_1823 : vector<16xi32>
      %mul3A_1825 = arith.constant 4 : i32
      %mul3A_1826 = vector.broadcast %mul3A_1825 : i32 to vector<16xi32>
      %mul3A_1827 = arith.muli %and3A_1824, %mul3A_1826 : vector<16xi32>
      %or3A_1828 = arith.ori %and3A_1821, %mul3A_1827 : vector<16xi32>
      %shift_right_logical3A_1829 = arith.constant 14 : i32
      %shift_right_logical3A_1830 = vector.broadcast %shift_right_logical3A_1829 : i32 to vector<16xi32>
      %shift_right_logical3A_1831 = arith.shrui %get3A_1818, %shift_right_logical3A_1830 : vector<16xi32>
      %and3A_1832 = arith.constant 3 : i32
      %and3A_1833 = vector.broadcast %and3A_1832 : i32 to vector<16xi32>
      %and3A_1834 = arith.andi %shift_right_logical3A_1831, %and3A_1833 : vector<16xi32>
      %or3A_1835 = arith.ori %or3A_1828, %and3A_1834 : vector<16xi32>
      %mul3A_1836 = arith.constant 4 : i32
      %mul3A_1837 = vector.broadcast %mul3A_1836 : i32 to vector<16xi32>
      %mul3A_1838 = arith.muli %iota3A, %mul3A_1837 : vector<16xi32>
      %add3A_1839 = arith.constant 66 : i32
      %add3A_1840 = vector.broadcast %add3A_1839 : i32 to vector<16xi32>
      %add3A_1841 = arith.addi %mul3A_1838, %add3A_1840 : vector<16xi32>
      tpu.vector_store_idx %arg12[%add3A_1841], %or3A_1835 : memref<128xi32, #tpu.memory_space<vmem>>[vector<16xi32>], vector<16xi32>,
      %mul3A_1842 = arith.constant 2 : i32
      %mul3A_1843 = arith.muli %mul3A_1842, %add3A_1649 : i32
      %add3A_1844 = arith.constant 1536 : i32
      %add3A_1845 = arith.addi %add3A_1844, %mul3A_1843 : i32
      %add3A_1846 = arith.constant 0 : i32
      %add3A_1847 = arith.addi %add3A_1845, %add3A_1846 : i32
      %get3A_1848 = arith.index_cast %add3A_1847 : i32 to index
      %get3A_1849 = arith.constant 0 : index
      %get3A_1850 = tpu.vector_load %arg5[%get3A_1848, %get3A_1849] {strides = array<i32>} : memref<2048x16xi32, #tpu.memory_space<vmem>>, vector<16xi32>,
      %and3A_1851 = arith.constant -65536 : i32
      %and3A_1852 = vector.broadcast %and3A_1851 : i32 to vector<16xi32>
      %and3A_1853 = arith.andi %get3A_1850, %and3A_1852 : vector<16xi32>
      %and3A_1854 = arith.constant 16383 : i32
      %and3A_1855 = vector.broadcast %and3A_1854 : i32 to vector<16xi32>
      %and3A_1856 = arith.andi %get3A_1850, %and3A_1855 : vector<16xi32>
      %mul3A_1857 = arith.constant 4 : i32
      %mul3A_1858 = vector.broadcast %mul3A_1857 : i32 to vector<16xi32>
      %mul3A_1859 = arith.muli %and3A_1856, %mul3A_1858 : vector<16xi32>
      %or3A_1860 = arith.ori %and3A_1853, %mul3A_1859 : vector<16xi32>
      %shift_right_logical3A_1861 = arith.constant 14 : i32
      %shift_right_logical3A_1862 = vector.broadcast %shift_right_logical3A_1861 : i32 to vector<16xi32>
      %shift_right_logical3A_1863 = arith.shrui %get3A_1850, %shift_right_logical3A_1862 : vector<16xi32>
      %and3A_1864 = arith.constant 3 : i32
      %and3A_1865 = vector.broadcast %and3A_1864 : i32 to vector<16xi32>
      %and3A_1866 = arith.andi %shift_right_logical3A_1863, %and3A_1865 : vector<16xi32>
      %or3A_1867 = arith.ori %or3A_1860, %and3A_1866 : vector<16xi32>
      %mul3A_1868 = arith.constant 4 : i32
      %mul3A_1869 = vector.broadcast %mul3A_1868 : i32 to vector<16xi32>
      %mul3A_1870 = arith.muli %iota3A, %mul3A_1869 : vector<16xi32>
      %add3A_1871 = arith.constant 3 : i32
      %add3A_1872 = vector.broadcast %add3A_1871 : i32 to vector<16xi32>
      %add3A_1873 = arith.addi %mul3A_1870, %add3A_1872 : vector<16xi32>
      tpu.vector_store_idx %arg12[%add3A_1873], %or3A_1867 : memref<128xi32, #tpu.memory_space<vmem>>[vector<16xi32>], vector<16xi32>,
      %mul3A_1874 = arith.constant 2 : i32
      %mul3A_1875 = arith.muli %mul3A_1874, %add3A_1649 : i32
      %add3A_1876 = arith.constant 1536 : i32
      %add3A_1877 = arith.addi %add3A_1876, %mul3A_1875 : i32
      %add3A_1878 = arith.constant 1 : i32
      %add3A_1879 = arith.addi %add3A_1877, %add3A_1878 : i32
      %get3A_1880 = arith.index_cast %add3A_1879 : i32 to index
      %get3A_1881 = arith.constant 0 : index
      %get3A_1882 = tpu.vector_load %arg5[%get3A_1880, %get3A_1881] {strides = array<i32>} : memref<2048x16xi32, #tpu.memory_space<vmem>>, vector<16xi32>,
      %and3A_1883 = arith.constant -65536 : i32
      %and3A_1884 = vector.broadcast %and3A_1883 : i32 to vector<16xi32>
      %and3A_1885 = arith.andi %get3A_1882, %and3A_1884 : vector<16xi32>
      %and3A_1886 = arith.constant 16383 : i32
      %and3A_1887 = vector.broadcast %and3A_1886 : i32 to vector<16xi32>
      %and3A_1888 = arith.andi %get3A_1882, %and3A_1887 : vector<16xi32>
      %mul3A_1889 = arith.constant 4 : i32
      %mul3A_1890 = vector.broadcast %mul3A_1889 : i32 to vector<16xi32>
      %mul3A_1891 = arith.muli %and3A_1888, %mul3A_1890 : vector<16xi32>
      %or3A_1892 = arith.ori %and3A_1885, %mul3A_1891 : vector<16xi32>
      %shift_right_logical3A_1893 = arith.constant 14 : i32
      %shift_right_logical3A_1894 = vector.broadcast %shift_right_logical3A_1893 : i32 to vector<16xi32>
      %shift_right_logical3A_1895 = arith.shrui %get3A_1882, %shift_right_logical3A_1894 : vector<16xi32>
      %and3A_1896 = arith.constant 3 : i32
      %and3A_1897 = vector.broadcast %and3A_1896 : i32 to vector<16xi32>
      %and3A_1898 = arith.andi %shift_right_logical3A_1895, %and3A_1897 : vector<16xi32>
      %or3A_1899 = arith.ori %or3A_1892, %and3A_1898 : vector<16xi32>
      %mul3A_1900 = arith.constant 4 : i32
      %mul3A_1901 = vector.broadcast %mul3A_1900 : i32 to vector<16xi32>
      %mul3A_1902 = arith.muli %iota3A, %mul3A_1901 : vector<16xi32>
      %add3A_1903 = arith.constant 67 : i32
      %add3A_1904 = vector.broadcast %add3A_1903 : i32 to vector<16xi32>
      %add3A_1905 = arith.addi %mul3A_1902, %add3A_1904 : vector<16xi32>
      tpu.vector_store_idx %arg12[%add3A_1905], %or3A_1899 : memref<128xi32, #tpu.memory_space<vmem>>[vector<16xi32>], vector<16xi32>,
      %mul3A_1906 = arith.constant 8 : i32
      %mul3A_1907 = arith.muli %add3A_89, %mul3A_1906 : i32
      %add3A_1908 = arith.constant 7 : i32
      %add3A_1909 = arith.addi %mul3A_1907, %add3A_1908 : i32
      %mul3A_1910 = arith.constant 2 : i32
      %mul3A_1911 = arith.muli %mul3A_1910, %add3A_1909 : i32
      %add3A_1912 = arith.constant 0 : i32
      %add3A_1913 = arith.addi %add3A_1912, %mul3A_1911 : i32
      %add3A_1914 = arith.constant 0 : i32
      %add3A_1915 = arith.addi %add3A_1913, %add3A_1914 : i32
      %get3A_1916 = arith.index_cast %add3A_1915 : i32 to index
      %get3A_1917 = arith.constant 0 : index
      %get3A_1918 = tpu.vector_load %arg5[%get3A_1916, %get3A_1917] {strides = array<i32>} : memref<2048x16xi32, #tpu.memory_space<vmem>>, vector<16xi32>,
      %and3A_1919 = arith.constant -65536 : i32
      %and3A_1920 = vector.broadcast %and3A_1919 : i32 to vector<16xi32>
      %and3A_1921 = arith.andi %get3A_1918, %and3A_1920 : vector<16xi32>
      %and3A_1922 = arith.constant 16383 : i32
      %and3A_1923 = vector.broadcast %and3A_1922 : i32 to vector<16xi32>
      %and3A_1924 = arith.andi %get3A_1918, %and3A_1923 : vector<16xi32>
      %mul3A_1925 = arith.constant 4 : i32
      %mul3A_1926 = vector.broadcast %mul3A_1925 : i32 to vector<16xi32>
      %mul3A_1927 = arith.muli %and3A_1924, %mul3A_1926 : vector<16xi32>
      %or3A_1928 = arith.ori %and3A_1921, %mul3A_1927 : vector<16xi32>
      %shift_right_logical3A_1929 = arith.constant 14 : i32
      %shift_right_logical3A_1930 = vector.broadcast %shift_right_logical3A_1929 : i32 to vector<16xi32>
      %shift_right_logical3A_1931 = arith.shrui %get3A_1918, %shift_right_logical3A_1930 : vector<16xi32>
      %and3A_1932 = arith.constant 3 : i32
      %and3A_1933 = vector.broadcast %and3A_1932 : i32 to vector<16xi32>
      %and3A_1934 = arith.andi %shift_right_logical3A_1931, %and3A_1933 : vector<16xi32>
      %or3A_1935 = arith.ori %or3A_1928, %and3A_1934 : vector<16xi32>
      %mul3A_1936 = arith.constant 4 : i32
      %mul3A_1937 = vector.broadcast %mul3A_1936 : i32 to vector<16xi32>
      %mul3A_1938 = arith.muli %iota3A, %mul3A_1937 : vector<16xi32>
      %add3A_1939 = arith.constant 0 : i32
      %add3A_1940 = vector.broadcast %add3A_1939 : i32 to vector<16xi32>
      %add3A_1941 = arith.addi %mul3A_1938, %add3A_1940 : vector<16xi32>
      tpu.vector_store_idx %arg13[%add3A_1941], %or3A_1935 : memref<128xi32, #tpu.memory_space<vmem>>[vector<16xi32>], vector<16xi32>,
      %mul3A_1942 = arith.constant 2 : i32
      %mul3A_1943 = arith.muli %mul3A_1942, %add3A_1909 : i32
      %add3A_1944 = arith.constant 0 : i32
      %add3A_1945 = arith.addi %add3A_1944, %mul3A_1943 : i32
      %add3A_1946 = arith.constant 1 : i32
      %add3A_1947 = arith.addi %add3A_1945, %add3A_1946 : i32
      %get3A_1948 = arith.index_cast %add3A_1947 : i32 to index
      %get3A_1949 = arith.constant 0 : index
      %get3A_1950 = tpu.vector_load %arg5[%get3A_1948, %get3A_1949] {strides = array<i32>} : memref<2048x16xi32, #tpu.memory_space<vmem>>, vector<16xi32>,
      %and3A_1951 = arith.constant -65536 : i32
      %and3A_1952 = vector.broadcast %and3A_1951 : i32 to vector<16xi32>
      %and3A_1953 = arith.andi %get3A_1950, %and3A_1952 : vector<16xi32>
      %and3A_1954 = arith.constant 16383 : i32
      %and3A_1955 = vector.broadcast %and3A_1954 : i32 to vector<16xi32>
      %and3A_1956 = arith.andi %get3A_1950, %and3A_1955 : vector<16xi32>
      %mul3A_1957 = arith.constant 4 : i32
      %mul3A_1958 = vector.broadcast %mul3A_1957 : i32 to vector<16xi32>
      %mul3A_1959 = arith.muli %and3A_1956, %mul3A_1958 : vector<16xi32>
      %or3A_1960 = arith.ori %and3A_1953, %mul3A_1959 : vector<16xi32>
      %shift_right_logical3A_1961 = arith.constant 14 : i32
      %shift_right_logical3A_1962 = vector.broadcast %shift_right_logical3A_1961 : i32 to vector<16xi32>
      %shift_right_logical3A_1963 = arith.shrui %get3A_1950, %shift_right_logical3A_1962 : vector<16xi32>
      %and3A_1964 = arith.constant 3 : i32
      %and3A_1965 = vector.broadcast %and3A_1964 : i32 to vector<16xi32>
      %and3A_1966 = arith.andi %shift_right_logical3A_1963, %and3A_1965 : vector<16xi32>
      %or3A_1967 = arith.ori %or3A_1960, %and3A_1966 : vector<16xi32>
      %mul3A_1968 = arith.constant 4 : i32
      %mul3A_1969 = vector.broadcast %mul3A_1968 : i32 to vector<16xi32>
      %mul3A_1970 = arith.muli %iota3A, %mul3A_1969 : vector<16xi32>
      %add3A_1971 = arith.constant 64 : i32
      %add3A_1972 = vector.broadcast %add3A_1971 : i32 to vector<16xi32>
      %add3A_1973 = arith.addi %mul3A_1970, %add3A_1972 : vector<16xi32>
      tpu.vector_store_idx %arg13[%add3A_1973], %or3A_1967 : memref<128xi32, #tpu.memory_space<vmem>>[vector<16xi32>], vector<16xi32>,
      %mul3A_1974 = arith.constant 2 : i32
      %mul3A_1975 = arith.muli %mul3A_1974, %add3A_1909 : i32
      %add3A_1976 = arith.constant 512 : i32
      %add3A_1977 = arith.addi %add3A_1976, %mul3A_1975 : i32
      %add3A_1978 = arith.constant 0 : i32
      %add3A_1979 = arith.addi %add3A_1977, %add3A_1978 : i32
      %get3A_1980 = arith.index_cast %add3A_1979 : i32 to index
      %get3A_1981 = arith.constant 0 : index
      %get3A_1982 = tpu.vector_load %arg5[%get3A_1980, %get3A_1981] {strides = array<i32>} : memref<2048x16xi32, #tpu.memory_space<vmem>>, vector<16xi32>,
      %and3A_1983 = arith.constant -65536 : i32
      %and3A_1984 = vector.broadcast %and3A_1983 : i32 to vector<16xi32>
      %and3A_1985 = arith.andi %get3A_1982, %and3A_1984 : vector<16xi32>
      %and3A_1986 = arith.constant 16383 : i32
      %and3A_1987 = vector.broadcast %and3A_1986 : i32 to vector<16xi32>
      %and3A_1988 = arith.andi %get3A_1982, %and3A_1987 : vector<16xi32>
      %mul3A_1989 = arith.constant 4 : i32
      %mul3A_1990 = vector.broadcast %mul3A_1989 : i32 to vector<16xi32>
      %mul3A_1991 = arith.muli %and3A_1988, %mul3A_1990 : vector<16xi32>
      %or3A_1992 = arith.ori %and3A_1985, %mul3A_1991 : vector<16xi32>
      %shift_right_logical3A_1993 = arith.constant 14 : i32
      %shift_right_logical3A_1994 = vector.broadcast %shift_right_logical3A_1993 : i32 to vector<16xi32>
      %shift_right_logical3A_1995 = arith.shrui %get3A_1982, %shift_right_logical3A_1994 : vector<16xi32>
      %and3A_1996 = arith.constant 3 : i32
      %and3A_1997 = vector.broadcast %and3A_1996 : i32 to vector<16xi32>
      %and3A_1998 = arith.andi %shift_right_logical3A_1995, %and3A_1997 : vector<16xi32>
      %or3A_1999 = arith.ori %or3A_1992, %and3A_1998 : vector<16xi32>
      %mul3A_2000 = arith.constant 4 : i32
      %mul3A_2001 = vector.broadcast %mul3A_2000 : i32 to vector<16xi32>
      %mul3A_2002 = arith.muli %iota3A, %mul3A_2001 : vector<16xi32>
      %add3A_2003 = arith.constant 1 : i32
      %add3A_2004 = vector.broadcast %add3A_2003 : i32 to vector<16xi32>
      %add3A_2005 = arith.addi %mul3A_2002, %add3A_2004 : vector<16xi32>
      tpu.vector_store_idx %arg13[%add3A_2005], %or3A_1999 : memref<128xi32, #tpu.memory_space<vmem>>[vector<16xi32>], vector<16xi32>,
      %mul3A_2006 = arith.constant 2 : i32
      %mul3A_2007 = arith.muli %mul3A_2006, %add3A_1909 : i32
      %add3A_2008 = arith.constant 512 : i32
      %add3A_2009 = arith.addi %add3A_2008, %mul3A_2007 : i32
      %add3A_2010 = arith.constant 1 : i32
      %add3A_2011 = arith.addi %add3A_2009, %add3A_2010 : i32
      %get3A_2012 = arith.index_cast %add3A_2011 : i32 to index
      %get3A_2013 = arith.constant 0 : index
      %get3A_2014 = tpu.vector_load %arg5[%get3A_2012, %get3A_2013] {strides = array<i32>} : memref<2048x16xi32, #tpu.memory_space<vmem>>, vector<16xi32>,
      %and3A_2015 = arith.constant -65536 : i32
      %and3A_2016 = vector.broadcast %and3A_2015 : i32 to vector<16xi32>
      %and3A_2017 = arith.andi %get3A_2014, %and3A_2016 : vector<16xi32>
      %and3A_2018 = arith.constant 16383 : i32
      %and3A_2019 = vector.broadcast %and3A_2018 : i32 to vector<16xi32>
      %and3A_2020 = arith.andi %get3A_2014, %and3A_2019 : vector<16xi32>
      %mul3A_2021 = arith.constant 4 : i32
      %mul3A_2022 = vector.broadcast %mul3A_2021 : i32 to vector<16xi32>
      %mul3A_2023 = arith.muli %and3A_2020, %mul3A_2022 : vector<16xi32>
      %or3A_2024 = arith.ori %and3A_2017, %mul3A_2023 : vector<16xi32>
      %shift_right_logical3A_2025 = arith.constant 14 : i32
      %shift_right_logical3A_2026 = vector.broadcast %shift_right_logical3A_2025 : i32 to vector<16xi32>
      %shift_right_logical3A_2027 = arith.shrui %get3A_2014, %shift_right_logical3A_2026 : vector<16xi32>
      %and3A_2028 = arith.constant 3 : i32
      %and3A_2029 = vector.broadcast %and3A_2028 : i32 to vector<16xi32>
      %and3A_2030 = arith.andi %shift_right_logical3A_2027, %and3A_2029 : vector<16xi32>
      %or3A_2031 = arith.ori %or3A_2024, %and3A_2030 : vector<16xi32>
      %mul3A_2032 = arith.constant 4 : i32
      %mul3A_2033 = vector.broadcast %mul3A_2032 : i32 to vector<16xi32>
      %mul3A_2034 = arith.muli %iota3A, %mul3A_2033 : vector<16xi32>
      %add3A_2035 = arith.constant 65 : i32
      %add3A_2036 = vector.broadcast %add3A_2035 : i32 to vector<16xi32>
      %add3A_2037 = arith.addi %mul3A_2034, %add3A_2036 : vector<16xi32>
      tpu.vector_store_idx %arg13[%add3A_2037], %or3A_2031 : memref<128xi32, #tpu.memory_space<vmem>>[vector<16xi32>], vector<16xi32>,
      %mul3A_2038 = arith.constant 2 : i32
      %mul3A_2039 = arith.muli %mul3A_2038, %add3A_1909 : i32
      %add3A_2040 = arith.constant 1024 : i32
      %add3A_2041 = arith.addi %add3A_2040, %mul3A_2039 : i32
      %add3A_2042 = arith.constant 0 : i32
      %add3A_2043 = arith.addi %add3A_2041, %add3A_2042 : i32
      %get3A_2044 = arith.index_cast %add3A_2043 : i32 to index
      %get3A_2045 = arith.constant 0 : index
      %get3A_2046 = tpu.vector_load %arg5[%get3A_2044, %get3A_2045] {strides = array<i32>} : memref<2048x16xi32, #tpu.memory_space<vmem>>, vector<16xi32>,
      %and3A_2047 = arith.constant -65536 : i32
      %and3A_2048 = vector.broadcast %and3A_2047 : i32 to vector<16xi32>
      %and3A_2049 = arith.andi %get3A_2046, %and3A_2048 : vector<16xi32>
      %and3A_2050 = arith.constant 16383 : i32
      %and3A_2051 = vector.broadcast %and3A_2050 : i32 to vector<16xi32>
      %and3A_2052 = arith.andi %get3A_2046, %and3A_2051 : vector<16xi32>
      %mul3A_2053 = arith.constant 4 : i32
      %mul3A_2054 = vector.broadcast %mul3A_2053 : i32 to vector<16xi32>
      %mul3A_2055 = arith.muli %and3A_2052, %mul3A_2054 : vector<16xi32>
      %or3A_2056 = arith.ori %and3A_2049, %mul3A_2055 : vector<16xi32>
      %shift_right_logical3A_2057 = arith.constant 14 : i32
      %shift_right_logical3A_2058 = vector.broadcast %shift_right_logical3A_2057 : i32 to vector<16xi32>
      %shift_right_logical3A_2059 = arith.shrui %get3A_2046, %shift_right_logical3A_2058 : vector<16xi32>
      %and3A_2060 = arith.constant 3 : i32
      %and3A_2061 = vector.broadcast %and3A_2060 : i32 to vector<16xi32>
      %and3A_2062 = arith.andi %shift_right_logical3A_2059, %and3A_2061 : vector<16xi32>
      %or3A_2063 = arith.ori %or3A_2056, %and3A_2062 : vector<16xi32>
      %mul3A_2064 = arith.constant 4 : i32
      %mul3A_2065 = vector.broadcast %mul3A_2064 : i32 to vector<16xi32>
      %mul3A_2066 = arith.muli %iota3A, %mul3A_2065 : vector<16xi32>
      %add3A_2067 = arith.constant 2 : i32
      %add3A_2068 = vector.broadcast %add3A_2067 : i32 to vector<16xi32>
      %add3A_2069 = arith.addi %mul3A_2066, %add3A_2068 : vector<16xi32>
      tpu.vector_store_idx %arg13[%add3A_2069], %or3A_2063 : memref<128xi32, #tpu.memory_space<vmem>>[vector<16xi32>], vector<16xi32>,
      %mul3A_2070 = arith.constant 2 : i32
      %mul3A_2071 = arith.muli %mul3A_2070, %add3A_1909 : i32
      %add3A_2072 = arith.constant 1024 : i32
      %add3A_2073 = arith.addi %add3A_2072, %mul3A_2071 : i32
      %add3A_2074 = arith.constant 1 : i32
      %add3A_2075 = arith.addi %add3A_2073, %add3A_2074 : i32
      %get3A_2076 = arith.index_cast %add3A_2075 : i32 to index
      %get3A_2077 = arith.constant 0 : index
      %get3A_2078 = tpu.vector_load %arg5[%get3A_2076, %get3A_2077] {strides = array<i32>} : memref<2048x16xi32, #tpu.memory_space<vmem>>, vector<16xi32>,
      %and3A_2079 = arith.constant -65536 : i32
      %and3A_2080 = vector.broadcast %and3A_2079 : i32 to vector<16xi32>
      %and3A_2081 = arith.andi %get3A_2078, %and3A_2080 : vector<16xi32>
      %and3A_2082 = arith.constant 16383 : i32
      %and3A_2083 = vector.broadcast %and3A_2082 : i32 to vector<16xi32>
      %and3A_2084 = arith.andi %get3A_2078, %and3A_2083 : vector<16xi32>
      %mul3A_2085 = arith.constant 4 : i32
      %mul3A_2086 = vector.broadcast %mul3A_2085 : i32 to vector<16xi32>
      %mul3A_2087 = arith.muli %and3A_2084, %mul3A_2086 : vector<16xi32>
      %or3A_2088 = arith.ori %and3A_2081, %mul3A_2087 : vector<16xi32>
      %shift_right_logical3A_2089 = arith.constant 14 : i32
      %shift_right_logical3A_2090 = vector.broadcast %shift_right_logical3A_2089 : i32 to vector<16xi32>
      %shift_right_logical3A_2091 = arith.shrui %get3A_2078, %shift_right_logical3A_2090 : vector<16xi32>
      %and3A_2092 = arith.constant 3 : i32
      %and3A_2093 = vector.broadcast %and3A_2092 : i32 to vector<16xi32>
      %and3A_2094 = arith.andi %shift_right_logical3A_2091, %and3A_2093 : vector<16xi32>
      %or3A_2095 = arith.ori %or3A_2088, %and3A_2094 : vector<16xi32>
      %mul3A_2096 = arith.constant 4 : i32
      %mul3A_2097 = vector.broadcast %mul3A_2096 : i32 to vector<16xi32>
      %mul3A_2098 = arith.muli %iota3A, %mul3A_2097 : vector<16xi32>
      %add3A_2099 = arith.constant 66 : i32
      %add3A_2100 = vector.broadcast %add3A_2099 : i32 to vector<16xi32>
      %add3A_2101 = arith.addi %mul3A_2098, %add3A_2100 : vector<16xi32>
      tpu.vector_store_idx %arg13[%add3A_2101], %or3A_2095 : memref<128xi32, #tpu.memory_space<vmem>>[vector<16xi32>], vector<16xi32>,
      %mul3A_2102 = arith.constant 2 : i32
      %mul3A_2103 = arith.muli %mul3A_2102, %add3A_1909 : i32
      %add3A_2104 = arith.constant 1536 : i32
      %add3A_2105 = arith.addi %add3A_2104, %mul3A_2103 : i32
      %add3A_2106 = arith.constant 0 : i32
      %add3A_2107 = arith.addi %add3A_2105, %add3A_2106 : i32
      %get3A_2108 = arith.index_cast %add3A_2107 : i32 to index
      %get3A_2109 = arith.constant 0 : index
      %get3A_2110 = tpu.vector_load %arg5[%get3A_2108, %get3A_2109] {strides = array<i32>} : memref<2048x16xi32, #tpu.memory_space<vmem>>, vector<16xi32>,
      %and3A_2111 = arith.constant -65536 : i32
      %and3A_2112 = vector.broadcast %and3A_2111 : i32 to vector<16xi32>
      %and3A_2113 = arith.andi %get3A_2110, %and3A_2112 : vector<16xi32>
      %and3A_2114 = arith.constant 16383 : i32
      %and3A_2115 = vector.broadcast %and3A_2114 : i32 to vector<16xi32>
      %and3A_2116 = arith.andi %get3A_2110, %and3A_2115 : vector<16xi32>
      %mul3A_2117 = arith.constant 4 : i32
      %mul3A_2118 = vector.broadcast %mul3A_2117 : i32 to vector<16xi32>
      %mul3A_2119 = arith.muli %and3A_2116, %mul3A_2118 : vector<16xi32>
      %or3A_2120 = arith.ori %and3A_2113, %mul3A_2119 : vector<16xi32>
      %shift_right_logical3A_2121 = arith.constant 14 : i32
      %shift_right_logical3A_2122 = vector.broadcast %shift_right_logical3A_2121 : i32 to vector<16xi32>
      %shift_right_logical3A_2123 = arith.shrui %get3A_2110, %shift_right_logical3A_2122 : vector<16xi32>
      %and3A_2124 = arith.constant 3 : i32
      %and3A_2125 = vector.broadcast %and3A_2124 : i32 to vector<16xi32>
      %and3A_2126 = arith.andi %shift_right_logical3A_2123, %and3A_2125 : vector<16xi32>
      %or3A_2127 = arith.ori %or3A_2120, %and3A_2126 : vector<16xi32>
      %mul3A_2128 = arith.constant 4 : i32
      %mul3A_2129 = vector.broadcast %mul3A_2128 : i32 to vector<16xi32>
      %mul3A_2130 = arith.muli %iota3A, %mul3A_2129 : vector<16xi32>
      %add3A_2131 = arith.constant 3 : i32
      %add3A_2132 = vector.broadcast %add3A_2131 : i32 to vector<16xi32>
      %add3A_2133 = arith.addi %mul3A_2130, %add3A_2132 : vector<16xi32>
      tpu.vector_store_idx %arg13[%add3A_2133], %or3A_2127 : memref<128xi32, #tpu.memory_space<vmem>>[vector<16xi32>], vector<16xi32>,
      %mul3A_2134 = arith.constant 2 : i32
      %mul3A_2135 = arith.muli %mul3A_2134, %add3A_1909 : i32
      %add3A_2136 = arith.constant 1536 : i32
      %add3A_2137 = arith.addi %add3A_2136, %mul3A_2135 : i32
      %add3A_2138 = arith.constant 1 : i32
      %add3A_2139 = arith.addi %add3A_2137, %add3A_2138 : i32
      %get3A_2140 = arith.index_cast %add3A_2139 : i32 to index
      %get3A_2141 = arith.constant 0 : index
      %get3A_2142 = tpu.vector_load %arg5[%get3A_2140, %get3A_2141] {strides = array<i32>} : memref<2048x16xi32, #tpu.memory_space<vmem>>, vector<16xi32>,
      %and3A_2143 = arith.constant -65536 : i32
      %and3A_2144 = vector.broadcast %and3A_2143 : i32 to vector<16xi32>
      %and3A_2145 = arith.andi %get3A_2142, %and3A_2144 : vector<16xi32>
      %and3A_2146 = arith.constant 16383 : i32
      %and3A_2147 = vector.broadcast %and3A_2146 : i32 to vector<16xi32>
      %and3A_2148 = arith.andi %get3A_2142, %and3A_2147 : vector<16xi32>
      %mul3A_2149 = arith.constant 4 : i32
      %mul3A_2150 = vector.broadcast %mul3A_2149 : i32 to vector<16xi32>
      %mul3A_2151 = arith.muli %and3A_2148, %mul3A_2150 : vector<16xi32>
      %or3A_2152 = arith.ori %and3A_2145, %mul3A_2151 : vector<16xi32>
      %shift_right_logical3A_2153 = arith.constant 14 : i32
      %shift_right_logical3A_2154 = vector.broadcast %shift_right_logical3A_2153 : i32 to vector<16xi32>
      %shift_right_logical3A_2155 = arith.shrui %get3A_2142, %shift_right_logical3A_2154 : vector<16xi32>
      %and3A_2156 = arith.constant 3 : i32
      %and3A_2157 = vector.broadcast %and3A_2156 : i32 to vector<16xi32>
      %and3A_2158 = arith.andi %shift_right_logical3A_2155, %and3A_2157 : vector<16xi32>
      %or3A_2159 = arith.ori %or3A_2152, %and3A_2158 : vector<16xi32>
      %mul3A_2160 = arith.constant 4 : i32
      %mul3A_2161 = vector.broadcast %mul3A_2160 : i32 to vector<16xi32>
      %mul3A_2162 = arith.muli %iota3A, %mul3A_2161 : vector<16xi32>
      %add3A_2163 = arith.constant 67 : i32
      %add3A_2164 = vector.broadcast %add3A_2163 : i32 to vector<16xi32>
      %add3A_2165 = arith.addi %mul3A_2162, %add3A_2164 : vector<16xi32>
      tpu.vector_store_idx %arg13[%add3A_2165], %or3A_2159 : memref<128xi32, #tpu.memory_space<vmem>>[vector<16xi32>], vector<16xi32>,
      %dma_wait3A_2166 = arith.constant 0 : i32
      %dma_wait3A_2167 = arith.constant 0 : i32
      %dma_wait3A_2168 = tpu.memref_slice %arg2[%dma_wait3A_2166, %dma_wait3A_2167] : memref<1048576x32xf32, #tpu.memory_space<hbm>> -> memref<1024x32xf32, #tpu.memory_space<hbm>>
      %dma_wait3A_2169 = arith.constant 0 : i32
      %dma_wait3A_2170 = arith.constant 0 : i32
      %dma_wait3A_2171 = tpu.memref_slice %arg2[%dma_wait3A_2169, %dma_wait3A_2170] : memref<1048576x32xf32, #tpu.memory_space<hbm>> -> memref<1024x32xf32, #tpu.memory_space<hbm>>
      tpu.wait_dma2 semaphore(%arg25 : memref<!tpu.dma_semaphore, #tpu.memory_space<semaphore_mem>>) src(%dma_wait3A_2171 : memref<1024x32xf32, #tpu.memory_space<hbm>>) dst(%arg22 : memref<1024x32xf32, #tpu.memory_space<vmem>>)
      %dma_start3A_2172 = arith.constant 0 : i32
      %dma_start3A_2173 = arith.constant 0 : i32
      %dma_start3A_2174 = tpu.memref_slice %arg22[%dma_start3A_2172, %dma_start3A_2173] : memref<1024x32xf32, #tpu.memory_space<vmem>> -> memref<128x32xf32, #tpu.memory_space<vmem>>
      %dma_start3A_2175 = arith.constant 0 : i32
      %dma_start3A_2176 = arith.constant 0 : i32
      %dma_start3A_2177 = tpu.memref_slice %arg4[%dma_start3A_2175, %dma_start3A_2176] : memref<1048576x32xf32, #tpu.memory_space<hbm>> -> memref<1048576x32xf32, #tpu.memory_space<hbm>>
      tpu.enqueue_indirect_dma source(%dma_start3A_2174 : memref<128x32xf32, #tpu.memory_space<vmem>>) target(%dma_start3A_2177 : memref<1048576x32xf32, #tpu.memory_space<hbm>>) offsets(%arg6 : memref<128xi32, #tpu.memory_space<vmem>>) semaphore(%arg27 : memref<!tpu.dma_semaphore, #tpu.memory_space<semaphore_mem>>)
      %dma_start3A_2178 = arith.constant 128 : i32
      %dma_start3A_2179 = arith.constant 0 : i32
      %dma_start3A_2180 = tpu.memref_slice %arg22[%dma_start3A_2178, %dma_start3A_2179] : memref<1024x32xf32, #tpu.memory_space<vmem>> -> memref<128x32xf32, #tpu.memory_space<vmem>>
      %dma_start3A_2181 = arith.constant 0 : i32
      %dma_start3A_2182 = arith.constant 0 : i32
      %dma_start3A_2183 = tpu.memref_slice %arg4[%dma_start3A_2181, %dma_start3A_2182] : memref<1048576x32xf32, #tpu.memory_space<hbm>> -> memref<1048576x32xf32, #tpu.memory_space<hbm>>
      tpu.enqueue_indirect_dma source(%dma_start3A_2180 : memref<128x32xf32, #tpu.memory_space<vmem>>) target(%dma_start3A_2183 : memref<1048576x32xf32, #tpu.memory_space<hbm>>) offsets(%arg7 : memref<128xi32, #tpu.memory_space<vmem>>) semaphore(%arg27 : memref<!tpu.dma_semaphore, #tpu.memory_space<semaphore_mem>>)
      %dma_start3A_2184 = arith.constant 256 : i32
      %dma_start3A_2185 = arith.constant 0 : i32
      %dma_start3A_2186 = tpu.memref_slice %arg22[%dma_start3A_2184, %dma_start3A_2185] : memref<1024x32xf32, #tpu.memory_space<vmem>> -> memref<128x32xf32, #tpu.memory_space<vmem>>
      %dma_start3A_2187 = arith.constant 0 : i32
      %dma_start3A_2188 = arith.constant 0 : i32
      %dma_start3A_2189 = tpu.memref_slice %arg4[%dma_start3A_2187, %dma_start3A_2188] : memref<1048576x32xf32, #tpu.memory_space<hbm>> -> memref<1048576x32xf32, #tpu.memory_space<hbm>>
      tpu.enqueue_indirect_dma source(%dma_start3A_2186 : memref<128x32xf32, #tpu.memory_space<vmem>>) target(%dma_start3A_2189 : memref<1048576x32xf32, #tpu.memory_space<hbm>>) offsets(%arg8 : memref<128xi32, #tpu.memory_space<vmem>>) semaphore(%arg27 : memref<!tpu.dma_semaphore, #tpu.memory_space<semaphore_mem>>)
      %dma_start3A_2190 = arith.constant 384 : i32
      %dma_start3A_2191 = arith.constant 0 : i32
      %dma_start3A_2192 = tpu.memref_slice %arg22[%dma_start3A_2190, %dma_start3A_2191] : memref<1024x32xf32, #tpu.memory_space<vmem>> -> memref<128x32xf32, #tpu.memory_space<vmem>>
      %dma_start3A_2193 = arith.constant 0 : i32
      %dma_start3A_2194 = arith.constant 0 : i32
      %dma_start3A_2195 = tpu.memref_slice %arg4[%dma_start3A_2193, %dma_start3A_2194] : memref<1048576x32xf32, #tpu.memory_space<hbm>> -> memref<1048576x32xf32, #tpu.memory_space<hbm>>
      tpu.enqueue_indirect_dma source(%dma_start3A_2192 : memref<128x32xf32, #tpu.memory_space<vmem>>) target(%dma_start3A_2195 : memref<1048576x32xf32, #tpu.memory_space<hbm>>) offsets(%arg9 : memref<128xi32, #tpu.memory_space<vmem>>) semaphore(%arg27 : memref<!tpu.dma_semaphore, #tpu.memory_space<semaphore_mem>>)
      %dma_start3A_2196 = arith.constant 512 : i32
      %dma_start3A_2197 = arith.constant 0 : i32
      %dma_start3A_2198 = tpu.memref_slice %arg22[%dma_start3A_2196, %dma_start3A_2197] : memref<1024x32xf32, #tpu.memory_space<vmem>> -> memref<128x32xf32, #tpu.memory_space<vmem>>
      %dma_start3A_2199 = arith.constant 0 : i32
      %dma_start3A_2200 = arith.constant 0 : i32
      %dma_start3A_2201 = tpu.memref_slice %arg4[%dma_start3A_2199, %dma_start3A_2200] : memref<1048576x32xf32, #tpu.memory_space<hbm>> -> memref<1048576x32xf32, #tpu.memory_space<hbm>>
      tpu.enqueue_indirect_dma source(%dma_start3A_2198 : memref<128x32xf32, #tpu.memory_space<vmem>>) target(%dma_start3A_2201 : memref<1048576x32xf32, #tpu.memory_space<hbm>>) offsets(%arg10 : memref<128xi32, #tpu.memory_space<vmem>>) semaphore(%arg27 : memref<!tpu.dma_semaphore, #tpu.memory_space<semaphore_mem>>)
      %dma_start3A_2202 = arith.constant 640 : i32
      %dma_start3A_2203 = arith.constant 0 : i32
      %dma_start3A_2204 = tpu.memref_slice %arg22[%dma_start3A_2202, %dma_start3A_2203] : memref<1024x32xf32, #tpu.memory_space<vmem>> -> memref<128x32xf32, #tpu.memory_space<vmem>>
      %dma_start3A_2205 = arith.constant 0 : i32
      %dma_start3A_2206 = arith.constant 0 : i32
      %dma_start3A_2207 = tpu.memref_slice %arg4[%dma_start3A_2205, %dma_start3A_2206] : memref<1048576x32xf32, #tpu.memory_space<hbm>> -> memref<1048576x32xf32, #tpu.memory_space<hbm>>
      tpu.enqueue_indirect_dma source(%dma_start3A_2204 : memref<128x32xf32, #tpu.memory_space<vmem>>) target(%dma_start3A_2207 : memref<1048576x32xf32, #tpu.memory_space<hbm>>) offsets(%arg11 : memref<128xi32, #tpu.memory_space<vmem>>) semaphore(%arg27 : memref<!tpu.dma_semaphore, #tpu.memory_space<semaphore_mem>>)
      %dma_start3A_2208 = arith.constant 768 : i32
      %dma_start3A_2209 = arith.constant 0 : i32
      %dma_start3A_2210 = tpu.memref_slice %arg22[%dma_start3A_2208, %dma_start3A_2209] : memref<1024x32xf32, #tpu.memory_space<vmem>> -> memref<128x32xf32, #tpu.memory_space<vmem>>
      %dma_start3A_2211 = arith.constant 0 : i32
      %dma_start3A_2212 = arith.constant 0 : i32
      %dma_start3A_2213 = tpu.memref_slice %arg4[%dma_start3A_2211, %dma_start3A_2212] : memref<1048576x32xf32, #tpu.memory_space<hbm>> -> memref<1048576x32xf32, #tpu.memory_space<hbm>>
      tpu.enqueue_indirect_dma source(%dma_start3A_2210 : memref<128x32xf32, #tpu.memory_space<vmem>>) target(%dma_start3A_2213 : memref<1048576x32xf32, #tpu.memory_space<hbm>>) offsets(%arg12 : memref<128xi32, #tpu.memory_space<vmem>>) semaphore(%arg27 : memref<!tpu.dma_semaphore, #tpu.memory_space<semaphore_mem>>)
      %dma_start3A_2214 = arith.constant 896 : i32
      %dma_start3A_2215 = arith.constant 0 : i32
      %dma_start3A_2216 = tpu.memref_slice %arg22[%dma_start3A_2214, %dma_start3A_2215] : memref<1024x32xf32, #tpu.memory_space<vmem>> -> memref<128x32xf32, #tpu.memory_space<vmem>>
      %dma_start3A_2217 = arith.constant 0 : i32
      %dma_start3A_2218 = arith.constant 0 : i32
      %dma_start3A_2219 = tpu.memref_slice %arg4[%dma_start3A_2217, %dma_start3A_2218] : memref<1048576x32xf32, #tpu.memory_space<hbm>> -> memref<1048576x32xf32, #tpu.memory_space<hbm>>
      tpu.enqueue_indirect_dma source(%dma_start3A_2216 : memref<128x32xf32, #tpu.memory_space<vmem>>) target(%dma_start3A_2219 : memref<1048576x32xf32, #tpu.memory_space<hbm>>) offsets(%arg13 : memref<128xi32, #tpu.memory_space<vmem>>) semaphore(%arg27 : memref<!tpu.dma_semaphore, #tpu.memory_space<semaphore_mem>>)
      %dma_wait3A_2220 = arith.constant 0 : i32
      %dma_wait3A_2221 = arith.constant 0 : i32
      %dma_wait3A_2222 = tpu.memref_slice %arg22[%dma_wait3A_2220, %dma_wait3A_2221] : memref<1024x32xf32, #tpu.memory_space<vmem>> -> memref<128x32xf32, #tpu.memory_space<vmem>>
      %dma_wait3A_2223 = arith.constant 0 : i32
      %dma_wait3A_2224 = arith.constant 0 : i32
      %dma_wait3A_2225 = tpu.memref_slice %arg4[%dma_wait3A_2223, %dma_wait3A_2224] : memref<1048576x32xf32, #tpu.memory_space<hbm>> -> memref<1048576x32xf32, #tpu.memory_space<hbm>>
      tpu.wait_indirect_dma semaphore(%arg27 : memref<!tpu.dma_semaphore, #tpu.memory_space<semaphore_mem>>) src(%dma_wait3A_2222 : memref<128x32xf32, #tpu.memory_space<vmem>>) dst(%dma_wait3A_2225 : memref<1048576x32xf32, #tpu.memory_space<hbm>>)
      %dma_wait3A_2226 = arith.constant 128 : i32
      %dma_wait3A_2227 = arith.constant 0 : i32
      %dma_wait3A_2228 = tpu.memref_slice %arg22[%dma_wait3A_2226, %dma_wait3A_2227] : memref<1024x32xf32, #tpu.memory_space<vmem>> -> memref<128x32xf32, #tpu.memory_space<vmem>>
      %dma_wait3A_2229 = arith.constant 0 : i32
      %dma_wait3A_2230 = arith.constant 0 : i32
      %dma_wait3A_2231 = tpu.memref_slice %arg4[%dma_wait3A_2229, %dma_wait3A_2230] : memref<1048576x32xf32, #tpu.memory_space<hbm>> -> memref<1048576x32xf32, #tpu.memory_space<hbm>>
      tpu.wait_indirect_dma semaphore(%arg27 : memref<!tpu.dma_semaphore, #tpu.memory_space<semaphore_mem>>) src(%dma_wait3A_2228 : memref<128x32xf32, #tpu.memory_space<vmem>>) dst(%dma_wait3A_2231 : memref<1048576x32xf32, #tpu.memory_space<hbm>>)
      %dma_wait3A_2232 = arith.constant 256 : i32
      %dma_wait3A_2233 = arith.constant 0 : i32
      %dma_wait3A_2234 = tpu.memref_slice %arg22[%dma_wait3A_2232, %dma_wait3A_2233] : memref<1024x32xf32, #tpu.memory_space<vmem>> -> memref<128x32xf32, #tpu.memory_space<vmem>>
      %dma_wait3A_2235 = arith.constant 0 : i32
      %dma_wait3A_2236 = arith.constant 0 : i32
      %dma_wait3A_2237 = tpu.memref_slice %arg4[%dma_wait3A_2235, %dma_wait3A_2236] : memref<1048576x32xf32, #tpu.memory_space<hbm>> -> memref<1048576x32xf32, #tpu.memory_space<hbm>>
      tpu.wait_indirect_dma semaphore(%arg27 : memref<!tpu.dma_semaphore, #tpu.memory_space<semaphore_mem>>) src(%dma_wait3A_2234 : memref<128x32xf32, #tpu.memory_space<vmem>>) dst(%dma_wait3A_2237 : memref<1048576x32xf32, #tpu.memory_space<hbm>>)
      %dma_wait3A_2238 = arith.constant 384 : i32
      %dma_wait3A_2239 = arith.constant 0 : i32
      %dma_wait3A_2240 = tpu.memref_slice %arg22[%dma_wait3A_2238, %dma_wait3A_2239] : memref<1024x32xf32, #tpu.memory_space<vmem>> -> memref<128x32xf32, #tpu.memory_space<vmem>>
      %dma_wait3A_2241 = arith.constant 0 : i32
      %dma_wait3A_2242 = arith.constant 0 : i32
      %dma_wait3A_2243 = tpu.memref_slice %arg4[%dma_wait3A_2241, %dma_wait3A_2242] : memref<1048576x32xf32, #tpu.memory_space<hbm>> -> memref<1048576x32xf32, #tpu.memory_space<hbm>>
      tpu.wait_indirect_dma semaphore(%arg27 : memref<!tpu.dma_semaphore, #tpu.memory_space<semaphore_mem>>) src(%dma_wait3A_2240 : memref<128x32xf32, #tpu.memory_space<vmem>>) dst(%dma_wait3A_2243 : memref<1048576x32xf32, #tpu.memory_space<hbm>>)
      %dma_wait3A_2244 = arith.constant 512 : i32
      %dma_wait3A_2245 = arith.constant 0 : i32
      %dma_wait3A_2246 = tpu.memref_slice %arg22[%dma_wait3A_2244, %dma_wait3A_2245] : memref<1024x32xf32, #tpu.memory_space<vmem>> -> memref<128x32xf32, #tpu.memory_space<vmem>>
      %dma_wait3A_2247 = arith.constant 0 : i32
      %dma_wait3A_2248 = arith.constant 0 : i32
      %dma_wait3A_2249 = tpu.memref_slice %arg4[%dma_wait3A_2247, %dma_wait3A_2248] : memref<1048576x32xf32, #tpu.memory_space<hbm>> -> memref<1048576x32xf32, #tpu.memory_space<hbm>>
      tpu.wait_indirect_dma semaphore(%arg27 : memref<!tpu.dma_semaphore, #tpu.memory_space<semaphore_mem>>) src(%dma_wait3A_2246 : memref<128x32xf32, #tpu.memory_space<vmem>>) dst(%dma_wait3A_2249 : memref<1048576x32xf32, #tpu.memory_space<hbm>>)
      %dma_wait3A_2250 = arith.constant 640 : i32
      %dma_wait3A_2251 = arith.constant 0 : i32
      %dma_wait3A_2252 = tpu.memref_slice %arg22[%dma_wait3A_2250, %dma_wait3A_2251] : memref<1024x32xf32, #tpu.memory_space<vmem>> -> memref<128x32xf32, #tpu.memory_space<vmem>>
      %dma_wait3A_2253 = arith.constant 0 : i32
      %dma_wait3A_2254 = arith.constant 0 : i32
      %dma_wait3A_2255 = tpu.memref_slice %arg4[%dma_wait3A_2253, %dma_wait3A_2254] : memref<1048576x32xf32, #tpu.memory_space<hbm>> -> memref<1048576x32xf32, #tpu.memory_space<hbm>>
      tpu.wait_indirect_dma semaphore(%arg27 : memref<!tpu.dma_semaphore, #tpu.memory_space<semaphore_mem>>) src(%dma_wait3A_2252 : memref<128x32xf32, #tpu.memory_space<vmem>>) dst(%dma_wait3A_2255 : memref<1048576x32xf32, #tpu.memory_space<hbm>>)
      %dma_wait3A_2256 = arith.constant 768 : i32
      %dma_wait3A_2257 = arith.constant 0 : i32
      %dma_wait3A_2258 = tpu.memref_slice %arg22[%dma_wait3A_2256, %dma_wait3A_2257] : memref<1024x32xf32, #tpu.memory_space<vmem>> -> memref<128x32xf32, #tpu.memory_space<vmem>>
      %dma_wait3A_2259 = arith.constant 0 : i32
      %dma_wait3A_2260 = arith.constant 0 : i32
      %dma_wait3A_2261 = tpu.memref_slice %arg4[%dma_wait3A_2259, %dma_wait3A_2260] : memref<1048576x32xf32, #tpu.memory_space<hbm>> -> memref<1048576x32xf32, #tpu.memory_space<hbm>>
      tpu.wait_indirect_dma semaphore(%arg27 : memref<!tpu.dma_semaphore, #tpu.memory_space<semaphore_mem>>) src(%dma_wait3A_2258 : memref<128x32xf32, #tpu.memory_space<vmem>>) dst(%dma_wait3A_2261 : memref<1048576x32xf32, #tpu.memory_space<hbm>>)
      %dma_wait3A_2262 = arith.constant 896 : i32
      %dma_wait3A_2263 = arith.constant 0 : i32
      %dma_wait3A_2264 = tpu.memref_slice %arg22[%dma_wait3A_2262, %dma_wait3A_2263] : memref<1024x32xf32, #tpu.memory_space<vmem>> -> memref<128x32xf32, #tpu.memory_space<vmem>>
      %dma_wait3A_2265 = arith.constant 0 : i32
      %dma_wait3A_2266 = arith.constant 0 : i32
      %dma_wait3A_2267 = tpu.memref_slice %arg4[%dma_wait3A_2265, %dma_wait3A_2266] : memref<1048576x32xf32, #tpu.memory_space<hbm>> -> memref<1048576x32xf32, #tpu.memory_space<hbm>>
      tpu.wait_indirect_dma semaphore(%arg27 : memref<!tpu.dma_semaphore, #tpu.memory_space<semaphore_mem>>) src(%dma_wait3A_2264 : memref<128x32xf32, #tpu.memory_space<vmem>>) dst(%dma_wait3A_2267 : memref<1048576x32xf32, #tpu.memory_space<hbm>>)
      %add3A_2268 = arith.constant 2 : i32
      %add3A_2269 = arith.addi %add3A_89, %add3A_2268 : i32
      %lt3A = arith.constant 32 : i32
      %lt3A_2270 = arith.cmpi slt, %add3A_2269, %lt3A : i32
      %convert_element_type3A = arith.extui %lt3A_2270 : i1 to i32
      %cond3A = arith.constant 0 : i32
      %cond3A_2271 = arith.cmpi ne, %convert_element_type3A, %cond3A : i32
      scf.if %cond3A_2271 {
        %add3A_4465 = arith.constant 2 : i32
        %add3A_4466 = arith.addi %add3A_89, %add3A_4465 : i32
        %mul3A_4467 = arith.constant 1024 : i32
        %mul3A_4468 = arith.muli %add3A_4466, %mul3A_4467 : i32
        %add3A_4469 = arith.addi %mul3A_2, %mul3A_4468 : i32
        %multiple_of3A_4470 = tpu.assume_multiple %add3A_4469, 1024 : i32
        %dma_start3A_4471 = arith.constant 0 : i32
        %dma_start3A_4472 = tpu.memref_slice %arg2[%multiple_of3A_4470, %dma_start3A_4471] : memref<1048576x32xf32, #tpu.memory_space<hbm>> -> memref<1024x32xf32, #tpu.memory_space<hbm>>
        %dma_start3A_4473 = arith.constant 0 : i32
        %dma_start3A_4474 = tpu.memref_slice %arg2[%multiple_of3A_4470, %dma_start3A_4473] : memref<1048576x32xf32, #tpu.memory_space<hbm>> -> memref<1024x32xf32, #tpu.memory_space<hbm>>
        tpu.enqueue_dma source(%dma_start3A_4474 : memref<1024x32xf32, #tpu.memory_space<hbm>>) target(%arg22 : memref<1024x32xf32, #tpu.memory_space<vmem>>) target_semaphore(%arg25 : memref<!tpu.dma_semaphore, #tpu.memory_space<semaphore_mem>>)
      } else {
      }
      %mul3A_2272 = arith.constant 2 : i32
      %mul3A_2273 = arith.muli %scan3A_85, %mul3A_2272 : i32
      %add3A_2274 = arith.constant 1 : i32
      %add3A_2275 = arith.addi %mul3A_2273, %add3A_2274 : i32
      %mul3A_2276 = arith.constant 8 : i32
      %mul3A_2277 = arith.muli %add3A_2275, %mul3A_2276 : i32
      %add3A_2278 = arith.constant 0 : i32
      %add3A_2279 = arith.addi %mul3A_2277, %add3A_2278 : i32
      %mul3A_2280 = arith.constant 2 : i32
      %mul3A_2281 = arith.muli %mul3A_2280, %add3A_2279 : i32
      %add3A_2282 = arith.constant 0 : i32
      %add3A_2283 = arith.addi %add3A_2282, %mul3A_2281 : i32
      %add3A_2284 = arith.constant 0 : i32
      %add3A_2285 = arith.addi %add3A_2283, %add3A_2284 : i32
      %get3A_2286 = arith.index_cast %add3A_2285 : i32 to index
      %get3A_2287 = arith.constant 0 : index
      %get3A_2288 = tpu.vector_load %arg5[%get3A_2286, %get3A_2287] {strides = array<i32>} : memref<2048x16xi32, #tpu.memory_space<vmem>>, vector<16xi32>,
      %and3A_2289 = arith.constant -65536 : i32
      %and3A_2290 = vector.broadcast %and3A_2289 : i32 to vector<16xi32>
      %and3A_2291 = arith.andi %get3A_2288, %and3A_2290 : vector<16xi32>
      %and3A_2292 = arith.constant 16383 : i32
      %and3A_2293 = vector.broadcast %and3A_2292 : i32 to vector<16xi32>
      %and3A_2294 = arith.andi %get3A_2288, %and3A_2293 : vector<16xi32>
      %mul3A_2295 = arith.constant 4 : i32
      %mul3A_2296 = vector.broadcast %mul3A_2295 : i32 to vector<16xi32>
      %mul3A_2297 = arith.muli %and3A_2294, %mul3A_2296 : vector<16xi32>
      %or3A_2298 = arith.ori %and3A_2291, %mul3A_2297 : vector<16xi32>
      %shift_right_logical3A_2299 = arith.constant 14 : i32
      %shift_right_logical3A_2300 = vector.broadcast %shift_right_logical3A_2299 : i32 to vector<16xi32>
      %shift_right_logical3A_2301 = arith.shrui %get3A_2288, %shift_right_logical3A_2300 : vector<16xi32>
      %and3A_2302 = arith.constant 3 : i32
      %and3A_2303 = vector.broadcast %and3A_2302 : i32 to vector<16xi32>
      %and3A_2304 = arith.andi %shift_right_logical3A_2301, %and3A_2303 : vector<16xi32>
      %or3A_2305 = arith.ori %or3A_2298, %and3A_2304 : vector<16xi32>
      %mul3A_2306 = arith.constant 4 : i32
      %mul3A_2307 = vector.broadcast %mul3A_2306 : i32 to vector<16xi32>
      %mul3A_2308 = arith.muli %iota3A, %mul3A_2307 : vector<16xi32>
      %add3A_2309 = arith.constant 0 : i32
      %add3A_2310 = vector.broadcast %add3A_2309 : i32 to vector<16xi32>
      %add3A_2311 = arith.addi %mul3A_2308, %add3A_2310 : vector<16xi32>
      tpu.vector_store_idx %arg14[%add3A_2311], %or3A_2305 : memref<128xi32, #tpu.memory_space<vmem>>[vector<16xi32>], vector<16xi32>,
      %mul3A_2312 = arith.constant 2 : i32
      %mul3A_2313 = arith.muli %mul3A_2312, %add3A_2279 : i32
      %add3A_2314 = arith.constant 0 : i32
      %add3A_2315 = arith.addi %add3A_2314, %mul3A_2313 : i32
      %add3A_2316 = arith.constant 1 : i32
      %add3A_2317 = arith.addi %add3A_2315, %add3A_2316 : i32
      %get3A_2318 = arith.index_cast %add3A_2317 : i32 to index
      %get3A_2319 = arith.constant 0 : index
      %get3A_2320 = tpu.vector_load %arg5[%get3A_2318, %get3A_2319] {strides = array<i32>} : memref<2048x16xi32, #tpu.memory_space<vmem>>, vector<16xi32>,
      %and3A_2321 = arith.constant -65536 : i32
      %and3A_2322 = vector.broadcast %and3A_2321 : i32 to vector<16xi32>
      %and3A_2323 = arith.andi %get3A_2320, %and3A_2322 : vector<16xi32>
      %and3A_2324 = arith.constant 16383 : i32
      %and3A_2325 = vector.broadcast %and3A_2324 : i32 to vector<16xi32>
      %and3A_2326 = arith.andi %get3A_2320, %and3A_2325 : vector<16xi32>
      %mul3A_2327 = arith.constant 4 : i32
      %mul3A_2328 = vector.broadcast %mul3A_2327 : i32 to vector<16xi32>
      %mul3A_2329 = arith.muli %and3A_2326, %mul3A_2328 : vector<16xi32>
      %or3A_2330 = arith.ori %and3A_2323, %mul3A_2329 : vector<16xi32>
      %shift_right_logical3A_2331 = arith.constant 14 : i32
      %shift_right_logical3A_2332 = vector.broadcast %shift_right_logical3A_2331 : i32 to vector<16xi32>
      %shift_right_logical3A_2333 = arith.shrui %get3A_2320, %shift_right_logical3A_2332 : vector<16xi32>
      %and3A_2334 = arith.constant 3 : i32
      %and3A_2335 = vector.broadcast %and3A_2334 : i32 to vector<16xi32>
      %and3A_2336 = arith.andi %shift_right_logical3A_2333, %and3A_2335 : vector<16xi32>
      %or3A_2337 = arith.ori %or3A_2330, %and3A_2336 : vector<16xi32>
      %mul3A_2338 = arith.constant 4 : i32
      %mul3A_2339 = vector.broadcast %mul3A_2338 : i32 to vector<16xi32>
      %mul3A_2340 = arith.muli %iota3A, %mul3A_2339 : vector<16xi32>
      %add3A_2341 = arith.constant 64 : i32
      %add3A_2342 = vector.broadcast %add3A_2341 : i32 to vector<16xi32>
      %add3A_2343 = arith.addi %mul3A_2340, %add3A_2342 : vector<16xi32>
      tpu.vector_store_idx %arg14[%add3A_2343], %or3A_2337 : memref<128xi32, #tpu.memory_space<vmem>>[vector<16xi32>], vector<16xi32>,
      %mul3A_2344 = arith.constant 2 : i32
      %mul3A_2345 = arith.muli %mul3A_2344, %add3A_2279 : i32
      %add3A_2346 = arith.constant 512 : i32
      %add3A_2347 = arith.addi %add3A_2346, %mul3A_2345 : i32
      %add3A_2348 = arith.constant 0 : i32
      %add3A_2349 = arith.addi %add3A_2347, %add3A_2348 : i32
      %get3A_2350 = arith.index_cast %add3A_2349 : i32 to index
      %get3A_2351 = arith.constant 0 : index
      %get3A_2352 = tpu.vector_load %arg5[%get3A_2350, %get3A_2351] {strides = array<i32>} : memref<2048x16xi32, #tpu.memory_space<vmem>>, vector<16xi32>,
      %and3A_2353 = arith.constant -65536 : i32
      %and3A_2354 = vector.broadcast %and3A_2353 : i32 to vector<16xi32>
      %and3A_2355 = arith.andi %get3A_2352, %and3A_2354 : vector<16xi32>
      %and3A_2356 = arith.constant 16383 : i32
      %and3A_2357 = vector.broadcast %and3A_2356 : i32 to vector<16xi32>
      %and3A_2358 = arith.andi %get3A_2352, %and3A_2357 : vector<16xi32>
      %mul3A_2359 = arith.constant 4 : i32
      %mul3A_2360 = vector.broadcast %mul3A_2359 : i32 to vector<16xi32>
      %mul3A_2361 = arith.muli %and3A_2358, %mul3A_2360 : vector<16xi32>
      %or3A_2362 = arith.ori %and3A_2355, %mul3A_2361 : vector<16xi32>
      %shift_right_logical3A_2363 = arith.constant 14 : i32
      %shift_right_logical3A_2364 = vector.broadcast %shift_right_logical3A_2363 : i32 to vector<16xi32>
      %shift_right_logical3A_2365 = arith.shrui %get3A_2352, %shift_right_logical3A_2364 : vector<16xi32>
      %and3A_2366 = arith.constant 3 : i32
      %and3A_2367 = vector.broadcast %and3A_2366 : i32 to vector<16xi32>
      %and3A_2368 = arith.andi %shift_right_logical3A_2365, %and3A_2367 : vector<16xi32>
      %or3A_2369 = arith.ori %or3A_2362, %and3A_2368 : vector<16xi32>
      %mul3A_2370 = arith.constant 4 : i32
      %mul3A_2371 = vector.broadcast %mul3A_2370 : i32 to vector<16xi32>
      %mul3A_2372 = arith.muli %iota3A, %mul3A_2371 : vector<16xi32>
      %add3A_2373 = arith.constant 1 : i32
      %add3A_2374 = vector.broadcast %add3A_2373 : i32 to vector<16xi32>
      %add3A_2375 = arith.addi %mul3A_2372, %add3A_2374 : vector<16xi32>
      tpu.vector_store_idx %arg14[%add3A_2375], %or3A_2369 : memref<128xi32, #tpu.memory_space<vmem>>[vector<16xi32>], vector<16xi32>,
      %mul3A_2376 = arith.constant 2 : i32
      %mul3A_2377 = arith.muli %mul3A_2376, %add3A_2279 : i32
      %add3A_2378 = arith.constant 512 : i32
      %add3A_2379 = arith.addi %add3A_2378, %mul3A_2377 : i32
      %add3A_2380 = arith.constant 1 : i32
      %add3A_2381 = arith.addi %add3A_2379, %add3A_2380 : i32
      %get3A_2382 = arith.index_cast %add3A_2381 : i32 to index
      %get3A_2383 = arith.constant 0 : index
      %get3A_2384 = tpu.vector_load %arg5[%get3A_2382, %get3A_2383] {strides = array<i32>} : memref<2048x16xi32, #tpu.memory_space<vmem>>, vector<16xi32>,
      %and3A_2385 = arith.constant -65536 : i32
      %and3A_2386 = vector.broadcast %and3A_2385 : i32 to vector<16xi32>
      %and3A_2387 = arith.andi %get3A_2384, %and3A_2386 : vector<16xi32>
      %and3A_2388 = arith.constant 16383 : i32
      %and3A_2389 = vector.broadcast %and3A_2388 : i32 to vector<16xi32>
      %and3A_2390 = arith.andi %get3A_2384, %and3A_2389 : vector<16xi32>
      %mul3A_2391 = arith.constant 4 : i32
      %mul3A_2392 = vector.broadcast %mul3A_2391 : i32 to vector<16xi32>
      %mul3A_2393 = arith.muli %and3A_2390, %mul3A_2392 : vector<16xi32>
      %or3A_2394 = arith.ori %and3A_2387, %mul3A_2393 : vector<16xi32>
      %shift_right_logical3A_2395 = arith.constant 14 : i32
      %shift_right_logical3A_2396 = vector.broadcast %shift_right_logical3A_2395 : i32 to vector<16xi32>
      %shift_right_logical3A_2397 = arith.shrui %get3A_2384, %shift_right_logical3A_2396 : vector<16xi32>
      %and3A_2398 = arith.constant 3 : i32
      %and3A_2399 = vector.broadcast %and3A_2398 : i32 to vector<16xi32>
      %and3A_2400 = arith.andi %shift_right_logical3A_2397, %and3A_2399 : vector<16xi32>
      %or3A_2401 = arith.ori %or3A_2394, %and3A_2400 : vector<16xi32>
      %mul3A_2402 = arith.constant 4 : i32
      %mul3A_2403 = vector.broadcast %mul3A_2402 : i32 to vector<16xi32>
      %mul3A_2404 = arith.muli %iota3A, %mul3A_2403 : vector<16xi32>
      %add3A_2405 = arith.constant 65 : i32
      %add3A_2406 = vector.broadcast %add3A_2405 : i32 to vector<16xi32>
      %add3A_2407 = arith.addi %mul3A_2404, %add3A_2406 : vector<16xi32>
      tpu.vector_store_idx %arg14[%add3A_2407], %or3A_2401 : memref<128xi32, #tpu.memory_space<vmem>>[vector<16xi32>], vector<16xi32>,
      %mul3A_2408 = arith.constant 2 : i32
      %mul3A_2409 = arith.muli %mul3A_2408, %add3A_2279 : i32
      %add3A_2410 = arith.constant 1024 : i32
      %add3A_2411 = arith.addi %add3A_2410, %mul3A_2409 : i32
      %add3A_2412 = arith.constant 0 : i32
      %add3A_2413 = arith.addi %add3A_2411, %add3A_2412 : i32
      %get3A_2414 = arith.index_cast %add3A_2413 : i32 to index
      %get3A_2415 = arith.constant 0 : index
      %get3A_2416 = tpu.vector_load %arg5[%get3A_2414, %get3A_2415] {strides = array<i32>} : memref<2048x16xi32, #tpu.memory_space<vmem>>, vector<16xi32>,
      %and3A_2417 = arith.constant -65536 : i32
      %and3A_2418 = vector.broadcast %and3A_2417 : i32 to vector<16xi32>
      %and3A_2419 = arith.andi %get3A_2416, %and3A_2418 : vector<16xi32>
      %and3A_2420 = arith.constant 16383 : i32
      %and3A_2421 = vector.broadcast %and3A_2420 : i32 to vector<16xi32>
      %and3A_2422 = arith.andi %get3A_2416, %and3A_2421 : vector<16xi32>
      %mul3A_2423 = arith.constant 4 : i32
      %mul3A_2424 = vector.broadcast %mul3A_2423 : i32 to vector<16xi32>
      %mul3A_2425 = arith.muli %and3A_2422, %mul3A_2424 : vector<16xi32>
      %or3A_2426 = arith.ori %and3A_2419, %mul3A_2425 : vector<16xi32>
      %shift_right_logical3A_2427 = arith.constant 14 : i32
      %shift_right_logical3A_2428 = vector.broadcast %shift_right_logical3A_2427 : i32 to vector<16xi32>
      %shift_right_logical3A_2429 = arith.shrui %get3A_2416, %shift_right_logical3A_2428 : vector<16xi32>
      %and3A_2430 = arith.constant 3 : i32
      %and3A_2431 = vector.broadcast %and3A_2430 : i32 to vector<16xi32>
      %and3A_2432 = arith.andi %shift_right_logical3A_2429, %and3A_2431 : vector<16xi32>
      %or3A_2433 = arith.ori %or3A_2426, %and3A_2432 : vector<16xi32>
      %mul3A_2434 = arith.constant 4 : i32
      %mul3A_2435 = vector.broadcast %mul3A_2434 : i32 to vector<16xi32>
      %mul3A_2436 = arith.muli %iota3A, %mul3A_2435 : vector<16xi32>
      %add3A_2437 = arith.constant 2 : i32
      %add3A_2438 = vector.broadcast %add3A_2437 : i32 to vector<16xi32>
      %add3A_2439 = arith.addi %mul3A_2436, %add3A_2438 : vector<16xi32>
      tpu.vector_store_idx %arg14[%add3A_2439], %or3A_2433 : memref<128xi32, #tpu.memory_space<vmem>>[vector<16xi32>], vector<16xi32>,
      %mul3A_2440 = arith.constant 2 : i32
      %mul3A_2441 = arith.muli %mul3A_2440, %add3A_2279 : i32
      %add3A_2442 = arith.constant 1024 : i32
      %add3A_2443 = arith.addi %add3A_2442, %mul3A_2441 : i32
      %add3A_2444 = arith.constant 1 : i32
      %add3A_2445 = arith.addi %add3A_2443, %add3A_2444 : i32
      %get3A_2446 = arith.index_cast %add3A_2445 : i32 to index
      %get3A_2447 = arith.constant 0 : index
      %get3A_2448 = tpu.vector_load %arg5[%get3A_2446, %get3A_2447] {strides = array<i32>} : memref<2048x16xi32, #tpu.memory_space<vmem>>, vector<16xi32>,
      %and3A_2449 = arith.constant -65536 : i32
      %and3A_2450 = vector.broadcast %and3A_2449 : i32 to vector<16xi32>
      %and3A_2451 = arith.andi %get3A_2448, %and3A_2450 : vector<16xi32>
      %and3A_2452 = arith.constant 16383 : i32
      %and3A_2453 = vector.broadcast %and3A_2452 : i32 to vector<16xi32>
      %and3A_2454 = arith.andi %get3A_2448, %and3A_2453 : vector<16xi32>
      %mul3A_2455 = arith.constant 4 : i32
      %mul3A_2456 = vector.broadcast %mul3A_2455 : i32 to vector<16xi32>
      %mul3A_2457 = arith.muli %and3A_2454, %mul3A_2456 : vector<16xi32>
      %or3A_2458 = arith.ori %and3A_2451, %mul3A_2457 : vector<16xi32>
      %shift_right_logical3A_2459 = arith.constant 14 : i32
      %shift_right_logical3A_2460 = vector.broadcast %shift_right_logical3A_2459 : i32 to vector<16xi32>
      %shift_right_logical3A_2461 = arith.shrui %get3A_2448, %shift_right_logical3A_2460 : vector<16xi32>
      %and3A_2462 = arith.constant 3 : i32
      %and3A_2463 = vector.broadcast %and3A_2462 : i32 to vector<16xi32>
      %and3A_2464 = arith.andi %shift_right_logical3A_2461, %and3A_2463 : vector<16xi32>
      %or3A_2465 = arith.ori %or3A_2458, %and3A_2464 : vector<16xi32>
      %mul3A_2466 = arith.constant 4 : i32
      %mul3A_2467 = vector.broadcast %mul3A_2466 : i32 to vector<16xi32>
      %mul3A_2468 = arith.muli %iota3A, %mul3A_2467 : vector<16xi32>
      %add3A_2469 = arith.constant 66 : i32
      %add3A_2470 = vector.broadcast %add3A_2469 : i32 to vector<16xi32>
      %add3A_2471 = arith.addi %mul3A_2468, %add3A_2470 : vector<16xi32>
      tpu.vector_store_idx %arg14[%add3A_2471], %or3A_2465 : memref<128xi32, #tpu.memory_space<vmem>>[vector<16xi32>], vector<16xi32>,
      %mul3A_2472 = arith.constant 2 : i32
      %mul3A_2473 = arith.muli %mul3A_2472, %add3A_2279 : i32
      %add3A_2474 = arith.constant 1536 : i32
      %add3A_2475 = arith.addi %add3A_2474, %mul3A_2473 : i32
      %add3A_2476 = arith.constant 0 : i32
      %add3A_2477 = arith.addi %add3A_2475, %add3A_2476 : i32
      %get3A_2478 = arith.index_cast %add3A_2477 : i32 to index
      %get3A_2479 = arith.constant 0 : index
      %get3A_2480 = tpu.vector_load %arg5[%get3A_2478, %get3A_2479] {strides = array<i32>} : memref<2048x16xi32, #tpu.memory_space<vmem>>, vector<16xi32>,
      %and3A_2481 = arith.constant -65536 : i32
      %and3A_2482 = vector.broadcast %and3A_2481 : i32 to vector<16xi32>
      %and3A_2483 = arith.andi %get3A_2480, %and3A_2482 : vector<16xi32>
      %and3A_2484 = arith.constant 16383 : i32
      %and3A_2485 = vector.broadcast %and3A_2484 : i32 to vector<16xi32>
      %and3A_2486 = arith.andi %get3A_2480, %and3A_2485 : vector<16xi32>
      %mul3A_2487 = arith.constant 4 : i32
      %mul3A_2488 = vector.broadcast %mul3A_2487 : i32 to vector<16xi32>
      %mul3A_2489 = arith.muli %and3A_2486, %mul3A_2488 : vector<16xi32>
      %or3A_2490 = arith.ori %and3A_2483, %mul3A_2489 : vector<16xi32>
      %shift_right_logical3A_2491 = arith.constant 14 : i32
      %shift_right_logical3A_2492 = vector.broadcast %shift_right_logical3A_2491 : i32 to vector<16xi32>
      %shift_right_logical3A_2493 = arith.shrui %get3A_2480, %shift_right_logical3A_2492 : vector<16xi32>
      %and3A_2494 = arith.constant 3 : i32
      %and3A_2495 = vector.broadcast %and3A_2494 : i32 to vector<16xi32>
      %and3A_2496 = arith.andi %shift_right_logical3A_2493, %and3A_2495 : vector<16xi32>
      %or3A_2497 = arith.ori %or3A_2490, %and3A_2496 : vector<16xi32>
      %mul3A_2498 = arith.constant 4 : i32
      %mul3A_2499 = vector.broadcast %mul3A_2498 : i32 to vector<16xi32>
      %mul3A_2500 = arith.muli %iota3A, %mul3A_2499 : vector<16xi32>
      %add3A_2501 = arith.constant 3 : i32
      %add3A_2502 = vector.broadcast %add3A_2501 : i32 to vector<16xi32>
      %add3A_2503 = arith.addi %mul3A_2500, %add3A_2502 : vector<16xi32>
      tpu.vector_store_idx %arg14[%add3A_2503], %or3A_2497 : memref<128xi32, #tpu.memory_space<vmem>>[vector<16xi32>], vector<16xi32>,
      %mul3A_2504 = arith.constant 2 : i32
      %mul3A_2505 = arith.muli %mul3A_2504, %add3A_2279 : i32
      %add3A_2506 = arith.constant 1536 : i32
      %add3A_2507 = arith.addi %add3A_2506, %mul3A_2505 : i32
      %add3A_2508 = arith.constant 1 : i32
      %add3A_2509 = arith.addi %add3A_2507, %add3A_2508 : i32
      %get3A_2510 = arith.index_cast %add3A_2509 : i32 to index
      %get3A_2511 = arith.constant 0 : index
      %get3A_2512 = tpu.vector_load %arg5[%get3A_2510, %get3A_2511] {strides = array<i32>} : memref<2048x16xi32, #tpu.memory_space<vmem>>, vector<16xi32>,
      %and3A_2513 = arith.constant -65536 : i32
      %and3A_2514 = vector.broadcast %and3A_2513 : i32 to vector<16xi32>
      %and3A_2515 = arith.andi %get3A_2512, %and3A_2514 : vector<16xi32>
      %and3A_2516 = arith.constant 16383 : i32
      %and3A_2517 = vector.broadcast %and3A_2516 : i32 to vector<16xi32>
      %and3A_2518 = arith.andi %get3A_2512, %and3A_2517 : vector<16xi32>
      %mul3A_2519 = arith.constant 4 : i32
      %mul3A_2520 = vector.broadcast %mul3A_2519 : i32 to vector<16xi32>
      %mul3A_2521 = arith.muli %and3A_2518, %mul3A_2520 : vector<16xi32>
      %or3A_2522 = arith.ori %and3A_2515, %mul3A_2521 : vector<16xi32>
      %shift_right_logical3A_2523 = arith.constant 14 : i32
      %shift_right_logical3A_2524 = vector.broadcast %shift_right_logical3A_2523 : i32 to vector<16xi32>
      %shift_right_logical3A_2525 = arith.shrui %get3A_2512, %shift_right_logical3A_2524 : vector<16xi32>
      %and3A_2526 = arith.constant 3 : i32
      %and3A_2527 = vector.broadcast %and3A_2526 : i32 to vector<16xi32>
      %and3A_2528 = arith.andi %shift_right_logical3A_2525, %and3A_2527 : vector<16xi32>
      %or3A_2529 = arith.ori %or3A_2522, %and3A_2528 : vector<16xi32>
      %mul3A_2530 = arith.constant 4 : i32
      %mul3A_2531 = vector.broadcast %mul3A_2530 : i32 to vector<16xi32>
      %mul3A_2532 = arith.muli %iota3A, %mul3A_2531 : vector<16xi32>
      %add3A_2533 = arith.constant 67 : i32
      %add3A_2534 = vector.broadcast %add3A_2533 : i32 to vector<16xi32>
      %add3A_2535 = arith.addi %mul3A_2532, %add3A_2534 : vector<16xi32>
      tpu.vector_store_idx %arg14[%add3A_2535], %or3A_2529 : memref<128xi32, #tpu.memory_space<vmem>>[vector<16xi32>], vector<16xi32>,
      %mul3A_2536 = arith.constant 8 : i32
      %mul3A_2537 = arith.muli %add3A_2275, %mul3A_2536 : i32
      %add3A_2538 = arith.constant 1 : i32
      %add3A_2539 = arith.addi %mul3A_2537, %add3A_2538 : i32
      %mul3A_2540 = arith.constant 2 : i32
      %mul3A_2541 = arith.muli %mul3A_2540, %add3A_2539 : i32
      %add3A_2542 = arith.constant 0 : i32
      %add3A_2543 = arith.addi %add3A_2542, %mul3A_2541 : i32
      %add3A_2544 = arith.constant 0 : i32
      %add3A_2545 = arith.addi %add3A_2543, %add3A_2544 : i32
      %get3A_2546 = arith.index_cast %add3A_2545 : i32 to index
      %get3A_2547 = arith.constant 0 : index
      %get3A_2548 = tpu.vector_load %arg5[%get3A_2546, %get3A_2547] {strides = array<i32>} : memref<2048x16xi32, #tpu.memory_space<vmem>>, vector<16xi32>,
      %and3A_2549 = arith.constant -65536 : i32
      %and3A_2550 = vector.broadcast %and3A_2549 : i32 to vector<16xi32>
      %and3A_2551 = arith.andi %get3A_2548, %and3A_2550 : vector<16xi32>
      %and3A_2552 = arith.constant 16383 : i32
      %and3A_2553 = vector.broadcast %and3A_2552 : i32 to vector<16xi32>
      %and3A_2554 = arith.andi %get3A_2548, %and3A_2553 : vector<16xi32>
      %mul3A_2555 = arith.constant 4 : i32
      %mul3A_2556 = vector.broadcast %mul3A_2555 : i32 to vector<16xi32>
      %mul3A_2557 = arith.muli %and3A_2554, %mul3A_2556 : vector<16xi32>
      %or3A_2558 = arith.ori %and3A_2551, %mul3A_2557 : vector<16xi32>
      %shift_right_logical3A_2559 = arith.constant 14 : i32
      %shift_right_logical3A_2560 = vector.broadcast %shift_right_logical3A_2559 : i32 to vector<16xi32>
      %shift_right_logical3A_2561 = arith.shrui %get3A_2548, %shift_right_logical3A_2560 : vector<16xi32>
      %and3A_2562 = arith.constant 3 : i32
      %and3A_2563 = vector.broadcast %and3A_2562 : i32 to vector<16xi32>
      %and3A_2564 = arith.andi %shift_right_logical3A_2561, %and3A_2563 : vector<16xi32>
      %or3A_2565 = arith.ori %or3A_2558, %and3A_2564 : vector<16xi32>
      %mul3A_2566 = arith.constant 4 : i32
      %mul3A_2567 = vector.broadcast %mul3A_2566 : i32 to vector<16xi32>
      %mul3A_2568 = arith.muli %iota3A, %mul3A_2567 : vector<16xi32>
      %add3A_2569 = arith.constant 0 : i32
      %add3A_2570 = vector.broadcast %add3A_2569 : i32 to vector<16xi32>
      %add3A_2571 = arith.addi %mul3A_2568, %add3A_2570 : vector<16xi32>
      tpu.vector_store_idx %arg15[%add3A_2571], %or3A_2565 : memref<128xi32, #tpu.memory_space<vmem>>[vector<16xi32>], vector<16xi32>,
      %mul3A_2572 = arith.constant 2 : i32
      %mul3A_2573 = arith.muli %mul3A_2572, %add3A_2539 : i32
      %add3A_2574 = arith.constant 0 : i32
      %add3A_2575 = arith.addi %add3A_2574, %mul3A_2573 : i32
      %add3A_2576 = arith.constant 1 : i32
      %add3A_2577 = arith.addi %add3A_2575, %add3A_2576 : i32
      %get3A_2578 = arith.index_cast %add3A_2577 : i32 to index
      %get3A_2579 = arith.constant 0 : index
      %get3A_2580 = tpu.vector_load %arg5[%get3A_2578, %get3A_2579] {strides = array<i32>} : memref<2048x16xi32, #tpu.memory_space<vmem>>, vector<16xi32>,
      %and3A_2581 = arith.constant -65536 : i32
      %and3A_2582 = vector.broadcast %and3A_2581 : i32 to vector<16xi32>
      %and3A_2583 = arith.andi %get3A_2580, %and3A_2582 : vector<16xi32>
      %and3A_2584 = arith.constant 16383 : i32
      %and3A_2585 = vector.broadcast %and3A_2584 : i32 to vector<16xi32>
      %and3A_2586 = arith.andi %get3A_2580, %and3A_2585 : vector<16xi32>
      %mul3A_2587 = arith.constant 4 : i32
      %mul3A_2588 = vector.broadcast %mul3A_2587 : i32 to vector<16xi32>
      %mul3A_2589 = arith.muli %and3A_2586, %mul3A_2588 : vector<16xi32>
      %or3A_2590 = arith.ori %and3A_2583, %mul3A_2589 : vector<16xi32>
      %shift_right_logical3A_2591 = arith.constant 14 : i32
      %shift_right_logical3A_2592 = vector.broadcast %shift_right_logical3A_2591 : i32 to vector<16xi32>
      %shift_right_logical3A_2593 = arith.shrui %get3A_2580, %shift_right_logical3A_2592 : vector<16xi32>
      %and3A_2594 = arith.constant 3 : i32
      %and3A_2595 = vector.broadcast %and3A_2594 : i32 to vector<16xi32>
      %and3A_2596 = arith.andi %shift_right_logical3A_2593, %and3A_2595 : vector<16xi32>
      %or3A_2597 = arith.ori %or3A_2590, %and3A_2596 : vector<16xi32>
      %mul3A_2598 = arith.constant 4 : i32
      %mul3A_2599 = vector.broadcast %mul3A_2598 : i32 to vector<16xi32>
      %mul3A_2600 = arith.muli %iota3A, %mul3A_2599 : vector<16xi32>
      %add3A_2601 = arith.constant 64 : i32
      %add3A_2602 = vector.broadcast %add3A_2601 : i32 to vector<16xi32>
      %add3A_2603 = arith.addi %mul3A_2600, %add3A_2602 : vector<16xi32>
      tpu.vector_store_idx %arg15[%add3A_2603], %or3A_2597 : memref<128xi32, #tpu.memory_space<vmem>>[vector<16xi32>], vector<16xi32>,
      %mul3A_2604 = arith.constant 2 : i32
      %mul3A_2605 = arith.muli %mul3A_2604, %add3A_2539 : i32
      %add3A_2606 = arith.constant 512 : i32
      %add3A_2607 = arith.addi %add3A_2606, %mul3A_2605 : i32
      %add3A_2608 = arith.constant 0 : i32
      %add3A_2609 = arith.addi %add3A_2607, %add3A_2608 : i32
      %get3A_2610 = arith.index_cast %add3A_2609 : i32 to index
      %get3A_2611 = arith.constant 0 : index
      %get3A_2612 = tpu.vector_load %arg5[%get3A_2610, %get3A_2611] {strides = array<i32>} : memref<2048x16xi32, #tpu.memory_space<vmem>>, vector<16xi32>,
      %and3A_2613 = arith.constant -65536 : i32
      %and3A_2614 = vector.broadcast %and3A_2613 : i32 to vector<16xi32>
      %and3A_2615 = arith.andi %get3A_2612, %and3A_2614 : vector<16xi32>
      %and3A_2616 = arith.constant 16383 : i32
      %and3A_2617 = vector.broadcast %and3A_2616 : i32 to vector<16xi32>
      %and3A_2618 = arith.andi %get3A_2612, %and3A_2617 : vector<16xi32>
      %mul3A_2619 = arith.constant 4 : i32
      %mul3A_2620 = vector.broadcast %mul3A_2619 : i32 to vector<16xi32>
      %mul3A_2621 = arith.muli %and3A_2618, %mul3A_2620 : vector<16xi32>
      %or3A_2622 = arith.ori %and3A_2615, %mul3A_2621 : vector<16xi32>
      %shift_right_logical3A_2623 = arith.constant 14 : i32
      %shift_right_logical3A_2624 = vector.broadcast %shift_right_logical3A_2623 : i32 to vector<16xi32>
      %shift_right_logical3A_2625 = arith.shrui %get3A_2612, %shift_right_logical3A_2624 : vector<16xi32>
      %and3A_2626 = arith.constant 3 : i32
      %and3A_2627 = vector.broadcast %and3A_2626 : i32 to vector<16xi32>
      %and3A_2628 = arith.andi %shift_right_logical3A_2625, %and3A_2627 : vector<16xi32>
      %or3A_2629 = arith.ori %or3A_2622, %and3A_2628 : vector<16xi32>
      %mul3A_2630 = arith.constant 4 : i32
      %mul3A_2631 = vector.broadcast %mul3A_2630 : i32 to vector<16xi32>
      %mul3A_2632 = arith.muli %iota3A, %mul3A_2631 : vector<16xi32>
      %add3A_2633 = arith.constant 1 : i32
      %add3A_2634 = vector.broadcast %add3A_2633 : i32 to vector<16xi32>
      %add3A_2635 = arith.addi %mul3A_2632, %add3A_2634 : vector<16xi32>
      tpu.vector_store_idx %arg15[%add3A_2635], %or3A_2629 : memref<128xi32, #tpu.memory_space<vmem>>[vector<16xi32>], vector<16xi32>,
      %mul3A_2636 = arith.constant 2 : i32
      %mul3A_2637 = arith.muli %mul3A_2636, %add3A_2539 : i32
      %add3A_2638 = arith.constant 512 : i32
      %add3A_2639 = arith.addi %add3A_2638, %mul3A_2637 : i32
      %add3A_2640 = arith.constant 1 : i32
      %add3A_2641 = arith.addi %add3A_2639, %add3A_2640 : i32
      %get3A_2642 = arith.index_cast %add3A_2641 : i32 to index
      %get3A_2643 = arith.constant 0 : index
      %get3A_2644 = tpu.vector_load %arg5[%get3A_2642, %get3A_2643] {strides = array<i32>} : memref<2048x16xi32, #tpu.memory_space<vmem>>, vector<16xi32>,
      %and3A_2645 = arith.constant -65536 : i32
      %and3A_2646 = vector.broadcast %and3A_2645 : i32 to vector<16xi32>
      %and3A_2647 = arith.andi %get3A_2644, %and3A_2646 : vector<16xi32>
      %and3A_2648 = arith.constant 16383 : i32
      %and3A_2649 = vector.broadcast %and3A_2648 : i32 to vector<16xi32>
      %and3A_2650 = arith.andi %get3A_2644, %and3A_2649 : vector<16xi32>
      %mul3A_2651 = arith.constant 4 : i32
      %mul3A_2652 = vector.broadcast %mul3A_2651 : i32 to vector<16xi32>
      %mul3A_2653 = arith.muli %and3A_2650, %mul3A_2652 : vector<16xi32>
      %or3A_2654 = arith.ori %and3A_2647, %mul3A_2653 : vector<16xi32>
      %shift_right_logical3A_2655 = arith.constant 14 : i32
      %shift_right_logical3A_2656 = vector.broadcast %shift_right_logical3A_2655 : i32 to vector<16xi32>
      %shift_right_logical3A_2657 = arith.shrui %get3A_2644, %shift_right_logical3A_2656 : vector<16xi32>
      %and3A_2658 = arith.constant 3 : i32
      %and3A_2659 = vector.broadcast %and3A_2658 : i32 to vector<16xi32>
      %and3A_2660 = arith.andi %shift_right_logical3A_2657, %and3A_2659 : vector<16xi32>
      %or3A_2661 = arith.ori %or3A_2654, %and3A_2660 : vector<16xi32>
      %mul3A_2662 = arith.constant 4 : i32
      %mul3A_2663 = vector.broadcast %mul3A_2662 : i32 to vector<16xi32>
      %mul3A_2664 = arith.muli %iota3A, %mul3A_2663 : vector<16xi32>
      %add3A_2665 = arith.constant 65 : i32
      %add3A_2666 = vector.broadcast %add3A_2665 : i32 to vector<16xi32>
      %add3A_2667 = arith.addi %mul3A_2664, %add3A_2666 : vector<16xi32>
      tpu.vector_store_idx %arg15[%add3A_2667], %or3A_2661 : memref<128xi32, #tpu.memory_space<vmem>>[vector<16xi32>], vector<16xi32>,
      %mul3A_2668 = arith.constant 2 : i32
      %mul3A_2669 = arith.muli %mul3A_2668, %add3A_2539 : i32
      %add3A_2670 = arith.constant 1024 : i32
      %add3A_2671 = arith.addi %add3A_2670, %mul3A_2669 : i32
      %add3A_2672 = arith.constant 0 : i32
      %add3A_2673 = arith.addi %add3A_2671, %add3A_2672 : i32
      %get3A_2674 = arith.index_cast %add3A_2673 : i32 to index
      %get3A_2675 = arith.constant 0 : index
      %get3A_2676 = tpu.vector_load %arg5[%get3A_2674, %get3A_2675] {strides = array<i32>} : memref<2048x16xi32, #tpu.memory_space<vmem>>, vector<16xi32>,
      %and3A_2677 = arith.constant -65536 : i32
      %and3A_2678 = vector.broadcast %and3A_2677 : i32 to vector<16xi32>
      %and3A_2679 = arith.andi %get3A_2676, %and3A_2678 : vector<16xi32>
      %and3A_2680 = arith.constant 16383 : i32
      %and3A_2681 = vector.broadcast %and3A_2680 : i32 to vector<16xi32>
      %and3A_2682 = arith.andi %get3A_2676, %and3A_2681 : vector<16xi32>
      %mul3A_2683 = arith.constant 4 : i32
      %mul3A_2684 = vector.broadcast %mul3A_2683 : i32 to vector<16xi32>
      %mul3A_2685 = arith.muli %and3A_2682, %mul3A_2684 : vector<16xi32>
      %or3A_2686 = arith.ori %and3A_2679, %mul3A_2685 : vector<16xi32>
      %shift_right_logical3A_2687 = arith.constant 14 : i32
      %shift_right_logical3A_2688 = vector.broadcast %shift_right_logical3A_2687 : i32 to vector<16xi32>
      %shift_right_logical3A_2689 = arith.shrui %get3A_2676, %shift_right_logical3A_2688 : vector<16xi32>
      %and3A_2690 = arith.constant 3 : i32
      %and3A_2691 = vector.broadcast %and3A_2690 : i32 to vector<16xi32>
      %and3A_2692 = arith.andi %shift_right_logical3A_2689, %and3A_2691 : vector<16xi32>
      %or3A_2693 = arith.ori %or3A_2686, %and3A_2692 : vector<16xi32>
      %mul3A_2694 = arith.constant 4 : i32
      %mul3A_2695 = vector.broadcast %mul3A_2694 : i32 to vector<16xi32>
      %mul3A_2696 = arith.muli %iota3A, %mul3A_2695 : vector<16xi32>
      %add3A_2697 = arith.constant 2 : i32
      %add3A_2698 = vector.broadcast %add3A_2697 : i32 to vector<16xi32>
      %add3A_2699 = arith.addi %mul3A_2696, %add3A_2698 : vector<16xi32>
      tpu.vector_store_idx %arg15[%add3A_2699], %or3A_2693 : memref<128xi32, #tpu.memory_space<vmem>>[vector<16xi32>], vector<16xi32>,
      %mul3A_2700 = arith.constant 2 : i32
      %mul3A_2701 = arith.muli %mul3A_2700, %add3A_2539 : i32
      %add3A_2702 = arith.constant 1024 : i32
      %add3A_2703 = arith.addi %add3A_2702, %mul3A_2701 : i32
      %add3A_2704 = arith.constant 1 : i32
      %add3A_2705 = arith.addi %add3A_2703, %add3A_2704 : i32
      %get3A_2706 = arith.index_cast %add3A_2705 : i32 to index
      %get3A_2707 = arith.constant 0 : index
      %get3A_2708 = tpu.vector_load %arg5[%get3A_2706, %get3A_2707] {strides = array<i32>} : memref<2048x16xi32, #tpu.memory_space<vmem>>, vector<16xi32>,
      %and3A_2709 = arith.constant -65536 : i32
      %and3A_2710 = vector.broadcast %and3A_2709 : i32 to vector<16xi32>
      %and3A_2711 = arith.andi %get3A_2708, %and3A_2710 : vector<16xi32>
      %and3A_2712 = arith.constant 16383 : i32
      %and3A_2713 = vector.broadcast %and3A_2712 : i32 to vector<16xi32>
      %and3A_2714 = arith.andi %get3A_2708, %and3A_2713 : vector<16xi32>
      %mul3A_2715 = arith.constant 4 : i32
      %mul3A_2716 = vector.broadcast %mul3A_2715 : i32 to vector<16xi32>
      %mul3A_2717 = arith.muli %and3A_2714, %mul3A_2716 : vector<16xi32>
      %or3A_2718 = arith.ori %and3A_2711, %mul3A_2717 : vector<16xi32>
      %shift_right_logical3A_2719 = arith.constant 14 : i32
      %shift_right_logical3A_2720 = vector.broadcast %shift_right_logical3A_2719 : i32 to vector<16xi32>
      %shift_right_logical3A_2721 = arith.shrui %get3A_2708, %shift_right_logical3A_2720 : vector<16xi32>
      %and3A_2722 = arith.constant 3 : i32
      %and3A_2723 = vector.broadcast %and3A_2722 : i32 to vector<16xi32>
      %and3A_2724 = arith.andi %shift_right_logical3A_2721, %and3A_2723 : vector<16xi32>
      %or3A_2725 = arith.ori %or3A_2718, %and3A_2724 : vector<16xi32>
      %mul3A_2726 = arith.constant 4 : i32
      %mul3A_2727 = vector.broadcast %mul3A_2726 : i32 to vector<16xi32>
      %mul3A_2728 = arith.muli %iota3A, %mul3A_2727 : vector<16xi32>
      %add3A_2729 = arith.constant 66 : i32
      %add3A_2730 = vector.broadcast %add3A_2729 : i32 to vector<16xi32>
      %add3A_2731 = arith.addi %mul3A_2728, %add3A_2730 : vector<16xi32>
      tpu.vector_store_idx %arg15[%add3A_2731], %or3A_2725 : memref<128xi32, #tpu.memory_space<vmem>>[vector<16xi32>], vector<16xi32>,
      %mul3A_2732 = arith.constant 2 : i32
      %mul3A_2733 = arith.muli %mul3A_2732, %add3A_2539 : i32
      %add3A_2734 = arith.constant 1536 : i32
      %add3A_2735 = arith.addi %add3A_2734, %mul3A_2733 : i32
      %add3A_2736 = arith.constant 0 : i32
      %add3A_2737 = arith.addi %add3A_2735, %add3A_2736 : i32
      %get3A_2738 = arith.index_cast %add3A_2737 : i32 to index
      %get3A_2739 = arith.constant 0 : index
      %get3A_2740 = tpu.vector_load %arg5[%get3A_2738, %get3A_2739] {strides = array<i32>} : memref<2048x16xi32, #tpu.memory_space<vmem>>, vector<16xi32>,
      %and3A_2741 = arith.constant -65536 : i32
      %and3A_2742 = vector.broadcast %and3A_2741 : i32 to vector<16xi32>
      %and3A_2743 = arith.andi %get3A_2740, %and3A_2742 : vector<16xi32>
      %and3A_2744 = arith.constant 16383 : i32
      %and3A_2745 = vector.broadcast %and3A_2744 : i32 to vector<16xi32>
      %and3A_2746 = arith.andi %get3A_2740, %and3A_2745 : vector<16xi32>
      %mul3A_2747 = arith.constant 4 : i32
      %mul3A_2748 = vector.broadcast %mul3A_2747 : i32 to vector<16xi32>
      %mul3A_2749 = arith.muli %and3A_2746, %mul3A_2748 : vector<16xi32>
      %or3A_2750 = arith.ori %and3A_2743, %mul3A_2749 : vector<16xi32>
      %shift_right_logical3A_2751 = arith.constant 14 : i32
      %shift_right_logical3A_2752 = vector.broadcast %shift_right_logical3A_2751 : i32 to vector<16xi32>
      %shift_right_logical3A_2753 = arith.shrui %get3A_2740, %shift_right_logical3A_2752 : vector<16xi32>
      %and3A_2754 = arith.constant 3 : i32
      %and3A_2755 = vector.broadcast %and3A_2754 : i32 to vector<16xi32>
      %and3A_2756 = arith.andi %shift_right_logical3A_2753, %and3A_2755 : vector<16xi32>
      %or3A_2757 = arith.ori %or3A_2750, %and3A_2756 : vector<16xi32>
      %mul3A_2758 = arith.constant 4 : i32
      %mul3A_2759 = vector.broadcast %mul3A_2758 : i32 to vector<16xi32>
      %mul3A_2760 = arith.muli %iota3A, %mul3A_2759 : vector<16xi32>
      %add3A_2761 = arith.constant 3 : i32
      %add3A_2762 = vector.broadcast %add3A_2761 : i32 to vector<16xi32>
      %add3A_2763 = arith.addi %mul3A_2760, %add3A_2762 : vector<16xi32>
      tpu.vector_store_idx %arg15[%add3A_2763], %or3A_2757 : memref<128xi32, #tpu.memory_space<vmem>>[vector<16xi32>], vector<16xi32>,
      %mul3A_2764 = arith.constant 2 : i32
      %mul3A_2765 = arith.muli %mul3A_2764, %add3A_2539 : i32
      %add3A_2766 = arith.constant 1536 : i32
      %add3A_2767 = arith.addi %add3A_2766, %mul3A_2765 : i32
      %add3A_2768 = arith.constant 1 : i32
      %add3A_2769 = arith.addi %add3A_2767, %add3A_2768 : i32
      %get3A_2770 = arith.index_cast %add3A_2769 : i32 to index
      %get3A_2771 = arith.constant 0 : index
      %get3A_2772 = tpu.vector_load %arg5[%get3A_2770, %get3A_2771] {strides = array<i32>} : memref<2048x16xi32, #tpu.memory_space<vmem>>, vector<16xi32>,
      %and3A_2773 = arith.constant -65536 : i32
      %and3A_2774 = vector.broadcast %and3A_2773 : i32 to vector<16xi32>
      %and3A_2775 = arith.andi %get3A_2772, %and3A_2774 : vector<16xi32>
      %and3A_2776 = arith.constant 16383 : i32
      %and3A_2777 = vector.broadcast %and3A_2776 : i32 to vector<16xi32>
      %and3A_2778 = arith.andi %get3A_2772, %and3A_2777 : vector<16xi32>
      %mul3A_2779 = arith.constant 4 : i32
      %mul3A_2780 = vector.broadcast %mul3A_2779 : i32 to vector<16xi32>
      %mul3A_2781 = arith.muli %and3A_2778, %mul3A_2780 : vector<16xi32>
      %or3A_2782 = arith.ori %and3A_2775, %mul3A_2781 : vector<16xi32>
      %shift_right_logical3A_2783 = arith.constant 14 : i32
      %shift_right_logical3A_2784 = vector.broadcast %shift_right_logical3A_2783 : i32 to vector<16xi32>
      %shift_right_logical3A_2785 = arith.shrui %get3A_2772, %shift_right_logical3A_2784 : vector<16xi32>
      %and3A_2786 = arith.constant 3 : i32
      %and3A_2787 = vector.broadcast %and3A_2786 : i32 to vector<16xi32>
      %and3A_2788 = arith.andi %shift_right_logical3A_2785, %and3A_2787 : vector<16xi32>
      %or3A_2789 = arith.ori %or3A_2782, %and3A_2788 : vector<16xi32>
      %mul3A_2790 = arith.constant 4 : i32
      %mul3A_2791 = vector.broadcast %mul3A_2790 : i32 to vector<16xi32>
      %mul3A_2792 = arith.muli %iota3A, %mul3A_2791 : vector<16xi32>
      %add3A_2793 = arith.constant 67 : i32
      %add3A_2794 = vector.broadcast %add3A_2793 : i32 to vector<16xi32>
      %add3A_2795 = arith.addi %mul3A_2792, %add3A_2794 : vector<16xi32>
      tpu.vector_store_idx %arg15[%add3A_2795], %or3A_2789 : memref<128xi32, #tpu.memory_space<vmem>>[vector<16xi32>], vector<16xi32>,
      %mul3A_2796 = arith.constant 8 : i32
      %mul3A_2797 = arith.muli %add3A_2275, %mul3A_2796 : i32
      %add3A_2798 = arith.constant 2 : i32
      %add3A_2799 = arith.addi %mul3A_2797, %add3A_2798 : i32
      %mul3A_2800 = arith.constant 2 : i32
      %mul3A_2801 = arith.muli %mul3A_2800, %add3A_2799 : i32
      %add3A_2802 = arith.constant 0 : i32
      %add3A_2803 = arith.addi %add3A_2802, %mul3A_2801 : i32
      %add3A_2804 = arith.constant 0 : i32
      %add3A_2805 = arith.addi %add3A_2803, %add3A_2804 : i32
      %get3A_2806 = arith.index_cast %add3A_2805 : i32 to index
      %get3A_2807 = arith.constant 0 : index
      %get3A_2808 = tpu.vector_load %arg5[%get3A_2806, %get3A_2807] {strides = array<i32>} : memref<2048x16xi32, #tpu.memory_space<vmem>>, vector<16xi32>,
      %and3A_2809 = arith.constant -65536 : i32
      %and3A_2810 = vector.broadcast %and3A_2809 : i32 to vector<16xi32>
      %and3A_2811 = arith.andi %get3A_2808, %and3A_2810 : vector<16xi32>
      %and3A_2812 = arith.constant 16383 : i32
      %and3A_2813 = vector.broadcast %and3A_2812 : i32 to vector<16xi32>
      %and3A_2814 = arith.andi %get3A_2808, %and3A_2813 : vector<16xi32>
      %mul3A_2815 = arith.constant 4 : i32
      %mul3A_2816 = vector.broadcast %mul3A_2815 : i32 to vector<16xi32>
      %mul3A_2817 = arith.muli %and3A_2814, %mul3A_2816 : vector<16xi32>
      %or3A_2818 = arith.ori %and3A_2811, %mul3A_2817 : vector<16xi32>
      %shift_right_logical3A_2819 = arith.constant 14 : i32
      %shift_right_logical3A_2820 = vector.broadcast %shift_right_logical3A_2819 : i32 to vector<16xi32>
      %shift_right_logical3A_2821 = arith.shrui %get3A_2808, %shift_right_logical3A_2820 : vector<16xi32>
      %and3A_2822 = arith.constant 3 : i32
      %and3A_2823 = vector.broadcast %and3A_2822 : i32 to vector<16xi32>
      %and3A_2824 = arith.andi %shift_right_logical3A_2821, %and3A_2823 : vector<16xi32>
      %or3A_2825 = arith.ori %or3A_2818, %and3A_2824 : vector<16xi32>
      %mul3A_2826 = arith.constant 4 : i32
      %mul3A_2827 = vector.broadcast %mul3A_2826 : i32 to vector<16xi32>
      %mul3A_2828 = arith.muli %iota3A, %mul3A_2827 : vector<16xi32>
      %add3A_2829 = arith.constant 0 : i32
      %add3A_2830 = vector.broadcast %add3A_2829 : i32 to vector<16xi32>
      %add3A_2831 = arith.addi %mul3A_2828, %add3A_2830 : vector<16xi32>
      tpu.vector_store_idx %arg16[%add3A_2831], %or3A_2825 : memref<128xi32, #tpu.memory_space<vmem>>[vector<16xi32>], vector<16xi32>,
      %mul3A_2832 = arith.constant 2 : i32
      %mul3A_2833 = arith.muli %mul3A_2832, %add3A_2799 : i32
      %add3A_2834 = arith.constant 0 : i32
      %add3A_2835 = arith.addi %add3A_2834, %mul3A_2833 : i32
      %add3A_2836 = arith.constant 1 : i32
      %add3A_2837 = arith.addi %add3A_2835, %add3A_2836 : i32
      %get3A_2838 = arith.index_cast %add3A_2837 : i32 to index
      %get3A_2839 = arith.constant 0 : index
      %get3A_2840 = tpu.vector_load %arg5[%get3A_2838, %get3A_2839] {strides = array<i32>} : memref<2048x16xi32, #tpu.memory_space<vmem>>, vector<16xi32>,
      %and3A_2841 = arith.constant -65536 : i32
      %and3A_2842 = vector.broadcast %and3A_2841 : i32 to vector<16xi32>
      %and3A_2843 = arith.andi %get3A_2840, %and3A_2842 : vector<16xi32>
      %and3A_2844 = arith.constant 16383 : i32
      %and3A_2845 = vector.broadcast %and3A_2844 : i32 to vector<16xi32>
      %and3A_2846 = arith.andi %get3A_2840, %and3A_2845 : vector<16xi32>
      %mul3A_2847 = arith.constant 4 : i32
      %mul3A_2848 = vector.broadcast %mul3A_2847 : i32 to vector<16xi32>
      %mul3A_2849 = arith.muli %and3A_2846, %mul3A_2848 : vector<16xi32>
      %or3A_2850 = arith.ori %and3A_2843, %mul3A_2849 : vector<16xi32>
      %shift_right_logical3A_2851 = arith.constant 14 : i32
      %shift_right_logical3A_2852 = vector.broadcast %shift_right_logical3A_2851 : i32 to vector<16xi32>
      %shift_right_logical3A_2853 = arith.shrui %get3A_2840, %shift_right_logical3A_2852 : vector<16xi32>
      %and3A_2854 = arith.constant 3 : i32
      %and3A_2855 = vector.broadcast %and3A_2854 : i32 to vector<16xi32>
      %and3A_2856 = arith.andi %shift_right_logical3A_2853, %and3A_2855 : vector<16xi32>
      %or3A_2857 = arith.ori %or3A_2850, %and3A_2856 : vector<16xi32>
      %mul3A_2858 = arith.constant 4 : i32
      %mul3A_2859 = vector.broadcast %mul3A_2858 : i32 to vector<16xi32>
      %mul3A_2860 = arith.muli %iota3A, %mul3A_2859 : vector<16xi32>
      %add3A_2861 = arith.constant 64 : i32
      %add3A_2862 = vector.broadcast %add3A_2861 : i32 to vector<16xi32>
      %add3A_2863 = arith.addi %mul3A_2860, %add3A_2862 : vector<16xi32>
      tpu.vector_store_idx %arg16[%add3A_2863], %or3A_2857 : memref<128xi32, #tpu.memory_space<vmem>>[vector<16xi32>], vector<16xi32>,
      %mul3A_2864 = arith.constant 2 : i32
      %mul3A_2865 = arith.muli %mul3A_2864, %add3A_2799 : i32
      %add3A_2866 = arith.constant 512 : i32
      %add3A_2867 = arith.addi %add3A_2866, %mul3A_2865 : i32
      %add3A_2868 = arith.constant 0 : i32
      %add3A_2869 = arith.addi %add3A_2867, %add3A_2868 : i32
      %get3A_2870 = arith.index_cast %add3A_2869 : i32 to index
      %get3A_2871 = arith.constant 0 : index
      %get3A_2872 = tpu.vector_load %arg5[%get3A_2870, %get3A_2871] {strides = array<i32>} : memref<2048x16xi32, #tpu.memory_space<vmem>>, vector<16xi32>,
      %and3A_2873 = arith.constant -65536 : i32
      %and3A_2874 = vector.broadcast %and3A_2873 : i32 to vector<16xi32>
      %and3A_2875 = arith.andi %get3A_2872, %and3A_2874 : vector<16xi32>
      %and3A_2876 = arith.constant 16383 : i32
      %and3A_2877 = vector.broadcast %and3A_2876 : i32 to vector<16xi32>
      %and3A_2878 = arith.andi %get3A_2872, %and3A_2877 : vector<16xi32>
      %mul3A_2879 = arith.constant 4 : i32
      %mul3A_2880 = vector.broadcast %mul3A_2879 : i32 to vector<16xi32>
      %mul3A_2881 = arith.muli %and3A_2878, %mul3A_2880 : vector<16xi32>
      %or3A_2882 = arith.ori %and3A_2875, %mul3A_2881 : vector<16xi32>
      %shift_right_logical3A_2883 = arith.constant 14 : i32
      %shift_right_logical3A_2884 = vector.broadcast %shift_right_logical3A_2883 : i32 to vector<16xi32>
      %shift_right_logical3A_2885 = arith.shrui %get3A_2872, %shift_right_logical3A_2884 : vector<16xi32>
      %and3A_2886 = arith.constant 3 : i32
      %and3A_2887 = vector.broadcast %and3A_2886 : i32 to vector<16xi32>
      %and3A_2888 = arith.andi %shift_right_logical3A_2885, %and3A_2887 : vector<16xi32>
      %or3A_2889 = arith.ori %or3A_2882, %and3A_2888 : vector<16xi32>
      %mul3A_2890 = arith.constant 4 : i32
      %mul3A_2891 = vector.broadcast %mul3A_2890 : i32 to vector<16xi32>
      %mul3A_2892 = arith.muli %iota3A, %mul3A_2891 : vector<16xi32>
      %add3A_2893 = arith.constant 1 : i32
      %add3A_2894 = vector.broadcast %add3A_2893 : i32 to vector<16xi32>
      %add3A_2895 = arith.addi %mul3A_2892, %add3A_2894 : vector<16xi32>
      tpu.vector_store_idx %arg16[%add3A_2895], %or3A_2889 : memref<128xi32, #tpu.memory_space<vmem>>[vector<16xi32>], vector<16xi32>,
      %mul3A_2896 = arith.constant 2 : i32
      %mul3A_2897 = arith.muli %mul3A_2896, %add3A_2799 : i32
      %add3A_2898 = arith.constant 512 : i32
      %add3A_2899 = arith.addi %add3A_2898, %mul3A_2897 : i32
      %add3A_2900 = arith.constant 1 : i32
      %add3A_2901 = arith.addi %add3A_2899, %add3A_2900 : i32
      %get3A_2902 = arith.index_cast %add3A_2901 : i32 to index
      %get3A_2903 = arith.constant 0 : index
      %get3A_2904 = tpu.vector_load %arg5[%get3A_2902, %get3A_2903] {strides = array<i32>} : memref<2048x16xi32, #tpu.memory_space<vmem>>, vector<16xi32>,
      %and3A_2905 = arith.constant -65536 : i32
      %and3A_2906 = vector.broadcast %and3A_2905 : i32 to vector<16xi32>
      %and3A_2907 = arith.andi %get3A_2904, %and3A_2906 : vector<16xi32>
      %and3A_2908 = arith.constant 16383 : i32
      %and3A_2909 = vector.broadcast %and3A_2908 : i32 to vector<16xi32>
      %and3A_2910 = arith.andi %get3A_2904, %and3A_2909 : vector<16xi32>
      %mul3A_2911 = arith.constant 4 : i32
      %mul3A_2912 = vector.broadcast %mul3A_2911 : i32 to vector<16xi32>
      %mul3A_2913 = arith.muli %and3A_2910, %mul3A_2912 : vector<16xi32>
      %or3A_2914 = arith.ori %and3A_2907, %mul3A_2913 : vector<16xi32>
      %shift_right_logical3A_2915 = arith.constant 14 : i32
      %shift_right_logical3A_2916 = vector.broadcast %shift_right_logical3A_2915 : i32 to vector<16xi32>
      %shift_right_logical3A_2917 = arith.shrui %get3A_2904, %shift_right_logical3A_2916 : vector<16xi32>
      %and3A_2918 = arith.constant 3 : i32
      %and3A_2919 = vector.broadcast %and3A_2918 : i32 to vector<16xi32>
      %and3A_2920 = arith.andi %shift_right_logical3A_2917, %and3A_2919 : vector<16xi32>
      %or3A_2921 = arith.ori %or3A_2914, %and3A_2920 : vector<16xi32>
      %mul3A_2922 = arith.constant 4 : i32
      %mul3A_2923 = vector.broadcast %mul3A_2922 : i32 to vector<16xi32>
      %mul3A_2924 = arith.muli %iota3A, %mul3A_2923 : vector<16xi32>
      %add3A_2925 = arith.constant 65 : i32
      %add3A_2926 = vector.broadcast %add3A_2925 : i32 to vector<16xi32>
      %add3A_2927 = arith.addi %mul3A_2924, %add3A_2926 : vector<16xi32>
      tpu.vector_store_idx %arg16[%add3A_2927], %or3A_2921 : memref<128xi32, #tpu.memory_space<vmem>>[vector<16xi32>], vector<16xi32>,
      %mul3A_2928 = arith.constant 2 : i32
      %mul3A_2929 = arith.muli %mul3A_2928, %add3A_2799 : i32
      %add3A_2930 = arith.constant 1024 : i32
      %add3A_2931 = arith.addi %add3A_2930, %mul3A_2929 : i32
      %add3A_2932 = arith.constant 0 : i32
      %add3A_2933 = arith.addi %add3A_2931, %add3A_2932 : i32
      %get3A_2934 = arith.index_cast %add3A_2933 : i32 to index
      %get3A_2935 = arith.constant 0 : index
      %get3A_2936 = tpu.vector_load %arg5[%get3A_2934, %get3A_2935] {strides = array<i32>} : memref<2048x16xi32, #tpu.memory_space<vmem>>, vector<16xi32>,
      %and3A_2937 = arith.constant -65536 : i32
      %and3A_2938 = vector.broadcast %and3A_2937 : i32 to vector<16xi32>
      %and3A_2939 = arith.andi %get3A_2936, %and3A_2938 : vector<16xi32>
      %and3A_2940 = arith.constant 16383 : i32
      %and3A_2941 = vector.broadcast %and3A_2940 : i32 to vector<16xi32>
      %and3A_2942 = arith.andi %get3A_2936, %and3A_2941 : vector<16xi32>
      %mul3A_2943 = arith.constant 4 : i32
      %mul3A_2944 = vector.broadcast %mul3A_2943 : i32 to vector<16xi32>
      %mul3A_2945 = arith.muli %and3A_2942, %mul3A_2944 : vector<16xi32>
      %or3A_2946 = arith.ori %and3A_2939, %mul3A_2945 : vector<16xi32>
      %shift_right_logical3A_2947 = arith.constant 14 : i32
      %shift_right_logical3A_2948 = vector.broadcast %shift_right_logical3A_2947 : i32 to vector<16xi32>
      %shift_right_logical3A_2949 = arith.shrui %get3A_2936, %shift_right_logical3A_2948 : vector<16xi32>
      %and3A_2950 = arith.constant 3 : i32
      %and3A_2951 = vector.broadcast %and3A_2950 : i32 to vector<16xi32>
      %and3A_2952 = arith.andi %shift_right_logical3A_2949, %and3A_2951 : vector<16xi32>
      %or3A_2953 = arith.ori %or3A_2946, %and3A_2952 : vector<16xi32>
      %mul3A_2954 = arith.constant 4 : i32
      %mul3A_2955 = vector.broadcast %mul3A_2954 : i32 to vector<16xi32>
      %mul3A_2956 = arith.muli %iota3A, %mul3A_2955 : vector<16xi32>
      %add3A_2957 = arith.constant 2 : i32
      %add3A_2958 = vector.broadcast %add3A_2957 : i32 to vector<16xi32>
      %add3A_2959 = arith.addi %mul3A_2956, %add3A_2958 : vector<16xi32>
      tpu.vector_store_idx %arg16[%add3A_2959], %or3A_2953 : memref<128xi32, #tpu.memory_space<vmem>>[vector<16xi32>], vector<16xi32>,
      %mul3A_2960 = arith.constant 2 : i32
      %mul3A_2961 = arith.muli %mul3A_2960, %add3A_2799 : i32
      %add3A_2962 = arith.constant 1024 : i32
      %add3A_2963 = arith.addi %add3A_2962, %mul3A_2961 : i32
      %add3A_2964 = arith.constant 1 : i32
      %add3A_2965 = arith.addi %add3A_2963, %add3A_2964 : i32
      %get3A_2966 = arith.index_cast %add3A_2965 : i32 to index
      %get3A_2967 = arith.constant 0 : index
      %get3A_2968 = tpu.vector_load %arg5[%get3A_2966, %get3A_2967] {strides = array<i32>} : memref<2048x16xi32, #tpu.memory_space<vmem>>, vector<16xi32>,
      %and3A_2969 = arith.constant -65536 : i32
      %and3A_2970 = vector.broadcast %and3A_2969 : i32 to vector<16xi32>
      %and3A_2971 = arith.andi %get3A_2968, %and3A_2970 : vector<16xi32>
      %and3A_2972 = arith.constant 16383 : i32
      %and3A_2973 = vector.broadcast %and3A_2972 : i32 to vector<16xi32>
      %and3A_2974 = arith.andi %get3A_2968, %and3A_2973 : vector<16xi32>
      %mul3A_2975 = arith.constant 4 : i32
      %mul3A_2976 = vector.broadcast %mul3A_2975 : i32 to vector<16xi32>
      %mul3A_2977 = arith.muli %and3A_2974, %mul3A_2976 : vector<16xi32>
      %or3A_2978 = arith.ori %and3A_2971, %mul3A_2977 : vector<16xi32>
      %shift_right_logical3A_2979 = arith.constant 14 : i32
      %shift_right_logical3A_2980 = vector.broadcast %shift_right_logical3A_2979 : i32 to vector<16xi32>
      %shift_right_logical3A_2981 = arith.shrui %get3A_2968, %shift_right_logical3A_2980 : vector<16xi32>
      %and3A_2982 = arith.constant 3 : i32
      %and3A_2983 = vector.broadcast %and3A_2982 : i32 to vector<16xi32>
      %and3A_2984 = arith.andi %shift_right_logical3A_2981, %and3A_2983 : vector<16xi32>
      %or3A_2985 = arith.ori %or3A_2978, %and3A_2984 : vector<16xi32>
      %mul3A_2986 = arith.constant 4 : i32
      %mul3A_2987 = vector.broadcast %mul3A_2986 : i32 to vector<16xi32>
      %mul3A_2988 = arith.muli %iota3A, %mul3A_2987 : vector<16xi32>
      %add3A_2989 = arith.constant 66 : i32
      %add3A_2990 = vector.broadcast %add3A_2989 : i32 to vector<16xi32>
      %add3A_2991 = arith.addi %mul3A_2988, %add3A_2990 : vector<16xi32>
      tpu.vector_store_idx %arg16[%add3A_2991], %or3A_2985 : memref<128xi32, #tpu.memory_space<vmem>>[vector<16xi32>], vector<16xi32>,
      %mul3A_2992 = arith.constant 2 : i32
      %mul3A_2993 = arith.muli %mul3A_2992, %add3A_2799 : i32
      %add3A_2994 = arith.constant 1536 : i32
      %add3A_2995 = arith.addi %add3A_2994, %mul3A_2993 : i32
      %add3A_2996 = arith.constant 0 : i32
      %add3A_2997 = arith.addi %add3A_2995, %add3A_2996 : i32
      %get3A_2998 = arith.index_cast %add3A_2997 : i32 to index
      %get3A_2999 = arith.constant 0 : index
      %get3A_3000 = tpu.vector_load %arg5[%get3A_2998, %get3A_2999] {strides = array<i32>} : memref<2048x16xi32, #tpu.memory_space<vmem>>, vector<16xi32>,
      %and3A_3001 = arith.constant -65536 : i32
      %and3A_3002 = vector.broadcast %and3A_3001 : i32 to vector<16xi32>
      %and3A_3003 = arith.andi %get3A_3000, %and3A_3002 : vector<16xi32>
      %and3A_3004 = arith.constant 16383 : i32
      %and3A_3005 = vector.broadcast %and3A_3004 : i32 to vector<16xi32>
      %and3A_3006 = arith.andi %get3A_3000, %and3A_3005 : vector<16xi32>
      %mul3A_3007 = arith.constant 4 : i32
      %mul3A_3008 = vector.broadcast %mul3A_3007 : i32 to vector<16xi32>
      %mul3A_3009 = arith.muli %and3A_3006, %mul3A_3008 : vector<16xi32>
      %or3A_3010 = arith.ori %and3A_3003, %mul3A_3009 : vector<16xi32>
      %shift_right_logical3A_3011 = arith.constant 14 : i32
      %shift_right_logical3A_3012 = vector.broadcast %shift_right_logical3A_3011 : i32 to vector<16xi32>
      %shift_right_logical3A_3013 = arith.shrui %get3A_3000, %shift_right_logical3A_3012 : vector<16xi32>
      %and3A_3014 = arith.constant 3 : i32
      %and3A_3015 = vector.broadcast %and3A_3014 : i32 to vector<16xi32>
      %and3A_3016 = arith.andi %shift_right_logical3A_3013, %and3A_3015 : vector<16xi32>
      %or3A_3017 = arith.ori %or3A_3010, %and3A_3016 : vector<16xi32>
      %mul3A_3018 = arith.constant 4 : i32
      %mul3A_3019 = vector.broadcast %mul3A_3018 : i32 to vector<16xi32>
      %mul3A_3020 = arith.muli %iota3A, %mul3A_3019 : vector<16xi32>
      %add3A_3021 = arith.constant 3 : i32
      %add3A_3022 = vector.broadcast %add3A_3021 : i32 to vector<16xi32>
      %add3A_3023 = arith.addi %mul3A_3020, %add3A_3022 : vector<16xi32>
      tpu.vector_store_idx %arg16[%add3A_3023], %or3A_3017 : memref<128xi32, #tpu.memory_space<vmem>>[vector<16xi32>], vector<16xi32>,
      %mul3A_3024 = arith.constant 2 : i32
      %mul3A_3025 = arith.muli %mul3A_3024, %add3A_2799 : i32
      %add3A_3026 = arith.constant 1536 : i32
      %add3A_3027 = arith.addi %add3A_3026, %mul3A_3025 : i32
      %add3A_3028 = arith.constant 1 : i32
      %add3A_3029 = arith.addi %add3A_3027, %add3A_3028 : i32
      %get3A_3030 = arith.index_cast %add3A_3029 : i32 to index
      %get3A_3031 = arith.constant 0 : index
      %get3A_3032 = tpu.vector_load %arg5[%get3A_3030, %get3A_3031] {strides = array<i32>} : memref<2048x16xi32, #tpu.memory_space<vmem>>, vector<16xi32>,
      %and3A_3033 = arith.constant -65536 : i32
      %and3A_3034 = vector.broadcast %and3A_3033 : i32 to vector<16xi32>
      %and3A_3035 = arith.andi %get3A_3032, %and3A_3034 : vector<16xi32>
      %and3A_3036 = arith.constant 16383 : i32
      %and3A_3037 = vector.broadcast %and3A_3036 : i32 to vector<16xi32>
      %and3A_3038 = arith.andi %get3A_3032, %and3A_3037 : vector<16xi32>
      %mul3A_3039 = arith.constant 4 : i32
      %mul3A_3040 = vector.broadcast %mul3A_3039 : i32 to vector<16xi32>
      %mul3A_3041 = arith.muli %and3A_3038, %mul3A_3040 : vector<16xi32>
      %or3A_3042 = arith.ori %and3A_3035, %mul3A_3041 : vector<16xi32>
      %shift_right_logical3A_3043 = arith.constant 14 : i32
      %shift_right_logical3A_3044 = vector.broadcast %shift_right_logical3A_3043 : i32 to vector<16xi32>
      %shift_right_logical3A_3045 = arith.shrui %get3A_3032, %shift_right_logical3A_3044 : vector<16xi32>
      %and3A_3046 = arith.constant 3 : i32
      %and3A_3047 = vector.broadcast %and3A_3046 : i32 to vector<16xi32>
      %and3A_3048 = arith.andi %shift_right_logical3A_3045, %and3A_3047 : vector<16xi32>
      %or3A_3049 = arith.ori %or3A_3042, %and3A_3048 : vector<16xi32>
      %mul3A_3050 = arith.constant 4 : i32
      %mul3A_3051 = vector.broadcast %mul3A_3050 : i32 to vector<16xi32>
      %mul3A_3052 = arith.muli %iota3A, %mul3A_3051 : vector<16xi32>
      %add3A_3053 = arith.constant 67 : i32
      %add3A_3054 = vector.broadcast %add3A_3053 : i32 to vector<16xi32>
      %add3A_3055 = arith.addi %mul3A_3052, %add3A_3054 : vector<16xi32>
      tpu.vector_store_idx %arg16[%add3A_3055], %or3A_3049 : memref<128xi32, #tpu.memory_space<vmem>>[vector<16xi32>], vector<16xi32>,
      %mul3A_3056 = arith.constant 8 : i32
      %mul3A_3057 = arith.muli %add3A_2275, %mul3A_3056 : i32
      %add3A_3058 = arith.constant 3 : i32
      %add3A_3059 = arith.addi %mul3A_3057, %add3A_3058 : i32
      %mul3A_3060 = arith.constant 2 : i32
      %mul3A_3061 = arith.muli %mul3A_3060, %add3A_3059 : i32
      %add3A_3062 = arith.constant 0 : i32
      %add3A_3063 = arith.addi %add3A_3062, %mul3A_3061 : i32
      %add3A_3064 = arith.constant 0 : i32
      %add3A_3065 = arith.addi %add3A_3063, %add3A_3064 : i32
      %get3A_3066 = arith.index_cast %add3A_3065 : i32 to index
      %get3A_3067 = arith.constant 0 : index
      %get3A_3068 = tpu.vector_load %arg5[%get3A_3066, %get3A_3067] {strides = array<i32>} : memref<2048x16xi32, #tpu.memory_space<vmem>>, vector<16xi32>,
      %and3A_3069 = arith.constant -65536 : i32
      %and3A_3070 = vector.broadcast %and3A_3069 : i32 to vector<16xi32>
      %and3A_3071 = arith.andi %get3A_3068, %and3A_3070 : vector<16xi32>
      %and3A_3072 = arith.constant 16383 : i32
      %and3A_3073 = vector.broadcast %and3A_3072 : i32 to vector<16xi32>
      %and3A_3074 = arith.andi %get3A_3068, %and3A_3073 : vector<16xi32>
      %mul3A_3075 = arith.constant 4 : i32
      %mul3A_3076 = vector.broadcast %mul3A_3075 : i32 to vector<16xi32>
      %mul3A_3077 = arith.muli %and3A_3074, %mul3A_3076 : vector<16xi32>
      %or3A_3078 = arith.ori %and3A_3071, %mul3A_3077 : vector<16xi32>
      %shift_right_logical3A_3079 = arith.constant 14 : i32
      %shift_right_logical3A_3080 = vector.broadcast %shift_right_logical3A_3079 : i32 to vector<16xi32>
      %shift_right_logical3A_3081 = arith.shrui %get3A_3068, %shift_right_logical3A_3080 : vector<16xi32>
      %and3A_3082 = arith.constant 3 : i32
      %and3A_3083 = vector.broadcast %and3A_3082 : i32 to vector<16xi32>
      %and3A_3084 = arith.andi %shift_right_logical3A_3081, %and3A_3083 : vector<16xi32>
      %or3A_3085 = arith.ori %or3A_3078, %and3A_3084 : vector<16xi32>
      %mul3A_3086 = arith.constant 4 : i32
      %mul3A_3087 = vector.broadcast %mul3A_3086 : i32 to vector<16xi32>
      %mul3A_3088 = arith.muli %iota3A, %mul3A_3087 : vector<16xi32>
      %add3A_3089 = arith.constant 0 : i32
      %add3A_3090 = vector.broadcast %add3A_3089 : i32 to vector<16xi32>
      %add3A_3091 = arith.addi %mul3A_3088, %add3A_3090 : vector<16xi32>
      tpu.vector_store_idx %arg17[%add3A_3091], %or3A_3085 : memref<128xi32, #tpu.memory_space<vmem>>[vector<16xi32>], vector<16xi32>,
      %mul3A_3092 = arith.constant 2 : i32
      %mul3A_3093 = arith.muli %mul3A_3092, %add3A_3059 : i32
      %add3A_3094 = arith.constant 0 : i32
      %add3A_3095 = arith.addi %add3A_3094, %mul3A_3093 : i32
      %add3A_3096 = arith.constant 1 : i32
      %add3A_3097 = arith.addi %add3A_3095, %add3A_3096 : i32
      %get3A_3098 = arith.index_cast %add3A_3097 : i32 to index
      %get3A_3099 = arith.constant 0 : index
      %get3A_3100 = tpu.vector_load %arg5[%get3A_3098, %get3A_3099] {strides = array<i32>} : memref<2048x16xi32, #tpu.memory_space<vmem>>, vector<16xi32>,
      %and3A_3101 = arith.constant -65536 : i32
      %and3A_3102 = vector.broadcast %and3A_3101 : i32 to vector<16xi32>
      %and3A_3103 = arith.andi %get3A_3100, %and3A_3102 : vector<16xi32>
      %and3A_3104 = arith.constant 16383 : i32
      %and3A_3105 = vector.broadcast %and3A_3104 : i32 to vector<16xi32>
      %and3A_3106 = arith.andi %get3A_3100, %and3A_3105 : vector<16xi32>
      %mul3A_3107 = arith.constant 4 : i32
      %mul3A_3108 = vector.broadcast %mul3A_3107 : i32 to vector<16xi32>
      %mul3A_3109 = arith.muli %and3A_3106, %mul3A_3108 : vector<16xi32>
      %or3A_3110 = arith.ori %and3A_3103, %mul3A_3109 : vector<16xi32>
      %shift_right_logical3A_3111 = arith.constant 14 : i32
      %shift_right_logical3A_3112 = vector.broadcast %shift_right_logical3A_3111 : i32 to vector<16xi32>
      %shift_right_logical3A_3113 = arith.shrui %get3A_3100, %shift_right_logical3A_3112 : vector<16xi32>
      %and3A_3114 = arith.constant 3 : i32
      %and3A_3115 = vector.broadcast %and3A_3114 : i32 to vector<16xi32>
      %and3A_3116 = arith.andi %shift_right_logical3A_3113, %and3A_3115 : vector<16xi32>
      %or3A_3117 = arith.ori %or3A_3110, %and3A_3116 : vector<16xi32>
      %mul3A_3118 = arith.constant 4 : i32
      %mul3A_3119 = vector.broadcast %mul3A_3118 : i32 to vector<16xi32>
      %mul3A_3120 = arith.muli %iota3A, %mul3A_3119 : vector<16xi32>
      %add3A_3121 = arith.constant 64 : i32
      %add3A_3122 = vector.broadcast %add3A_3121 : i32 to vector<16xi32>
      %add3A_3123 = arith.addi %mul3A_3120, %add3A_3122 : vector<16xi32>
      tpu.vector_store_idx %arg17[%add3A_3123], %or3A_3117 : memref<128xi32, #tpu.memory_space<vmem>>[vector<16xi32>], vector<16xi32>,
      %mul3A_3124 = arith.constant 2 : i32
      %mul3A_3125 = arith.muli %mul3A_3124, %add3A_3059 : i32
      %add3A_3126 = arith.constant 512 : i32
      %add3A_3127 = arith.addi %add3A_3126, %mul3A_3125 : i32
      %add3A_3128 = arith.constant 0 : i32
      %add3A_3129 = arith.addi %add3A_3127, %add3A_3128 : i32
      %get3A_3130 = arith.index_cast %add3A_3129 : i32 to index
      %get3A_3131 = arith.constant 0 : index
      %get3A_3132 = tpu.vector_load %arg5[%get3A_3130, %get3A_3131] {strides = array<i32>} : memref<2048x16xi32, #tpu.memory_space<vmem>>, vector<16xi32>,
      %and3A_3133 = arith.constant -65536 : i32
      %and3A_3134 = vector.broadcast %and3A_3133 : i32 to vector<16xi32>
      %and3A_3135 = arith.andi %get3A_3132, %and3A_3134 : vector<16xi32>
      %and3A_3136 = arith.constant 16383 : i32
      %and3A_3137 = vector.broadcast %and3A_3136 : i32 to vector<16xi32>
      %and3A_3138 = arith.andi %get3A_3132, %and3A_3137 : vector<16xi32>
      %mul3A_3139 = arith.constant 4 : i32
      %mul3A_3140 = vector.broadcast %mul3A_3139 : i32 to vector<16xi32>
      %mul3A_3141 = arith.muli %and3A_3138, %mul3A_3140 : vector<16xi32>
      %or3A_3142 = arith.ori %and3A_3135, %mul3A_3141 : vector<16xi32>
      %shift_right_logical3A_3143 = arith.constant 14 : i32
      %shift_right_logical3A_3144 = vector.broadcast %shift_right_logical3A_3143 : i32 to vector<16xi32>
      %shift_right_logical3A_3145 = arith.shrui %get3A_3132, %shift_right_logical3A_3144 : vector<16xi32>
      %and3A_3146 = arith.constant 3 : i32
      %and3A_3147 = vector.broadcast %and3A_3146 : i32 to vector<16xi32>
      %and3A_3148 = arith.andi %shift_right_logical3A_3145, %and3A_3147 : vector<16xi32>
      %or3A_3149 = arith.ori %or3A_3142, %and3A_3148 : vector<16xi32>
      %mul3A_3150 = arith.constant 4 : i32
      %mul3A_3151 = vector.broadcast %mul3A_3150 : i32 to vector<16xi32>
      %mul3A_3152 = arith.muli %iota3A, %mul3A_3151 : vector<16xi32>
      %add3A_3153 = arith.constant 1 : i32
      %add3A_3154 = vector.broadcast %add3A_3153 : i32 to vector<16xi32>
      %add3A_3155 = arith.addi %mul3A_3152, %add3A_3154 : vector<16xi32>
      tpu.vector_store_idx %arg17[%add3A_3155], %or3A_3149 : memref<128xi32, #tpu.memory_space<vmem>>[vector<16xi32>], vector<16xi32>,
      %mul3A_3156 = arith.constant 2 : i32
      %mul3A_3157 = arith.muli %mul3A_3156, %add3A_3059 : i32
      %add3A_3158 = arith.constant 512 : i32
      %add3A_3159 = arith.addi %add3A_3158, %mul3A_3157 : i32
      %add3A_3160 = arith.constant 1 : i32
      %add3A_3161 = arith.addi %add3A_3159, %add3A_3160 : i32
      %get3A_3162 = arith.index_cast %add3A_3161 : i32 to index
      %get3A_3163 = arith.constant 0 : index
      %get3A_3164 = tpu.vector_load %arg5[%get3A_3162, %get3A_3163] {strides = array<i32>} : memref<2048x16xi32, #tpu.memory_space<vmem>>, vector<16xi32>,
      %and3A_3165 = arith.constant -65536 : i32
      %and3A_3166 = vector.broadcast %and3A_3165 : i32 to vector<16xi32>
      %and3A_3167 = arith.andi %get3A_3164, %and3A_3166 : vector<16xi32>
      %and3A_3168 = arith.constant 16383 : i32
      %and3A_3169 = vector.broadcast %and3A_3168 : i32 to vector<16xi32>
      %and3A_3170 = arith.andi %get3A_3164, %and3A_3169 : vector<16xi32>
      %mul3A_3171 = arith.constant 4 : i32
      %mul3A_3172 = vector.broadcast %mul3A_3171 : i32 to vector<16xi32>
      %mul3A_3173 = arith.muli %and3A_3170, %mul3A_3172 : vector<16xi32>
      %or3A_3174 = arith.ori %and3A_3167, %mul3A_3173 : vector<16xi32>
      %shift_right_logical3A_3175 = arith.constant 14 : i32
      %shift_right_logical3A_3176 = vector.broadcast %shift_right_logical3A_3175 : i32 to vector<16xi32>
      %shift_right_logical3A_3177 = arith.shrui %get3A_3164, %shift_right_logical3A_3176 : vector<16xi32>
      %and3A_3178 = arith.constant 3 : i32
      %and3A_3179 = vector.broadcast %and3A_3178 : i32 to vector<16xi32>
      %and3A_3180 = arith.andi %shift_right_logical3A_3177, %and3A_3179 : vector<16xi32>
      %or3A_3181 = arith.ori %or3A_3174, %and3A_3180 : vector<16xi32>
      %mul3A_3182 = arith.constant 4 : i32
      %mul3A_3183 = vector.broadcast %mul3A_3182 : i32 to vector<16xi32>
      %mul3A_3184 = arith.muli %iota3A, %mul3A_3183 : vector<16xi32>
      %add3A_3185 = arith.constant 65 : i32
      %add3A_3186 = vector.broadcast %add3A_3185 : i32 to vector<16xi32>
      %add3A_3187 = arith.addi %mul3A_3184, %add3A_3186 : vector<16xi32>
      tpu.vector_store_idx %arg17[%add3A_3187], %or3A_3181 : memref<128xi32, #tpu.memory_space<vmem>>[vector<16xi32>], vector<16xi32>,
      %mul3A_3188 = arith.constant 2 : i32
      %mul3A_3189 = arith.muli %mul3A_3188, %add3A_3059 : i32
      %add3A_3190 = arith.constant 1024 : i32
      %add3A_3191 = arith.addi %add3A_3190, %mul3A_3189 : i32
      %add3A_3192 = arith.constant 0 : i32
      %add3A_3193 = arith.addi %add3A_3191, %add3A_3192 : i32
      %get3A_3194 = arith.index_cast %add3A_3193 : i32 to index
      %get3A_3195 = arith.constant 0 : index
      %get3A_3196 = tpu.vector_load %arg5[%get3A_3194, %get3A_3195] {strides = array<i32>} : memref<2048x16xi32, #tpu.memory_space<vmem>>, vector<16xi32>,
      %and3A_3197 = arith.constant -65536 : i32
      %and3A_3198 = vector.broadcast %and3A_3197 : i32 to vector<16xi32>
      %and3A_3199 = arith.andi %get3A_3196, %and3A_3198 : vector<16xi32>
      %and3A_3200 = arith.constant 16383 : i32
      %and3A_3201 = vector.broadcast %and3A_3200 : i32 to vector<16xi32>
      %and3A_3202 = arith.andi %get3A_3196, %and3A_3201 : vector<16xi32>
      %mul3A_3203 = arith.constant 4 : i32
      %mul3A_3204 = vector.broadcast %mul3A_3203 : i32 to vector<16xi32>
      %mul3A_3205 = arith.muli %and3A_3202, %mul3A_3204 : vector<16xi32>
      %or3A_3206 = arith.ori %and3A_3199, %mul3A_3205 : vector<16xi32>
      %shift_right_logical3A_3207 = arith.constant 14 : i32
      %shift_right_logical3A_3208 = vector.broadcast %shift_right_logical3A_3207 : i32 to vector<16xi32>
      %shift_right_logical3A_3209 = arith.shrui %get3A_3196, %shift_right_logical3A_3208 : vector<16xi32>
      %and3A_3210 = arith.constant 3 : i32
      %and3A_3211 = vector.broadcast %and3A_3210 : i32 to vector<16xi32>
      %and3A_3212 = arith.andi %shift_right_logical3A_3209, %and3A_3211 : vector<16xi32>
      %or3A_3213 = arith.ori %or3A_3206, %and3A_3212 : vector<16xi32>
      %mul3A_3214 = arith.constant 4 : i32
      %mul3A_3215 = vector.broadcast %mul3A_3214 : i32 to vector<16xi32>
      %mul3A_3216 = arith.muli %iota3A, %mul3A_3215 : vector<16xi32>
      %add3A_3217 = arith.constant 2 : i32
      %add3A_3218 = vector.broadcast %add3A_3217 : i32 to vector<16xi32>
      %add3A_3219 = arith.addi %mul3A_3216, %add3A_3218 : vector<16xi32>
      tpu.vector_store_idx %arg17[%add3A_3219], %or3A_3213 : memref<128xi32, #tpu.memory_space<vmem>>[vector<16xi32>], vector<16xi32>,
      %mul3A_3220 = arith.constant 2 : i32
      %mul3A_3221 = arith.muli %mul3A_3220, %add3A_3059 : i32
      %add3A_3222 = arith.constant 1024 : i32
      %add3A_3223 = arith.addi %add3A_3222, %mul3A_3221 : i32
      %add3A_3224 = arith.constant 1 : i32
      %add3A_3225 = arith.addi %add3A_3223, %add3A_3224 : i32
      %get3A_3226 = arith.index_cast %add3A_3225 : i32 to index
      %get3A_3227 = arith.constant 0 : index
      %get3A_3228 = tpu.vector_load %arg5[%get3A_3226, %get3A_3227] {strides = array<i32>} : memref<2048x16xi32, #tpu.memory_space<vmem>>, vector<16xi32>,
      %and3A_3229 = arith.constant -65536 : i32
      %and3A_3230 = vector.broadcast %and3A_3229 : i32 to vector<16xi32>
      %and3A_3231 = arith.andi %get3A_3228, %and3A_3230 : vector<16xi32>
      %and3A_3232 = arith.constant 16383 : i32
      %and3A_3233 = vector.broadcast %and3A_3232 : i32 to vector<16xi32>
      %and3A_3234 = arith.andi %get3A_3228, %and3A_3233 : vector<16xi32>
      %mul3A_3235 = arith.constant 4 : i32
      %mul3A_3236 = vector.broadcast %mul3A_3235 : i32 to vector<16xi32>
      %mul3A_3237 = arith.muli %and3A_3234, %mul3A_3236 : vector<16xi32>
      %or3A_3238 = arith.ori %and3A_3231, %mul3A_3237 : vector<16xi32>
      %shift_right_logical3A_3239 = arith.constant 14 : i32
      %shift_right_logical3A_3240 = vector.broadcast %shift_right_logical3A_3239 : i32 to vector<16xi32>
      %shift_right_logical3A_3241 = arith.shrui %get3A_3228, %shift_right_logical3A_3240 : vector<16xi32>
      %and3A_3242 = arith.constant 3 : i32
      %and3A_3243 = vector.broadcast %and3A_3242 : i32 to vector<16xi32>
      %and3A_3244 = arith.andi %shift_right_logical3A_3241, %and3A_3243 : vector<16xi32>
      %or3A_3245 = arith.ori %or3A_3238, %and3A_3244 : vector<16xi32>
      %mul3A_3246 = arith.constant 4 : i32
      %mul3A_3247 = vector.broadcast %mul3A_3246 : i32 to vector<16xi32>
      %mul3A_3248 = arith.muli %iota3A, %mul3A_3247 : vector<16xi32>
      %add3A_3249 = arith.constant 66 : i32
      %add3A_3250 = vector.broadcast %add3A_3249 : i32 to vector<16xi32>
      %add3A_3251 = arith.addi %mul3A_3248, %add3A_3250 : vector<16xi32>
      tpu.vector_store_idx %arg17[%add3A_3251], %or3A_3245 : memref<128xi32, #tpu.memory_space<vmem>>[vector<16xi32>], vector<16xi32>,
      %mul3A_3252 = arith.constant 2 : i32
      %mul3A_3253 = arith.muli %mul3A_3252, %add3A_3059 : i32
      %add3A_3254 = arith.constant 1536 : i32
      %add3A_3255 = arith.addi %add3A_3254, %mul3A_3253 : i32
      %add3A_3256 = arith.constant 0 : i32
      %add3A_3257 = arith.addi %add3A_3255, %add3A_3256 : i32
      %get3A_3258 = arith.index_cast %add3A_3257 : i32 to index
      %get3A_3259 = arith.constant 0 : index
      %get3A_3260 = tpu.vector_load %arg5[%get3A_3258, %get3A_3259] {strides = array<i32>} : memref<2048x16xi32, #tpu.memory_space<vmem>>, vector<16xi32>,
      %and3A_3261 = arith.constant -65536 : i32
      %and3A_3262 = vector.broadcast %and3A_3261 : i32 to vector<16xi32>
      %and3A_3263 = arith.andi %get3A_3260, %and3A_3262 : vector<16xi32>
      %and3A_3264 = arith.constant 16383 : i32
      %and3A_3265 = vector.broadcast %and3A_3264 : i32 to vector<16xi32>
      %and3A_3266 = arith.andi %get3A_3260, %and3A_3265 : vector<16xi32>
      %mul3A_3267 = arith.constant 4 : i32
      %mul3A_3268 = vector.broadcast %mul3A_3267 : i32 to vector<16xi32>
      %mul3A_3269 = arith.muli %and3A_3266, %mul3A_3268 : vector<16xi32>
      %or3A_3270 = arith.ori %and3A_3263, %mul3A_3269 : vector<16xi32>
      %shift_right_logical3A_3271 = arith.constant 14 : i32
      %shift_right_logical3A_3272 = vector.broadcast %shift_right_logical3A_3271 : i32 to vector<16xi32>
      %shift_right_logical3A_3273 = arith.shrui %get3A_3260, %shift_right_logical3A_3272 : vector<16xi32>
      %and3A_3274 = arith.constant 3 : i32
      %and3A_3275 = vector.broadcast %and3A_3274 : i32 to vector<16xi32>
      %and3A_3276 = arith.andi %shift_right_logical3A_3273, %and3A_3275 : vector<16xi32>
      %or3A_3277 = arith.ori %or3A_3270, %and3A_3276 : vector<16xi32>
      %mul3A_3278 = arith.constant 4 : i32
      %mul3A_3279 = vector.broadcast %mul3A_3278 : i32 to vector<16xi32>
      %mul3A_3280 = arith.muli %iota3A, %mul3A_3279 : vector<16xi32>
      %add3A_3281 = arith.constant 3 : i32
      %add3A_3282 = vector.broadcast %add3A_3281 : i32 to vector<16xi32>
      %add3A_3283 = arith.addi %mul3A_3280, %add3A_3282 : vector<16xi32>
      tpu.vector_store_idx %arg17[%add3A_3283], %or3A_3277 : memref<128xi32, #tpu.memory_space<vmem>>[vector<16xi32>], vector<16xi32>,
      %mul3A_3284 = arith.constant 2 : i32
      %mul3A_3285 = arith.muli %mul3A_3284, %add3A_3059 : i32
      %add3A_3286 = arith.constant 1536 : i32
      %add3A_3287 = arith.addi %add3A_3286, %mul3A_3285 : i32
      %add3A_3288 = arith.constant 1 : i32
      %add3A_3289 = arith.addi %add3A_3287, %add3A_3288 : i32
      %get3A_3290 = arith.index_cast %add3A_3289 : i32 to index
      %get3A_3291 = arith.constant 0 : index
      %get3A_3292 = tpu.vector_load %arg5[%get3A_3290, %get3A_3291] {strides = array<i32>} : memref<2048x16xi32, #tpu.memory_space<vmem>>, vector<16xi32>,
      %and3A_3293 = arith.constant -65536 : i32
      %and3A_3294 = vector.broadcast %and3A_3293 : i32 to vector<16xi32>
      %and3A_3295 = arith.andi %get3A_3292, %and3A_3294 : vector<16xi32>
      %and3A_3296 = arith.constant 16383 : i32
      %and3A_3297 = vector.broadcast %and3A_3296 : i32 to vector<16xi32>
      %and3A_3298 = arith.andi %get3A_3292, %and3A_3297 : vector<16xi32>
      %mul3A_3299 = arith.constant 4 : i32
      %mul3A_3300 = vector.broadcast %mul3A_3299 : i32 to vector<16xi32>
      %mul3A_3301 = arith.muli %and3A_3298, %mul3A_3300 : vector<16xi32>
      %or3A_3302 = arith.ori %and3A_3295, %mul3A_3301 : vector<16xi32>
      %shift_right_logical3A_3303 = arith.constant 14 : i32
      %shift_right_logical3A_3304 = vector.broadcast %shift_right_logical3A_3303 : i32 to vector<16xi32>
      %shift_right_logical3A_3305 = arith.shrui %get3A_3292, %shift_right_logical3A_3304 : vector<16xi32>
      %and3A_3306 = arith.constant 3 : i32
      %and3A_3307 = vector.broadcast %and3A_3306 : i32 to vector<16xi32>
      %and3A_3308 = arith.andi %shift_right_logical3A_3305, %and3A_3307 : vector<16xi32>
      %or3A_3309 = arith.ori %or3A_3302, %and3A_3308 : vector<16xi32>
      %mul3A_3310 = arith.constant 4 : i32
      %mul3A_3311 = vector.broadcast %mul3A_3310 : i32 to vector<16xi32>
      %mul3A_3312 = arith.muli %iota3A, %mul3A_3311 : vector<16xi32>
      %add3A_3313 = arith.constant 67 : i32
      %add3A_3314 = vector.broadcast %add3A_3313 : i32 to vector<16xi32>
      %add3A_3315 = arith.addi %mul3A_3312, %add3A_3314 : vector<16xi32>
      tpu.vector_store_idx %arg17[%add3A_3315], %or3A_3309 : memref<128xi32, #tpu.memory_space<vmem>>[vector<16xi32>], vector<16xi32>,
      %mul3A_3316 = arith.constant 8 : i32
      %mul3A_3317 = arith.muli %add3A_2275, %mul3A_3316 : i32
      %add3A_3318 = arith.constant 4 : i32
      %add3A_3319 = arith.addi %mul3A_3317, %add3A_3318 : i32
      %mul3A_3320 = arith.constant 2 : i32
      %mul3A_3321 = arith.muli %mul3A_3320, %add3A_3319 : i32
      %add3A_3322 = arith.constant 0 : i32
      %add3A_3323 = arith.addi %add3A_3322, %mul3A_3321 : i32
      %add3A_3324 = arith.constant 0 : i32
      %add3A_3325 = arith.addi %add3A_3323, %add3A_3324 : i32
      %get3A_3326 = arith.index_cast %add3A_3325 : i32 to index
      %get3A_3327 = arith.constant 0 : index
      %get3A_3328 = tpu.vector_load %arg5[%get3A_3326, %get3A_3327] {strides = array<i32>} : memref<2048x16xi32, #tpu.memory_space<vmem>>, vector<16xi32>,
      %and3A_3329 = arith.constant -65536 : i32
      %and3A_3330 = vector.broadcast %and3A_3329 : i32 to vector<16xi32>
      %and3A_3331 = arith.andi %get3A_3328, %and3A_3330 : vector<16xi32>
      %and3A_3332 = arith.constant 16383 : i32
      %and3A_3333 = vector.broadcast %and3A_3332 : i32 to vector<16xi32>
      %and3A_3334 = arith.andi %get3A_3328, %and3A_3333 : vector<16xi32>
      %mul3A_3335 = arith.constant 4 : i32
      %mul3A_3336 = vector.broadcast %mul3A_3335 : i32 to vector<16xi32>
      %mul3A_3337 = arith.muli %and3A_3334, %mul3A_3336 : vector<16xi32>
      %or3A_3338 = arith.ori %and3A_3331, %mul3A_3337 : vector<16xi32>
      %shift_right_logical3A_3339 = arith.constant 14 : i32
      %shift_right_logical3A_3340 = vector.broadcast %shift_right_logical3A_3339 : i32 to vector<16xi32>
      %shift_right_logical3A_3341 = arith.shrui %get3A_3328, %shift_right_logical3A_3340 : vector<16xi32>
      %and3A_3342 = arith.constant 3 : i32
      %and3A_3343 = vector.broadcast %and3A_3342 : i32 to vector<16xi32>
      %and3A_3344 = arith.andi %shift_right_logical3A_3341, %and3A_3343 : vector<16xi32>
      %or3A_3345 = arith.ori %or3A_3338, %and3A_3344 : vector<16xi32>
      %mul3A_3346 = arith.constant 4 : i32
      %mul3A_3347 = vector.broadcast %mul3A_3346 : i32 to vector<16xi32>
      %mul3A_3348 = arith.muli %iota3A, %mul3A_3347 : vector<16xi32>
      %add3A_3349 = arith.constant 0 : i32
      %add3A_3350 = vector.broadcast %add3A_3349 : i32 to vector<16xi32>
      %add3A_3351 = arith.addi %mul3A_3348, %add3A_3350 : vector<16xi32>
      tpu.vector_store_idx %arg18[%add3A_3351], %or3A_3345 : memref<128xi32, #tpu.memory_space<vmem>>[vector<16xi32>], vector<16xi32>,
      %mul3A_3352 = arith.constant 2 : i32
      %mul3A_3353 = arith.muli %mul3A_3352, %add3A_3319 : i32
      %add3A_3354 = arith.constant 0 : i32
      %add3A_3355 = arith.addi %add3A_3354, %mul3A_3353 : i32
      %add3A_3356 = arith.constant 1 : i32
      %add3A_3357 = arith.addi %add3A_3355, %add3A_3356 : i32
      %get3A_3358 = arith.index_cast %add3A_3357 : i32 to index
      %get3A_3359 = arith.constant 0 : index
      %get3A_3360 = tpu.vector_load %arg5[%get3A_3358, %get3A_3359] {strides = array<i32>} : memref<2048x16xi32, #tpu.memory_space<vmem>>, vector<16xi32>,
      %and3A_3361 = arith.constant -65536 : i32
      %and3A_3362 = vector.broadcast %and3A_3361 : i32 to vector<16xi32>
      %and3A_3363 = arith.andi %get3A_3360, %and3A_3362 : vector<16xi32>
      %and3A_3364 = arith.constant 16383 : i32
      %and3A_3365 = vector.broadcast %and3A_3364 : i32 to vector<16xi32>
      %and3A_3366 = arith.andi %get3A_3360, %and3A_3365 : vector<16xi32>
      %mul3A_3367 = arith.constant 4 : i32
      %mul3A_3368 = vector.broadcast %mul3A_3367 : i32 to vector<16xi32>
      %mul3A_3369 = arith.muli %and3A_3366, %mul3A_3368 : vector<16xi32>
      %or3A_3370 = arith.ori %and3A_3363, %mul3A_3369 : vector<16xi32>
      %shift_right_logical3A_3371 = arith.constant 14 : i32
      %shift_right_logical3A_3372 = vector.broadcast %shift_right_logical3A_3371 : i32 to vector<16xi32>
      %shift_right_logical3A_3373 = arith.shrui %get3A_3360, %shift_right_logical3A_3372 : vector<16xi32>
      %and3A_3374 = arith.constant 3 : i32
      %and3A_3375 = vector.broadcast %and3A_3374 : i32 to vector<16xi32>
      %and3A_3376 = arith.andi %shift_right_logical3A_3373, %and3A_3375 : vector<16xi32>
      %or3A_3377 = arith.ori %or3A_3370, %and3A_3376 : vector<16xi32>
      %mul3A_3378 = arith.constant 4 : i32
      %mul3A_3379 = vector.broadcast %mul3A_3378 : i32 to vector<16xi32>
      %mul3A_3380 = arith.muli %iota3A, %mul3A_3379 : vector<16xi32>
      %add3A_3381 = arith.constant 64 : i32
      %add3A_3382 = vector.broadcast %add3A_3381 : i32 to vector<16xi32>
      %add3A_3383 = arith.addi %mul3A_3380, %add3A_3382 : vector<16xi32>
      tpu.vector_store_idx %arg18[%add3A_3383], %or3A_3377 : memref<128xi32, #tpu.memory_space<vmem>>[vector<16xi32>], vector<16xi32>,
      %mul3A_3384 = arith.constant 2 : i32
      %mul3A_3385 = arith.muli %mul3A_3384, %add3A_3319 : i32
      %add3A_3386 = arith.constant 512 : i32
      %add3A_3387 = arith.addi %add3A_3386, %mul3A_3385 : i32
      %add3A_3388 = arith.constant 0 : i32
      %add3A_3389 = arith.addi %add3A_3387, %add3A_3388 : i32
      %get3A_3390 = arith.index_cast %add3A_3389 : i32 to index
      %get3A_3391 = arith.constant 0 : index
      %get3A_3392 = tpu.vector_load %arg5[%get3A_3390, %get3A_3391] {strides = array<i32>} : memref<2048x16xi32, #tpu.memory_space<vmem>>, vector<16xi32>,
      %and3A_3393 = arith.constant -65536 : i32
      %and3A_3394 = vector.broadcast %and3A_3393 : i32 to vector<16xi32>
      %and3A_3395 = arith.andi %get3A_3392, %and3A_3394 : vector<16xi32>
      %and3A_3396 = arith.constant 16383 : i32
      %and3A_3397 = vector.broadcast %and3A_3396 : i32 to vector<16xi32>
      %and3A_3398 = arith.andi %get3A_3392, %and3A_3397 : vector<16xi32>
      %mul3A_3399 = arith.constant 4 : i32
      %mul3A_3400 = vector.broadcast %mul3A_3399 : i32 to vector<16xi32>
      %mul3A_3401 = arith.muli %and3A_3398, %mul3A_3400 : vector<16xi32>
      %or3A_3402 = arith.ori %and3A_3395, %mul3A_3401 : vector<16xi32>
      %shift_right_logical3A_3403 = arith.constant 14 : i32
      %shift_right_logical3A_3404 = vector.broadcast %shift_right_logical3A_3403 : i32 to vector<16xi32>
      %shift_right_logical3A_3405 = arith.shrui %get3A_3392, %shift_right_logical3A_3404 : vector<16xi32>
      %and3A_3406 = arith.constant 3 : i32
      %and3A_3407 = vector.broadcast %and3A_3406 : i32 to vector<16xi32>
      %and3A_3408 = arith.andi %shift_right_logical3A_3405, %and3A_3407 : vector<16xi32>
      %or3A_3409 = arith.ori %or3A_3402, %and3A_3408 : vector<16xi32>
      %mul3A_3410 = arith.constant 4 : i32
      %mul3A_3411 = vector.broadcast %mul3A_3410 : i32 to vector<16xi32>
      %mul3A_3412 = arith.muli %iota3A, %mul3A_3411 : vector<16xi32>
      %add3A_3413 = arith.constant 1 : i32
      %add3A_3414 = vector.broadcast %add3A_3413 : i32 to vector<16xi32>
      %add3A_3415 = arith.addi %mul3A_3412, %add3A_3414 : vector<16xi32>
      tpu.vector_store_idx %arg18[%add3A_3415], %or3A_3409 : memref<128xi32, #tpu.memory_space<vmem>>[vector<16xi32>], vector<16xi32>,
      %mul3A_3416 = arith.constant 2 : i32
      %mul3A_3417 = arith.muli %mul3A_3416, %add3A_3319 : i32
      %add3A_3418 = arith.constant 512 : i32
      %add3A_3419 = arith.addi %add3A_3418, %mul3A_3417 : i32
      %add3A_3420 = arith.constant 1 : i32
      %add3A_3421 = arith.addi %add3A_3419, %add3A_3420 : i32
      %get3A_3422 = arith.index_cast %add3A_3421 : i32 to index
      %get3A_3423 = arith.constant 0 : index
      %get3A_3424 = tpu.vector_load %arg5[%get3A_3422, %get3A_3423] {strides = array<i32>} : memref<2048x16xi32, #tpu.memory_space<vmem>>, vector<16xi32>,
      %and3A_3425 = arith.constant -65536 : i32
      %and3A_3426 = vector.broadcast %and3A_3425 : i32 to vector<16xi32>
      %and3A_3427 = arith.andi %get3A_3424, %and3A_3426 : vector<16xi32>
      %and3A_3428 = arith.constant 16383 : i32
      %and3A_3429 = vector.broadcast %and3A_3428 : i32 to vector<16xi32>
      %and3A_3430 = arith.andi %get3A_3424, %and3A_3429 : vector<16xi32>
      %mul3A_3431 = arith.constant 4 : i32
      %mul3A_3432 = vector.broadcast %mul3A_3431 : i32 to vector<16xi32>
      %mul3A_3433 = arith.muli %and3A_3430, %mul3A_3432 : vector<16xi32>
      %or3A_3434 = arith.ori %and3A_3427, %mul3A_3433 : vector<16xi32>
      %shift_right_logical3A_3435 = arith.constant 14 : i32
      %shift_right_logical3A_3436 = vector.broadcast %shift_right_logical3A_3435 : i32 to vector<16xi32>
      %shift_right_logical3A_3437 = arith.shrui %get3A_3424, %shift_right_logical3A_3436 : vector<16xi32>
      %and3A_3438 = arith.constant 3 : i32
      %and3A_3439 = vector.broadcast %and3A_3438 : i32 to vector<16xi32>
      %and3A_3440 = arith.andi %shift_right_logical3A_3437, %and3A_3439 : vector<16xi32>
      %or3A_3441 = arith.ori %or3A_3434, %and3A_3440 : vector<16xi32>
      %mul3A_3442 = arith.constant 4 : i32
      %mul3A_3443 = vector.broadcast %mul3A_3442 : i32 to vector<16xi32>
      %mul3A_3444 = arith.muli %iota3A, %mul3A_3443 : vector<16xi32>
      %add3A_3445 = arith.constant 65 : i32
      %add3A_3446 = vector.broadcast %add3A_3445 : i32 to vector<16xi32>
      %add3A_3447 = arith.addi %mul3A_3444, %add3A_3446 : vector<16xi32>
      tpu.vector_store_idx %arg18[%add3A_3447], %or3A_3441 : memref<128xi32, #tpu.memory_space<vmem>>[vector<16xi32>], vector<16xi32>,
      %mul3A_3448 = arith.constant 2 : i32
      %mul3A_3449 = arith.muli %mul3A_3448, %add3A_3319 : i32
      %add3A_3450 = arith.constant 1024 : i32
      %add3A_3451 = arith.addi %add3A_3450, %mul3A_3449 : i32
      %add3A_3452 = arith.constant 0 : i32
      %add3A_3453 = arith.addi %add3A_3451, %add3A_3452 : i32
      %get3A_3454 = arith.index_cast %add3A_3453 : i32 to index
      %get3A_3455 = arith.constant 0 : index
      %get3A_3456 = tpu.vector_load %arg5[%get3A_3454, %get3A_3455] {strides = array<i32>} : memref<2048x16xi32, #tpu.memory_space<vmem>>, vector<16xi32>,
      %and3A_3457 = arith.constant -65536 : i32
      %and3A_3458 = vector.broadcast %and3A_3457 : i32 to vector<16xi32>
      %and3A_3459 = arith.andi %get3A_3456, %and3A_3458 : vector<16xi32>
      %and3A_3460 = arith.constant 16383 : i32
      %and3A_3461 = vector.broadcast %and3A_3460 : i32 to vector<16xi32>
      %and3A_3462 = arith.andi %get3A_3456, %and3A_3461 : vector<16xi32>
      %mul3A_3463 = arith.constant 4 : i32
      %mul3A_3464 = vector.broadcast %mul3A_3463 : i32 to vector<16xi32>
      %mul3A_3465 = arith.muli %and3A_3462, %mul3A_3464 : vector<16xi32>
      %or3A_3466 = arith.ori %and3A_3459, %mul3A_3465 : vector<16xi32>
      %shift_right_logical3A_3467 = arith.constant 14 : i32
      %shift_right_logical3A_3468 = vector.broadcast %shift_right_logical3A_3467 : i32 to vector<16xi32>
      %shift_right_logical3A_3469 = arith.shrui %get3A_3456, %shift_right_logical3A_3468 : vector<16xi32>
      %and3A_3470 = arith.constant 3 : i32
      %and3A_3471 = vector.broadcast %and3A_3470 : i32 to vector<16xi32>
      %and3A_3472 = arith.andi %shift_right_logical3A_3469, %and3A_3471 : vector<16xi32>
      %or3A_3473 = arith.ori %or3A_3466, %and3A_3472 : vector<16xi32>
      %mul3A_3474 = arith.constant 4 : i32
      %mul3A_3475 = vector.broadcast %mul3A_3474 : i32 to vector<16xi32>
      %mul3A_3476 = arith.muli %iota3A, %mul3A_3475 : vector<16xi32>
      %add3A_3477 = arith.constant 2 : i32
      %add3A_3478 = vector.broadcast %add3A_3477 : i32 to vector<16xi32>
      %add3A_3479 = arith.addi %mul3A_3476, %add3A_3478 : vector<16xi32>
      tpu.vector_store_idx %arg18[%add3A_3479], %or3A_3473 : memref<128xi32, #tpu.memory_space<vmem>>[vector<16xi32>], vector<16xi32>,
      %mul3A_3480 = arith.constant 2 : i32
      %mul3A_3481 = arith.muli %mul3A_3480, %add3A_3319 : i32
      %add3A_3482 = arith.constant 1024 : i32
      %add3A_3483 = arith.addi %add3A_3482, %mul3A_3481 : i32
      %add3A_3484 = arith.constant 1 : i32
      %add3A_3485 = arith.addi %add3A_3483, %add3A_3484 : i32
      %get3A_3486 = arith.index_cast %add3A_3485 : i32 to index
      %get3A_3487 = arith.constant 0 : index
      %get3A_3488 = tpu.vector_load %arg5[%get3A_3486, %get3A_3487] {strides = array<i32>} : memref<2048x16xi32, #tpu.memory_space<vmem>>, vector<16xi32>,
      %and3A_3489 = arith.constant -65536 : i32
      %and3A_3490 = vector.broadcast %and3A_3489 : i32 to vector<16xi32>
      %and3A_3491 = arith.andi %get3A_3488, %and3A_3490 : vector<16xi32>
      %and3A_3492 = arith.constant 16383 : i32
      %and3A_3493 = vector.broadcast %and3A_3492 : i32 to vector<16xi32>
      %and3A_3494 = arith.andi %get3A_3488, %and3A_3493 : vector<16xi32>
      %mul3A_3495 = arith.constant 4 : i32
      %mul3A_3496 = vector.broadcast %mul3A_3495 : i32 to vector<16xi32>
      %mul3A_3497 = arith.muli %and3A_3494, %mul3A_3496 : vector<16xi32>
      %or3A_3498 = arith.ori %and3A_3491, %mul3A_3497 : vector<16xi32>
      %shift_right_logical3A_3499 = arith.constant 14 : i32
      %shift_right_logical3A_3500 = vector.broadcast %shift_right_logical3A_3499 : i32 to vector<16xi32>
      %shift_right_logical3A_3501 = arith.shrui %get3A_3488, %shift_right_logical3A_3500 : vector<16xi32>
      %and3A_3502 = arith.constant 3 : i32
      %and3A_3503 = vector.broadcast %and3A_3502 : i32 to vector<16xi32>
      %and3A_3504 = arith.andi %shift_right_logical3A_3501, %and3A_3503 : vector<16xi32>
      %or3A_3505 = arith.ori %or3A_3498, %and3A_3504 : vector<16xi32>
      %mul3A_3506 = arith.constant 4 : i32
      %mul3A_3507 = vector.broadcast %mul3A_3506 : i32 to vector<16xi32>
      %mul3A_3508 = arith.muli %iota3A, %mul3A_3507 : vector<16xi32>
      %add3A_3509 = arith.constant 66 : i32
      %add3A_3510 = vector.broadcast %add3A_3509 : i32 to vector<16xi32>
      %add3A_3511 = arith.addi %mul3A_3508, %add3A_3510 : vector<16xi32>
      tpu.vector_store_idx %arg18[%add3A_3511], %or3A_3505 : memref<128xi32, #tpu.memory_space<vmem>>[vector<16xi32>], vector<16xi32>,
      %mul3A_3512 = arith.constant 2 : i32
      %mul3A_3513 = arith.muli %mul3A_3512, %add3A_3319 : i32
      %add3A_3514 = arith.constant 1536 : i32
      %add3A_3515 = arith.addi %add3A_3514, %mul3A_3513 : i32
      %add3A_3516 = arith.constant 0 : i32
      %add3A_3517 = arith.addi %add3A_3515, %add3A_3516 : i32
      %get3A_3518 = arith.index_cast %add3A_3517 : i32 to index
      %get3A_3519 = arith.constant 0 : index
      %get3A_3520 = tpu.vector_load %arg5[%get3A_3518, %get3A_3519] {strides = array<i32>} : memref<2048x16xi32, #tpu.memory_space<vmem>>, vector<16xi32>,
      %and3A_3521 = arith.constant -65536 : i32
      %and3A_3522 = vector.broadcast %and3A_3521 : i32 to vector<16xi32>
      %and3A_3523 = arith.andi %get3A_3520, %and3A_3522 : vector<16xi32>
      %and3A_3524 = arith.constant 16383 : i32
      %and3A_3525 = vector.broadcast %and3A_3524 : i32 to vector<16xi32>
      %and3A_3526 = arith.andi %get3A_3520, %and3A_3525 : vector<16xi32>
      %mul3A_3527 = arith.constant 4 : i32
      %mul3A_3528 = vector.broadcast %mul3A_3527 : i32 to vector<16xi32>
      %mul3A_3529 = arith.muli %and3A_3526, %mul3A_3528 : vector<16xi32>
      %or3A_3530 = arith.ori %and3A_3523, %mul3A_3529 : vector<16xi32>
      %shift_right_logical3A_3531 = arith.constant 14 : i32
      %shift_right_logical3A_3532 = vector.broadcast %shift_right_logical3A_3531 : i32 to vector<16xi32>
      %shift_right_logical3A_3533 = arith.shrui %get3A_3520, %shift_right_logical3A_3532 : vector<16xi32>
      %and3A_3534 = arith.constant 3 : i32
      %and3A_3535 = vector.broadcast %and3A_3534 : i32 to vector<16xi32>
      %and3A_3536 = arith.andi %shift_right_logical3A_3533, %and3A_3535 : vector<16xi32>
      %or3A_3537 = arith.ori %or3A_3530, %and3A_3536 : vector<16xi32>
      %mul3A_3538 = arith.constant 4 : i32
      %mul3A_3539 = vector.broadcast %mul3A_3538 : i32 to vector<16xi32>
      %mul3A_3540 = arith.muli %iota3A, %mul3A_3539 : vector<16xi32>
      %add3A_3541 = arith.constant 3 : i32
      %add3A_3542 = vector.broadcast %add3A_3541 : i32 to vector<16xi32>
      %add3A_3543 = arith.addi %mul3A_3540, %add3A_3542 : vector<16xi32>
      tpu.vector_store_idx %arg18[%add3A_3543], %or3A_3537 : memref<128xi32, #tpu.memory_space<vmem>>[vector<16xi32>], vector<16xi32>,
      %mul3A_3544 = arith.constant 2 : i32
      %mul3A_3545 = arith.muli %mul3A_3544, %add3A_3319 : i32
      %add3A_3546 = arith.constant 1536 : i32
      %add3A_3547 = arith.addi %add3A_3546, %mul3A_3545 : i32
      %add3A_3548 = arith.constant 1 : i32
      %add3A_3549 = arith.addi %add3A_3547, %add3A_3548 : i32
      %get3A_3550 = arith.index_cast %add3A_3549 : i32 to index
      %get3A_3551 = arith.constant 0 : index
      %get3A_3552 = tpu.vector_load %arg5[%get3A_3550, %get3A_3551] {strides = array<i32>} : memref<2048x16xi32, #tpu.memory_space<vmem>>, vector<16xi32>,
      %and3A_3553 = arith.constant -65536 : i32
      %and3A_3554 = vector.broadcast %and3A_3553 : i32 to vector<16xi32>
      %and3A_3555 = arith.andi %get3A_3552, %and3A_3554 : vector<16xi32>
      %and3A_3556 = arith.constant 16383 : i32
      %and3A_3557 = vector.broadcast %and3A_3556 : i32 to vector<16xi32>
      %and3A_3558 = arith.andi %get3A_3552, %and3A_3557 : vector<16xi32>
      %mul3A_3559 = arith.constant 4 : i32
      %mul3A_3560 = vector.broadcast %mul3A_3559 : i32 to vector<16xi32>
      %mul3A_3561 = arith.muli %and3A_3558, %mul3A_3560 : vector<16xi32>
      %or3A_3562 = arith.ori %and3A_3555, %mul3A_3561 : vector<16xi32>
      %shift_right_logical3A_3563 = arith.constant 14 : i32
      %shift_right_logical3A_3564 = vector.broadcast %shift_right_logical3A_3563 : i32 to vector<16xi32>
      %shift_right_logical3A_3565 = arith.shrui %get3A_3552, %shift_right_logical3A_3564 : vector<16xi32>
      %and3A_3566 = arith.constant 3 : i32
      %and3A_3567 = vector.broadcast %and3A_3566 : i32 to vector<16xi32>
      %and3A_3568 = arith.andi %shift_right_logical3A_3565, %and3A_3567 : vector<16xi32>
      %or3A_3569 = arith.ori %or3A_3562, %and3A_3568 : vector<16xi32>
      %mul3A_3570 = arith.constant 4 : i32
      %mul3A_3571 = vector.broadcast %mul3A_3570 : i32 to vector<16xi32>
      %mul3A_3572 = arith.muli %iota3A, %mul3A_3571 : vector<16xi32>
      %add3A_3573 = arith.constant 67 : i32
      %add3A_3574 = vector.broadcast %add3A_3573 : i32 to vector<16xi32>
      %add3A_3575 = arith.addi %mul3A_3572, %add3A_3574 : vector<16xi32>
      tpu.vector_store_idx %arg18[%add3A_3575], %or3A_3569 : memref<128xi32, #tpu.memory_space<vmem>>[vector<16xi32>], vector<16xi32>,
      %mul3A_3576 = arith.constant 8 : i32
      %mul3A_3577 = arith.muli %add3A_2275, %mul3A_3576 : i32
      %add3A_3578 = arith.constant 5 : i32
      %add3A_3579 = arith.addi %mul3A_3577, %add3A_3578 : i32
      %mul3A_3580 = arith.constant 2 : i32
      %mul3A_3581 = arith.muli %mul3A_3580, %add3A_3579 : i32
      %add3A_3582 = arith.constant 0 : i32
      %add3A_3583 = arith.addi %add3A_3582, %mul3A_3581 : i32
      %add3A_3584 = arith.constant 0 : i32
      %add3A_3585 = arith.addi %add3A_3583, %add3A_3584 : i32
      %get3A_3586 = arith.index_cast %add3A_3585 : i32 to index
      %get3A_3587 = arith.constant 0 : index
      %get3A_3588 = tpu.vector_load %arg5[%get3A_3586, %get3A_3587] {strides = array<i32>} : memref<2048x16xi32, #tpu.memory_space<vmem>>, vector<16xi32>,
      %and3A_3589 = arith.constant -65536 : i32
      %and3A_3590 = vector.broadcast %and3A_3589 : i32 to vector<16xi32>
      %and3A_3591 = arith.andi %get3A_3588, %and3A_3590 : vector<16xi32>
      %and3A_3592 = arith.constant 16383 : i32
      %and3A_3593 = vector.broadcast %and3A_3592 : i32 to vector<16xi32>
      %and3A_3594 = arith.andi %get3A_3588, %and3A_3593 : vector<16xi32>
      %mul3A_3595 = arith.constant 4 : i32
      %mul3A_3596 = vector.broadcast %mul3A_3595 : i32 to vector<16xi32>
      %mul3A_3597 = arith.muli %and3A_3594, %mul3A_3596 : vector<16xi32>
      %or3A_3598 = arith.ori %and3A_3591, %mul3A_3597 : vector<16xi32>
      %shift_right_logical3A_3599 = arith.constant 14 : i32
      %shift_right_logical3A_3600 = vector.broadcast %shift_right_logical3A_3599 : i32 to vector<16xi32>
      %shift_right_logical3A_3601 = arith.shrui %get3A_3588, %shift_right_logical3A_3600 : vector<16xi32>
      %and3A_3602 = arith.constant 3 : i32
      %and3A_3603 = vector.broadcast %and3A_3602 : i32 to vector<16xi32>
      %and3A_3604 = arith.andi %shift_right_logical3A_3601, %and3A_3603 : vector<16xi32>
      %or3A_3605 = arith.ori %or3A_3598, %and3A_3604 : vector<16xi32>
      %mul3A_3606 = arith.constant 4 : i32
      %mul3A_3607 = vector.broadcast %mul3A_3606 : i32 to vector<16xi32>
      %mul3A_3608 = arith.muli %iota3A, %mul3A_3607 : vector<16xi32>
      %add3A_3609 = arith.constant 0 : i32
      %add3A_3610 = vector.broadcast %add3A_3609 : i32 to vector<16xi32>
      %add3A_3611 = arith.addi %mul3A_3608, %add3A_3610 : vector<16xi32>
      tpu.vector_store_idx %arg19[%add3A_3611], %or3A_3605 : memref<128xi32, #tpu.memory_space<vmem>>[vector<16xi32>], vector<16xi32>,
      %mul3A_3612 = arith.constant 2 : i32
      %mul3A_3613 = arith.muli %mul3A_3612, %add3A_3579 : i32
      %add3A_3614 = arith.constant 0 : i32
      %add3A_3615 = arith.addi %add3A_3614, %mul3A_3613 : i32
      %add3A_3616 = arith.constant 1 : i32
      %add3A_3617 = arith.addi %add3A_3615, %add3A_3616 : i32
      %get3A_3618 = arith.index_cast %add3A_3617 : i32 to index
      %get3A_3619 = arith.constant 0 : index
      %get3A_3620 = tpu.vector_load %arg5[%get3A_3618, %get3A_3619] {strides = array<i32>} : memref<2048x16xi32, #tpu.memory_space<vmem>>, vector<16xi32>,
      %and3A_3621 = arith.constant -65536 : i32
      %and3A_3622 = vector.broadcast %and3A_3621 : i32 to vector<16xi32>
      %and3A_3623 = arith.andi %get3A_3620, %and3A_3622 : vector<16xi32>
      %and3A_3624 = arith.constant 16383 : i32
      %and3A_3625 = vector.broadcast %and3A_3624 : i32 to vector<16xi32>
      %and3A_3626 = arith.andi %get3A_3620, %and3A_3625 : vector<16xi32>
      %mul3A_3627 = arith.constant 4 : i32
      %mul3A_3628 = vector.broadcast %mul3A_3627 : i32 to vector<16xi32>
      %mul3A_3629 = arith.muli %and3A_3626, %mul3A_3628 : vector<16xi32>
      %or3A_3630 = arith.ori %and3A_3623, %mul3A_3629 : vector<16xi32>
      %shift_right_logical3A_3631 = arith.constant 14 : i32
      %shift_right_logical3A_3632 = vector.broadcast %shift_right_logical3A_3631 : i32 to vector<16xi32>
      %shift_right_logical3A_3633 = arith.shrui %get3A_3620, %shift_right_logical3A_3632 : vector<16xi32>
      %and3A_3634 = arith.constant 3 : i32
      %and3A_3635 = vector.broadcast %and3A_3634 : i32 to vector<16xi32>
      %and3A_3636 = arith.andi %shift_right_logical3A_3633, %and3A_3635 : vector<16xi32>
      %or3A_3637 = arith.ori %or3A_3630, %and3A_3636 : vector<16xi32>
      %mul3A_3638 = arith.constant 4 : i32
      %mul3A_3639 = vector.broadcast %mul3A_3638 : i32 to vector<16xi32>
      %mul3A_3640 = arith.muli %iota3A, %mul3A_3639 : vector<16xi32>
      %add3A_3641 = arith.constant 64 : i32
      %add3A_3642 = vector.broadcast %add3A_3641 : i32 to vector<16xi32>
      %add3A_3643 = arith.addi %mul3A_3640, %add3A_3642 : vector<16xi32>
      tpu.vector_store_idx %arg19[%add3A_3643], %or3A_3637 : memref<128xi32, #tpu.memory_space<vmem>>[vector<16xi32>], vector<16xi32>,
      %mul3A_3644 = arith.constant 2 : i32
      %mul3A_3645 = arith.muli %mul3A_3644, %add3A_3579 : i32
      %add3A_3646 = arith.constant 512 : i32
      %add3A_3647 = arith.addi %add3A_3646, %mul3A_3645 : i32
      %add3A_3648 = arith.constant 0 : i32
      %add3A_3649 = arith.addi %add3A_3647, %add3A_3648 : i32
      %get3A_3650 = arith.index_cast %add3A_3649 : i32 to index
      %get3A_3651 = arith.constant 0 : index
      %get3A_3652 = tpu.vector_load %arg5[%get3A_3650, %get3A_3651] {strides = array<i32>} : memref<2048x16xi32, #tpu.memory_space<vmem>>, vector<16xi32>,
      %and3A_3653 = arith.constant -65536 : i32
      %and3A_3654 = vector.broadcast %and3A_3653 : i32 to vector<16xi32>
      %and3A_3655 = arith.andi %get3A_3652, %and3A_3654 : vector<16xi32>
      %and3A_3656 = arith.constant 16383 : i32
      %and3A_3657 = vector.broadcast %and3A_3656 : i32 to vector<16xi32>
      %and3A_3658 = arith.andi %get3A_3652, %and3A_3657 : vector<16xi32>
      %mul3A_3659 = arith.constant 4 : i32
      %mul3A_3660 = vector.broadcast %mul3A_3659 : i32 to vector<16xi32>
      %mul3A_3661 = arith.muli %and3A_3658, %mul3A_3660 : vector<16xi32>
      %or3A_3662 = arith.ori %and3A_3655, %mul3A_3661 : vector<16xi32>
      %shift_right_logical3A_3663 = arith.constant 14 : i32
      %shift_right_logical3A_3664 = vector.broadcast %shift_right_logical3A_3663 : i32 to vector<16xi32>
      %shift_right_logical3A_3665 = arith.shrui %get3A_3652, %shift_right_logical3A_3664 : vector<16xi32>
      %and3A_3666 = arith.constant 3 : i32
      %and3A_3667 = vector.broadcast %and3A_3666 : i32 to vector<16xi32>
      %and3A_3668 = arith.andi %shift_right_logical3A_3665, %and3A_3667 : vector<16xi32>
      %or3A_3669 = arith.ori %or3A_3662, %and3A_3668 : vector<16xi32>
      %mul3A_3670 = arith.constant 4 : i32
      %mul3A_3671 = vector.broadcast %mul3A_3670 : i32 to vector<16xi32>
      %mul3A_3672 = arith.muli %iota3A, %mul3A_3671 : vector<16xi32>
      %add3A_3673 = arith.constant 1 : i32
      %add3A_3674 = vector.broadcast %add3A_3673 : i32 to vector<16xi32>
      %add3A_3675 = arith.addi %mul3A_3672, %add3A_3674 : vector<16xi32>
      tpu.vector_store_idx %arg19[%add3A_3675], %or3A_3669 : memref<128xi32, #tpu.memory_space<vmem>>[vector<16xi32>], vector<16xi32>,
      %mul3A_3676 = arith.constant 2 : i32
      %mul3A_3677 = arith.muli %mul3A_3676, %add3A_3579 : i32
      %add3A_3678 = arith.constant 512 : i32
      %add3A_3679 = arith.addi %add3A_3678, %mul3A_3677 : i32
      %add3A_3680 = arith.constant 1 : i32
      %add3A_3681 = arith.addi %add3A_3679, %add3A_3680 : i32
      %get3A_3682 = arith.index_cast %add3A_3681 : i32 to index
      %get3A_3683 = arith.constant 0 : index
      %get3A_3684 = tpu.vector_load %arg5[%get3A_3682, %get3A_3683] {strides = array<i32>} : memref<2048x16xi32, #tpu.memory_space<vmem>>, vector<16xi32>,
      %and3A_3685 = arith.constant -65536 : i32
      %and3A_3686 = vector.broadcast %and3A_3685 : i32 to vector<16xi32>
      %and3A_3687 = arith.andi %get3A_3684, %and3A_3686 : vector<16xi32>
      %and3A_3688 = arith.constant 16383 : i32
      %and3A_3689 = vector.broadcast %and3A_3688 : i32 to vector<16xi32>
      %and3A_3690 = arith.andi %get3A_3684, %and3A_3689 : vector<16xi32>
      %mul3A_3691 = arith.constant 4 : i32
      %mul3A_3692 = vector.broadcast %mul3A_3691 : i32 to vector<16xi32>
      %mul3A_3693 = arith.muli %and3A_3690, %mul3A_3692 : vector<16xi32>
      %or3A_3694 = arith.ori %and3A_3687, %mul3A_3693 : vector<16xi32>
      %shift_right_logical3A_3695 = arith.constant 14 : i32
      %shift_right_logical3A_3696 = vector.broadcast %shift_right_logical3A_3695 : i32 to vector<16xi32>
      %shift_right_logical3A_3697 = arith.shrui %get3A_3684, %shift_right_logical3A_3696 : vector<16xi32>
      %and3A_3698 = arith.constant 3 : i32
      %and3A_3699 = vector.broadcast %and3A_3698 : i32 to vector<16xi32>
      %and3A_3700 = arith.andi %shift_right_logical3A_3697, %and3A_3699 : vector<16xi32>
      %or3A_3701 = arith.ori %or3A_3694, %and3A_3700 : vector<16xi32>
      %mul3A_3702 = arith.constant 4 : i32
      %mul3A_3703 = vector.broadcast %mul3A_3702 : i32 to vector<16xi32>
      %mul3A_3704 = arith.muli %iota3A, %mul3A_3703 : vector<16xi32>
      %add3A_3705 = arith.constant 65 : i32
      %add3A_3706 = vector.broadcast %add3A_3705 : i32 to vector<16xi32>
      %add3A_3707 = arith.addi %mul3A_3704, %add3A_3706 : vector<16xi32>
      tpu.vector_store_idx %arg19[%add3A_3707], %or3A_3701 : memref<128xi32, #tpu.memory_space<vmem>>[vector<16xi32>], vector<16xi32>,
      %mul3A_3708 = arith.constant 2 : i32
      %mul3A_3709 = arith.muli %mul3A_3708, %add3A_3579 : i32
      %add3A_3710 = arith.constant 1024 : i32
      %add3A_3711 = arith.addi %add3A_3710, %mul3A_3709 : i32
      %add3A_3712 = arith.constant 0 : i32
      %add3A_3713 = arith.addi %add3A_3711, %add3A_3712 : i32
      %get3A_3714 = arith.index_cast %add3A_3713 : i32 to index
      %get3A_3715 = arith.constant 0 : index
      %get3A_3716 = tpu.vector_load %arg5[%get3A_3714, %get3A_3715] {strides = array<i32>} : memref<2048x16xi32, #tpu.memory_space<vmem>>, vector<16xi32>,
      %and3A_3717 = arith.constant -65536 : i32
      %and3A_3718 = vector.broadcast %and3A_3717 : i32 to vector<16xi32>
      %and3A_3719 = arith.andi %get3A_3716, %and3A_3718 : vector<16xi32>
      %and3A_3720 = arith.constant 16383 : i32
      %and3A_3721 = vector.broadcast %and3A_3720 : i32 to vector<16xi32>
      %and3A_3722 = arith.andi %get3A_3716, %and3A_3721 : vector<16xi32>
      %mul3A_3723 = arith.constant 4 : i32
      %mul3A_3724 = vector.broadcast %mul3A_3723 : i32 to vector<16xi32>
      %mul3A_3725 = arith.muli %and3A_3722, %mul3A_3724 : vector<16xi32>
      %or3A_3726 = arith.ori %and3A_3719, %mul3A_3725 : vector<16xi32>
      %shift_right_logical3A_3727 = arith.constant 14 : i32
      %shift_right_logical3A_3728 = vector.broadcast %shift_right_logical3A_3727 : i32 to vector<16xi32>
      %shift_right_logical3A_3729 = arith.shrui %get3A_3716, %shift_right_logical3A_3728 : vector<16xi32>
      %and3A_3730 = arith.constant 3 : i32
      %and3A_3731 = vector.broadcast %and3A_3730 : i32 to vector<16xi32>
      %and3A_3732 = arith.andi %shift_right_logical3A_3729, %and3A_3731 : vector<16xi32>
      %or3A_3733 = arith.ori %or3A_3726, %and3A_3732 : vector<16xi32>
      %mul3A_3734 = arith.constant 4 : i32
      %mul3A_3735 = vector.broadcast %mul3A_3734 : i32 to vector<16xi32>
      %mul3A_3736 = arith.muli %iota3A, %mul3A_3735 : vector<16xi32>
      %add3A_3737 = arith.constant 2 : i32
      %add3A_3738 = vector.broadcast %add3A_3737 : i32 to vector<16xi32>
      %add3A_3739 = arith.addi %mul3A_3736, %add3A_3738 : vector<16xi32>
      tpu.vector_store_idx %arg19[%add3A_3739], %or3A_3733 : memref<128xi32, #tpu.memory_space<vmem>>[vector<16xi32>], vector<16xi32>,
      %mul3A_3740 = arith.constant 2 : i32
      %mul3A_3741 = arith.muli %mul3A_3740, %add3A_3579 : i32
      %add3A_3742 = arith.constant 1024 : i32
      %add3A_3743 = arith.addi %add3A_3742, %mul3A_3741 : i32
      %add3A_3744 = arith.constant 1 : i32
      %add3A_3745 = arith.addi %add3A_3743, %add3A_3744 : i32
      %get3A_3746 = arith.index_cast %add3A_3745 : i32 to index
      %get3A_3747 = arith.constant 0 : index
      %get3A_3748 = tpu.vector_load %arg5[%get3A_3746, %get3A_3747] {strides = array<i32>} : memref<2048x16xi32, #tpu.memory_space<vmem>>, vector<16xi32>,
      %and3A_3749 = arith.constant -65536 : i32
      %and3A_3750 = vector.broadcast %and3A_3749 : i32 to vector<16xi32>
      %and3A_3751 = arith.andi %get3A_3748, %and3A_3750 : vector<16xi32>
      %and3A_3752 = arith.constant 16383 : i32
      %and3A_3753 = vector.broadcast %and3A_3752 : i32 to vector<16xi32>
      %and3A_3754 = arith.andi %get3A_3748, %and3A_3753 : vector<16xi32>
      %mul3A_3755 = arith.constant 4 : i32
      %mul3A_3756 = vector.broadcast %mul3A_3755 : i32 to vector<16xi32>
      %mul3A_3757 = arith.muli %and3A_3754, %mul3A_3756 : vector<16xi32>
      %or3A_3758 = arith.ori %and3A_3751, %mul3A_3757 : vector<16xi32>
      %shift_right_logical3A_3759 = arith.constant 14 : i32
      %shift_right_logical3A_3760 = vector.broadcast %shift_right_logical3A_3759 : i32 to vector<16xi32>
      %shift_right_logical3A_3761 = arith.shrui %get3A_3748, %shift_right_logical3A_3760 : vector<16xi32>
      %and3A_3762 = arith.constant 3 : i32
      %and3A_3763 = vector.broadcast %and3A_3762 : i32 to vector<16xi32>
      %and3A_3764 = arith.andi %shift_right_logical3A_3761, %and3A_3763 : vector<16xi32>
      %or3A_3765 = arith.ori %or3A_3758, %and3A_3764 : vector<16xi32>
      %mul3A_3766 = arith.constant 4 : i32
      %mul3A_3767 = vector.broadcast %mul3A_3766 : i32 to vector<16xi32>
      %mul3A_3768 = arith.muli %iota3A, %mul3A_3767 : vector<16xi32>
      %add3A_3769 = arith.constant 66 : i32
      %add3A_3770 = vector.broadcast %add3A_3769 : i32 to vector<16xi32>
      %add3A_3771 = arith.addi %mul3A_3768, %add3A_3770 : vector<16xi32>
      tpu.vector_store_idx %arg19[%add3A_3771], %or3A_3765 : memref<128xi32, #tpu.memory_space<vmem>>[vector<16xi32>], vector<16xi32>,
      %mul3A_3772 = arith.constant 2 : i32
      %mul3A_3773 = arith.muli %mul3A_3772, %add3A_3579 : i32
      %add3A_3774 = arith.constant 1536 : i32
      %add3A_3775 = arith.addi %add3A_3774, %mul3A_3773 : i32
      %add3A_3776 = arith.constant 0 : i32
      %add3A_3777 = arith.addi %add3A_3775, %add3A_3776 : i32
      %get3A_3778 = arith.index_cast %add3A_3777 : i32 to index
      %get3A_3779 = arith.constant 0 : index
      %get3A_3780 = tpu.vector_load %arg5[%get3A_3778, %get3A_3779] {strides = array<i32>} : memref<2048x16xi32, #tpu.memory_space<vmem>>, vector<16xi32>,
      %and3A_3781 = arith.constant -65536 : i32
      %and3A_3782 = vector.broadcast %and3A_3781 : i32 to vector<16xi32>
      %and3A_3783 = arith.andi %get3A_3780, %and3A_3782 : vector<16xi32>
      %and3A_3784 = arith.constant 16383 : i32
      %and3A_3785 = vector.broadcast %and3A_3784 : i32 to vector<16xi32>
      %and3A_3786 = arith.andi %get3A_3780, %and3A_3785 : vector<16xi32>
      %mul3A_3787 = arith.constant 4 : i32
      %mul3A_3788 = vector.broadcast %mul3A_3787 : i32 to vector<16xi32>
      %mul3A_3789 = arith.muli %and3A_3786, %mul3A_3788 : vector<16xi32>
      %or3A_3790 = arith.ori %and3A_3783, %mul3A_3789 : vector<16xi32>
      %shift_right_logical3A_3791 = arith.constant 14 : i32
      %shift_right_logical3A_3792 = vector.broadcast %shift_right_logical3A_3791 : i32 to vector<16xi32>
      %shift_right_logical3A_3793 = arith.shrui %get3A_3780, %shift_right_logical3A_3792 : vector<16xi32>
      %and3A_3794 = arith.constant 3 : i32
      %and3A_3795 = vector.broadcast %and3A_3794 : i32 to vector<16xi32>
      %and3A_3796 = arith.andi %shift_right_logical3A_3793, %and3A_3795 : vector<16xi32>
      %or3A_3797 = arith.ori %or3A_3790, %and3A_3796 : vector<16xi32>
      %mul3A_3798 = arith.constant 4 : i32
      %mul3A_3799 = vector.broadcast %mul3A_3798 : i32 to vector<16xi32>
      %mul3A_3800 = arith.muli %iota3A, %mul3A_3799 : vector<16xi32>
      %add3A_3801 = arith.constant 3 : i32
      %add3A_3802 = vector.broadcast %add3A_3801 : i32 to vector<16xi32>
      %add3A_3803 = arith.addi %mul3A_3800, %add3A_3802 : vector<16xi32>
      tpu.vector_store_idx %arg19[%add3A_3803], %or3A_3797 : memref<128xi32, #tpu.memory_space<vmem>>[vector<16xi32>], vector<16xi32>,
      %mul3A_3804 = arith.constant 2 : i32
      %mul3A_3805 = arith.muli %mul3A_3804, %add3A_3579 : i32
      %add3A_3806 = arith.constant 1536 : i32
      %add3A_3807 = arith.addi %add3A_3806, %mul3A_3805 : i32
      %add3A_3808 = arith.constant 1 : i32
      %add3A_3809 = arith.addi %add3A_3807, %add3A_3808 : i32
      %get3A_3810 = arith.index_cast %add3A_3809 : i32 to index
      %get3A_3811 = arith.constant 0 : index
      %get3A_3812 = tpu.vector_load %arg5[%get3A_3810, %get3A_3811] {strides = array<i32>} : memref<2048x16xi32, #tpu.memory_space<vmem>>, vector<16xi32>,
      %and3A_3813 = arith.constant -65536 : i32
      %and3A_3814 = vector.broadcast %and3A_3813 : i32 to vector<16xi32>
      %and3A_3815 = arith.andi %get3A_3812, %and3A_3814 : vector<16xi32>
      %and3A_3816 = arith.constant 16383 : i32
      %and3A_3817 = vector.broadcast %and3A_3816 : i32 to vector<16xi32>
      %and3A_3818 = arith.andi %get3A_3812, %and3A_3817 : vector<16xi32>
      %mul3A_3819 = arith.constant 4 : i32
      %mul3A_3820 = vector.broadcast %mul3A_3819 : i32 to vector<16xi32>
      %mul3A_3821 = arith.muli %and3A_3818, %mul3A_3820 : vector<16xi32>
      %or3A_3822 = arith.ori %and3A_3815, %mul3A_3821 : vector<16xi32>
      %shift_right_logical3A_3823 = arith.constant 14 : i32
      %shift_right_logical3A_3824 = vector.broadcast %shift_right_logical3A_3823 : i32 to vector<16xi32>
      %shift_right_logical3A_3825 = arith.shrui %get3A_3812, %shift_right_logical3A_3824 : vector<16xi32>
      %and3A_3826 = arith.constant 3 : i32
      %and3A_3827 = vector.broadcast %and3A_3826 : i32 to vector<16xi32>
      %and3A_3828 = arith.andi %shift_right_logical3A_3825, %and3A_3827 : vector<16xi32>
      %or3A_3829 = arith.ori %or3A_3822, %and3A_3828 : vector<16xi32>
      %mul3A_3830 = arith.constant 4 : i32
      %mul3A_3831 = vector.broadcast %mul3A_3830 : i32 to vector<16xi32>
      %mul3A_3832 = arith.muli %iota3A, %mul3A_3831 : vector<16xi32>
      %add3A_3833 = arith.constant 67 : i32
      %add3A_3834 = vector.broadcast %add3A_3833 : i32 to vector<16xi32>
      %add3A_3835 = arith.addi %mul3A_3832, %add3A_3834 : vector<16xi32>
      tpu.vector_store_idx %arg19[%add3A_3835], %or3A_3829 : memref<128xi32, #tpu.memory_space<vmem>>[vector<16xi32>], vector<16xi32>,
      %mul3A_3836 = arith.constant 8 : i32
      %mul3A_3837 = arith.muli %add3A_2275, %mul3A_3836 : i32
      %add3A_3838 = arith.constant 6 : i32
      %add3A_3839 = arith.addi %mul3A_3837, %add3A_3838 : i32
      %mul3A_3840 = arith.constant 2 : i32
      %mul3A_3841 = arith.muli %mul3A_3840, %add3A_3839 : i32
      %add3A_3842 = arith.constant 0 : i32
      %add3A_3843 = arith.addi %add3A_3842, %mul3A_3841 : i32
      %add3A_3844 = arith.constant 0 : i32
      %add3A_3845 = arith.addi %add3A_3843, %add3A_3844 : i32
      %get3A_3846 = arith.index_cast %add3A_3845 : i32 to index
      %get3A_3847 = arith.constant 0 : index
      %get3A_3848 = tpu.vector_load %arg5[%get3A_3846, %get3A_3847] {strides = array<i32>} : memref<2048x16xi32, #tpu.memory_space<vmem>>, vector<16xi32>,
      %and3A_3849 = arith.constant -65536 : i32
      %and3A_3850 = vector.broadcast %and3A_3849 : i32 to vector<16xi32>
      %and3A_3851 = arith.andi %get3A_3848, %and3A_3850 : vector<16xi32>
      %and3A_3852 = arith.constant 16383 : i32
      %and3A_3853 = vector.broadcast %and3A_3852 : i32 to vector<16xi32>
      %and3A_3854 = arith.andi %get3A_3848, %and3A_3853 : vector<16xi32>
      %mul3A_3855 = arith.constant 4 : i32
      %mul3A_3856 = vector.broadcast %mul3A_3855 : i32 to vector<16xi32>
      %mul3A_3857 = arith.muli %and3A_3854, %mul3A_3856 : vector<16xi32>
      %or3A_3858 = arith.ori %and3A_3851, %mul3A_3857 : vector<16xi32>
      %shift_right_logical3A_3859 = arith.constant 14 : i32
      %shift_right_logical3A_3860 = vector.broadcast %shift_right_logical3A_3859 : i32 to vector<16xi32>
      %shift_right_logical3A_3861 = arith.shrui %get3A_3848, %shift_right_logical3A_3860 : vector<16xi32>
      %and3A_3862 = arith.constant 3 : i32
      %and3A_3863 = vector.broadcast %and3A_3862 : i32 to vector<16xi32>
      %and3A_3864 = arith.andi %shift_right_logical3A_3861, %and3A_3863 : vector<16xi32>
      %or3A_3865 = arith.ori %or3A_3858, %and3A_3864 : vector<16xi32>
      %mul3A_3866 = arith.constant 4 : i32
      %mul3A_3867 = vector.broadcast %mul3A_3866 : i32 to vector<16xi32>
      %mul3A_3868 = arith.muli %iota3A, %mul3A_3867 : vector<16xi32>
      %add3A_3869 = arith.constant 0 : i32
      %add3A_3870 = vector.broadcast %add3A_3869 : i32 to vector<16xi32>
      %add3A_3871 = arith.addi %mul3A_3868, %add3A_3870 : vector<16xi32>
      tpu.vector_store_idx %arg20[%add3A_3871], %or3A_3865 : memref<128xi32, #tpu.memory_space<vmem>>[vector<16xi32>], vector<16xi32>,
      %mul3A_3872 = arith.constant 2 : i32
      %mul3A_3873 = arith.muli %mul3A_3872, %add3A_3839 : i32
      %add3A_3874 = arith.constant 0 : i32
      %add3A_3875 = arith.addi %add3A_3874, %mul3A_3873 : i32
      %add3A_3876 = arith.constant 1 : i32
      %add3A_3877 = arith.addi %add3A_3875, %add3A_3876 : i32
      %get3A_3878 = arith.index_cast %add3A_3877 : i32 to index
      %get3A_3879 = arith.constant 0 : index
      %get3A_3880 = tpu.vector_load %arg5[%get3A_3878, %get3A_3879] {strides = array<i32>} : memref<2048x16xi32, #tpu.memory_space<vmem>>, vector<16xi32>,
      %and3A_3881 = arith.constant -65536 : i32
      %and3A_3882 = vector.broadcast %and3A_3881 : i32 to vector<16xi32>
      %and3A_3883 = arith.andi %get3A_3880, %and3A_3882 : vector<16xi32>
      %and3A_3884 = arith.constant 16383 : i32
      %and3A_3885 = vector.broadcast %and3A_3884 : i32 to vector<16xi32>
      %and3A_3886 = arith.andi %get3A_3880, %and3A_3885 : vector<16xi32>
      %mul3A_3887 = arith.constant 4 : i32
      %mul3A_3888 = vector.broadcast %mul3A_3887 : i32 to vector<16xi32>
      %mul3A_3889 = arith.muli %and3A_3886, %mul3A_3888 : vector<16xi32>
      %or3A_3890 = arith.ori %and3A_3883, %mul3A_3889 : vector<16xi32>
      %shift_right_logical3A_3891 = arith.constant 14 : i32
      %shift_right_logical3A_3892 = vector.broadcast %shift_right_logical3A_3891 : i32 to vector<16xi32>
      %shift_right_logical3A_3893 = arith.shrui %get3A_3880, %shift_right_logical3A_3892 : vector<16xi32>
      %and3A_3894 = arith.constant 3 : i32
      %and3A_3895 = vector.broadcast %and3A_3894 : i32 to vector<16xi32>
      %and3A_3896 = arith.andi %shift_right_logical3A_3893, %and3A_3895 : vector<16xi32>
      %or3A_3897 = arith.ori %or3A_3890, %and3A_3896 : vector<16xi32>
      %mul3A_3898 = arith.constant 4 : i32
      %mul3A_3899 = vector.broadcast %mul3A_3898 : i32 to vector<16xi32>
      %mul3A_3900 = arith.muli %iota3A, %mul3A_3899 : vector<16xi32>
      %add3A_3901 = arith.constant 64 : i32
      %add3A_3902 = vector.broadcast %add3A_3901 : i32 to vector<16xi32>
      %add3A_3903 = arith.addi %mul3A_3900, %add3A_3902 : vector<16xi32>
      tpu.vector_store_idx %arg20[%add3A_3903], %or3A_3897 : memref<128xi32, #tpu.memory_space<vmem>>[vector<16xi32>], vector<16xi32>,
      %mul3A_3904 = arith.constant 2 : i32
      %mul3A_3905 = arith.muli %mul3A_3904, %add3A_3839 : i32
      %add3A_3906 = arith.constant 512 : i32
      %add3A_3907 = arith.addi %add3A_3906, %mul3A_3905 : i32
      %add3A_3908 = arith.constant 0 : i32
      %add3A_3909 = arith.addi %add3A_3907, %add3A_3908 : i32
      %get3A_3910 = arith.index_cast %add3A_3909 : i32 to index
      %get3A_3911 = arith.constant 0 : index
      %get3A_3912 = tpu.vector_load %arg5[%get3A_3910, %get3A_3911] {strides = array<i32>} : memref<2048x16xi32, #tpu.memory_space<vmem>>, vector<16xi32>,
      %and3A_3913 = arith.constant -65536 : i32
      %and3A_3914 = vector.broadcast %and3A_3913 : i32 to vector<16xi32>
      %and3A_3915 = arith.andi %get3A_3912, %and3A_3914 : vector<16xi32>
      %and3A_3916 = arith.constant 16383 : i32
      %and3A_3917 = vector.broadcast %and3A_3916 : i32 to vector<16xi32>
      %and3A_3918 = arith.andi %get3A_3912, %and3A_3917 : vector<16xi32>
      %mul3A_3919 = arith.constant 4 : i32
      %mul3A_3920 = vector.broadcast %mul3A_3919 : i32 to vector<16xi32>
      %mul3A_3921 = arith.muli %and3A_3918, %mul3A_3920 : vector<16xi32>
      %or3A_3922 = arith.ori %and3A_3915, %mul3A_3921 : vector<16xi32>
      %shift_right_logical3A_3923 = arith.constant 14 : i32
      %shift_right_logical3A_3924 = vector.broadcast %shift_right_logical3A_3923 : i32 to vector<16xi32>
      %shift_right_logical3A_3925 = arith.shrui %get3A_3912, %shift_right_logical3A_3924 : vector<16xi32>
      %and3A_3926 = arith.constant 3 : i32
      %and3A_3927 = vector.broadcast %and3A_3926 : i32 to vector<16xi32>
      %and3A_3928 = arith.andi %shift_right_logical3A_3925, %and3A_3927 : vector<16xi32>
      %or3A_3929 = arith.ori %or3A_3922, %and3A_3928 : vector<16xi32>
      %mul3A_3930 = arith.constant 4 : i32
      %mul3A_3931 = vector.broadcast %mul3A_3930 : i32 to vector<16xi32>
      %mul3A_3932 = arith.muli %iota3A, %mul3A_3931 : vector<16xi32>
      %add3A_3933 = arith.constant 1 : i32
      %add3A_3934 = vector.broadcast %add3A_3933 : i32 to vector<16xi32>
      %add3A_3935 = arith.addi %mul3A_3932, %add3A_3934 : vector<16xi32>
      tpu.vector_store_idx %arg20[%add3A_3935], %or3A_3929 : memref<128xi32, #tpu.memory_space<vmem>>[vector<16xi32>], vector<16xi32>,
      %mul3A_3936 = arith.constant 2 : i32
      %mul3A_3937 = arith.muli %mul3A_3936, %add3A_3839 : i32
      %add3A_3938 = arith.constant 512 : i32
      %add3A_3939 = arith.addi %add3A_3938, %mul3A_3937 : i32
      %add3A_3940 = arith.constant 1 : i32
      %add3A_3941 = arith.addi %add3A_3939, %add3A_3940 : i32
      %get3A_3942 = arith.index_cast %add3A_3941 : i32 to index
      %get3A_3943 = arith.constant 0 : index
      %get3A_3944 = tpu.vector_load %arg5[%get3A_3942, %get3A_3943] {strides = array<i32>} : memref<2048x16xi32, #tpu.memory_space<vmem>>, vector<16xi32>,
      %and3A_3945 = arith.constant -65536 : i32
      %and3A_3946 = vector.broadcast %and3A_3945 : i32 to vector<16xi32>
      %and3A_3947 = arith.andi %get3A_3944, %and3A_3946 : vector<16xi32>
      %and3A_3948 = arith.constant 16383 : i32
      %and3A_3949 = vector.broadcast %and3A_3948 : i32 to vector<16xi32>
      %and3A_3950 = arith.andi %get3A_3944, %and3A_3949 : vector<16xi32>
      %mul3A_3951 = arith.constant 4 : i32
      %mul3A_3952 = vector.broadcast %mul3A_3951 : i32 to vector<16xi32>
      %mul3A_3953 = arith.muli %and3A_3950, %mul3A_3952 : vector<16xi32>
      %or3A_3954 = arith.ori %and3A_3947, %mul3A_3953 : vector<16xi32>
      %shift_right_logical3A_3955 = arith.constant 14 : i32
      %shift_right_logical3A_3956 = vector.broadcast %shift_right_logical3A_3955 : i32 to vector<16xi32>
      %shift_right_logical3A_3957 = arith.shrui %get3A_3944, %shift_right_logical3A_3956 : vector<16xi32>
      %and3A_3958 = arith.constant 3 : i32
      %and3A_3959 = vector.broadcast %and3A_3958 : i32 to vector<16xi32>
      %and3A_3960 = arith.andi %shift_right_logical3A_3957, %and3A_3959 : vector<16xi32>
      %or3A_3961 = arith.ori %or3A_3954, %and3A_3960 : vector<16xi32>
      %mul3A_3962 = arith.constant 4 : i32
      %mul3A_3963 = vector.broadcast %mul3A_3962 : i32 to vector<16xi32>
      %mul3A_3964 = arith.muli %iota3A, %mul3A_3963 : vector<16xi32>
      %add3A_3965 = arith.constant 65 : i32
      %add3A_3966 = vector.broadcast %add3A_3965 : i32 to vector<16xi32>
      %add3A_3967 = arith.addi %mul3A_3964, %add3A_3966 : vector<16xi32>
      tpu.vector_store_idx %arg20[%add3A_3967], %or3A_3961 : memref<128xi32, #tpu.memory_space<vmem>>[vector<16xi32>], vector<16xi32>,
      %mul3A_3968 = arith.constant 2 : i32
      %mul3A_3969 = arith.muli %mul3A_3968, %add3A_3839 : i32
      %add3A_3970 = arith.constant 1024 : i32
      %add3A_3971 = arith.addi %add3A_3970, %mul3A_3969 : i32
      %add3A_3972 = arith.constant 0 : i32
      %add3A_3973 = arith.addi %add3A_3971, %add3A_3972 : i32
      %get3A_3974 = arith.index_cast %add3A_3973 : i32 to index
      %get3A_3975 = arith.constant 0 : index
      %get3A_3976 = tpu.vector_load %arg5[%get3A_3974, %get3A_3975] {strides = array<i32>} : memref<2048x16xi32, #tpu.memory_space<vmem>>, vector<16xi32>,
      %and3A_3977 = arith.constant -65536 : i32
      %and3A_3978 = vector.broadcast %and3A_3977 : i32 to vector<16xi32>
      %and3A_3979 = arith.andi %get3A_3976, %and3A_3978 : vector<16xi32>
      %and3A_3980 = arith.constant 16383 : i32
      %and3A_3981 = vector.broadcast %and3A_3980 : i32 to vector<16xi32>
      %and3A_3982 = arith.andi %get3A_3976, %and3A_3981 : vector<16xi32>
      %mul3A_3983 = arith.constant 4 : i32
      %mul3A_3984 = vector.broadcast %mul3A_3983 : i32 to vector<16xi32>
      %mul3A_3985 = arith.muli %and3A_3982, %mul3A_3984 : vector<16xi32>
      %or3A_3986 = arith.ori %and3A_3979, %mul3A_3985 : vector<16xi32>
      %shift_right_logical3A_3987 = arith.constant 14 : i32
      %shift_right_logical3A_3988 = vector.broadcast %shift_right_logical3A_3987 : i32 to vector<16xi32>
      %shift_right_logical3A_3989 = arith.shrui %get3A_3976, %shift_right_logical3A_3988 : vector<16xi32>
      %and3A_3990 = arith.constant 3 : i32
      %and3A_3991 = vector.broadcast %and3A_3990 : i32 to vector<16xi32>
      %and3A_3992 = arith.andi %shift_right_logical3A_3989, %and3A_3991 : vector<16xi32>
      %or3A_3993 = arith.ori %or3A_3986, %and3A_3992 : vector<16xi32>
      %mul3A_3994 = arith.constant 4 : i32
      %mul3A_3995 = vector.broadcast %mul3A_3994 : i32 to vector<16xi32>
      %mul3A_3996 = arith.muli %iota3A, %mul3A_3995 : vector<16xi32>
      %add3A_3997 = arith.constant 2 : i32
      %add3A_3998 = vector.broadcast %add3A_3997 : i32 to vector<16xi32>
      %add3A_3999 = arith.addi %mul3A_3996, %add3A_3998 : vector<16xi32>
      tpu.vector_store_idx %arg20[%add3A_3999], %or3A_3993 : memref<128xi32, #tpu.memory_space<vmem>>[vector<16xi32>], vector<16xi32>,
      %mul3A_4000 = arith.constant 2 : i32
      %mul3A_4001 = arith.muli %mul3A_4000, %add3A_3839 : i32
      %add3A_4002 = arith.constant 1024 : i32
      %add3A_4003 = arith.addi %add3A_4002, %mul3A_4001 : i32
      %add3A_4004 = arith.constant 1 : i32
      %add3A_4005 = arith.addi %add3A_4003, %add3A_4004 : i32
      %get3A_4006 = arith.index_cast %add3A_4005 : i32 to index
      %get3A_4007 = arith.constant 0 : index
      %get3A_4008 = tpu.vector_load %arg5[%get3A_4006, %get3A_4007] {strides = array<i32>} : memref<2048x16xi32, #tpu.memory_space<vmem>>, vector<16xi32>,
      %and3A_4009 = arith.constant -65536 : i32
      %and3A_4010 = vector.broadcast %and3A_4009 : i32 to vector<16xi32>
      %and3A_4011 = arith.andi %get3A_4008, %and3A_4010 : vector<16xi32>
      %and3A_4012 = arith.constant 16383 : i32
      %and3A_4013 = vector.broadcast %and3A_4012 : i32 to vector<16xi32>
      %and3A_4014 = arith.andi %get3A_4008, %and3A_4013 : vector<16xi32>
      %mul3A_4015 = arith.constant 4 : i32
      %mul3A_4016 = vector.broadcast %mul3A_4015 : i32 to vector<16xi32>
      %mul3A_4017 = arith.muli %and3A_4014, %mul3A_4016 : vector<16xi32>
      %or3A_4018 = arith.ori %and3A_4011, %mul3A_4017 : vector<16xi32>
      %shift_right_logical3A_4019 = arith.constant 14 : i32
      %shift_right_logical3A_4020 = vector.broadcast %shift_right_logical3A_4019 : i32 to vector<16xi32>
      %shift_right_logical3A_4021 = arith.shrui %get3A_4008, %shift_right_logical3A_4020 : vector<16xi32>
      %and3A_4022 = arith.constant 3 : i32
      %and3A_4023 = vector.broadcast %and3A_4022 : i32 to vector<16xi32>
      %and3A_4024 = arith.andi %shift_right_logical3A_4021, %and3A_4023 : vector<16xi32>
      %or3A_4025 = arith.ori %or3A_4018, %and3A_4024 : vector<16xi32>
      %mul3A_4026 = arith.constant 4 : i32
      %mul3A_4027 = vector.broadcast %mul3A_4026 : i32 to vector<16xi32>
      %mul3A_4028 = arith.muli %iota3A, %mul3A_4027 : vector<16xi32>
      %add3A_4029 = arith.constant 66 : i32
      %add3A_4030 = vector.broadcast %add3A_4029 : i32 to vector<16xi32>
      %add3A_4031 = arith.addi %mul3A_4028, %add3A_4030 : vector<16xi32>
      tpu.vector_store_idx %arg20[%add3A_4031], %or3A_4025 : memref<128xi32, #tpu.memory_space<vmem>>[vector<16xi32>], vector<16xi32>,
      %mul3A_4032 = arith.constant 2 : i32
      %mul3A_4033 = arith.muli %mul3A_4032, %add3A_3839 : i32
      %add3A_4034 = arith.constant 1536 : i32
      %add3A_4035 = arith.addi %add3A_4034, %mul3A_4033 : i32
      %add3A_4036 = arith.constant 0 : i32
      %add3A_4037 = arith.addi %add3A_4035, %add3A_4036 : i32
      %get3A_4038 = arith.index_cast %add3A_4037 : i32 to index
      %get3A_4039 = arith.constant 0 : index
      %get3A_4040 = tpu.vector_load %arg5[%get3A_4038, %get3A_4039] {strides = array<i32>} : memref<2048x16xi32, #tpu.memory_space<vmem>>, vector<16xi32>,
      %and3A_4041 = arith.constant -65536 : i32
      %and3A_4042 = vector.broadcast %and3A_4041 : i32 to vector<16xi32>
      %and3A_4043 = arith.andi %get3A_4040, %and3A_4042 : vector<16xi32>
      %and3A_4044 = arith.constant 16383 : i32
      %and3A_4045 = vector.broadcast %and3A_4044 : i32 to vector<16xi32>
      %and3A_4046 = arith.andi %get3A_4040, %and3A_4045 : vector<16xi32>
      %mul3A_4047 = arith.constant 4 : i32
      %mul3A_4048 = vector.broadcast %mul3A_4047 : i32 to vector<16xi32>
      %mul3A_4049 = arith.muli %and3A_4046, %mul3A_4048 : vector<16xi32>
      %or3A_4050 = arith.ori %and3A_4043, %mul3A_4049 : vector<16xi32>
      %shift_right_logical3A_4051 = arith.constant 14 : i32
      %shift_right_logical3A_4052 = vector.broadcast %shift_right_logical3A_4051 : i32 to vector<16xi32>
      %shift_right_logical3A_4053 = arith.shrui %get3A_4040, %shift_right_logical3A_4052 : vector<16xi32>
      %and3A_4054 = arith.constant 3 : i32
      %and3A_4055 = vector.broadcast %and3A_4054 : i32 to vector<16xi32>
      %and3A_4056 = arith.andi %shift_right_logical3A_4053, %and3A_4055 : vector<16xi32>
      %or3A_4057 = arith.ori %or3A_4050, %and3A_4056 : vector<16xi32>
      %mul3A_4058 = arith.constant 4 : i32
      %mul3A_4059 = vector.broadcast %mul3A_4058 : i32 to vector<16xi32>
      %mul3A_4060 = arith.muli %iota3A, %mul3A_4059 : vector<16xi32>
      %add3A_4061 = arith.constant 3 : i32
      %add3A_4062 = vector.broadcast %add3A_4061 : i32 to vector<16xi32>
      %add3A_4063 = arith.addi %mul3A_4060, %add3A_4062 : vector<16xi32>
      tpu.vector_store_idx %arg20[%add3A_4063], %or3A_4057 : memref<128xi32, #tpu.memory_space<vmem>>[vector<16xi32>], vector<16xi32>,
      %mul3A_4064 = arith.constant 2 : i32
      %mul3A_4065 = arith.muli %mul3A_4064, %add3A_3839 : i32
      %add3A_4066 = arith.constant 1536 : i32
      %add3A_4067 = arith.addi %add3A_4066, %mul3A_4065 : i32
      %add3A_4068 = arith.constant 1 : i32
      %add3A_4069 = arith.addi %add3A_4067, %add3A_4068 : i32
      %get3A_4070 = arith.index_cast %add3A_4069 : i32 to index
      %get3A_4071 = arith.constant 0 : index
      %get3A_4072 = tpu.vector_load %arg5[%get3A_4070, %get3A_4071] {strides = array<i32>} : memref<2048x16xi32, #tpu.memory_space<vmem>>, vector<16xi32>,
      %and3A_4073 = arith.constant -65536 : i32
      %and3A_4074 = vector.broadcast %and3A_4073 : i32 to vector<16xi32>
      %and3A_4075 = arith.andi %get3A_4072, %and3A_4074 : vector<16xi32>
      %and3A_4076 = arith.constant 16383 : i32
      %and3A_4077 = vector.broadcast %and3A_4076 : i32 to vector<16xi32>
      %and3A_4078 = arith.andi %get3A_4072, %and3A_4077 : vector<16xi32>
      %mul3A_4079 = arith.constant 4 : i32
      %mul3A_4080 = vector.broadcast %mul3A_4079 : i32 to vector<16xi32>
      %mul3A_4081 = arith.muli %and3A_4078, %mul3A_4080 : vector<16xi32>
      %or3A_4082 = arith.ori %and3A_4075, %mul3A_4081 : vector<16xi32>
      %shift_right_logical3A_4083 = arith.constant 14 : i32
      %shift_right_logical3A_4084 = vector.broadcast %shift_right_logical3A_4083 : i32 to vector<16xi32>
      %shift_right_logical3A_4085 = arith.shrui %get3A_4072, %shift_right_logical3A_4084 : vector<16xi32>
      %and3A_4086 = arith.constant 3 : i32
      %and3A_4087 = vector.broadcast %and3A_4086 : i32 to vector<16xi32>
      %and3A_4088 = arith.andi %shift_right_logical3A_4085, %and3A_4087 : vector<16xi32>
      %or3A_4089 = arith.ori %or3A_4082, %and3A_4088 : vector<16xi32>
      %mul3A_4090 = arith.constant 4 : i32
      %mul3A_4091 = vector.broadcast %mul3A_4090 : i32 to vector<16xi32>
      %mul3A_4092 = arith.muli %iota3A, %mul3A_4091 : vector<16xi32>
      %add3A_4093 = arith.constant 67 : i32
      %add3A_4094 = vector.broadcast %add3A_4093 : i32 to vector<16xi32>
      %add3A_4095 = arith.addi %mul3A_4092, %add3A_4094 : vector<16xi32>
      tpu.vector_store_idx %arg20[%add3A_4095], %or3A_4089 : memref<128xi32, #tpu.memory_space<vmem>>[vector<16xi32>], vector<16xi32>,
      %mul3A_4096 = arith.constant 8 : i32
      %mul3A_4097 = arith.muli %add3A_2275, %mul3A_4096 : i32
      %add3A_4098 = arith.constant 7 : i32
      %add3A_4099 = arith.addi %mul3A_4097, %add3A_4098 : i32
      %mul3A_4100 = arith.constant 2 : i32
      %mul3A_4101 = arith.muli %mul3A_4100, %add3A_4099 : i32
      %add3A_4102 = arith.constant 0 : i32
      %add3A_4103 = arith.addi %add3A_4102, %mul3A_4101 : i32
      %add3A_4104 = arith.constant 0 : i32
      %add3A_4105 = arith.addi %add3A_4103, %add3A_4104 : i32
      %get3A_4106 = arith.index_cast %add3A_4105 : i32 to index
      %get3A_4107 = arith.constant 0 : index
      %get3A_4108 = tpu.vector_load %arg5[%get3A_4106, %get3A_4107] {strides = array<i32>} : memref<2048x16xi32, #tpu.memory_space<vmem>>, vector<16xi32>,
      %and3A_4109 = arith.constant -65536 : i32
      %and3A_4110 = vector.broadcast %and3A_4109 : i32 to vector<16xi32>
      %and3A_4111 = arith.andi %get3A_4108, %and3A_4110 : vector<16xi32>
      %and3A_4112 = arith.constant 16383 : i32
      %and3A_4113 = vector.broadcast %and3A_4112 : i32 to vector<16xi32>
      %and3A_4114 = arith.andi %get3A_4108, %and3A_4113 : vector<16xi32>
      %mul3A_4115 = arith.constant 4 : i32
      %mul3A_4116 = vector.broadcast %mul3A_4115 : i32 to vector<16xi32>
      %mul3A_4117 = arith.muli %and3A_4114, %mul3A_4116 : vector<16xi32>
      %or3A_4118 = arith.ori %and3A_4111, %mul3A_4117 : vector<16xi32>
      %shift_right_logical3A_4119 = arith.constant 14 : i32
      %shift_right_logical3A_4120 = vector.broadcast %shift_right_logical3A_4119 : i32 to vector<16xi32>
      %shift_right_logical3A_4121 = arith.shrui %get3A_4108, %shift_right_logical3A_4120 : vector<16xi32>
      %and3A_4122 = arith.constant 3 : i32
      %and3A_4123 = vector.broadcast %and3A_4122 : i32 to vector<16xi32>
      %and3A_4124 = arith.andi %shift_right_logical3A_4121, %and3A_4123 : vector<16xi32>
      %or3A_4125 = arith.ori %or3A_4118, %and3A_4124 : vector<16xi32>
      %mul3A_4126 = arith.constant 4 : i32
      %mul3A_4127 = vector.broadcast %mul3A_4126 : i32 to vector<16xi32>
      %mul3A_4128 = arith.muli %iota3A, %mul3A_4127 : vector<16xi32>
      %add3A_4129 = arith.constant 0 : i32
      %add3A_4130 = vector.broadcast %add3A_4129 : i32 to vector<16xi32>
      %add3A_4131 = arith.addi %mul3A_4128, %add3A_4130 : vector<16xi32>
      tpu.vector_store_idx %arg21[%add3A_4131], %or3A_4125 : memref<128xi32, #tpu.memory_space<vmem>>[vector<16xi32>], vector<16xi32>,
      %mul3A_4132 = arith.constant 2 : i32
      %mul3A_4133 = arith.muli %mul3A_4132, %add3A_4099 : i32
      %add3A_4134 = arith.constant 0 : i32
      %add3A_4135 = arith.addi %add3A_4134, %mul3A_4133 : i32
      %add3A_4136 = arith.constant 1 : i32
      %add3A_4137 = arith.addi %add3A_4135, %add3A_4136 : i32
      %get3A_4138 = arith.index_cast %add3A_4137 : i32 to index
      %get3A_4139 = arith.constant 0 : index
      %get3A_4140 = tpu.vector_load %arg5[%get3A_4138, %get3A_4139] {strides = array<i32>} : memref<2048x16xi32, #tpu.memory_space<vmem>>, vector<16xi32>,
      %and3A_4141 = arith.constant -65536 : i32
      %and3A_4142 = vector.broadcast %and3A_4141 : i32 to vector<16xi32>
      %and3A_4143 = arith.andi %get3A_4140, %and3A_4142 : vector<16xi32>
      %and3A_4144 = arith.constant 16383 : i32
      %and3A_4145 = vector.broadcast %and3A_4144 : i32 to vector<16xi32>
      %and3A_4146 = arith.andi %get3A_4140, %and3A_4145 : vector<16xi32>
      %mul3A_4147 = arith.constant 4 : i32
      %mul3A_4148 = vector.broadcast %mul3A_4147 : i32 to vector<16xi32>
      %mul3A_4149 = arith.muli %and3A_4146, %mul3A_4148 : vector<16xi32>
      %or3A_4150 = arith.ori %and3A_4143, %mul3A_4149 : vector<16xi32>
      %shift_right_logical3A_4151 = arith.constant 14 : i32
      %shift_right_logical3A_4152 = vector.broadcast %shift_right_logical3A_4151 : i32 to vector<16xi32>
      %shift_right_logical3A_4153 = arith.shrui %get3A_4140, %shift_right_logical3A_4152 : vector<16xi32>
      %and3A_4154 = arith.constant 3 : i32
      %and3A_4155 = vector.broadcast %and3A_4154 : i32 to vector<16xi32>
      %and3A_4156 = arith.andi %shift_right_logical3A_4153, %and3A_4155 : vector<16xi32>
      %or3A_4157 = arith.ori %or3A_4150, %and3A_4156 : vector<16xi32>
      %mul3A_4158 = arith.constant 4 : i32
      %mul3A_4159 = vector.broadcast %mul3A_4158 : i32 to vector<16xi32>
      %mul3A_4160 = arith.muli %iota3A, %mul3A_4159 : vector<16xi32>
      %add3A_4161 = arith.constant 64 : i32
      %add3A_4162 = vector.broadcast %add3A_4161 : i32 to vector<16xi32>
      %add3A_4163 = arith.addi %mul3A_4160, %add3A_4162 : vector<16xi32>
      tpu.vector_store_idx %arg21[%add3A_4163], %or3A_4157 : memref<128xi32, #tpu.memory_space<vmem>>[vector<16xi32>], vector<16xi32>,
      %mul3A_4164 = arith.constant 2 : i32
      %mul3A_4165 = arith.muli %mul3A_4164, %add3A_4099 : i32
      %add3A_4166 = arith.constant 512 : i32
      %add3A_4167 = arith.addi %add3A_4166, %mul3A_4165 : i32
      %add3A_4168 = arith.constant 0 : i32
      %add3A_4169 = arith.addi %add3A_4167, %add3A_4168 : i32
      %get3A_4170 = arith.index_cast %add3A_4169 : i32 to index
      %get3A_4171 = arith.constant 0 : index
      %get3A_4172 = tpu.vector_load %arg5[%get3A_4170, %get3A_4171] {strides = array<i32>} : memref<2048x16xi32, #tpu.memory_space<vmem>>, vector<16xi32>,
      %and3A_4173 = arith.constant -65536 : i32
      %and3A_4174 = vector.broadcast %and3A_4173 : i32 to vector<16xi32>
      %and3A_4175 = arith.andi %get3A_4172, %and3A_4174 : vector<16xi32>
      %and3A_4176 = arith.constant 16383 : i32
      %and3A_4177 = vector.broadcast %and3A_4176 : i32 to vector<16xi32>
      %and3A_4178 = arith.andi %get3A_4172, %and3A_4177 : vector<16xi32>
      %mul3A_4179 = arith.constant 4 : i32
      %mul3A_4180 = vector.broadcast %mul3A_4179 : i32 to vector<16xi32>
      %mul3A_4181 = arith.muli %and3A_4178, %mul3A_4180 : vector<16xi32>
      %or3A_4182 = arith.ori %and3A_4175, %mul3A_4181 : vector<16xi32>
      %shift_right_logical3A_4183 = arith.constant 14 : i32
      %shift_right_logical3A_4184 = vector.broadcast %shift_right_logical3A_4183 : i32 to vector<16xi32>
      %shift_right_logical3A_4185 = arith.shrui %get3A_4172, %shift_right_logical3A_4184 : vector<16xi32>
      %and3A_4186 = arith.constant 3 : i32
      %and3A_4187 = vector.broadcast %and3A_4186 : i32 to vector<16xi32>
      %and3A_4188 = arith.andi %shift_right_logical3A_4185, %and3A_4187 : vector<16xi32>
      %or3A_4189 = arith.ori %or3A_4182, %and3A_4188 : vector<16xi32>
      %mul3A_4190 = arith.constant 4 : i32
      %mul3A_4191 = vector.broadcast %mul3A_4190 : i32 to vector<16xi32>
      %mul3A_4192 = arith.muli %iota3A, %mul3A_4191 : vector<16xi32>
      %add3A_4193 = arith.constant 1 : i32
      %add3A_4194 = vector.broadcast %add3A_4193 : i32 to vector<16xi32>
      %add3A_4195 = arith.addi %mul3A_4192, %add3A_4194 : vector<16xi32>
      tpu.vector_store_idx %arg21[%add3A_4195], %or3A_4189 : memref<128xi32, #tpu.memory_space<vmem>>[vector<16xi32>], vector<16xi32>,
      %mul3A_4196 = arith.constant 2 : i32
      %mul3A_4197 = arith.muli %mul3A_4196, %add3A_4099 : i32
      %add3A_4198 = arith.constant 512 : i32
      %add3A_4199 = arith.addi %add3A_4198, %mul3A_4197 : i32
      %add3A_4200 = arith.constant 1 : i32
      %add3A_4201 = arith.addi %add3A_4199, %add3A_4200 : i32
      %get3A_4202 = arith.index_cast %add3A_4201 : i32 to index
      %get3A_4203 = arith.constant 0 : index
      %get3A_4204 = tpu.vector_load %arg5[%get3A_4202, %get3A_4203] {strides = array<i32>} : memref<2048x16xi32, #tpu.memory_space<vmem>>, vector<16xi32>,
      %and3A_4205 = arith.constant -65536 : i32
      %and3A_4206 = vector.broadcast %and3A_4205 : i32 to vector<16xi32>
      %and3A_4207 = arith.andi %get3A_4204, %and3A_4206 : vector<16xi32>
      %and3A_4208 = arith.constant 16383 : i32
      %and3A_4209 = vector.broadcast %and3A_4208 : i32 to vector<16xi32>
      %and3A_4210 = arith.andi %get3A_4204, %and3A_4209 : vector<16xi32>
      %mul3A_4211 = arith.constant 4 : i32
      %mul3A_4212 = vector.broadcast %mul3A_4211 : i32 to vector<16xi32>
      %mul3A_4213 = arith.muli %and3A_4210, %mul3A_4212 : vector<16xi32>
      %or3A_4214 = arith.ori %and3A_4207, %mul3A_4213 : vector<16xi32>
      %shift_right_logical3A_4215 = arith.constant 14 : i32
      %shift_right_logical3A_4216 = vector.broadcast %shift_right_logical3A_4215 : i32 to vector<16xi32>
      %shift_right_logical3A_4217 = arith.shrui %get3A_4204, %shift_right_logical3A_4216 : vector<16xi32>
      %and3A_4218 = arith.constant 3 : i32
      %and3A_4219 = vector.broadcast %and3A_4218 : i32 to vector<16xi32>
      %and3A_4220 = arith.andi %shift_right_logical3A_4217, %and3A_4219 : vector<16xi32>
      %or3A_4221 = arith.ori %or3A_4214, %and3A_4220 : vector<16xi32>
      %mul3A_4222 = arith.constant 4 : i32
      %mul3A_4223 = vector.broadcast %mul3A_4222 : i32 to vector<16xi32>
      %mul3A_4224 = arith.muli %iota3A, %mul3A_4223 : vector<16xi32>
      %add3A_4225 = arith.constant 65 : i32
      %add3A_4226 = vector.broadcast %add3A_4225 : i32 to vector<16xi32>
      %add3A_4227 = arith.addi %mul3A_4224, %add3A_4226 : vector<16xi32>
      tpu.vector_store_idx %arg21[%add3A_4227], %or3A_4221 : memref<128xi32, #tpu.memory_space<vmem>>[vector<16xi32>], vector<16xi32>,
      %mul3A_4228 = arith.constant 2 : i32
      %mul3A_4229 = arith.muli %mul3A_4228, %add3A_4099 : i32
      %add3A_4230 = arith.constant 1024 : i32
      %add3A_4231 = arith.addi %add3A_4230, %mul3A_4229 : i32
      %add3A_4232 = arith.constant 0 : i32
      %add3A_4233 = arith.addi %add3A_4231, %add3A_4232 : i32
      %get3A_4234 = arith.index_cast %add3A_4233 : i32 to index
      %get3A_4235 = arith.constant 0 : index
      %get3A_4236 = tpu.vector_load %arg5[%get3A_4234, %get3A_4235] {strides = array<i32>} : memref<2048x16xi32, #tpu.memory_space<vmem>>, vector<16xi32>,
      %and3A_4237 = arith.constant -65536 : i32
      %and3A_4238 = vector.broadcast %and3A_4237 : i32 to vector<16xi32>
      %and3A_4239 = arith.andi %get3A_4236, %and3A_4238 : vector<16xi32>
      %and3A_4240 = arith.constant 16383 : i32
      %and3A_4241 = vector.broadcast %and3A_4240 : i32 to vector<16xi32>
      %and3A_4242 = arith.andi %get3A_4236, %and3A_4241 : vector<16xi32>
      %mul3A_4243 = arith.constant 4 : i32
      %mul3A_4244 = vector.broadcast %mul3A_4243 : i32 to vector<16xi32>
      %mul3A_4245 = arith.muli %and3A_4242, %mul3A_4244 : vector<16xi32>
      %or3A_4246 = arith.ori %and3A_4239, %mul3A_4245 : vector<16xi32>
      %shift_right_logical3A_4247 = arith.constant 14 : i32
      %shift_right_logical3A_4248 = vector.broadcast %shift_right_logical3A_4247 : i32 to vector<16xi32>
      %shift_right_logical3A_4249 = arith.shrui %get3A_4236, %shift_right_logical3A_4248 : vector<16xi32>
      %and3A_4250 = arith.constant 3 : i32
      %and3A_4251 = vector.broadcast %and3A_4250 : i32 to vector<16xi32>
      %and3A_4252 = arith.andi %shift_right_logical3A_4249, %and3A_4251 : vector<16xi32>
      %or3A_4253 = arith.ori %or3A_4246, %and3A_4252 : vector<16xi32>
      %mul3A_4254 = arith.constant 4 : i32
      %mul3A_4255 = vector.broadcast %mul3A_4254 : i32 to vector<16xi32>
      %mul3A_4256 = arith.muli %iota3A, %mul3A_4255 : vector<16xi32>
      %add3A_4257 = arith.constant 2 : i32
      %add3A_4258 = vector.broadcast %add3A_4257 : i32 to vector<16xi32>
      %add3A_4259 = arith.addi %mul3A_4256, %add3A_4258 : vector<16xi32>
      tpu.vector_store_idx %arg21[%add3A_4259], %or3A_4253 : memref<128xi32, #tpu.memory_space<vmem>>[vector<16xi32>], vector<16xi32>,
      %mul3A_4260 = arith.constant 2 : i32
      %mul3A_4261 = arith.muli %mul3A_4260, %add3A_4099 : i32
      %add3A_4262 = arith.constant 1024 : i32
      %add3A_4263 = arith.addi %add3A_4262, %mul3A_4261 : i32
      %add3A_4264 = arith.constant 1 : i32
      %add3A_4265 = arith.addi %add3A_4263, %add3A_4264 : i32
      %get3A_4266 = arith.index_cast %add3A_4265 : i32 to index
      %get3A_4267 = arith.constant 0 : index
      %get3A_4268 = tpu.vector_load %arg5[%get3A_4266, %get3A_4267] {strides = array<i32>} : memref<2048x16xi32, #tpu.memory_space<vmem>>, vector<16xi32>,
      %and3A_4269 = arith.constant -65536 : i32
      %and3A_4270 = vector.broadcast %and3A_4269 : i32 to vector<16xi32>
      %and3A_4271 = arith.andi %get3A_4268, %and3A_4270 : vector<16xi32>
      %and3A_4272 = arith.constant 16383 : i32
      %and3A_4273 = vector.broadcast %and3A_4272 : i32 to vector<16xi32>
      %and3A_4274 = arith.andi %get3A_4268, %and3A_4273 : vector<16xi32>
      %mul3A_4275 = arith.constant 4 : i32
      %mul3A_4276 = vector.broadcast %mul3A_4275 : i32 to vector<16xi32>
      %mul3A_4277 = arith.muli %and3A_4274, %mul3A_4276 : vector<16xi32>
      %or3A_4278 = arith.ori %and3A_4271, %mul3A_4277 : vector<16xi32>
      %shift_right_logical3A_4279 = arith.constant 14 : i32
      %shift_right_logical3A_4280 = vector.broadcast %shift_right_logical3A_4279 : i32 to vector<16xi32>
      %shift_right_logical3A_4281 = arith.shrui %get3A_4268, %shift_right_logical3A_4280 : vector<16xi32>
      %and3A_4282 = arith.constant 3 : i32
      %and3A_4283 = vector.broadcast %and3A_4282 : i32 to vector<16xi32>
      %and3A_4284 = arith.andi %shift_right_logical3A_4281, %and3A_4283 : vector<16xi32>
      %or3A_4285 = arith.ori %or3A_4278, %and3A_4284 : vector<16xi32>
      %mul3A_4286 = arith.constant 4 : i32
      %mul3A_4287 = vector.broadcast %mul3A_4286 : i32 to vector<16xi32>
      %mul3A_4288 = arith.muli %iota3A, %mul3A_4287 : vector<16xi32>
      %add3A_4289 = arith.constant 66 : i32
      %add3A_4290 = vector.broadcast %add3A_4289 : i32 to vector<16xi32>
      %add3A_4291 = arith.addi %mul3A_4288, %add3A_4290 : vector<16xi32>
      tpu.vector_store_idx %arg21[%add3A_4291], %or3A_4285 : memref<128xi32, #tpu.memory_space<vmem>>[vector<16xi32>], vector<16xi32>,
      %mul3A_4292 = arith.constant 2 : i32
      %mul3A_4293 = arith.muli %mul3A_4292, %add3A_4099 : i32
      %add3A_4294 = arith.constant 1536 : i32
      %add3A_4295 = arith.addi %add3A_4294, %mul3A_4293 : i32
      %add3A_4296 = arith.constant 0 : i32
      %add3A_4297 = arith.addi %add3A_4295, %add3A_4296 : i32
      %get3A_4298 = arith.index_cast %add3A_4297 : i32 to index
      %get3A_4299 = arith.constant 0 : index
      %get3A_4300 = tpu.vector_load %arg5[%get3A_4298, %get3A_4299] {strides = array<i32>} : memref<2048x16xi32, #tpu.memory_space<vmem>>, vector<16xi32>,
      %and3A_4301 = arith.constant -65536 : i32
      %and3A_4302 = vector.broadcast %and3A_4301 : i32 to vector<16xi32>
      %and3A_4303 = arith.andi %get3A_4300, %and3A_4302 : vector<16xi32>
      %and3A_4304 = arith.constant 16383 : i32
      %and3A_4305 = vector.broadcast %and3A_4304 : i32 to vector<16xi32>
      %and3A_4306 = arith.andi %get3A_4300, %and3A_4305 : vector<16xi32>
      %mul3A_4307 = arith.constant 4 : i32
      %mul3A_4308 = vector.broadcast %mul3A_4307 : i32 to vector<16xi32>
      %mul3A_4309 = arith.muli %and3A_4306, %mul3A_4308 : vector<16xi32>
      %or3A_4310 = arith.ori %and3A_4303, %mul3A_4309 : vector<16xi32>
      %shift_right_logical3A_4311 = arith.constant 14 : i32
      %shift_right_logical3A_4312 = vector.broadcast %shift_right_logical3A_4311 : i32 to vector<16xi32>
      %shift_right_logical3A_4313 = arith.shrui %get3A_4300, %shift_right_logical3A_4312 : vector<16xi32>
      %and3A_4314 = arith.constant 3 : i32
      %and3A_4315 = vector.broadcast %and3A_4314 : i32 to vector<16xi32>
      %and3A_4316 = arith.andi %shift_right_logical3A_4313, %and3A_4315 : vector<16xi32>
      %or3A_4317 = arith.ori %or3A_4310, %and3A_4316 : vector<16xi32>
      %mul3A_4318 = arith.constant 4 : i32
      %mul3A_4319 = vector.broadcast %mul3A_4318 : i32 to vector<16xi32>
      %mul3A_4320 = arith.muli %iota3A, %mul3A_4319 : vector<16xi32>
      %add3A_4321 = arith.constant 3 : i32
      %add3A_4322 = vector.broadcast %add3A_4321 : i32 to vector<16xi32>
      %add3A_4323 = arith.addi %mul3A_4320, %add3A_4322 : vector<16xi32>
      tpu.vector_store_idx %arg21[%add3A_4323], %or3A_4317 : memref<128xi32, #tpu.memory_space<vmem>>[vector<16xi32>], vector<16xi32>,
      %mul3A_4324 = arith.constant 2 : i32
      %mul3A_4325 = arith.muli %mul3A_4324, %add3A_4099 : i32
      %add3A_4326 = arith.constant 1536 : i32
      %add3A_4327 = arith.addi %add3A_4326, %mul3A_4325 : i32
      %add3A_4328 = arith.constant 1 : i32
      %add3A_4329 = arith.addi %add3A_4327, %add3A_4328 : i32
      %get3A_4330 = arith.index_cast %add3A_4329 : i32 to index
      %get3A_4331 = arith.constant 0 : index
      %get3A_4332 = tpu.vector_load %arg5[%get3A_4330, %get3A_4331] {strides = array<i32>} : memref<2048x16xi32, #tpu.memory_space<vmem>>, vector<16xi32>,
      %and3A_4333 = arith.constant -65536 : i32
      %and3A_4334 = vector.broadcast %and3A_4333 : i32 to vector<16xi32>
      %and3A_4335 = arith.andi %get3A_4332, %and3A_4334 : vector<16xi32>
      %and3A_4336 = arith.constant 16383 : i32
      %and3A_4337 = vector.broadcast %and3A_4336 : i32 to vector<16xi32>
      %and3A_4338 = arith.andi %get3A_4332, %and3A_4337 : vector<16xi32>
      %mul3A_4339 = arith.constant 4 : i32
      %mul3A_4340 = vector.broadcast %mul3A_4339 : i32 to vector<16xi32>
      %mul3A_4341 = arith.muli %and3A_4338, %mul3A_4340 : vector<16xi32>
      %or3A_4342 = arith.ori %and3A_4335, %mul3A_4341 : vector<16xi32>
      %shift_right_logical3A_4343 = arith.constant 14 : i32
      %shift_right_logical3A_4344 = vector.broadcast %shift_right_logical3A_4343 : i32 to vector<16xi32>
      %shift_right_logical3A_4345 = arith.shrui %get3A_4332, %shift_right_logical3A_4344 : vector<16xi32>
      %and3A_4346 = arith.constant 3 : i32
      %and3A_4347 = vector.broadcast %and3A_4346 : i32 to vector<16xi32>
      %and3A_4348 = arith.andi %shift_right_logical3A_4345, %and3A_4347 : vector<16xi32>
      %or3A_4349 = arith.ori %or3A_4342, %and3A_4348 : vector<16xi32>
      %mul3A_4350 = arith.constant 4 : i32
      %mul3A_4351 = vector.broadcast %mul3A_4350 : i32 to vector<16xi32>
      %mul3A_4352 = arith.muli %iota3A, %mul3A_4351 : vector<16xi32>
      %add3A_4353 = arith.constant 67 : i32
      %add3A_4354 = vector.broadcast %add3A_4353 : i32 to vector<16xi32>
      %add3A_4355 = arith.addi %mul3A_4352, %add3A_4354 : vector<16xi32>
      tpu.vector_store_idx %arg21[%add3A_4355], %or3A_4349 : memref<128xi32, #tpu.memory_space<vmem>>[vector<16xi32>], vector<16xi32>,
      %dma_wait3A_4356 = arith.constant 0 : i32
      %dma_wait3A_4357 = arith.constant 0 : i32
      %dma_wait3A_4358 = tpu.memref_slice %arg2[%dma_wait3A_4356, %dma_wait3A_4357] : memref<1048576x32xf32, #tpu.memory_space<hbm>> -> memref<1024x32xf32, #tpu.memory_space<hbm>>
      %dma_wait3A_4359 = arith.constant 0 : i32
      %dma_wait3A_4360 = arith.constant 0 : i32
      %dma_wait3A_4361 = tpu.memref_slice %arg2[%dma_wait3A_4359, %dma_wait3A_4360] : memref<1048576x32xf32, #tpu.memory_space<hbm>> -> memref<1024x32xf32, #tpu.memory_space<hbm>>
      tpu.wait_dma2 semaphore(%arg26 : memref<!tpu.dma_semaphore, #tpu.memory_space<semaphore_mem>>) src(%dma_wait3A_4361 : memref<1024x32xf32, #tpu.memory_space<hbm>>) dst(%arg23 : memref<1024x32xf32, #tpu.memory_space<vmem>>)
      %dma_start3A_4362 = arith.constant 0 : i32
      %dma_start3A_4363 = arith.constant 0 : i32
      %dma_start3A_4364 = tpu.memref_slice %arg23[%dma_start3A_4362, %dma_start3A_4363] : memref<1024x32xf32, #tpu.memory_space<vmem>> -> memref<128x32xf32, #tpu.memory_space<vmem>>
      %dma_start3A_4365 = arith.constant 0 : i32
      %dma_start3A_4366 = arith.constant 0 : i32
      %dma_start3A_4367 = tpu.memref_slice %arg4[%dma_start3A_4365, %dma_start3A_4366] : memref<1048576x32xf32, #tpu.memory_space<hbm>> -> memref<1048576x32xf32, #tpu.memory_space<hbm>>
      tpu.enqueue_indirect_dma source(%dma_start3A_4364 : memref<128x32xf32, #tpu.memory_space<vmem>>) target(%dma_start3A_4367 : memref<1048576x32xf32, #tpu.memory_space<hbm>>) offsets(%arg14 : memref<128xi32, #tpu.memory_space<vmem>>) semaphore(%arg28 : memref<!tpu.dma_semaphore, #tpu.memory_space<semaphore_mem>>)
      %dma_start3A_4368 = arith.constant 128 : i32
      %dma_start3A_4369 = arith.constant 0 : i32
      %dma_start3A_4370 = tpu.memref_slice %arg23[%dma_start3A_4368, %dma_start3A_4369] : memref<1024x32xf32, #tpu.memory_space<vmem>> -> memref<128x32xf32, #tpu.memory_space<vmem>>
      %dma_start3A_4371 = arith.constant 0 : i32
      %dma_start3A_4372 = arith.constant 0 : i32
      %dma_start3A_4373 = tpu.memref_slice %arg4[%dma_start3A_4371, %dma_start3A_4372] : memref<1048576x32xf32, #tpu.memory_space<hbm>> -> memref<1048576x32xf32, #tpu.memory_space<hbm>>
      tpu.enqueue_indirect_dma source(%dma_start3A_4370 : memref<128x32xf32, #tpu.memory_space<vmem>>) target(%dma_start3A_4373 : memref<1048576x32xf32, #tpu.memory_space<hbm>>) offsets(%arg15 : memref<128xi32, #tpu.memory_space<vmem>>) semaphore(%arg28 : memref<!tpu.dma_semaphore, #tpu.memory_space<semaphore_mem>>)
      %dma_start3A_4374 = arith.constant 256 : i32
      %dma_start3A_4375 = arith.constant 0 : i32
      %dma_start3A_4376 = tpu.memref_slice %arg23[%dma_start3A_4374, %dma_start3A_4375] : memref<1024x32xf32, #tpu.memory_space<vmem>> -> memref<128x32xf32, #tpu.memory_space<vmem>>
      %dma_start3A_4377 = arith.constant 0 : i32
      %dma_start3A_4378 = arith.constant 0 : i32
      %dma_start3A_4379 = tpu.memref_slice %arg4[%dma_start3A_4377, %dma_start3A_4378] : memref<1048576x32xf32, #tpu.memory_space<hbm>> -> memref<1048576x32xf32, #tpu.memory_space<hbm>>
      tpu.enqueue_indirect_dma source(%dma_start3A_4376 : memref<128x32xf32, #tpu.memory_space<vmem>>) target(%dma_start3A_4379 : memref<1048576x32xf32, #tpu.memory_space<hbm>>) offsets(%arg16 : memref<128xi32, #tpu.memory_space<vmem>>) semaphore(%arg28 : memref<!tpu.dma_semaphore, #tpu.memory_space<semaphore_mem>>)
      %dma_start3A_4380 = arith.constant 384 : i32
      %dma_start3A_4381 = arith.constant 0 : i32
      %dma_start3A_4382 = tpu.memref_slice %arg23[%dma_start3A_4380, %dma_start3A_4381] : memref<1024x32xf32, #tpu.memory_space<vmem>> -> memref<128x32xf32, #tpu.memory_space<vmem>>
      %dma_start3A_4383 = arith.constant 0 : i32
      %dma_start3A_4384 = arith.constant 0 : i32
      %dma_start3A_4385 = tpu.memref_slice %arg4[%dma_start3A_4383, %dma_start3A_4384] : memref<1048576x32xf32, #tpu.memory_space<hbm>> -> memref<1048576x32xf32, #tpu.memory_space<hbm>>
      tpu.enqueue_indirect_dma source(%dma_start3A_4382 : memref<128x32xf32, #tpu.memory_space<vmem>>) target(%dma_start3A_4385 : memref<1048576x32xf32, #tpu.memory_space<hbm>>) offsets(%arg17 : memref<128xi32, #tpu.memory_space<vmem>>) semaphore(%arg28 : memref<!tpu.dma_semaphore, #tpu.memory_space<semaphore_mem>>)
      %dma_start3A_4386 = arith.constant 512 : i32
      %dma_start3A_4387 = arith.constant 0 : i32
      %dma_start3A_4388 = tpu.memref_slice %arg23[%dma_start3A_4386, %dma_start3A_4387] : memref<1024x32xf32, #tpu.memory_space<vmem>> -> memref<128x32xf32, #tpu.memory_space<vmem>>
      %dma_start3A_4389 = arith.constant 0 : i32
      %dma_start3A_4390 = arith.constant 0 : i32
      %dma_start3A_4391 = tpu.memref_slice %arg4[%dma_start3A_4389, %dma_start3A_4390] : memref<1048576x32xf32, #tpu.memory_space<hbm>> -> memref<1048576x32xf32, #tpu.memory_space<hbm>>
      tpu.enqueue_indirect_dma source(%dma_start3A_4388 : memref<128x32xf32, #tpu.memory_space<vmem>>) target(%dma_start3A_4391 : memref<1048576x32xf32, #tpu.memory_space<hbm>>) offsets(%arg18 : memref<128xi32, #tpu.memory_space<vmem>>) semaphore(%arg28 : memref<!tpu.dma_semaphore, #tpu.memory_space<semaphore_mem>>)
      %dma_start3A_4392 = arith.constant 640 : i32
      %dma_start3A_4393 = arith.constant 0 : i32
      %dma_start3A_4394 = tpu.memref_slice %arg23[%dma_start3A_4392, %dma_start3A_4393] : memref<1024x32xf32, #tpu.memory_space<vmem>> -> memref<128x32xf32, #tpu.memory_space<vmem>>
      %dma_start3A_4395 = arith.constant 0 : i32
      %dma_start3A_4396 = arith.constant 0 : i32
      %dma_start3A_4397 = tpu.memref_slice %arg4[%dma_start3A_4395, %dma_start3A_4396] : memref<1048576x32xf32, #tpu.memory_space<hbm>> -> memref<1048576x32xf32, #tpu.memory_space<hbm>>
      tpu.enqueue_indirect_dma source(%dma_start3A_4394 : memref<128x32xf32, #tpu.memory_space<vmem>>) target(%dma_start3A_4397 : memref<1048576x32xf32, #tpu.memory_space<hbm>>) offsets(%arg19 : memref<128xi32, #tpu.memory_space<vmem>>) semaphore(%arg28 : memref<!tpu.dma_semaphore, #tpu.memory_space<semaphore_mem>>)
      %dma_start3A_4398 = arith.constant 768 : i32
      %dma_start3A_4399 = arith.constant 0 : i32
      %dma_start3A_4400 = tpu.memref_slice %arg23[%dma_start3A_4398, %dma_start3A_4399] : memref<1024x32xf32, #tpu.memory_space<vmem>> -> memref<128x32xf32, #tpu.memory_space<vmem>>
      %dma_start3A_4401 = arith.constant 0 : i32
      %dma_start3A_4402 = arith.constant 0 : i32
      %dma_start3A_4403 = tpu.memref_slice %arg4[%dma_start3A_4401, %dma_start3A_4402] : memref<1048576x32xf32, #tpu.memory_space<hbm>> -> memref<1048576x32xf32, #tpu.memory_space<hbm>>
      tpu.enqueue_indirect_dma source(%dma_start3A_4400 : memref<128x32xf32, #tpu.memory_space<vmem>>) target(%dma_start3A_4403 : memref<1048576x32xf32, #tpu.memory_space<hbm>>) offsets(%arg20 : memref<128xi32, #tpu.memory_space<vmem>>) semaphore(%arg28 : memref<!tpu.dma_semaphore, #tpu.memory_space<semaphore_mem>>)
      %dma_start3A_4404 = arith.constant 896 : i32
      %dma_start3A_4405 = arith.constant 0 : i32
      %dma_start3A_4406 = tpu.memref_slice %arg23[%dma_start3A_4404, %dma_start3A_4405] : memref<1024x32xf32, #tpu.memory_space<vmem>> -> memref<128x32xf32, #tpu.memory_space<vmem>>
      %dma_start3A_4407 = arith.constant 0 : i32
      %dma_start3A_4408 = arith.constant 0 : i32
      %dma_start3A_4409 = tpu.memref_slice %arg4[%dma_start3A_4407, %dma_start3A_4408] : memref<1048576x32xf32, #tpu.memory_space<hbm>> -> memref<1048576x32xf32, #tpu.memory_space<hbm>>
      tpu.enqueue_indirect_dma source(%dma_start3A_4406 : memref<128x32xf32, #tpu.memory_space<vmem>>) target(%dma_start3A_4409 : memref<1048576x32xf32, #tpu.memory_space<hbm>>) offsets(%arg21 : memref<128xi32, #tpu.memory_space<vmem>>) semaphore(%arg28 : memref<!tpu.dma_semaphore, #tpu.memory_space<semaphore_mem>>)
      %dma_wait3A_4410 = arith.constant 0 : i32
      %dma_wait3A_4411 = arith.constant 0 : i32
      %dma_wait3A_4412 = tpu.memref_slice %arg23[%dma_wait3A_4410, %dma_wait3A_4411] : memref<1024x32xf32, #tpu.memory_space<vmem>> -> memref<128x32xf32, #tpu.memory_space<vmem>>
      %dma_wait3A_4413 = arith.constant 0 : i32
      %dma_wait3A_4414 = arith.constant 0 : i32
      %dma_wait3A_4415 = tpu.memref_slice %arg4[%dma_wait3A_4413, %dma_wait3A_4414] : memref<1048576x32xf32, #tpu.memory_space<hbm>> -> memref<1048576x32xf32, #tpu.memory_space<hbm>>
      tpu.wait_indirect_dma semaphore(%arg28 : memref<!tpu.dma_semaphore, #tpu.memory_space<semaphore_mem>>) src(%dma_wait3A_4412 : memref<128x32xf32, #tpu.memory_space<vmem>>) dst(%dma_wait3A_4415 : memref<1048576x32xf32, #tpu.memory_space<hbm>>)
      %dma_wait3A_4416 = arith.constant 128 : i32
      %dma_wait3A_4417 = arith.constant 0 : i32
      %dma_wait3A_4418 = tpu.memref_slice %arg23[%dma_wait3A_4416, %dma_wait3A_4417] : memref<1024x32xf32, #tpu.memory_space<vmem>> -> memref<128x32xf32, #tpu.memory_space<vmem>>
      %dma_wait3A_4419 = arith.constant 0 : i32
      %dma_wait3A_4420 = arith.constant 0 : i32
      %dma_wait3A_4421 = tpu.memref_slice %arg4[%dma_wait3A_4419, %dma_wait3A_4420] : memref<1048576x32xf32, #tpu.memory_space<hbm>> -> memref<1048576x32xf32, #tpu.memory_space<hbm>>
      tpu.wait_indirect_dma semaphore(%arg28 : memref<!tpu.dma_semaphore, #tpu.memory_space<semaphore_mem>>) src(%dma_wait3A_4418 : memref<128x32xf32, #tpu.memory_space<vmem>>) dst(%dma_wait3A_4421 : memref<1048576x32xf32, #tpu.memory_space<hbm>>)
      %dma_wait3A_4422 = arith.constant 256 : i32
      %dma_wait3A_4423 = arith.constant 0 : i32
      %dma_wait3A_4424 = tpu.memref_slice %arg23[%dma_wait3A_4422, %dma_wait3A_4423] : memref<1024x32xf32, #tpu.memory_space<vmem>> -> memref<128x32xf32, #tpu.memory_space<vmem>>
      %dma_wait3A_4425 = arith.constant 0 : i32
      %dma_wait3A_4426 = arith.constant 0 : i32
      %dma_wait3A_4427 = tpu.memref_slice %arg4[%dma_wait3A_4425, %dma_wait3A_4426] : memref<1048576x32xf32, #tpu.memory_space<hbm>> -> memref<1048576x32xf32, #tpu.memory_space<hbm>>
      tpu.wait_indirect_dma semaphore(%arg28 : memref<!tpu.dma_semaphore, #tpu.memory_space<semaphore_mem>>) src(%dma_wait3A_4424 : memref<128x32xf32, #tpu.memory_space<vmem>>) dst(%dma_wait3A_4427 : memref<1048576x32xf32, #tpu.memory_space<hbm>>)
      %dma_wait3A_4428 = arith.constant 384 : i32
      %dma_wait3A_4429 = arith.constant 0 : i32
      %dma_wait3A_4430 = tpu.memref_slice %arg23[%dma_wait3A_4428, %dma_wait3A_4429] : memref<1024x32xf32, #tpu.memory_space<vmem>> -> memref<128x32xf32, #tpu.memory_space<vmem>>
      %dma_wait3A_4431 = arith.constant 0 : i32
      %dma_wait3A_4432 = arith.constant 0 : i32
      %dma_wait3A_4433 = tpu.memref_slice %arg4[%dma_wait3A_4431, %dma_wait3A_4432] : memref<1048576x32xf32, #tpu.memory_space<hbm>> -> memref<1048576x32xf32, #tpu.memory_space<hbm>>
      tpu.wait_indirect_dma semaphore(%arg28 : memref<!tpu.dma_semaphore, #tpu.memory_space<semaphore_mem>>) src(%dma_wait3A_4430 : memref<128x32xf32, #tpu.memory_space<vmem>>) dst(%dma_wait3A_4433 : memref<1048576x32xf32, #tpu.memory_space<hbm>>)
      %dma_wait3A_4434 = arith.constant 512 : i32
      %dma_wait3A_4435 = arith.constant 0 : i32
      %dma_wait3A_4436 = tpu.memref_slice %arg23[%dma_wait3A_4434, %dma_wait3A_4435] : memref<1024x32xf32, #tpu.memory_space<vmem>> -> memref<128x32xf32, #tpu.memory_space<vmem>>
      %dma_wait3A_4437 = arith.constant 0 : i32
      %dma_wait3A_4438 = arith.constant 0 : i32
      %dma_wait3A_4439 = tpu.memref_slice %arg4[%dma_wait3A_4437, %dma_wait3A_4438] : memref<1048576x32xf32, #tpu.memory_space<hbm>> -> memref<1048576x32xf32, #tpu.memory_space<hbm>>
      tpu.wait_indirect_dma semaphore(%arg28 : memref<!tpu.dma_semaphore, #tpu.memory_space<semaphore_mem>>) src(%dma_wait3A_4436 : memref<128x32xf32, #tpu.memory_space<vmem>>) dst(%dma_wait3A_4439 : memref<1048576x32xf32, #tpu.memory_space<hbm>>)
      %dma_wait3A_4440 = arith.constant 640 : i32
      %dma_wait3A_4441 = arith.constant 0 : i32
      %dma_wait3A_4442 = tpu.memref_slice %arg23[%dma_wait3A_4440, %dma_wait3A_4441] : memref<1024x32xf32, #tpu.memory_space<vmem>> -> memref<128x32xf32, #tpu.memory_space<vmem>>
      %dma_wait3A_4443 = arith.constant 0 : i32
      %dma_wait3A_4444 = arith.constant 0 : i32
      %dma_wait3A_4445 = tpu.memref_slice %arg4[%dma_wait3A_4443, %dma_wait3A_4444] : memref<1048576x32xf32, #tpu.memory_space<hbm>> -> memref<1048576x32xf32, #tpu.memory_space<hbm>>
      tpu.wait_indirect_dma semaphore(%arg28 : memref<!tpu.dma_semaphore, #tpu.memory_space<semaphore_mem>>) src(%dma_wait3A_4442 : memref<128x32xf32, #tpu.memory_space<vmem>>) dst(%dma_wait3A_4445 : memref<1048576x32xf32, #tpu.memory_space<hbm>>)
      %dma_wait3A_4446 = arith.constant 768 : i32
      %dma_wait3A_4447 = arith.constant 0 : i32
      %dma_wait3A_4448 = tpu.memref_slice %arg23[%dma_wait3A_4446, %dma_wait3A_4447] : memref<1024x32xf32, #tpu.memory_space<vmem>> -> memref<128x32xf32, #tpu.memory_space<vmem>>
      %dma_wait3A_4449 = arith.constant 0 : i32
      %dma_wait3A_4450 = arith.constant 0 : i32
      %dma_wait3A_4451 = tpu.memref_slice %arg4[%dma_wait3A_4449, %dma_wait3A_4450] : memref<1048576x32xf32, #tpu.memory_space<hbm>> -> memref<1048576x32xf32, #tpu.memory_space<hbm>>
      tpu.wait_indirect_dma semaphore(%arg28 : memref<!tpu.dma_semaphore, #tpu.memory_space<semaphore_mem>>) src(%dma_wait3A_4448 : memref<128x32xf32, #tpu.memory_space<vmem>>) dst(%dma_wait3A_4451 : memref<1048576x32xf32, #tpu.memory_space<hbm>>)
      %dma_wait3A_4452 = arith.constant 896 : i32
      %dma_wait3A_4453 = arith.constant 0 : i32
      %dma_wait3A_4454 = tpu.memref_slice %arg23[%dma_wait3A_4452, %dma_wait3A_4453] : memref<1024x32xf32, #tpu.memory_space<vmem>> -> memref<128x32xf32, #tpu.memory_space<vmem>>
      %dma_wait3A_4455 = arith.constant 0 : i32
      %dma_wait3A_4456 = arith.constant 0 : i32
      %dma_wait3A_4457 = tpu.memref_slice %arg4[%dma_wait3A_4455, %dma_wait3A_4456] : memref<1048576x32xf32, #tpu.memory_space<hbm>> -> memref<1048576x32xf32, #tpu.memory_space<hbm>>
      tpu.wait_indirect_dma semaphore(%arg28 : memref<!tpu.dma_semaphore, #tpu.memory_space<semaphore_mem>>) src(%dma_wait3A_4454 : memref<128x32xf32, #tpu.memory_space<vmem>>) dst(%dma_wait3A_4457 : memref<1048576x32xf32, #tpu.memory_space<hbm>>)
      %add3A_4458 = arith.constant 2 : i32
      %add3A_4459 = arith.addi %add3A_2275, %add3A_4458 : i32
      %lt3A_4460 = arith.constant 32 : i32
      %lt3A_4461 = arith.cmpi slt, %add3A_4459, %lt3A_4460 : i32
      %convert_element_type3A_4462 = arith.extui %lt3A_4461 : i1 to i32
      %cond3A_4463 = arith.constant 0 : i32
      %cond3A_4464 = arith.cmpi ne, %convert_element_type3A_4462, %cond3A_4463 : i32
      scf.if %cond3A_4464 {
        %add3A_4465 = arith.constant 2 : i32
        %add3A_4466 = arith.addi %add3A_2275, %add3A_4465 : i32
        %mul3A_4467 = arith.constant 1024 : i32
        %mul3A_4468 = arith.muli %add3A_4466, %mul3A_4467 : i32
        %add3A_4469 = arith.addi %mul3A_2, %mul3A_4468 : i32
        %multiple_of3A_4470 = tpu.assume_multiple %add3A_4469, 1024 : i32
        %dma_start3A_4471 = arith.constant 0 : i32
        %dma_start3A_4472 = tpu.memref_slice %arg2[%multiple_of3A_4470, %dma_start3A_4471] : memref<1048576x32xf32, #tpu.memory_space<hbm>> -> memref<1024x32xf32, #tpu.memory_space<hbm>>
        %dma_start3A_4473 = arith.constant 0 : i32
        %dma_start3A_4474 = tpu.memref_slice %arg2[%multiple_of3A_4470, %dma_start3A_4473] : memref<1048576x32xf32, #tpu.memory_space<hbm>> -> memref<1024x32xf32, #tpu.memory_space<hbm>>
        tpu.enqueue_dma source(%dma_start3A_4474 : memref<1024x32xf32, #tpu.memory_space<hbm>>) target(%arg23 : memref<1024x32xf32, #tpu.memory_space<vmem>>) target_semaphore(%arg26 : memref<!tpu.dma_semaphore, #tpu.memory_space<semaphore_mem>>)
      } else {
      }
    }
    %scan3A_84 = arith.constant 16 : i32
    return
  }
}

module attributes {stable_mosaic.version = 14 : i64} {
  func.func @body(%arg0: i32, %arg1: memref<16384x128xf32, #tpu.memory_space<vmem>>, %arg2: memref<32x65536xf32, #tpu.memory_space<vmem>>) attributes {dimension_semantics = [#tpu.dimension_semantics<arbitrary>], iteration_bounds = array<i64: 16>, scalar_prefetch = 0 : i64, scratch_operands = 0 : i64, tpu.core_type = #tpu.core_type<tc>, window_params = [{transform_indices = @transform_0, window_bounds = array<i64: 16384, 128>}, {transform_indices = @transform_1, window_bounds = array<i64: 32, 65536>}]} {
    %iota3A = tpu.iota {dimensions = array<i32: 0>} : vector<32x128xi32>
    %iota3A_0 = tpu.iota {dimensions = array<i32: 1>} : vector<32x128xi32>
    %add3A = arith.constant 0 : i32
    %add3A_1 = vector.broadcast %add3A : i32 to vector<32x128xi32>
    %add3A_2 = arith.addi %add3A_1, %iota3A : vector<32x128xi32>
    %eq3A = arith.cmpi eq, %iota3A_0, %add3A_2 : vector<32x128xi32>
    %convert_element_type3A = arith.extui %eq3A : vector<32x128xi1> to vector<32x128xi32>
    %convert_element_type3A_3 = arith.sitofp %convert_element_type3A : vector<32x128xi32> to vector<32x128xf32>
    %get3A = arith.constant 0 : index
    %get3A_4 = arith.constant 0 : index
    %get3A_5 = vector.load %arg1[%get3A, %get3A_4] : memref<16384x128xf32, #tpu.memory_space<vmem>>, vector<16384x128xf32>
    %dot_general3A = arith.constant dense<0.000000e+00> : vector<32x16384xf32>
    %dot_general3A_6 = tpu.matmul %convert_element_type3A_3, %get3A_5, %dot_general3A {dimension_numbers = #tpu.dot_dimension_numbers<[1], [1], [0], [0], [0, 0, 1, 0], [], []>, transpose_lhs_hint = false} : vector<32x128xf32>, vector<16384x128xf32>, vector<32x16384xf32> -> vector<32x16384xf32>
    %swap3A = arith.constant 0 : index
    %swap3A_7 = arith.constant 0 : index
    %swap3A_8 = vector.load %arg2[%swap3A, %swap3A_7] : memref<32x65536xf32, #tpu.memory_space<vmem>>, vector<32x16384xf32>
    tpu.vector_store %arg2[%swap3A, %swap3A_7], %dot_general3A_6 {strides = array<i32>} : memref<32x65536xf32, #tpu.memory_space<vmem>>, vector<32x16384xf32>,
    %add3A_9 = arith.constant 32 : i32
    %add3A_10 = vector.broadcast %add3A_9 : i32 to vector<32x128xi32>
    %add3A_11 = arith.addi %add3A_10, %iota3A : vector<32x128xi32>
    %eq3A_12 = arith.cmpi eq, %iota3A_0, %add3A_11 : vector<32x128xi32>
    %convert_element_type3A_13 = arith.extui %eq3A_12 : vector<32x128xi1> to vector<32x128xi32>
    %convert_element_type3A_14 = arith.sitofp %convert_element_type3A_13 : vector<32x128xi32> to vector<32x128xf32>
    %get3A_15 = arith.constant 0 : index
    %get3A_16 = arith.constant 0 : index
    %get3A_17 = vector.load %arg1[%get3A_15, %get3A_16] : memref<16384x128xf32, #tpu.memory_space<vmem>>, vector<16384x128xf32>
    %dot_general3A_18 = arith.constant dense<0.000000e+00> : vector<32x16384xf32>
    %dot_general3A_19 = tpu.matmul %convert_element_type3A_14, %get3A_17, %dot_general3A_18 {dimension_numbers = #tpu.dot_dimension_numbers<[1], [1], [0], [0], [0, 0, 1, 0], [], []>, transpose_lhs_hint = false} : vector<32x128xf32>, vector<16384x128xf32>, vector<32x16384xf32> -> vector<32x16384xf32>
    %swap3A_20 = arith.constant 0 : index
    %swap3A_21 = arith.constant 16384 : index
    %swap3A_22 = vector.load %arg2[%swap3A_20, %swap3A_21] : memref<32x65536xf32, #tpu.memory_space<vmem>>, vector<32x16384xf32>
    tpu.vector_store %arg2[%swap3A_20, %swap3A_21], %dot_general3A_19 {strides = array<i32>} : memref<32x65536xf32, #tpu.memory_space<vmem>>, vector<32x16384xf32>,
    %add3A_23 = arith.constant 64 : i32
    %add3A_24 = vector.broadcast %add3A_23 : i32 to vector<32x128xi32>
    %add3A_25 = arith.addi %add3A_24, %iota3A : vector<32x128xi32>
    %eq3A_26 = arith.cmpi eq, %iota3A_0, %add3A_25 : vector<32x128xi32>
    %convert_element_type3A_27 = arith.extui %eq3A_26 : vector<32x128xi1> to vector<32x128xi32>
    %convert_element_type3A_28 = arith.sitofp %convert_element_type3A_27 : vector<32x128xi32> to vector<32x128xf32>
    %get3A_29 = arith.constant 0 : index
    %get3A_30 = arith.constant 0 : index
    %get3A_31 = vector.load %arg1[%get3A_29, %get3A_30] : memref<16384x128xf32, #tpu.memory_space<vmem>>, vector<16384x128xf32>
    %dot_general3A_32 = arith.constant dense<0.000000e+00> : vector<32x16384xf32>
    %dot_general3A_33 = tpu.matmul %convert_element_type3A_28, %get3A_31, %dot_general3A_32 {dimension_numbers = #tpu.dot_dimension_numbers<[1], [1], [0], [0], [0, 0, 1, 0], [], []>, transpose_lhs_hint = false} : vector<32x128xf32>, vector<16384x128xf32>, vector<32x16384xf32> -> vector<32x16384xf32>
    %swap3A_34 = arith.constant 0 : index
    %swap3A_35 = arith.constant 32768 : index
    %swap3A_36 = vector.load %arg2[%swap3A_34, %swap3A_35] : memref<32x65536xf32, #tpu.memory_space<vmem>>, vector<32x16384xf32>
    tpu.vector_store %arg2[%swap3A_34, %swap3A_35], %dot_general3A_33 {strides = array<i32>} : memref<32x65536xf32, #tpu.memory_space<vmem>>, vector<32x16384xf32>,
    %add3A_37 = arith.constant 96 : i32
    %add3A_38 = vector.broadcast %add3A_37 : i32 to vector<32x128xi32>
    %add3A_39 = arith.addi %add3A_38, %iota3A : vector<32x128xi32>
    %eq3A_40 = arith.cmpi eq, %iota3A_0, %add3A_39 : vector<32x128xi32>
    %convert_element_type3A_41 = arith.extui %eq3A_40 : vector<32x128xi1> to vector<32x128xi32>
    %convert_element_type3A_42 = arith.sitofp %convert_element_type3A_41 : vector<32x128xi32> to vector<32x128xf32>
    %get3A_43 = arith.constant 0 : index
    %get3A_44 = arith.constant 0 : index
    %get3A_45 = vector.load %arg1[%get3A_43, %get3A_44] : memref<16384x128xf32, #tpu.memory_space<vmem>>, vector<16384x128xf32>
    %dot_general3A_46 = arith.constant dense<0.000000e+00> : vector<32x16384xf32>
    %dot_general3A_47 = tpu.matmul %convert_element_type3A_42, %get3A_45, %dot_general3A_46 {dimension_numbers = #tpu.dot_dimension_numbers<[1], [1], [0], [0], [0, 0, 1, 0], [], []>, transpose_lhs_hint = false} : vector<32x128xf32>, vector<16384x128xf32>, vector<32x16384xf32> -> vector<32x16384xf32>
    %swap3A_48 = arith.constant 0 : index
    %swap3A_49 = arith.constant 49152 : index
    %swap3A_50 = vector.load %arg2[%swap3A_48, %swap3A_49] : memref<32x65536xf32, #tpu.memory_space<vmem>>, vector<32x16384xf32>
    tpu.vector_store %arg2[%swap3A_48, %swap3A_49], %dot_general3A_47 {strides = array<i32>} : memref<32x65536xf32, #tpu.memory_space<vmem>>, vector<32x16384xf32>,
    return
  }
  func.func @transform_0(%arg0: i32) -> (i32, i32) {
    %c0_i32 = arith.constant 0 : i32
    %c0_i32_0 = arith.constant 0 : i32
    return %arg0, %c0_i32 : i32, i32
  }
  func.func @transform_1(%arg0: i32) -> (i32, i32) {
    %c0_i32 = arith.constant 0 : i32
    %c0_i32_0 = arith.constant 0 : i32
    return %c0_i32, %arg0 : i32, i32
  }
}

module attributes {stable_mosaic.version = 14 : i64} {
  func.func @body(%arg0: i32, %arg1: memref<32x8192xf32, #tpu.memory_space<vmem>>, %arg2: memref<32x8192xf32, #tpu.memory_space<vmem>>, %arg3: memref<32x8192xf32, #tpu.memory_space<vmem>>, %arg4: memref<32x8192xf32, #tpu.memory_space<vmem>>, %arg5: memref<8192x128xf32, #tpu.memory_space<vmem>>) attributes {dimension_semantics = [#tpu.dimension_semantics<arbitrary>], iteration_bounds = array<i64: 32>, scalar_prefetch = 0 : i64, scratch_operands = 0 : i64, tpu.core_type = #tpu.core_type<tc>, window_params = [{transform_indices = @transform_0, window_bounds = array<i64: 32, 8192>}, {transform_indices = @transform_1, window_bounds = array<i64: 32, 8192>}, {transform_indices = @transform_2, window_bounds = array<i64: 32, 8192>}, {transform_indices = @transform_3, window_bounds = array<i64: 32, 8192>}, {transform_indices = @transform_4, window_bounds = array<i64: 8192, 128>}]} {
    %get3A = arith.constant 0 : index
    %get3A_0 = arith.constant 0 : index
    %get3A_1 = vector.load %arg1[%get3A, %get3A_0] : memref<32x8192xf32, #tpu.memory_space<vmem>>, vector<32x8192xf32>
    %get3A_2 = arith.constant 0 : index
    %get3A_3 = arith.constant 0 : index
    %get3A_4 = vector.load %arg2[%get3A_2, %get3A_3] : memref<32x8192xf32, #tpu.memory_space<vmem>>, vector<32x8192xf32>
    %get3A_5 = arith.constant 0 : index
    %get3A_6 = arith.constant 0 : index
    %get3A_7 = vector.load %arg3[%get3A_5, %get3A_6] : memref<32x8192xf32, #tpu.memory_space<vmem>>, vector<32x8192xf32>
    %get3A_8 = arith.constant 0 : index
    %get3A_9 = arith.constant 0 : index
    %get3A_10 = vector.load %arg4[%get3A_8, %get3A_9] : memref<32x8192xf32, #tpu.memory_space<vmem>>, vector<32x8192xf32>
    %concatenate3A = tpu.concatenate %get3A_1, %get3A_4, %get3A_7, %get3A_10 in 0 : vector<32x8192xf32>, vector<32x8192xf32>, vector<32x8192xf32>, vector<32x8192xf32> -> vector<128x8192xf32>
    %iota3A = tpu.iota {dimensions = array<i32: 0>} : vector<128x128xi32>
    %iota3A_11 = tpu.iota {dimensions = array<i32: 1>} : vector<128x128xi32>
    %eq3A = arith.cmpi eq, %iota3A, %iota3A_11 : vector<128x128xi32>
    %convert_element_type3A = arith.extui %eq3A : vector<128x128xi1> to vector<128x128xi32>
    %convert_element_type3A_12 = arith.sitofp %convert_element_type3A : vector<128x128xi32> to vector<128x128xf32>
    %dot_general3A = arith.constant dense<0.000000e+00> : vector<8192x128xf32>
    %dot_general3A_13 = tpu.matmul %concatenate3A, %convert_element_type3A_12, %dot_general3A {dimension_numbers = #tpu.dot_dimension_numbers<[0], [0], [1], [1], [0, 1, 1, 1], [], []>, transpose_lhs_hint = false} : vector<128x8192xf32>, vector<128x128xf32>, vector<8192x128xf32> -> vector<8192x128xf32>
    %swap3A = arith.constant 0 : index
    %swap3A_14 = arith.constant 0 : index
    %swap3A_15 = vector.load %arg5[%swap3A, %swap3A_14] : memref<8192x128xf32, #tpu.memory_space<vmem>>, vector<8192x128xf32>
    tpu.vector_store %arg5[%swap3A, %swap3A_14], %dot_general3A_13 {strides = array<i32>} : memref<8192x128xf32, #tpu.memory_space<vmem>>, vector<8192x128xf32>,
    return
  }
  func.func @transform_0(%arg0: i32) -> (i32, i32) {
    %add3A = arith.constant 0 : i32
    %add3A_0 = arith.addi %add3A, %arg0 : i32
    %c0_i32 = arith.constant 0 : i32
    %c0_i32_1 = arith.constant 0 : i32
    return %c0_i32, %add3A_0 : i32, i32
  }
  func.func @transform_1(%arg0: i32) -> (i32, i32) {
    %add3A = arith.constant 32 : i32
    %add3A_0 = arith.addi %add3A, %arg0 : i32
    %c0_i32 = arith.constant 0 : i32
    %c0_i32_1 = arith.constant 0 : i32
    return %c0_i32, %add3A_0 : i32, i32
  }
  func.func @transform_2(%arg0: i32) -> (i32, i32) {
    %add3A = arith.constant 64 : i32
    %add3A_0 = arith.addi %add3A, %arg0 : i32
    %c0_i32 = arith.constant 0 : i32
    %c0_i32_1 = arith.constant 0 : i32
    return %c0_i32, %add3A_0 : i32, i32
  }
  func.func @transform_3(%arg0: i32) -> (i32, i32) {
    %add3A = arith.constant 96 : i32
    %add3A_0 = arith.addi %add3A, %arg0 : i32
    %c0_i32 = arith.constant 0 : i32
    %c0_i32_1 = arith.constant 0 : i32
    return %c0_i32, %add3A_0 : i32, i32
  }
  func.func @transform_4(%arg0: i32) -> (i32, i32) {
    %c0_i32 = arith.constant 0 : i32
    %c0_i32_0 = arith.constant 0 : i32
    return %arg0, %c0_i32 : i32, i32
  }
}

</mosaic_0001>

<sc_bundles>
// kernel: kernel.5.cloned.1.call-start
scs
__scs_entry_jumppad:
0x0: {  	(pc) =	sbr.rel $0x88, $3  }
0x1: {  	(tag) =	ssettag $0x0;
	lr =	simm.s32 $0x1  }
0x2: {  	[smem:$0x3F9F] =	sst lr;
	_ =	strace $0xD0000000  }
0x3: {  	_ = 	snop  }
0x4: {  	_ = 	snop  }
0x5: {  	_ = 	snop  }
0x6: {  	_ = 	snop  }
0x7: {  	_ = 	snop  }
__scs_overlays_trampoline_lowered:
0x8: {  	[smem:$0x3FAE] =	sst s0  }
0x9: {  	[smem:$0x3FAF] =	sst s1  }
0xa: {  	[smem:$0x3FB0] =	sst s2  }
0xb: {  	[smem:$0x3FB1] =	sst s3  }
0xc: {  	[smem:$0x3FB2] =	sst s4  }
0xd: {  	[smem:$0x3FB3] =	sst s5  }
0xe: {  	[smem:$0x3FB4] =	sst s6  }
0xf: {  	[smem:$0x3FB5] =	sst s7  }
0x10: {  	[smem:$0x3FB6] =	sst s8  }
0x11: {  	[smem:$0x3FB7] =	sst s9;
	s0 =	simm.s32 @!p0 $0x0  }
0x12: {  	s1 =	sld [smem:$0x3F9D];
	s0 =	simm.s32 @p0 $0x1  }
0x13: {  	[smem:$0x3FB8] =	sst s0;
	s0 =	simm.s32 @!p1 $0x0  }
0x14: {  	s2 =	sld [smem:$0x3F9C];
	s0 =	simm.s32 @p1 $0x1  }
0x15: {  	[smem:$0x3FB9] =	sst s0;
	s0 =	simm.s32 @!p2 $0x0  }
0x16: {  	s3 =	sld [smem:$0x3FDB];
	s0 =	simm.s32 @p2 $0x1  }
0x17: {  	s4 =	simm.s32 $0x1BF5;
	[smem:$0x3FBB] =	sst s0  }
0x18: {  	s0 =	sld [smem:$0x3F9E];
	_ =	swait.ge [sflag:s4], $0x0  }
0x19: {  	s7 =	sld [smem:$0x3F9F]  }
0x1a: {  	s8 =	sadd.s32 $0xFFFFE003, lr  }
0x1b: {  	s9 =	sadd.s32 $0xFFFFFEF7, lr;
	s5 =	simm.s32 $0xFFFFFFFF;
	p2 =	slt.u32 s8, $0xFFFFF086  }
0x1c: {  	p1 =	slt.u32 s9, $0xF7A;
	s5 =	simm.s32 @!p2 $0x0  }
0x1d: {  	s5 =	simm.s32 @p1 $0x1;
	p0 =	seq.s32 s7, s2  }
0x1e: {  	s7 =	smul.u32 @!p0 $0xF7A, s2;
	p2 =	seq.s32 @!p0 s5, $0x0  }
0x1f: {  	s9 =	smul.u32 $0xF7A, s1;
	s8 =	simm.s32 @!p0 $0x1BF5;
	p2 =	por !p2, p0  }
0x20: {  	[sflag:s8] =	ssyncset.s32 @!p0 $0xFFFFF086;
	s6 =	sadd.s32 @!p0 s3, s7;
	s7 =	simm.s32 @!p0 $0x108  }
0x21: {  	s3 =	sadd.s32 s3, s9;
	s6 =	sadd.s32 @!p0 $0x88, s6;
	s7 =	simm.s32 @p2 $0x1082  }
0x22: {  	[simem:s7], [sflag:s8] =	dma.local @!p0 [hbm:s6], $0xF7A  }
0x23: {  	s9 =	sor.u32 $0xD0000000, s2;
	s6 =	simm.s32 $0x108;
	_ =	swait.ge @!p0 [sflag:s8], $0x0  }
0x24: {  	s3 =	sadd.s32 $0x88, s3;
	s6 =	simm.s32 @!p1 $0x1082;
	[sflag:s4] =	ssyncset.s32 $0xFFFFF086  }
0x25: {  	[simem:s6], [sflag:s4] =	dma.local [hbm:s3], $0xF7A  }
0x26: {  	[smem:$0x3F9F] =	sst s1;
	(tag) =	ssettag s2;
	_ =	strace s9  }
0x27: {  	s1 =	sld [smem:$0x3FAF]  }
0x28: {  	s2 =	sld [smem:$0x3FB0]  }
0x29: {  	s4 =	sld [smem:$0x3FB2]  }
0x2a: {  	p0 =	seq.s32 s5, $0x0;
	s5 =	sld [smem:$0x3FB3]  }
0x2b: {  	s6 =	sld [smem:$0x3FB4]  }
0x2c: {  	s7 =	sld [smem:$0x3FB5]  }
0x2d: {  	s3 =	simm.s32 $0x108;
	s8 =	sld [smem:$0x3FB6]  }
0x2e: {  	s3 =	simm.s32 @!p0 $0x1082;
	s9 =	sld [smem:$0x3FB7]  }
0x2f: {  	lr =	sadd.s32 s0, s3;
	s0 =	sld [smem:$0x3FAE]  }
0x30: {  	s3 =	sld [smem:$0x3FB1]  }
0x31: {  	[smem:$0x3FBA] =	sst s10  }
0x32: {  	s10 =	sld [smem:$0x3FB8];
	_ =	sdelay $0x3  }
0x33: {  	p0 =	seq.s32 s10, $0x1;
	s10 =	sld [smem:$0x3FBA];
	_ =	sdelay $0x3  }
0x34: {  	[smem:$0x3FBA] =	sst s10  }
0x35: {  	s10 =	sld [smem:$0x3FB9];
	_ =	sdelay $0x3  }
0x36: {  	p1 =	seq.s32 s10, $0x1;
	s10 =	sld [smem:$0x3FBA];
	_ =	sdelay $0x3  }
0x37: {  	[smem:$0x3FBA] =	sst s10  }
0x38: {  	s10 =	sld [smem:$0x3FBB]  }
0x39: {  	_ = 	snop;
	(pc) =	sbr.ind lr, $3  }
0x3a: {  	_ = 	snop  }
0x3b: {  	_ = 	snop  }
0x3c: {  	p2 =	seq.s32 s10, $0x1;
	s10 =	sld [smem:$0x3FBA]  }
0x3d: {  	_ =	shalt  }
0x3e: {  	_ =	shalt  }
0x3f: {  	_ =	shalt  }
0x40: {  	_ =	shalt  }
0x41: {  	_ =	shalt  }
0x42: {  	_ =	shalt  }
0x43: {  	_ =	shalt  }
0x44: {  	_ =	shalt  }
0x45: {  	_ =	shalt  }
0x46: {  	_ =	shalt  }
0x47: {  	_ =	shalt  }
0x48: {  	_ =	shalt  }
0x49: {  	_ =	shalt  }
0x4a: {  	_ =	shalt  }
0x4b: {  	_ =	shalt  }
0x4c: {  	_ =	shalt  }
0x4d: {  	_ =	shalt  }
0x4e: {  	_ =	shalt  }
0x4f: {  	_ =	shalt  }
0x50: {  	_ =	shalt  }
0x51: {  	_ =	shalt  }
0x52: {  	_ =	shalt  }
0x53: {  	_ =	shalt  }
0x54: {  	_ =	shalt  }
0x55: {  	_ =	shalt  }
0x56: {  	_ =	shalt  }
0x57: {  	_ =	shalt  }
0x58: {  	_ =	shalt  }
0x59: {  	_ =	shalt  }
0x5a: {  	_ =	shalt  }
0x5b: {  	_ =	shalt  }
0x5c: {  	_ =	shalt  }
0x5d: {  	_ =	shalt  }
0x5e: {  	_ =	shalt  }
0x5f: {  	_ =	shalt  }
0x60: {  	_ =	shalt  }
0x61: {  	_ =	shalt  }
0x62: {  	_ =	shalt  }
0x63: {  	_ =	shalt  }
0x64: {  	_ =	shalt  }
0x65: {  	_ =	shalt  }
0x66: {  	_ =	shalt  }
0x67: {  	_ =	shalt  }
0x68: {  	_ =	shalt  }
0x69: {  	_ =	shalt  }
0x6a: {  	_ =	shalt  }
0x6b: {  	_ =	shalt  }
0x6c: {  	_ =	shalt  }
0x6d: {  	_ =	shalt  }
0x6e: {  	_ =	shalt  }
0x6f: {  	_ =	shalt  }
0x70: {  	_ =	shalt  }
0x71: {  	_ =	shalt  }
0x72: {  	_ =	shalt  }
0x73: {  	_ =	shalt  }
0x74: {  	_ =	shalt  }
0x75: {  	_ =	shalt  }
0x76: {  	_ =	shalt  }
0x77: {  	_ =	shalt  }
0x78: {  	_ =	shalt  }
0x79: {  	_ =	shalt  }
0x7a: {  	_ =	shalt  }
0x7b: {  	_ =	shalt  }
0x7c: {  	_ =	shalt  }
0x7d: {  	_ =	shalt  }
0x7e: {  	_ =	shalt  }
0x7f: {  	_ =	shalt  }
0x80: {  	_ =	shalt  }
0x81: {  	_ =	shalt  }
0x82: {  	_ =	shalt  }
0x83: {  	_ =	shalt  }
0x84: {  	_ =	shalt  }
0x85: {  	_ =	shalt  }
0x86: {  	_ =	shalt  }
0x87: {  	_ =	shalt  }
.Lfunc_end0:
.L_simem_size_0:
called_computation_lowered:
.L_overlay_start_0:
0x88: {  	s2 =	sld [smem:$0x3FD9]  }
0x89: {  	s3 =	sld [smem:$0x3FFE];
	_ =	sdelay $0x1  }
0x8a: {  	s1 =	srdreg.scid  }
0x8b: {  	s0 =	sand.u32 $0x1, s1  }
0x8c: {  	s17 =	sshll.u32 s0, $0xA;
	s2 =	sadd.s32 s3, s2  }
0x8d: {  	s2 =	sadd.s32 s2, s17  }
0x8e: {  	[smem:$0x3FC6] =	sst s2  }
0x8f: {  	_ = 	snop  }
0x90: {  	s2 =	sld [smem:$0x3FC8]  }
0x91: {  	s18 =	sld [smem:$0x3FD0];
	(tm) =	ssettm $0x1  }
0x92: {  	s4 =	sld [smem:$0x3FFB];
	_ =	sdelay $0x3  }
0x93: {  	_ =	strace s4  }
0x94: {  	s4 =	sld [smem:$0x3FFC];
	_ =	sdelay $0x3  }
0x95: {  	_ =	strace s4  }
0x96: {  	s4 =	sld [smem:$0x3FFD];
	_ =	sdelay $0x3  }
0x97: {  	_ =	strace s4  }
0x98: {  	_ =	strace $0x8FFFFFFF  }
0x99: {  	s19 =	sld [smem:$0x3FDB];
	_ =	sdelay $0x1  }
0x9a: {  	s5 =	simm.s32 $_scs_section_size  }
0x9b: {  	s6 =	simm.s32 $_size__tile_overlayer_lowered;
	s7 =	simm.s32 $_tile_overlayer_lowered  }
0x9c: {  	s22 =	simm.s32 $0x1BFF;
	s21 =	sshll.u32 s7, $0x1;
	s4 =	sadd.s32 s5, s19  }
0x9d: {  	s8 =	simm.s32 $0x0;
	s20 =	sshll.u32 s6, $0x1;
	s6 =	sadd.s32 s21, s4  }
0x9e: {  	[timem:s8], [sflag:s22] =	dma.local [hbm:s6], s20  }
0x9f: {  	_ =	swait.ge [sflag:s22], s20  }
0xa0: {  	s5 =	ssub.s32 $0x0, s20;
	[sflag:s22] =	ssyncset.done $0x0  }
0xa1: {  	[sflag:s22] =	ssyncadd.s32 s5;
	_ =	sdelay $0x1  }
0xa2: {  	s23 =	simm.s32 $0x1B8B  }
0xa3: {  	_ =	swait.ge [sflag:s23], $0x1  }
0xa4: {  	[sflag:s23] =	ssyncset.done $0x0  }
0xa5: {  	s25 =	simm.s32 $0x1B8E;
	s24 =	sld [smem:$0x3FFE];
	[sflag:s23] =	ssyncadd.s32 $0xFFFFFFFF  }
0xa6: {  	s26 =	simm.s32 $execute0_lowered;
	[smem:$0x3FD2] =	sst s25  }
0xa7: {  	s6 =	sshll.u32 s26, $0x1;
	_ =	strace $0x80000046;
	[dreg:$0x1] =	wrdreg $0xFFFFFFFF  }
0xa8: {  	s28 =	simm.s32 $_size_execute0_lowered;
	s4 =	sadd.s32 s4, s6;
	[dreg:$0x0] =	wrdreg $0x0  }
0xa9: {  	s6 =	sshll.u32 s28, $0x1;
	[dreg:$0x2] =	wrdreg s4  }
0xaa: {  	[dreg:$0x3] =	wrdreg s6  }
0xab: {  	[dreg:$0x4] =	wrdreg $0xC0  }
0xac: {  	_ =	task [dreg:s8], $0x5FFFF  }
0xad: {  	[dreg:$0x1] =	wrdreg $0xFFFFFFFF  }
0xae: {  	[dreg:$0x0] =	wrdreg $0x60  }
0xaf: {  	[dreg:$0x2] =	wrdreg s18  }
0xb0: {  	[dreg:$0x3] =	wrdreg s2  }
0xb1: {  	[dreg:$0x4] =	wrdreg s24  }
0xb2: {  	[dreg:$0x5] =	wrdreg $0x9  }
0xb3: {  	_ =	task.clear_ibuf [dreg:s8], $0x6FFFF;
	_ =	strace $0x90000046  }
0xb4: {  	s29 =	simm.s32 $0x9;
	_ =	strace $0x80000048  }
0xb5: {  	_ =	swait.ge [sflag:s29], $0x1  }
0xb6: {  	[sflag:s29] =	ssyncadd.s32 $0xFFFFFFFF  }
0xb7: {  	_ =	strace $0x90000048  }
0xb8: {  	_ =	sfence  }
0xb9: {  	s30 =	sld [smem:$0x0];
	_ =	sdelay $0x2  }
0xba: {  	s31 =	sshll.u32 s1, $0xD;
	s1 =	sshrl.u32 s1, $0x2  }
0xbb: {  	s3 =	sand.u32 $0x4000, s31;
	s1 =	sadd.s32 s1, s30  }
0xbc: {  	s0 =	sor.u32 s3, s0;
	s1 =	sshll.u32 s1, $0x11  }
0xbd: {  	s0 =	sor.u32 s1, s0  }
0xbe: {  	s0 =	sadd.s32 $0x8F2B, s0  }
0xbf: {  	[sflag:s0] =	ssyncadd.remote.s32 $0x1  }
0xc0: {  	_ =	sfence.sel $0xFFFF  }
0xc1: {  	[dreg:$0x0] =	wrdreg $0xFFFFFFFF;
	(pc) =	sbr.abs _section_cstart, $3  }
0xc2: {  	[dreg:$0x1] =	wrdreg $0xFFFFFFFF  }
0xc3: {  	_ =	task.clear_ibuf [dreg:s8], $0x2FFFF;
	_ =	strace $0x9FFFFFFF  }
0xc4: {  	(tm) =	ssettm $0x7FFFFFFF  }
0xc5: {  	_ =	shalt  }
tec
execute0_lowered:
.L_overlay_start_1:
0x0: {  	(tag) =	ssettag $0x1  }
0x1: {  	s0 =	rddreg [dreg:$0x0]  }
0x2: {  	s1 =	rddreg [dreg:$0x1]  }
0x3: {  	s3 =	rddreg [dreg:$0x2]  }
0x4: {  	s4 =	srdreg.scid;
	s9 =	stileid.u32  }
0x5: {  	s2 =	simm.s32 $0x0;
	s17 =	simm.s32 $0x10800;
	s18 =	simm.s32 $0x8000  }
0x6: {  	s19 =	simm.s32 $0x8080;
	s20 =	simm.s32 $0x8100;
	s21 =	simm.s32 $0x8180  }
0x7: {  	s22 =	simm.s32 $0x8200;
	s28 =	simm.s32 $0x80;
	s14 =	simm.s32 $0x4  }
0x8: {  	s10 =	simm.s32 $0x8600;
	s11 =	simm.s32 $0x8680;
	s15 =	simm.s32 $0x3  }
0x9: {  	s13 =	simm.s32 $0x17800;
	s29 =	simm.s32 $0x5;
	s4 =	sand.u32 $0x1, s4  }
0xa: {  	s5 =	sshll.u32 s9, $0x1;
	[smem:$0x7FF] =	sst s2;
	s3 =	sadd.s32 $0x400, s3  }
0xb: {  	s26 =	sshll.u32 s9, $0x12;
	s9 =	simm.s32 $0x8580;
	s6 =	ssub.s32 $0x2, s4  }
0xc: {  	s5 =	sor.u32 s4, s5;
	_ =	strace $0x80000047;
	s4 =	sshll.u32 s4, $0x11  }
0xd: {  	s7 =	sshrl.u32 s6, $0x1;
	s8 =	sshll.u32 s5, $0xA;
	s24 =	sshll.u32 s5, $0x11  }
0xe: {  	s5 =	sadd.s32 s26, s0;
	s26 =	simm.s32 $0x2;
	s23 =	sadd.s32 s1, s8  }
0xf: {  	s6 =	ssub.s32 s6, s7;
	s1 =	sadd.s32 s0, s24;
	[dreg:$0x4] =	wrdreg s23  }
0x10: {  	s30 =	sadd.s32 s4, s5;
	s25 =	sadd.s32 $0x8000, s23;
	[dreg:$0x8] =	wrdreg s1  }
0x11: {  	s24 =	simm.s32 $0x8300;
	s8 =	sadd.s32 $0x10000, s23;
	[dreg:$0x5] =	wrdreg s25  }
0x12: {  	v0 =	vlaneseq.u32;
	s5 =	simm.s32 $0x8400;
	s7 =	sadd.s32 $0x18000, s23;
	[dreg:$0x6] =	wrdreg s8  }
.Ltmp0:
0x13: {  	v0 =	vmul.u32 $0x4, v0;
	s1 =	sadd.s32 $0x1000, s1;
	[dreg:$0x7] =	wrdreg s7;
	(pc) =	sbr.rel .LBB2_1-.Ltmp0, $4  }
0x14: {  	s4 =	simm.s32 $0x8780;
	s31 =	smax.u32 s6, $0x1;
	[dreg:$0x9] =	wrdreg s1  }
0x15: {  	v1 =	vor.u32 $0x40, v0;
	s0 =	sadd.s32 $0x3000, s30;
	s23 =	simm.s32 $0x8280;
	[dreg:$0xa] =	wrdreg s31  }
0x16: {  	v2 =	vor.u32 $0x1, v0;
	v3 =	vor.u32 $0x41, v0;
	v4 =	vor.u32 $0x2, v0;
	s6 =	simm.s32 $0x8480;
	[dreg:$0xb] =	wrdreg s0;
	s25 =	simm.s32 $0x8380  }
0x17: {  	v5 =	vor.u32 $0x42, v0;
	v6 =	vor.u32 $0x3, v0;
	v7 =	vor.u32 $0x43, v0;
	s7 =	simm.s32 $0x8500;
	s8 =	simm.s32 $0x8700;
	s1 =	simm.s32 $0x0  }
.LBB2_4:
0x18: {  	s1 =	rddreg [dreg:$0xc]  }
0x19: {  	s0 =	rddreg [dreg:$0xa];
	s1 =	sadd.s32 $0x1, s1  }
0x1a: {  	p0 =	sne.s32 s1, s0  }
.Ltmp1:
0x1b: {  	_ = 	snop;
	(pc) =	sbr.rel @!p0 .LBB2_5-.Ltmp1, $1  }
0x1c: {  	_ =	sdelay $0x3  }
.LBB2_1:
0x1d: {  	[dreg:$0xc] =	wrdreg s1  }
0x1e: {  	s0 =	rddreg [dreg:$0x4]  }
0x1f: {  	[tilespmem:s2], [sflag:$0x1] =	stream.linear.gather [hbm4b:s0+s2], $0x2000, $0x38;
	[tilespmem:$0x18800] =	vst v63  }
0x20: {  	s12 =	rddreg [dreg:$0x5];
	s16 =	simm.s32 $0x2000  }
0x21: {  	[tilespmem:s16], [sflag:$0x1] =	stream.linear.gather [hbm4b:s12+s2], $0x2000, $0x38;
	[tilespmem:$0x18800] =	vst v63  }
0x22: {  	s12 =	rddreg [dreg:$0x6];
	s16 =	simm.s32 $0x4000  }
0x23: {  	[tilespmem:s16], [sflag:$0x1] =	stream.linear.gather [hbm4b:s12+s2], $0x2000, $0x38;
	[tilespmem:$0x18800] =	vst v63  }
0x24: {  	s1 =	rddreg [dreg:$0x7];
	s12 =	simm.s32 $0x6000;
	s16 =	simm.s32 $0x1  }
0x25: {  	[tilespmem:s12], [sflag:$0x1] =	stream.linear.gather [hbm4b:s1+s2], $0x2000, $0x38;
	[tilespmem:$0x18800] =	vst v63  }
0x26: {  	_ =	swait.ge [sflag:s16], $0x8000  }
0x27: {  	[sflag:s16] =	ssyncset.done $0x0;
	s1 =	rddreg [dreg:$0x8]  }
0x28: {  	s12 =	simm.s32 $0x8800;
	s31 =	rddreg [dreg:$0xb];
	[sflag:s16] =	ssyncadd.s32 $0xFFFF8000  }
0x29: {  	[tilespmem:s12], [sflag:$0x2] =	stream.linear.gather [hbm4b:s1+s2], $0x8000, $0x38;
	[tilespmem:$0x18800] =	vst v63  }
0x2a: {  	s30 =	simm.s32 $0x0;
	s16 =	rddreg [dreg:$0x9]  }
0x2b: {  	[tilespmem:s17], [sflag:$0x3] =	stream.linear.gather [hbm4b:s16+s2], $0x8000, $0x38;
	[tilespmem:$0x18800] =	vst v63  }
.LBB2_2:
0x2c: {  	s0 =	sshra.s32 s30, $0x2  }
0x2d: {  	v8 =	vld [tilespmem:s0+$0x0];
	_ =	sdelay $0x4  }
0x2e: {  	v9 =	vshll.u32 v8, $0x2  }
0x2f: {  	v10 =	vand.u32 $0xFFFF0000, v8;
	v8 =	vshrl.u32 v8, $0xE;
	v9 =	vand.u32 $0xFFFC, v9  }
0x30: {  	v8 =	vand.u32 $0x3, v8;
	v9 =	vor.u32 v10, v9  }
0x31: {  	v8 =	vor.u32 v8, v9  }
0x32: {  	[tilespmem:v0+s18+$0x0] =	vst.idx.msk $0xffff, v8  }
0x33: {  	v8 =	vld [tilespmem:s0+$0x10];
	_ =	sdelay $0x4  }
0x34: {  	v18 =	vshll.u32 v8, $0x2  }
0x35: {  	v19 =	vand.u32 $0xFFFF0000, v8;
	v8 =	vshrl.u32 v8, $0xE;
	v9 =	vand.u32 $0xFFFC, v18  }
0x36: {  	v8 =	vand.u32 $0x3, v8;
	v9 =	vor.u32 v19, v9  }
0x37: {  	v8 =	vor.u32 v8, v9  }
0x38: {  	[tilespmem:v1+s18+$0x0] =	vst.idx.msk $0xffff, v8  }
0x39: {  	v8 =	vld [tilespmem:s0+$0x2000];
	_ =	sdelay $0x4  }
0x3a: {  	v20 =	vshll.u32 v8, $0x2  }
0x3b: {  	v21 =	vand.u32 $0xFFFF0000, v8;
	v8 =	vshrl.u32 v8, $0xE;
	v9 =	vand.u32 $0xFFFC, v20  }
0x3c: {  	v8 =	vand.u32 $0x3, v8;
	v9 =	vor.u32 v21, v9  }
0x3d: {  	v8 =	vor.u32 v8, v9  }
0x3e: {  	[tilespmem:v2+s18+$0x0] =	vst.idx.msk $0xffff, v8  }
0x3f: {  	v8 =	vld [tilespmem:s0+$0x2010];
	_ =	sdelay $0x4  }
0x40: {  	v22 =	vshll.u32 v8, $0x2  }
0x41: {  	v23 =	vand.u32 $0xFFFF0000, v8;
	v8 =	vshrl.u32 v8, $0xE;
	v9 =	vand.u32 $0xFFFC, v22  }
0x42: {  	v8 =	vand.u32 $0x3, v8;
	v9 =	vor.u32 v23, v9  }
0x43: {  	v8 =	vor.u32 v8, v9  }
0x44: {  	[tilespmem:v3+s18+$0x0] =	vst.idx.msk $0xffff, v8  }
0x45: {  	v8 =	vld [tilespmem:s0+$0x4000];
	_ =	sdelay $0x4  }
0x46: {  	v24 =	vshll.u32 v8, $0x2  }
0x47: {  	v25 =	vand.u32 $0xFFFF0000, v8;
	v8 =	vshrl.u32 v8, $0xE;
	v9 =	vand.u32 $0xFFFC, v24  }
0x48: {  	v8 =	vand.u32 $0x3, v8;
	v9 =	vor.u32 v25, v9  }
0x49: {  	v8 =	vor.u32 v8, v9  }
0x4a: {  	[tilespmem:v4+s18+$0x0] =	vst.idx.msk $0xffff, v8  }
0x4b: {  	v8 =	vld [tilespmem:s0+$0x4010];
	_ =	sdelay $0x4  }
0x4c: {  	v26 =	vshll.u32 v8, $0x2  }
0x4d: {  	v27 =	vand.u32 $0xFFFF0000, v8;
	v8 =	vshrl.u32 v8, $0xE;
	v9 =	vand.u32 $0xFFFC, v26  }
0x4e: {  	v8 =	vand.u32 $0x3, v8;
	v9 =	vor.u32 v27, v9  }
0x4f: {  	v8 =	vor.u32 v8, v9  }
0x50: {  	[tilespmem:v5+s18+$0x0] =	vst.idx.msk $0xffff, v8  }
0x51: {  	v8 =	vld [tilespmem:s0+$0x6000];
	_ =	sdelay $0x4  }
0x52: {  	v28 =	vshll.u32 v8, $0x2  }
0x53: {  	v29 =	vand.u32 $0xFFFF0000, v8;
	v8 =	vshrl.u32 v8, $0xE;
	v9 =	vand.u32 $0xFFFC, v28  }
0x54: {  	v8 =	vand.u32 $0x3, v8;
	v9 =	vor.u32 v29, v9  }
0x55: {  	v8 =	vor.u32 v8, v9  }
0x56: {  	[tilespmem:v6+s18+$0x0] =	vst.idx.msk $0xffff, v8  }
0x57: {  	v8 =	vld [tilespmem:s0+$0x6010];
	_ =	sdelay $0x4  }
0x58: {  	v30 =	vshll.u32 v8, $0x2  }
0x59: {  	v31 =	vand.u32 $0xFFFF0000, v8;
	v8 =	vshrl.u32 v8, $0xE;
	v9 =	vand.u32 $0xFFFC, v30  }
0x5a: {  	v8 =	vand.u32 $0x3, v8;
	v9 =	vor.u32 v31, v9  }
0x5b: {  	v8 =	vor.u32 v8, v9  }
0x5c: {  	[tilespmem:v7+s18+$0x0] =	vst.idx.msk $0xffff, v8  }
0x5d: {  	v8 =	vld [tilespmem:s0+$0x20];
	_ =	sdelay $0x4  }
0x5e: {  	v32 =	vshll.u32 v8, $0x2  }
0x5f: {  	v33 =	vand.u32 $0xFFFF0000, v8;
	v8 =	vshrl.u32 v8, $0xE;
	v9 =	vand.u32 $0xFFFC, v32  }
0x60: {  	v8 =	vand.u32 $0x3, v8;
	v9 =	vor.u32 v33, v9  }
0x61: {  	v8 =	vor.u32 v8, v9  }
0x62: {  	[tilespmem:v0+s19+$0x0] =	vst.idx.msk $0xffff, v8  }
0x63: {  	v8 =	vld [tilespmem:s0+$0x30];
	_ =	sdelay $0x4  }
0x64: {  	v34 =	vshll.u32 v8, $0x2  }
0x65: {  	v35 =	vand.u32 $0xFFFF0000, v8;
	v8 =	vshrl.u32 v8, $0xE;
	v9 =	vand.u32 $0xFFFC, v34  }
0x66: {  	v8 =	vand.u32 $0x3, v8;
	v9 =	vor.u32 v35, v9  }
0x67: {  	v8 =	vor.u32 v8, v9  }
0x68: {  	[tilespmem:v1+s19+$0x0] =	vst.idx.msk $0xffff, v8  }
0x69: {  	v8 =	vld [tilespmem:s0+$0x2020];
	_ =	sdelay $0x4  }
0x6a: {  	v36 =	vshll.u32 v8, $0x2  }
0x6b: {  	v37 =	vand.u32 $0xFFFF0000, v8;
	v8 =	vshrl.u32 v8, $0xE;
	v9 =	vand.u32 $0xFFFC, v36  }
0x6c: {  	v8 =	vand.u32 $0x3, v8;
	v9 =	vor.u32 v37, v9  }
0x6d: {  	v8 =	vor.u32 v8, v9  }
0x6e: {  	[tilespmem:v2+s19+$0x0] =	vst.idx.msk $0xffff, v8  }
0x6f: {  	v8 =	vld [tilespmem:s0+$0x2030];
	_ =	sdelay $0x4  }
0x70: {  	v38 =	vshll.u32 v8, $0x2  }
0x71: {  	v39 =	vand.u32 $0xFFFF0000, v8;
	v8 =	vshrl.u32 v8, $0xE;
	v9 =	vand.u32 $0xFFFC, v38  }
0x72: {  	v8 =	vand.u32 $0x3, v8;
	v9 =	vor.u32 v39, v9  }
0x73: {  	v8 =	vor.u32 v8, v9  }
0x74: {  	[tilespmem:v3+s19+$0x0] =	vst.idx.msk $0xffff, v8  }
0x75: {  	v8 =	vld [tilespmem:s0+$0x4020];
	_ =	sdelay $0x4  }
0x76: {  	v40 =	vshll.u32 v8, $0x2  }
0x77: {  	v41 =	vand.u32 $0xFFFF0000, v8;
	v8 =	vshrl.u32 v8, $0xE;
	v9 =	vand.u32 $0xFFFC, v40  }
0x78: {  	v8 =	vand.u32 $0x3, v8;
	v9 =	vor.u32 v41, v9  }
0x79: {  	v8 =	vor.u32 v8, v9  }
0x7a: {  	[tilespmem:v4+s19+$0x0] =	vst.idx.msk $0xffff, v8  }
0x7b: {  	v8 =	vld [tilespmem:s0+$0x4030];
	_ =	sdelay $0x4  }
0x7c: {  	v42 =	vshll.u32 v8, $0x2  }
0x7d: {  	v43 =	vand.u32 $0xFFFF0000, v8;
	v8 =	vshrl.u32 v8, $0xE;
	v9 =	vand.u32 $0xFFFC, v42  }
0x7e: {  	v8 =	vand.u32 $0x3, v8;
	v9 =	vor.u32 v43, v9  }
0x7f: {  	v8 =	vor.u32 v8, v9  }
0x80: {  	[tilespmem:v5+s19+$0x0] =	vst.idx.msk $0xffff, v8  }
0x81: {  	v8 =	vld [tilespmem:s0+$0x6020];
	_ =	sdelay $0x4  }
0x82: {  	v44 =	vshll.u32 v8, $0x2  }
0x83: {  	v45 =	vand.u32 $0xFFFF0000, v8;
	v8 =	vshrl.u32 v8, $0xE;
	v9 =	vand.u32 $0xFFFC, v44  }
0x84: {  	v8 =	vand.u32 $0x3, v8;
	v9 =	vor.u32 v45, v9  }
0x85: {  	v8 =	vor.u32 v8, v9  }
0x86: {  	[tilespmem:v6+s19+$0x0] =	vst.idx.msk $0xffff, v8  }
0x87: {  	v8 =	vld [tilespmem:s0+$0x6030];
	_ =	sdelay $0x4  }
0x88: {  	v46 =	vshll.u32 v8, $0x2  }
0x89: {  	v47 =	vand.u32 $0xFFFF0000, v8;
	v8 =	vshrl.u32 v8, $0xE;
	v9 =	vand.u32 $0xFFFC, v46  }
0x8a: {  	v8 =	vand.u32 $0x3, v8;
	v9 =	vor.u32 v47, v9  }
0x8b: {  	v8 =	vor.u32 v8, v9  }
0x8c: {  	[tilespmem:v7+s19+$0x0] =	vst.idx.msk $0xffff, v8  }
0x8d: {  	v8 =	vld [tilespmem:s0+$0x40];
	_ =	sdelay $0x4  }
0x8e: {  	v48 =	vshll.u32 v8, $0x2  }
0x8f: {  	v49 =	vand.u32 $0xFFFF0000, v8;
	v8 =	vshrl.u32 v8, $0xE;
	v9 =	vand.u32 $0xFFFC, v48  }
0x90: {  	v8 =	vand.u32 $0x3, v8;
	v9 =	vor.u32 v49, v9  }
0x91: {  	v8 =	vor.u32 v8, v9  }
0x92: {  	[tilespmem:v0+s20+$0x0] =	vst.idx.msk $0xffff, v8  }
0x93: {  	v8 =	vld [tilespmem:s0+$0x50];
	_ =	sdelay $0x4  }
0x94: {  	v50 =	vshll.u32 v8, $0x2  }
0x95: {  	v51 =	vand.u32 $0xFFFF0000, v8;
	v8 =	vshrl.u32 v8, $0xE;
	v9 =	vand.u32 $0xFFFC, v50  }
0x96: {  	v8 =	vand.u32 $0x3, v8;
	v9 =	vor.u32 v51, v9  }
0x97: {  	v8 =	vor.u32 v8, v9  }
0x98: {  	[tilespmem:v1+s20+$0x0] =	vst.idx.msk $0xffff, v8  }
0x99: {  	v8 =	vld [tilespmem:s0+$0x2040];
	_ =	sdelay $0x4  }
0x9a: {  	v52 =	vshll.u32 v8, $0x2  }
0x9b: {  	v53 =	vand.u32 $0xFFFF0000, v8;
	v8 =	vshrl.u32 v8, $0xE;
	v9 =	vand.u32 $0xFFFC, v52  }
0x9c: {  	v8 =	vand.u32 $0x3, v8;
	v9 =	vor.u32 v53, v9  }
0x9d: {  	v8 =	vor.u32 v8, v9  }
0x9e: {  	[tilespmem:v2+s20+$0x0] =	vst.idx.msk $0xffff, v8  }
0x9f: {  	v8 =	vld [tilespmem:s0+$0x2050];
	_ =	sdelay $0x4  }
0xa0: {  	v54 =	vshll.u32 v8, $0x2  }
0xa1: {  	v55 =	vand.u32 $0xFFFF0000, v8;
	v8 =	vshrl.u32 v8, $0xE;
	v9 =	vand.u32 $0xFFFC, v54  }
0xa2: {  	v8 =	vand.u32 $0x3, v8;
	v9 =	vor.u32 v55, v9  }
0xa3: {  	v8 =	vor.u32 v8, v9  }
0xa4: {  	[tilespmem:v3+s20+$0x0] =	vst.idx.msk $0xffff, v8  }
0xa5: {  	v8 =	vld [tilespmem:s0+$0x4040];
	_ =	sdelay $0x4  }
0xa6: {  	v56 =	vshll.u32 v8, $0x2  }
0xa7: {  	v57 =	vand.u32 $0xFFFF0000, v8;
	v8 =	vshrl.u32 v8, $0xE;
	v9 =	vand.u32 $0xFFFC, v56  }
0xa8: {  	v8 =	vand.u32 $0x3, v8;
	v9 =	vor.u32 v57, v9  }
0xa9: {  	v8 =	vor.u32 v8, v9  }
0xaa: {  	[tilespmem:v4+s20+$0x0] =	vst.idx.msk $0xffff, v8  }
0xab: {  	v8 =	vld [tilespmem:s0+$0x4050];
	_ =	sdelay $0x4  }
0xac: {  	v58 =	vshll.u32 v8, $0x2  }
0xad: {  	v59 =	vand.u32 $0xFFFF0000, v8;
	v8 =	vshrl.u32 v8, $0xE;
	v9 =	vand.u32 $0xFFFC, v58  }
0xae: {  	v8 =	vand.u32 $0x3, v8;
	v9 =	vor.u32 v59, v9  }
0xaf: {  	v8 =	vor.u32 v8, v9  }
0xb0: {  	[tilespmem:v5+s20+$0x0] =	vst.idx.msk $0xffff, v8  }
0xb1: {  	v8 =	vld [tilespmem:s0+$0x6040];
	_ =	sdelay $0x4  }
0xb2: {  	v60 =	vshll.u32 v8, $0x2  }
0xb3: {  	v61 =	vand.u32 $0xFFFF0000, v8;
	v8 =	vshrl.u32 v8, $0xE;
	v9 =	vand.u32 $0xFFFC, v60  }
0xb4: {  	v8 =	vand.u32 $0x3, v8;
	v9 =	vor.u32 v61, v9  }
0xb5: {  	v8 =	vor.u32 v8, v9  }
0xb6: {  	[tilespmem:v6+s20+$0x0] =	vst.idx.msk $0xffff, v8  }
0xb7: {  	v8 =	vld [tilespmem:s0+$0x6050];
	_ =	sdelay $0x4  }
0xb8: {  	v62 =	vshll.u32 v8, $0x2  }
0xb9: {  	v63 =	vand.u32 $0xFFFF0000, v8;
	v8 =	vshrl.u32 v8, $0xE;
	v9 =	vand.u32 $0xFFFC, v62  }
0xba: {  	v8 =	vand.u32 $0x3, v8;
	v9 =	vor.u32 v63, v9  }
0xbb: {  	v8 =	vor.u32 v8, v9  }
0xbc: {  	[tilespmem:v7+s20+$0x0] =	vst.idx.msk $0xffff, v8  }
0xbd: {  	v8 =	vld [tilespmem:s0+$0x60];
	_ =	sdelay $0x4  }
0xbe: {  	v12 =	vshll.u32 v8, $0x2  }
0xbf: {  	v13 =	vand.u32 $0xFFFF0000, v8;
	v8 =	vshrl.u32 v8, $0xE;
	v9 =	vand.u32 $0xFFFC, v12  }
0xc0: {  	v8 =	vand.u32 $0x3, v8;
	v9 =	vor.u32 v13, v9  }
0xc1: {  	v8 =	vor.u32 v8, v9  }
0xc2: {  	[tilespmem:v0+s21+$0x0] =	vst.idx.msk $0xffff, v8  }
0xc3: {  	v8 =	vld [tilespmem:s0+$0x70];
	_ =	sdelay $0x4  }
0xc4: {  	v14 =	vshll.u32 v8, $0x2  }
0xc5: {  	v15 =	vand.u32 $0xFFFF0000, v8;
	v8 =	vshrl.u32 v8, $0xE;
	v9 =	vand.u32 $0xFFFC, v14  }
0xc6: {  	v8 =	vand.u32 $0x3, v8;
	v9 =	vor.u32 v15, v9  }
0xc7: {  	v8 =	vor.u32 v8, v9  }
0xc8: {  	[tilespmem:v1+s21+$0x0] =	vst.idx.msk $0xffff, v8  }
0xc9: {  	v8 =	vld [tilespmem:s0+$0x2060];
	_ =	sdelay $0x4  }
0xca: {  	v16 =	vshll.u32 v8, $0x2  }
0xcb: {  	v17 =	vand.u32 $0xFFFF0000, v8;
	v8 =	vshrl.u32 v8, $0xE;
	v9 =	vand.u32 $0xFFFC, v16  }
0xcc: {  	v8 =	vand.u32 $0x3, v8;
	v9 =	vor.u32 v17, v9  }
0xcd: {  	v8 =	vor.u32 v8, v9  }
0xce: {  	[tilespmem:v2+s21+$0x0] =	vst.idx.msk $0xffff, v8  }
0xcf: {  	v8 =	vld [tilespmem:s0+$0x2070];
	_ =	sdelay $0x4  }
0xd0: {  	v18 =	vshll.u32 v8, $0x2  }
0xd1: {  	v19 =	vand.u32 $0xFFFF0000, v8;
	v8 =	vshrl.u32 v8, $0xE;
	v9 =	vand.u32 $0xFFFC, v18  }
0xd2: {  	v8 =	vand.u32 $0x3, v8;
	v9 =	vor.u32 v19, v9  }
0xd3: {  	v8 =	vor.u32 v8, v9  }
0xd4: {  	[tilespmem:v3+s21+$0x0] =	vst.idx.msk $0xffff, v8  }
0xd5: {  	v8 =	vld [tilespmem:s0+$0x4060];
	_ =	sdelay $0x4  }
0xd6: {  	v20 =	vshll.u32 v8, $0x2  }
0xd7: {  	v21 =	vand.u32 $0xFFFF0000, v8;
	v8 =	vshrl.u32 v8, $0xE;
	v9 =	vand.u32 $0xFFFC, v20  }
0xd8: {  	v8 =	vand.u32 $0x3, v8;
	v9 =	vor.u32 v21, v9  }
0xd9: {  	v8 =	vor.u32 v8, v9  }
0xda: {  	[tilespmem:v4+s21+$0x0] =	vst.idx.msk $0xffff, v8  }
0xdb: {  	v8 =	vld [tilespmem:s0+$0x4070];
	_ =	sdelay $0x4  }
0xdc: {  	v22 =	vshll.u32 v8, $0x2  }
0xdd: {  	v23 =	vand.u32 $0xFFFF0000, v8;
	v8 =	vshrl.u32 v8, $0xE;
	v9 =	vand.u32 $0xFFFC, v22  }
0xde: {  	v8 =	vand.u32 $0x3, v8;
	v9 =	vor.u32 v23, v9  }
0xdf: {  	v8 =	vor.u32 v8, v9  }
0xe0: {  	[tilespmem:v5+s21+$0x0] =	vst.idx.msk $0xffff, v8  }
0xe1: {  	v8 =	vld [tilespmem:s0+$0x6060];
	_ =	sdelay $0x4  }
0xe2: {  	v24 =	vshll.u32 v8, $0x2  }
0xe3: {  	v25 =	vand.u32 $0xFFFF0000, v8;
	v8 =	vshrl.u32 v8, $0xE;
	v9 =	vand.u32 $0xFFFC, v24  }
0xe4: {  	v8 =	vand.u32 $0x3, v8;
	v9 =	vor.u32 v25, v9  }
0xe5: {  	v8 =	vor.u32 v8, v9  }
0xe6: {  	[tilespmem:v6+s21+$0x0] =	vst.idx.msk $0xffff, v8  }
0xe7: {  	v8 =	vld [tilespmem:s0+$0x6070];
	_ =	sdelay $0x4  }
0xe8: {  	v26 =	vshll.u32 v8, $0x2  }
0xe9: {  	v27 =	vand.u32 $0xFFFF0000, v8;
	v8 =	vshrl.u32 v8, $0xE;
	v9 =	vand.u32 $0xFFFC, v26  }
0xea: {  	v8 =	vand.u32 $0x3, v8;
	v9 =	vor.u32 v27, v9  }
0xeb: {  	v8 =	vor.u32 v8, v9  }
0xec: {  	[tilespmem:v7+s21+$0x0] =	vst.idx.msk $0xffff, v8  }
0xed: {  	v8 =	vld [tilespmem:s0+$0x80];
	_ =	sdelay $0x4  }
0xee: {  	v28 =	vshll.u32 v8, $0x2  }
0xef: {  	v29 =	vand.u32 $0xFFFF0000, v8;
	v8 =	vshrl.u32 v8, $0xE;
	v9 =	vand.u32 $0xFFFC, v28  }
0xf0: {  	v8 =	vand.u32 $0x3, v8;
	v9 =	vor.u32 v29, v9  }
0xf1: {  	v8 =	vor.u32 v8, v9  }
0xf2: {  	[tilespmem:v0+s22+$0x0] =	vst.idx.msk $0xffff, v8  }
0xf3: {  	v8 =	vld [tilespmem:s0+$0x90];
	_ =	sdelay $0x4  }
0xf4: {  	v30 =	vshll.u32 v8, $0x2  }
0xf5: {  	v31 =	vand.u32 $0xFFFF0000, v8;
	v8 =	vshrl.u32 v8, $0xE;
	v9 =	vand.u32 $0xFFFC, v30  }
0xf6: {  	v8 =	vand.u32 $0x3, v8;
	v9 =	vor.u32 v31, v9  }
0xf7: {  	v8 =	vor.u32 v8, v9  }
0xf8: {  	[tilespmem:v1+s22+$0x0] =	vst.idx.msk $0xffff, v8  }
0xf9: {  	v8 =	vld [tilespmem:s0+$0x2080];
	_ =	sdelay $0x4  }
0xfa: {  	v32 =	vshll.u32 v8, $0x2  }
0xfb: {  	v33 =	vand.u32 $0xFFFF0000, v8;
	v8 =	vshrl.u32 v8, $0xE;
	v9 =	vand.u32 $0xFFFC, v32  }
0xfc: {  	v8 =	vand.u32 $0x3, v8;
	v9 =	vor.u32 v33, v9  }
0xfd: {  	v8 =	vor.u32 v8, v9  }
0xfe: {  	[tilespmem:v2+s22+$0x0] =	vst.idx.msk $0xffff, v8  }
0xff: {  	v8 =	vld [tilespmem:s0+$0x2090];
	_ =	sdelay $0x4  }
0x100: {  	v34 =	vshll.u32 v8, $0x2  }
0x101: {  	v35 =	vand.u32 $0xFFFF0000, v8;
	v8 =	vshrl.u32 v8, $0xE;
	v9 =	vand.u32 $0xFFFC, v34  }
0x102: {  	v8 =	vand.u32 $0x3, v8;
	v9 =	vor.u32 v35, v9  }
0x103: {  	v8 =	vor.u32 v8, v9  }
0x104: {  	[tilespmem:v3+s22+$0x0] =	vst.idx.msk $0xffff, v8  }
0x105: {  	v8 =	vld [tilespmem:s0+$0x4080];
	_ =	sdelay $0x4  }
0x106: {  	v36 =	vshll.u32 v8, $0x2  }
0x107: {  	v37 =	vand.u32 $0xFFFF0000, v8;
	v8 =	vshrl.u32 v8, $0xE;
	v9 =	vand.u32 $0xFFFC, v36  }
0x108: {  	v8 =	vand.u32 $0x3, v8;
	v9 =	vor.u32 v37, v9  }
0x109: {  	v8 =	vor.u32 v8, v9  }
0x10a: {  	[tilespmem:v4+s22+$0x0] =	vst.idx.msk $0xffff, v8  }
0x10b: {  	v8 =	vld [tilespmem:s0+$0x4090];
	_ =	sdelay $0x4  }
0x10c: {  	v38 =	vshll.u32 v8, $0x2  }
0x10d: {  	v39 =	vand.u32 $0xFFFF0000, v8;
	v8 =	vshrl.u32 v8, $0xE;
	v9 =	vand.u32 $0xFFFC, v38  }
0x10e: {  	v8 =	vand.u32 $0x3, v8;
	v9 =	vor.u32 v39, v9  }
0x10f: {  	v8 =	vor.u32 v8, v9  }
0x110: {  	[tilespmem:v5+s22+$0x0] =	vst.idx.msk $0xffff, v8  }
0x111: {  	v8 =	vld [tilespmem:s0+$0x6080];
	_ =	sdelay $0x4  }
0x112: {  	v40 =	vshll.u32 v8, $0x2  }
0x113: {  	v41 =	vand.u32 $0xFFFF0000, v8;
	v8 =	vshrl.u32 v8, $0xE;
	v9 =	vand.u32 $0xFFFC, v40  }
0x114: {  	v8 =	vand.u32 $0x3, v8;
	v9 =	vor.u32 v41, v9  }
0x115: {  	v8 =	vor.u32 v8, v9  }
0x116: {  	[tilespmem:v6+s22+$0x0] =	vst.idx.msk $0xffff, v8  }
0x117: {  	v8 =	vld [tilespmem:s0+$0x6090];
	_ =	sdelay $0x4  }
0x118: {  	v42 =	vshll.u32 v8, $0x2  }
0x119: {  	v43 =	vand.u32 $0xFFFF0000, v8;
	v8 =	vshrl.u32 v8, $0xE;
	v9 =	vand.u32 $0xFFFC, v42  }
0x11a: {  	v8 =	vand.u32 $0x3, v8;
	v9 =	vor.u32 v43, v9  }
0x11b: {  	v8 =	vor.u32 v8, v9  }
0x11c: {  	[tilespmem:v7+s22+$0x0] =	vst.idx.msk $0xffff, v8  }
0x11d: {  	v8 =	vld [tilespmem:s0+$0xA0];
	_ =	sdelay $0x4  }
0x11e: {  	v44 =	vshll.u32 v8, $0x2  }
0x11f: {  	v45 =	vand.u32 $0xFFFF0000, v8;
	v8 =	vshrl.u32 v8, $0xE;
	v9 =	vand.u32 $0xFFFC, v44  }
0x120: {  	v8 =	vand.u32 $0x3, v8;
	v9 =	vor.u32 v45, v9  }
0x121: {  	v8 =	vor.u32 v8, v9  }
0x122: {  	[tilespmem:v0+s23+$0x0] =	vst.idx.msk $0xffff, v8  }
0x123: {  	v8 =	vld [tilespmem:s0+$0xB0];
	_ =	sdelay $0x4  }
0x124: {  	v46 =	vshll.u32 v8, $0x2  }
0x125: {  	v47 =	vand.u32 $0xFFFF0000, v8;
	v8 =	vshrl.u32 v8, $0xE;
	v9 =	vand.u32 $0xFFFC, v46  }
0x126: {  	v8 =	vand.u32 $0x3, v8;
	v9 =	vor.u32 v47, v9  }
0x127: {  	v8 =	vor.u32 v8, v9  }
0x128: {  	[tilespmem:v1+s23+$0x0] =	vst.idx.msk $0xffff, v8  }
0x129: {  	v8 =	vld [tilespmem:s0+$0x20A0];
	_ =	sdelay $0x4  }
0x12a: {  	v48 =	vshll.u32 v8, $0x2  }
0x12b: {  	v49 =	vand.u32 $0xFFFF0000, v8;
	v8 =	vshrl.u32 v8, $0xE;
	v9 =	vand.u32 $0xFFFC, v48  }
0x12c: {  	v8 =	vand.u32 $0x3, v8;
	v9 =	vor.u32 v49, v9  }
0x12d: {  	v8 =	vor.u32 v8, v9  }
0x12e: {  	[tilespmem:v2+s23+$0x0] =	vst.idx.msk $0xffff, v8  }
0x12f: {  	v8 =	vld [tilespmem:s0+$0x20B0];
	_ =	sdelay $0x4  }
0x130: {  	v50 =	vshll.u32 v8, $0x2  }
0x131: {  	v51 =	vand.u32 $0xFFFF0000, v8;
	v8 =	vshrl.u32 v8, $0xE;
	v9 =	vand.u32 $0xFFFC, v50  }
0x132: {  	v8 =	vand.u32 $0x3, v8;
	v9 =	vor.u32 v51, v9  }
0x133: {  	v8 =	vor.u32 v8, v9  }
0x134: {  	[tilespmem:v3+s23+$0x0] =	vst.idx.msk $0xffff, v8  }
0x135: {  	v8 =	vld [tilespmem:s0+$0x40A0];
	_ =	sdelay $0x4  }
0x136: {  	v52 =	vshll.u32 v8, $0x2  }
0x137: {  	v53 =	vand.u32 $0xFFFF0000, v8;
	v8 =	vshrl.u32 v8, $0xE;
	v9 =	vand.u32 $0xFFFC, v52  }
0x138: {  	v8 =	vand.u32 $0x3, v8;
	v9 =	vor.u32 v53, v9  }
0x139: {  	v8 =	vor.u32 v8, v9  }
0x13a: {  	[tilespmem:v4+s23+$0x0] =	vst.idx.msk $0xffff, v8  }
0x13b: {  	v8 =	vld [tilespmem:s0+$0x40B0];
	_ =	sdelay $0x4  }
0x13c: {  	v54 =	vshll.u32 v8, $0x2  }
0x13d: {  	v55 =	vand.u32 $0xFFFF0000, v8;
	v8 =	vshrl.u32 v8, $0xE;
	v9 =	vand.u32 $0xFFFC, v54  }
0x13e: {  	v8 =	vand.u32 $0x3, v8;
	v9 =	vor.u32 v55, v9  }
0x13f: {  	v8 =	vor.u32 v8, v9  }
0x140: {  	[tilespmem:v5+s23+$0x0] =	vst.idx.msk $0xffff, v8  }
0x141: {  	v8 =	vld [tilespmem:s0+$0x60A0];
	_ =	sdelay $0x4  }
0x142: {  	v56 =	vshll.u32 v8, $0x2  }
0x143: {  	v57 =	vand.u32 $0xFFFF0000, v8;
	v8 =	vshrl.u32 v8, $0xE;
	v9 =	vand.u32 $0xFFFC, v56  }
0x144: {  	v8 =	vand.u32 $0x3, v8;
	v9 =	vor.u32 v57, v9  }
0x145: {  	v8 =	vor.u32 v8, v9  }
0x146: {  	[tilespmem:v6+s23+$0x0] =	vst.idx.msk $0xffff, v8  }
0x147: {  	v8 =	vld [tilespmem:s0+$0x60B0];
	_ =	sdelay $0x4  }
0x148: {  	v58 =	vshll.u32 v8, $0x2  }
0x149: {  	v59 =	vand.u32 $0xFFFF0000, v8;
	v8 =	vshrl.u32 v8, $0xE;
	v9 =	vand.u32 $0xFFFC, v58  }
0x14a: {  	v8 =	vand.u32 $0x3, v8;
	v9 =	vor.u32 v59, v9  }
0x14b: {  	v8 =	vor.u32 v8, v9  }
0x14c: {  	[tilespmem:v7+s23+$0x0] =	vst.idx.msk $0xffff, v8  }
0x14d: {  	v8 =	vld [tilespmem:s0+$0xC0];
	_ =	sdelay $0x4  }
0x14e: {  	v60 =	vshll.u32 v8, $0x2  }
0x14f: {  	v61 =	vand.u32 $0xFFFF0000, v8;
	v8 =	vshrl.u32 v8, $0xE;
	v9 =	vand.u32 $0xFFFC, v60  }
0x150: {  	v8 =	vand.u32 $0x3, v8;
	v9 =	vor.u32 v61, v9  }
0x151: {  	v8 =	vor.u32 v8, v9  }
0x152: {  	[tilespmem:v0+s24+$0x0] =	vst.idx.msk $0xffff, v8  }
0x153: {  	v8 =	vld [tilespmem:s0+$0xD0];
	_ =	sdelay $0x4  }
0x154: {  	v62 =	vshll.u32 v8, $0x2  }
0x155: {  	v63 =	vand.u32 $0xFFFF0000, v8;
	v8 =	vshrl.u32 v8, $0xE;
	v9 =	vand.u32 $0xFFFC, v62  }
0x156: {  	v8 =	vand.u32 $0x3, v8;
	v9 =	vor.u32 v63, v9  }
0x157: {  	v8 =	vor.u32 v8, v9  }
0x158: {  	[tilespmem:v1+s24+$0x0] =	vst.idx.msk $0xffff, v8  }
0x159: {  	v8 =	vld [tilespmem:s0+$0x20C0];
	_ =	sdelay $0x4  }
0x15a: {  	v12 =	vshll.u32 v8, $0x2  }
0x15b: {  	v13 =	vand.u32 $0xFFFF0000, v8;
	v8 =	vshrl.u32 v8, $0xE;
	v9 =	vand.u32 $0xFFFC, v12  }
0x15c: {  	v8 =	vand.u32 $0x3, v8;
	v9 =	vor.u32 v13, v9  }
0x15d: {  	v8 =	vor.u32 v8, v9  }
0x15e: {  	[tilespmem:v2+s24+$0x0] =	vst.idx.msk $0xffff, v8  }
0x15f: {  	v8 =	vld [tilespmem:s0+$0x20D0];
	_ =	sdelay $0x4  }
0x160: {  	v14 =	vshll.u32 v8, $0x2  }
0x161: {  	v15 =	vand.u32 $0xFFFF0000, v8;
	v8 =	vshrl.u32 v8, $0xE;
	v9 =	vand.u32 $0xFFFC, v14  }
0x162: {  	v8 =	vand.u32 $0x3, v8;
	v9 =	vor.u32 v15, v9  }
0x163: {  	v8 =	vor.u32 v8, v9  }
0x164: {  	[tilespmem:v3+s24+$0x0] =	vst.idx.msk $0xffff, v8  }
0x165: {  	v8 =	vld [tilespmem:s0+$0x40C0];
	_ =	sdelay $0x4  }
0x166: {  	v16 =	vshll.u32 v8, $0x2  }
0x167: {  	v17 =	vand.u32 $0xFFFF0000, v8;
	v8 =	vshrl.u32 v8, $0xE;
	v9 =	vand.u32 $0xFFFC, v16  }
0x168: {  	v8 =	vand.u32 $0x3, v8;
	v9 =	vor.u32 v17, v9  }
0x169: {  	v8 =	vor.u32 v8, v9  }
0x16a: {  	[tilespmem:v4+s24+$0x0] =	vst.idx.msk $0xffff, v8  }
0x16b: {  	v8 =	vld [tilespmem:s0+$0x40D0];
	_ =	sdelay $0x4  }
0x16c: {  	v18 =	vshll.u32 v8, $0x2  }
0x16d: {  	v19 =	vand.u32 $0xFFFF0000, v8;
	v8 =	vshrl.u32 v8, $0xE;
	v9 =	vand.u32 $0xFFFC, v18  }
0x16e: {  	v8 =	vand.u32 $0x3, v8;
	v9 =	vor.u32 v19, v9  }
0x16f: {  	v8 =	vor.u32 v8, v9  }
0x170: {  	[tilespmem:v5+s24+$0x0] =	vst.idx.msk $0xffff, v8  }
0x171: {  	v8 =	vld [tilespmem:s0+$0x60C0];
	_ =	sdelay $0x4  }
0x172: {  	v20 =	vshll.u32 v8, $0x2  }
0x173: {  	v21 =	vand.u32 $0xFFFF0000, v8;
	v8 =	vshrl.u32 v8, $0xE;
	v9 =	vand.u32 $0xFFFC, v20  }
0x174: {  	v8 =	vand.u32 $0x3, v8;
	v9 =	vor.u32 v21, v9  }
0x175: {  	v8 =	vor.u32 v8, v9  }
0x176: {  	[tilespmem:v6+s24+$0x0] =	vst.idx.msk $0xffff, v8  }
0x177: {  	v8 =	vld [tilespmem:s0+$0x60D0];
	_ =	sdelay $0x4  }
0x178: {  	v22 =	vshll.u32 v8, $0x2  }
0x179: {  	v23 =	vand.u32 $0xFFFF0000, v8;
	v8 =	vshrl.u32 v8, $0xE;
	v9 =	vand.u32 $0xFFFC, v22  }
0x17a: {  	v8 =	vand.u32 $0x3, v8;
	v9 =	vor.u32 v23, v9  }
0x17b: {  	v8 =	vor.u32 v8, v9  }
0x17c: {  	[tilespmem:v7+s24+$0x0] =	vst.idx.msk $0xffff, v8  }
0x17d: {  	v8 =	vld [tilespmem:s0+$0xE0];
	_ =	sdelay $0x4  }
0x17e: {  	v24 =	vshll.u32 v8, $0x2  }
0x17f: {  	v25 =	vand.u32 $0xFFFF0000, v8;
	v8 =	vshrl.u32 v8, $0xE;
	v9 =	vand.u32 $0xFFFC, v24  }
0x180: {  	v8 =	vand.u32 $0x3, v8;
	v9 =	vor.u32 v25, v9  }
0x181: {  	v8 =	vor.u32 v8, v9  }
0x182: {  	[tilespmem:v0+s25+$0x0] =	vst.idx.msk $0xffff, v8  }
0x183: {  	v8 =	vld [tilespmem:s0+$0xF0];
	_ =	sdelay $0x4  }
0x184: {  	v26 =	vshll.u32 v8, $0x2  }
0x185: {  	v27 =	vand.u32 $0xFFFF0000, v8;
	v8 =	vshrl.u32 v8, $0xE;
	v9 =	vand.u32 $0xFFFC, v26  }
0x186: {  	v8 =	vand.u32 $0x3, v8;
	v9 =	vor.u32 v27, v9  }
0x187: {  	v8 =	vor.u32 v8, v9  }
0x188: {  	[tilespmem:v1+s25+$0x0] =	vst.idx.msk $0xffff, v8  }
0x189: {  	v8 =	vld [tilespmem:s0+$0x20E0];
	_ =	sdelay $0x4  }
0x18a: {  	v28 =	vshll.u32 v8, $0x2  }
0x18b: {  	v29 =	vand.u32 $0xFFFF0000, v8;
	v8 =	vshrl.u32 v8, $0xE;
	v9 =	vand.u32 $0xFFFC, v28  }
0x18c: {  	v8 =	vand.u32 $0x3, v8;
	v9 =	vor.u32 v29, v9  }
0x18d: {  	v8 =	vor.u32 v8, v9  }
0x18e: {  	[tilespmem:v2+s25+$0x0] =	vst.idx.msk $0xffff, v8  }
0x18f: {  	v8 =	vld [tilespmem:s0+$0x20F0];
	_ =	sdelay $0x4  }
0x190: {  	v30 =	vshll.u32 v8, $0x2  }
0x191: {  	v31 =	vand.u32 $0xFFFF0000, v8;
	v8 =	vshrl.u32 v8, $0xE;
	v9 =	vand.u32 $0xFFFC, v30  }
0x192: {  	v8 =	vand.u32 $0x3, v8;
	v9 =	vor.u32 v31, v9  }
0x193: {  	v8 =	vor.u32 v8, v9  }
0x194: {  	[tilespmem:v3+s25+$0x0] =	vst.idx.msk $0xffff, v8  }
0x195: {  	v8 =	vld [tilespmem:s0+$0x40E0];
	_ =	sdelay $0x4  }
0x196: {  	v32 =	vshll.u32 v8, $0x2  }
0x197: {  	v33 =	vand.u32 $0xFFFF0000, v8;
	v8 =	vshrl.u32 v8, $0xE;
	v9 =	vand.u32 $0xFFFC, v32  }
0x198: {  	v8 =	vand.u32 $0x3, v8;
	v9 =	vor.u32 v33, v9  }
0x199: {  	v8 =	vor.u32 v8, v9  }
0x19a: {  	[tilespmem:v4+s25+$0x0] =	vst.idx.msk $0xffff, v8  }
0x19b: {  	v8 =	vld [tilespmem:s0+$0x40F0];
	_ =	sdelay $0x4  }
0x19c: {  	v34 =	vshll.u32 v8, $0x2  }
0x19d: {  	v35 =	vand.u32 $0xFFFF0000, v8;
	v8 =	vshrl.u32 v8, $0xE;
	v9 =	vand.u32 $0xFFFC, v34  }
0x19e: {  	v8 =	vand.u32 $0x3, v8;
	v9 =	vor.u32 v35, v9  }
0x19f: {  	v8 =	vor.u32 v8, v9  }
0x1a0: {  	[tilespmem:v5+s25+$0x0] =	vst.idx.msk $0xffff, v8  }
0x1a1: {  	v8 =	vld [tilespmem:s0+$0x60E0];
	_ =	sdelay $0x4  }
0x1a2: {  	v36 =	vshll.u32 v8, $0x2  }
0x1a3: {  	v37 =	vand.u32 $0xFFFF0000, v8;
	v8 =	vshrl.u32 v8, $0xE;
	v9 =	vand.u32 $0xFFFC, v36  }
0x1a4: {  	v8 =	vand.u32 $0x3, v8;
	v9 =	vor.u32 v37, v9  }
0x1a5: {  	v8 =	vor.u32 v8, v9  }
0x1a6: {  	[tilespmem:v6+s25+$0x0] =	vst.idx.msk $0xffff, v8  }
0x1a7: {  	v8 =	vld [tilespmem:s0+$0x60F0];
	_ =	sdelay $0x4  }
0x1a8: {  	v38 =	vshll.u32 v8, $0x2  }
0x1a9: {  	v39 =	vand.u32 $0xFFFF0000, v8;
	v8 =	vshrl.u32 v8, $0xE;
	v9 =	vand.u32 $0xFFFC, v38  }
0x1aa: {  	v8 =	vand.u32 $0x3, v8;
	v9 =	vor.u32 v39, v9  }
0x1ab: {  	v8 =	vor.u32 v8, v9  }
0x1ac: {  	[tilespmem:v7+s25+$0x0] =	vst.idx.msk $0xffff, v8  }
0x1ad: {  	_ =	swait.ge [sflag:s26], $0x8000  }
0x1ae: {  	[sflag:s26] =	ssyncset.done $0x0  }
0x1af: {  	s1 =	simm.s32 $0x8800;
	[sflag:s26] =	ssyncadd.s32 $0xFFFF8000  }
0x1b0: {  	[hbm4b:s3+s28] =	stream.indirect.scatter [tilespmem:s1], [sflag:$0x4], $0x20, s18, s28, $0xb8;
	[tilespmem:$0x18800] =	vst v63  }
0x1b1: {  	s16 =	simm.s32 $0x9800  }
0x1b2: {  	[hbm4b:s3+s28] =	stream.indirect.scatter [tilespmem:s16], [sflag:$0x4], $0x20, s19, s28, $0xb8;
	[tilespmem:$0x18800] =	vst v63  }
0x1b3: {  	s12 =	simm.s32 $0xA800  }
0x1b4: {  	[hbm4b:s3+s28] =	stream.indirect.scatter [tilespmem:s12], [sflag:$0x4], $0x20, s20, s28, $0xb8;
	[tilespmem:$0x18800] =	vst v63  }
0x1b5: {  	s16 =	simm.s32 $0xB800  }
0x1b6: {  	[hbm4b:s3+s28] =	stream.indirect.scatter [tilespmem:s16], [sflag:$0x4], $0x20, s21, s28, $0xb8;
	[tilespmem:$0x18800] =	vst v63  }
0x1b7: {  	s12 =	simm.s32 $0xC800  }
0x1b8: {  	[hbm4b:s3+s28] =	stream.indirect.scatter [tilespmem:s12], [sflag:$0x4], $0x20, s22, s28, $0xb8;
	[tilespmem:$0x18800] =	vst v63  }
0x1b9: {  	s16 =	simm.s32 $0xD800  }
0x1ba: {  	[hbm4b:s3+s28] =	stream.indirect.scatter [tilespmem:s16], [sflag:$0x4], $0x20, s23, s28, $0xb8;
	[tilespmem:$0x18800] =	vst v63  }
0x1bb: {  	s12 =	simm.s32 $0xE800  }
0x1bc: {  	[hbm4b:s3+s28] =	stream.indirect.scatter [tilespmem:s12], [sflag:$0x4], $0x20, s24, s28, $0xb8;
	[tilespmem:$0x18800] =	vst v63  }
0x1bd: {  	s16 =	simm.s32 $0xF800  }
0x1be: {  	[hbm4b:s3+s28] =	stream.indirect.scatter [tilespmem:s16], [sflag:$0x4], $0x20, s25, s28, $0xb8;
	[tilespmem:$0x18800] =	vst v63  }
0x1bf: {  	_ =	swait.ge [sflag:s14], $0x1000  }
0x1c0: {  	[sflag:s14] =	ssyncset.done $0x0  }
0x1c1: {  	[sflag:s14] =	ssyncadd.s32 $0xFFFFF000  }
0x1c2: {  	_ =	swait.ge [sflag:s14], $0x1000  }
0x1c3: {  	[sflag:s14] =	ssyncset.done $0x0  }
0x1c4: {  	[sflag:s14] =	ssyncadd.s32 $0xFFFFF000  }
0x1c5: {  	_ =	swait.ge [sflag:s14], $0x1000  }
0x1c6: {  	[sflag:s14] =	ssyncset.done $0x0  }
0x1c7: {  	[sflag:s14] =	ssyncadd.s32 $0xFFFFF000  }
0x1c8: {  	_ =	swait.ge [sflag:s14], $0x1000  }
0x1c9: {  	[sflag:s14] =	ssyncset.done $0x0  }
0x1ca: {  	[sflag:s14] =	ssyncadd.s32 $0xFFFFF000  }
0x1cb: {  	_ =	swait.ge [sflag:s14], $0x1000  }
0x1cc: {  	[sflag:s14] =	ssyncset.done $0x0  }
0x1cd: {  	[sflag:s14] =	ssyncadd.s32 $0xFFFFF000  }
0x1ce: {  	_ =	swait.ge [sflag:s14], $0x1000  }
0x1cf: {  	[sflag:s14] =	ssyncset.done $0x0  }
0x1d0: {  	[sflag:s14] =	ssyncadd.s32 $0xFFFFF000  }
0x1d1: {  	_ =	swait.ge [sflag:s14], $0x1000  }
0x1d2: {  	[sflag:s14] =	ssyncset.done $0x0  }
0x1d3: {  	[sflag:s14] =	ssyncadd.s32 $0xFFFFF000  }
0x1d4: {  	p0 =	seq.s32 s30, $0x7800;
	_ =	swait.ge [sflag:s14], $0x1000  }
0x1d5: {  	s1 =	sadd.s32 @!p0 $0xFFFFF000, s31;
	[sflag:s14] =	ssyncset.done $0x0  }
0x1d6: {  	s12 =	simm.s32 @!p0 $0x0;
	s16 =	simm.s32 @!p0 $0x8800;
	[sflag:s14] =	ssyncadd.s32 $0xFFFFF000  }
0x1d7: {  	[tilespmem:s16], [sflag:$0x2] =	stream.linear.gather @!p0 [hbm4b:s1+s12], $0x8000, $0x38;
	[tilespmem:$0x18800] =	vst v63  }
0x1d8: {  	v8 =	vld [tilespmem:s0+$0x100];
	_ =	sdelay $0x4  }
0x1d9: {  	v40 =	vshll.u32 v8, $0x2  }
0x1da: {  	v41 =	vand.u32 $0xFFFF0000, v8;
	v8 =	vshrl.u32 v8, $0xE;
	v9 =	vand.u32 $0xFFFC, v40  }
0x1db: {  	v8 =	vand.u32 $0x3, v8;
	v9 =	vor.u32 v41, v9  }
0x1dc: {  	v8 =	vor.u32 v8, v9  }
0x1dd: {  	[tilespmem:v0+s5+$0x0] =	vst.idx.msk $0xffff, v8  }
0x1de: {  	v8 =	vld [tilespmem:s0+$0x110];
	_ =	sdelay $0x4  }
0x1df: {  	v42 =	vshll.u32 v8, $0x2  }
0x1e0: {  	v43 =	vand.u32 $0xFFFF0000, v8;
	v8 =	vshrl.u32 v8, $0xE;
	v9 =	vand.u32 $0xFFFC, v42  }
0x1e1: {  	v8 =	vand.u32 $0x3, v8;
	v9 =	vor.u32 v43, v9  }
0x1e2: {  	v8 =	vor.u32 v8, v9  }
0x1e3: {  	[tilespmem:v1+s5+$0x0] =	vst.idx.msk $0xffff, v8  }
0x1e4: {  	v8 =	vld [tilespmem:s0+$0x2100];
	_ =	sdelay $0x4  }
0x1e5: {  	v44 =	vshll.u32 v8, $0x2  }
0x1e6: {  	v45 =	vand.u32 $0xFFFF0000, v8;
	v8 =	vshrl.u32 v8, $0xE;
	v9 =	vand.u32 $0xFFFC, v44  }
0x1e7: {  	v8 =	vand.u32 $0x3, v8;
	v9 =	vor.u32 v45, v9  }
0x1e8: {  	v8 =	vor.u32 v8, v9  }
0x1e9: {  	[tilespmem:v2+s5+$0x0] =	vst.idx.msk $0xffff, v8  }
0x1ea: {  	v8 =	vld [tilespmem:s0+$0x2110];
	_ =	sdelay $0x4  }
0x1eb: {  	v46 =	vshll.u32 v8, $0x2  }
0x1ec: {  	v47 =	vand.u32 $0xFFFF0000, v8;
	v8 =	vshrl.u32 v8, $0xE;
	v9 =	vand.u32 $0xFFFC, v46  }
0x1ed: {  	v8 =	vand.u32 $0x3, v8;
	v9 =	vor.u32 v47, v9  }
0x1ee: {  	v8 =	vor.u32 v8, v9  }
0x1ef: {  	[tilespmem:v3+s5+$0x0] =	vst.idx.msk $0xffff, v8  }
0x1f0: {  	v8 =	vld [tilespmem:s0+$0x4100];
	_ =	sdelay $0x4  }
0x1f1: {  	v48 =	vshll.u32 v8, $0x2  }
0x1f2: {  	v49 =	vand.u32 $0xFFFF0000, v8;
	v8 =	vshrl.u32 v8, $0xE;
	v9 =	vand.u32 $0xFFFC, v48  }
0x1f3: {  	v8 =	vand.u32 $0x3, v8;
	v9 =	vor.u32 v49, v9  }
0x1f4: {  	v8 =	vor.u32 v8, v9  }
0x1f5: {  	[tilespmem:v4+s5+$0x0] =	vst.idx.msk $0xffff, v8  }
0x1f6: {  	v8 =	vld [tilespmem:s0+$0x4110];
	_ =	sdelay $0x4  }
0x1f7: {  	v50 =	vshll.u32 v8, $0x2  }
0x1f8: {  	v51 =	vand.u32 $0xFFFF0000, v8;
	v8 =	vshrl.u32 v8, $0xE;
	v9 =	vand.u32 $0xFFFC, v50  }
0x1f9: {  	v8 =	vand.u32 $0x3, v8;
	v9 =	vor.u32 v51, v9  }
0x1fa: {  	v8 =	vor.u32 v8, v9  }
0x1fb: {  	[tilespmem:v5+s5+$0x0] =	vst.idx.msk $0xffff, v8  }
0x1fc: {  	v8 =	vld [tilespmem:s0+$0x6100];
	_ =	sdelay $0x4  }
0x1fd: {  	v52 =	vshll.u32 v8, $0x2  }
0x1fe: {  	v53 =	vand.u32 $0xFFFF0000, v8;
	v8 =	vshrl.u32 v8, $0xE;
	v9 =	vand.u32 $0xFFFC, v52  }
0x1ff: {  	v8 =	vand.u32 $0x3, v8;
	v9 =	vor.u32 v53, v9  }
0x200: {  	v8 =	vor.u32 v8, v9  }
0x201: {  	[tilespmem:v6+s5+$0x0] =	vst.idx.msk $0xffff, v8  }
0x202: {  	v8 =	vld [tilespmem:s0+$0x6110];
	_ =	sdelay $0x4  }
0x203: {  	v54 =	vshll.u32 v8, $0x2  }
0x204: {  	v55 =	vand.u32 $0xFFFF0000, v8;
	v8 =	vshrl.u32 v8, $0xE;
	v9 =	vand.u32 $0xFFFC, v54  }
0x205: {  	v8 =	vand.u32 $0x3, v8;
	v9 =	vor.u32 v55, v9  }
0x206: {  	v8 =	vor.u32 v8, v9  }
0x207: {  	[tilespmem:v7+s5+$0x0] =	vst.idx.msk $0xffff, v8  }
0x208: {  	v8 =	vld [tilespmem:s0+$0x120];
	_ =	sdelay $0x4  }
0x209: {  	v56 =	vshll.u32 v8, $0x2  }
0x20a: {  	v57 =	vand.u32 $0xFFFF0000, v8;
	v8 =	vshrl.u32 v8, $0xE;
	v9 =	vand.u32 $0xFFFC, v56  }
0x20b: {  	v8 =	vand.u32 $0x3, v8;
	v9 =	vor.u32 v57, v9  }
0x20c: {  	v8 =	vor.u32 v8, v9  }
0x20d: {  	[tilespmem:v0+s6+$0x0] =	vst.idx.msk $0xffff, v8  }
0x20e: {  	v8 =	vld [tilespmem:s0+$0x130];
	_ =	sdelay $0x4  }
0x20f: {  	v58 =	vshll.u32 v8, $0x2  }
0x210: {  	v59 =	vand.u32 $0xFFFF0000, v8;
	v8 =	vshrl.u32 v8, $0xE;
	v9 =	vand.u32 $0xFFFC, v58  }
0x211: {  	v8 =	vand.u32 $0x3, v8;
	v9 =	vor.u32 v59, v9  }
0x212: {  	v8 =	vor.u32 v8, v9  }
0x213: {  	[tilespmem:v1+s6+$0x0] =	vst.idx.msk $0xffff, v8  }
0x214: {  	v8 =	vld [tilespmem:s0+$0x2120];
	_ =	sdelay $0x4  }
0x215: {  	v60 =	vshll.u32 v8, $0x2  }
0x216: {  	v61 =	vand.u32 $0xFFFF0000, v8;
	v8 =	vshrl.u32 v8, $0xE;
	v9 =	vand.u32 $0xFFFC, v60  }
0x217: {  	v8 =	vand.u32 $0x3, v8;
	v9 =	vor.u32 v61, v9  }
0x218: {  	v8 =	vor.u32 v8, v9  }
0x219: {  	[tilespmem:v2+s6+$0x0] =	vst.idx.msk $0xffff, v8  }
0x21a: {  	v8 =	vld [tilespmem:s0+$0x2130];
	_ =	sdelay $0x4  }
0x21b: {  	v62 =	vshll.u32 v8, $0x2  }
0x21c: {  	v63 =	vand.u32 $0xFFFF0000, v8;
	v8 =	vshrl.u32 v8, $0xE;
	v9 =	vand.u32 $0xFFFC, v62  }
0x21d: {  	v8 =	vand.u32 $0x3, v8;
	v9 =	vor.u32 v63, v9  }
0x21e: {  	v8 =	vor.u32 v8, v9  }
0x21f: {  	[tilespmem:v3+s6+$0x0] =	vst.idx.msk $0xffff, v8  }
0x220: {  	v8 =	vld [tilespmem:s0+$0x4120];
	_ =	sdelay $0x4  }
0x221: {  	v12 =	vshll.u32 v8, $0x2  }
0x222: {  	v13 =	vand.u32 $0xFFFF0000, v8;
	v8 =	vshrl.u32 v8, $0xE;
	v9 =	vand.u32 $0xFFFC, v12  }
0x223: {  	v8 =	vand.u32 $0x3, v8;
	v9 =	vor.u32 v13, v9  }
0x224: {  	v8 =	vor.u32 v8, v9  }
0x225: {  	[tilespmem:v4+s6+$0x0] =	vst.idx.msk $0xffff, v8  }
0x226: {  	v8 =	vld [tilespmem:s0+$0x4130];
	_ =	sdelay $0x4  }
0x227: {  	v14 =	vshll.u32 v8, $0x2  }
0x228: {  	v15 =	vand.u32 $0xFFFF0000, v8;
	v8 =	vshrl.u32 v8, $0xE;
	v9 =	vand.u32 $0xFFFC, v14  }
0x229: {  	v8 =	vand.u32 $0x3, v8;
	v9 =	vor.u32 v15, v9  }
0x22a: {  	v8 =	vor.u32 v8, v9  }
0x22b: {  	[tilespmem:v5+s6+$0x0] =	vst.idx.msk $0xffff, v8  }
0x22c: {  	v8 =	vld [tilespmem:s0+$0x6120];
	_ =	sdelay $0x4  }
0x22d: {  	v16 =	vshll.u32 v8, $0x2  }
0x22e: {  	v17 =	vand.u32 $0xFFFF0000, v8;
	v8 =	vshrl.u32 v8, $0xE;
	v9 =	vand.u32 $0xFFFC, v16  }
0x22f: {  	v8 =	vand.u32 $0x3, v8;
	v9 =	vor.u32 v17, v9  }
0x230: {  	v8 =	vor.u32 v8, v9  }
0x231: {  	[tilespmem:v6+s6+$0x0] =	vst.idx.msk $0xffff, v8  }
0x232: {  	v8 =	vld [tilespmem:s0+$0x6130];
	_ =	sdelay $0x4  }
0x233: {  	v18 =	vshll.u32 v8, $0x2  }
0x234: {  	v19 =	vand.u32 $0xFFFF0000, v8;
	v8 =	vshrl.u32 v8, $0xE;
	v9 =	vand.u32 $0xFFFC, v18  }
0x235: {  	v8 =	vand.u32 $0x3, v8;
	v9 =	vor.u32 v19, v9  }
0x236: {  	v8 =	vor.u32 v8, v9  }
0x237: {  	[tilespmem:v7+s6+$0x0] =	vst.idx.msk $0xffff, v8  }
0x238: {  	v8 =	vld [tilespmem:s0+$0x140];
	_ =	sdelay $0x4  }
0x239: {  	v20 =	vshll.u32 v8, $0x2  }
0x23a: {  	v21 =	vand.u32 $0xFFFF0000, v8;
	v8 =	vshrl.u32 v8, $0xE;
	v9 =	vand.u32 $0xFFFC, v20  }
0x23b: {  	v8 =	vand.u32 $0x3, v8;
	v9 =	vor.u32 v21, v9  }
0x23c: {  	v8 =	vor.u32 v8, v9  }
0x23d: {  	[tilespmem:v0+s7+$0x0] =	vst.idx.msk $0xffff, v8  }
0x23e: {  	v8 =	vld [tilespmem:s0+$0x150];
	_ =	sdelay $0x4  }
0x23f: {  	v22 =	vshll.u32 v8, $0x2  }
0x240: {  	v23 =	vand.u32 $0xFFFF0000, v8;
	v8 =	vshrl.u32 v8, $0xE;
	v9 =	vand.u32 $0xFFFC, v22  }
0x241: {  	v8 =	vand.u32 $0x3, v8;
	v9 =	vor.u32 v23, v9  }
0x242: {  	v8 =	vor.u32 v8, v9  }
0x243: {  	[tilespmem:v1+s7+$0x0] =	vst.idx.msk $0xffff, v8  }
0x244: {  	v8 =	vld [tilespmem:s0+$0x2140];
	_ =	sdelay $0x4  }
0x245: {  	v24 =	vshll.u32 v8, $0x2  }
0x246: {  	v25 =	vand.u32 $0xFFFF0000, v8;
	v8 =	vshrl.u32 v8, $0xE;
	v9 =	vand.u32 $0xFFFC, v24  }
0x247: {  	v8 =	vand.u32 $0x3, v8;
	v9 =	vor.u32 v25, v9  }
0x248: {  	v8 =	vor.u32 v8, v9  }
0x249: {  	[tilespmem:v2+s7+$0x0] =	vst.idx.msk $0xffff, v8  }
0x24a: {  	v8 =	vld [tilespmem:s0+$0x2150];
	_ =	sdelay $0x4  }
0x24b: {  	v26 =	vshll.u32 v8, $0x2  }
0x24c: {  	v27 =	vand.u32 $0xFFFF0000, v8;
	v8 =	vshrl.u32 v8, $0xE;
	v9 =	vand.u32 $0xFFFC, v26  }
0x24d: {  	v8 =	vand.u32 $0x3, v8;
	v9 =	vor.u32 v27, v9  }
0x24e: {  	v8 =	vor.u32 v8, v9  }
0x24f: {  	[tilespmem:v3+s7+$0x0] =	vst.idx.msk $0xffff, v8  }
0x250: {  	v8 =	vld [tilespmem:s0+$0x4140];
	_ =	sdelay $0x4  }
0x251: {  	v28 =	vshll.u32 v8, $0x2  }
0x252: {  	v29 =	vand.u32 $0xFFFF0000, v8;
	v8 =	vshrl.u32 v8, $0xE;
	v9 =	vand.u32 $0xFFFC, v28  }
0x253: {  	v8 =	vand.u32 $0x3, v8;
	v9 =	vor.u32 v29, v9  }
0x254: {  	v8 =	vor.u32 v8, v9  }
0x255: {  	[tilespmem:v4+s7+$0x0] =	vst.idx.msk $0xffff, v8  }
0x256: {  	v8 =	vld [tilespmem:s0+$0x4150];
	_ =	sdelay $0x4  }
0x257: {  	v30 =	vshll.u32 v8, $0x2  }
0x258: {  	v31 =	vand.u32 $0xFFFF0000, v8;
	v8 =	vshrl.u32 v8, $0xE;
	v9 =	vand.u32 $0xFFFC, v30  }
0x259: {  	v8 =	vand.u32 $0x3, v8;
	v9 =	vor.u32 v31, v9  }
0x25a: {  	v8 =	vor.u32 v8, v9  }
0x25b: {  	[tilespmem:v5+s7+$0x0] =	vst.idx.msk $0xffff, v8  }
0x25c: {  	v8 =	vld [tilespmem:s0+$0x6140];
	_ =	sdelay $0x4  }
0x25d: {  	v32 =	vshll.u32 v8, $0x2  }
0x25e: {  	v33 =	vand.u32 $0xFFFF0000, v8;
	v8 =	vshrl.u32 v8, $0xE;
	v9 =	vand.u32 $0xFFFC, v32  }
0x25f: {  	v8 =	vand.u32 $0x3, v8;
	v9 =	vor.u32 v33, v9  }
0x260: {  	v8 =	vor.u32 v8, v9  }
0x261: {  	[tilespmem:v6+s7+$0x0] =	vst.idx.msk $0xffff, v8  }
0x262: {  	v8 =	vld [tilespmem:s0+$0x6150];
	_ =	sdelay $0x4  }
0x263: {  	v34 =	vshll.u32 v8, $0x2  }
0x264: {  	v35 =	vand.u32 $0xFFFF0000, v8;
	v8 =	vshrl.u32 v8, $0xE;
	v9 =	vand.u32 $0xFFFC, v34  }
0x265: {  	v8 =	vand.u32 $0x3, v8;
	v9 =	vor.u32 v35, v9  }
0x266: {  	v8 =	vor.u32 v8, v9  }
0x267: {  	[tilespmem:v7+s7+$0x0] =	vst.idx.msk $0xffff, v8  }
0x268: {  	v8 =	vld [tilespmem:s0+$0x160];
	_ =	sdelay $0x4  }
0x269: {  	v36 =	vshll.u32 v8, $0x2  }
0x26a: {  	v37 =	vand.u32 $0xFFFF0000, v8;
	v8 =	vshrl.u32 v8, $0xE;
	v9 =	vand.u32 $0xFFFC, v36  }
0x26b: {  	v8 =	vand.u32 $0x3, v8;
	v9 =	vor.u32 v37, v9  }
0x26c: {  	v8 =	vor.u32 v8, v9  }
0x26d: {  	[tilespmem:v0+s9+$0x0] =	vst.idx.msk $0xffff, v8  }
0x26e: {  	v8 =	vld [tilespmem:s0+$0x170];
	_ =	sdelay $0x4  }
0x26f: {  	v38 =	vshll.u32 v8, $0x2  }
0x270: {  	v39 =	vand.u32 $0xFFFF0000, v8;
	v8 =	vshrl.u32 v8, $0xE;
	v9 =	vand.u32 $0xFFFC, v38  }
0x271: {  	v8 =	vand.u32 $0x3, v8;
	v9 =	vor.u32 v39, v9  }
0x272: {  	v8 =	vor.u32 v8, v9  }
0x273: {  	[tilespmem:v1+s9+$0x0] =	vst.idx.msk $0xffff, v8  }
0x274: {  	v8 =	vld [tilespmem:s0+$0x2160];
	_ =	sdelay $0x4  }
0x275: {  	v40 =	vshll.u32 v8, $0x2  }
0x276: {  	v41 =	vand.u32 $0xFFFF0000, v8;
	v8 =	vshrl.u32 v8, $0xE;
	v9 =	vand.u32 $0xFFFC, v40  }
0x277: {  	v8 =	vand.u32 $0x3, v8;
	v9 =	vor.u32 v41, v9  }
0x278: {  	v8 =	vor.u32 v8, v9  }
0x279: {  	[tilespmem:v2+s9+$0x0] =	vst.idx.msk $0xffff, v8  }
0x27a: {  	v8 =	vld [tilespmem:s0+$0x2170];
	_ =	sdelay $0x4  }
0x27b: {  	v42 =	vshll.u32 v8, $0x2  }
0x27c: {  	v43 =	vand.u32 $0xFFFF0000, v8;
	v8 =	vshrl.u32 v8, $0xE;
	v9 =	vand.u32 $0xFFFC, v42  }
0x27d: {  	v8 =	vand.u32 $0x3, v8;
	v9 =	vor.u32 v43, v9  }
0x27e: {  	v8 =	vor.u32 v8, v9  }
0x27f: {  	[tilespmem:v3+s9+$0x0] =	vst.idx.msk $0xffff, v8  }
0x280: {  	v8 =	vld [tilespmem:s0+$0x4160];
	_ =	sdelay $0x4  }
0x281: {  	v44 =	vshll.u32 v8, $0x2  }
0x282: {  	v45 =	vand.u32 $0xFFFF0000, v8;
	v8 =	vshrl.u32 v8, $0xE;
	v9 =	vand.u32 $0xFFFC, v44  }
0x283: {  	v8 =	vand.u32 $0x3, v8;
	v9 =	vor.u32 v45, v9  }
0x284: {  	v8 =	vor.u32 v8, v9  }
0x285: {  	[tilespmem:v4+s9+$0x0] =	vst.idx.msk $0xffff, v8  }
0x286: {  	v8 =	vld [tilespmem:s0+$0x4170];
	_ =	sdelay $0x4  }
0x287: {  	v46 =	vshll.u32 v8, $0x2  }
0x288: {  	v47 =	vand.u32 $0xFFFF0000, v8;
	v8 =	vshrl.u32 v8, $0xE;
	v9 =	vand.u32 $0xFFFC, v46  }
0x289: {  	v8 =	vand.u32 $0x3, v8;
	v9 =	vor.u32 v47, v9  }
0x28a: {  	v8 =	vor.u32 v8, v9  }
0x28b: {  	[tilespmem:v5+s9+$0x0] =	vst.idx.msk $0xffff, v8  }
0x28c: {  	v8 =	vld [tilespmem:s0+$0x6160];
	_ =	sdelay $0x4  }
0x28d: {  	v48 =	vshll.u32 v8, $0x2  }
0x28e: {  	v49 =	vand.u32 $0xFFFF0000, v8;
	v8 =	vshrl.u32 v8, $0xE;
	v9 =	vand.u32 $0xFFFC, v48  }
0x28f: {  	v8 =	vand.u32 $0x3, v8;
	v9 =	vor.u32 v49, v9  }
0x290: {  	v8 =	vor.u32 v8, v9  }
0x291: {  	[tilespmem:v6+s9+$0x0] =	vst.idx.msk $0xffff, v8  }
0x292: {  	v8 =	vld [tilespmem:s0+$0x6170];
	_ =	sdelay $0x4  }
0x293: {  	v50 =	vshll.u32 v8, $0x2  }
0x294: {  	v51 =	vand.u32 $0xFFFF0000, v8;
	v8 =	vshrl.u32 v8, $0xE;
	v9 =	vand.u32 $0xFFFC, v50  }
0x295: {  	v8 =	vand.u32 $0x3, v8;
	v9 =	vor.u32 v51, v9  }
0x296: {  	v8 =	vor.u32 v8, v9  }
0x297: {  	[tilespmem:v7+s9+$0x0] =	vst.idx.msk $0xffff, v8  }
0x298: {  	v8 =	vld [tilespmem:s0+$0x180];
	_ =	sdelay $0x4  }
0x299: {  	v52 =	vshll.u32 v8, $0x2  }
0x29a: {  	v53 =	vand.u32 $0xFFFF0000, v8;
	v8 =	vshrl.u32 v8, $0xE;
	v9 =	vand.u32 $0xFFFC, v52  }
0x29b: {  	v8 =	vand.u32 $0x3, v8;
	v9 =	vor.u32 v53, v9  }
0x29c: {  	v8 =	vor.u32 v8, v9  }
0x29d: {  	[tilespmem:v0+s10+$0x0] =	vst.idx.msk $0xffff, v8  }
0x29e: {  	v8 =	vld [tilespmem:s0+$0x190];
	_ =	sdelay $0x4  }
0x29f: {  	v54 =	vshll.u32 v8, $0x2  }
0x2a0: {  	v55 =	vand.u32 $0xFFFF0000, v8;
	v8 =	vshrl.u32 v8, $0xE;
	v9 =	vand.u32 $0xFFFC, v54  }
0x2a1: {  	v8 =	vand.u32 $0x3, v8;
	v9 =	vor.u32 v55, v9  }
0x2a2: {  	v8 =	vor.u32 v8, v9  }
0x2a3: {  	[tilespmem:v1+s10+$0x0] =	vst.idx.msk $0xffff, v8  }
0x2a4: {  	v8 =	vld [tilespmem:s0+$0x2180];
	_ =	sdelay $0x4  }
0x2a5: {  	v56 =	vshll.u32 v8, $0x2  }
0x2a6: {  	v57 =	vand.u32 $0xFFFF0000, v8;
	v8 =	vshrl.u32 v8, $0xE;
	v9 =	vand.u32 $0xFFFC, v56  }
0x2a7: {  	v8 =	vand.u32 $0x3, v8;
	v9 =	vor.u32 v57, v9  }
0x2a8: {  	v8 =	vor.u32 v8, v9  }
0x2a9: {  	[tilespmem:v2+s10+$0x0] =	vst.idx.msk $0xffff, v8  }
0x2aa: {  	v8 =	vld [tilespmem:s0+$0x2190];
	_ =	sdelay $0x4  }
0x2ab: {  	v58 =	vshll.u32 v8, $0x2  }
0x2ac: {  	v59 =	vand.u32 $0xFFFF0000, v8;
	v8 =	vshrl.u32 v8, $0xE;
	v9 =	vand.u32 $0xFFFC, v58  }
0x2ad: {  	v8 =	vand.u32 $0x3, v8;
	v9 =	vor.u32 v59, v9  }
0x2ae: {  	v8 =	vor.u32 v8, v9  }
0x2af: {  	[tilespmem:v3+s10+$0x0] =	vst.idx.msk $0xffff, v8  }
0x2b0: {  	v8 =	vld [tilespmem:s0+$0x4180];
	_ =	sdelay $0x4  }
0x2b1: {  	v60 =	vshll.u32 v8, $0x2  }
0x2b2: {  	v61 =	vand.u32 $0xFFFF0000, v8;
	v8 =	vshrl.u32 v8, $0xE;
	v9 =	vand.u32 $0xFFFC, v60  }
0x2b3: {  	v8 =	vand.u32 $0x3, v8;
	v9 =	vor.u32 v61, v9  }
0x2b4: {  	v8 =	vor.u32 v8, v9  }
0x2b5: {  	[tilespmem:v4+s10+$0x0] =	vst.idx.msk $0xffff, v8  }
0x2b6: {  	v8 =	vld [tilespmem:s0+$0x4190];
	_ =	sdelay $0x4  }
0x2b7: {  	v62 =	vshll.u32 v8, $0x2  }
0x2b8: {  	v63 =	vand.u32 $0xFFFF0000, v8;
	v8 =	vshrl.u32 v8, $0xE;
	v9 =	vand.u32 $0xFFFC, v62  }
0x2b9: {  	v8 =	vand.u32 $0x3, v8;
	v9 =	vor.u32 v63, v9  }
0x2ba: {  	v8 =	vor.u32 v8, v9  }
0x2bb: {  	[tilespmem:v5+s10+$0x0] =	vst.idx.msk $0xffff, v8  }
0x2bc: {  	v8 =	vld [tilespmem:s0+$0x6180];
	_ =	sdelay $0x4  }
0x2bd: {  	v12 =	vshll.u32 v8, $0x2  }
0x2be: {  	v13 =	vand.u32 $0xFFFF0000, v8;
	v8 =	vshrl.u32 v8, $0xE;
	v9 =	vand.u32 $0xFFFC, v12  }
0x2bf: {  	v8 =	vand.u32 $0x3, v8;
	v9 =	vor.u32 v13, v9  }
0x2c0: {  	v8 =	vor.u32 v8, v9  }
0x2c1: {  	[tilespmem:v6+s10+$0x0] =	vst.idx.msk $0xffff, v8  }
0x2c2: {  	v8 =	vld [tilespmem:s0+$0x6190];
	_ =	sdelay $0x4  }
0x2c3: {  	v14 =	vshll.u32 v8, $0x2  }
0x2c4: {  	v15 =	vand.u32 $0xFFFF0000, v8;
	v8 =	vshrl.u32 v8, $0xE;
	v9 =	vand.u32 $0xFFFC, v14  }
0x2c5: {  	v8 =	vand.u32 $0x3, v8;
	v9 =	vor.u32 v15, v9  }
0x2c6: {  	v8 =	vor.u32 v8, v9  }
0x2c7: {  	[tilespmem:v7+s10+$0x0] =	vst.idx.msk $0xffff, v8  }
0x2c8: {  	v8 =	vld [tilespmem:s0+$0x1A0];
	_ =	sdelay $0x4  }
0x2c9: {  	v16 =	vshll.u32 v8, $0x2  }
0x2ca: {  	v17 =	vand.u32 $0xFFFF0000, v8;
	v8 =	vshrl.u32 v8, $0xE;
	v9 =	vand.u32 $0xFFFC, v16  }
0x2cb: {  	v8 =	vand.u32 $0x3, v8;
	v9 =	vor.u32 v17, v9  }
0x2cc: {  	v8 =	vor.u32 v8, v9  }
0x2cd: {  	[tilespmem:v0+s11+$0x0] =	vst.idx.msk $0xffff, v8  }
0x2ce: {  	v8 =	vld [tilespmem:s0+$0x1B0];
	_ =	sdelay $0x4  }
0x2cf: {  	v18 =	vshll.u32 v8, $0x2  }
0x2d0: {  	v19 =	vand.u32 $0xFFFF0000, v8;
	v8 =	vshrl.u32 v8, $0xE;
	v9 =	vand.u32 $0xFFFC, v18  }
0x2d1: {  	v8 =	vand.u32 $0x3, v8;
	v9 =	vor.u32 v19, v9  }
0x2d2: {  	v8 =	vor.u32 v8, v9  }
0x2d3: {  	[tilespmem:v1+s11+$0x0] =	vst.idx.msk $0xffff, v8  }
0x2d4: {  	v8 =	vld [tilespmem:s0+$0x21A0];
	_ =	sdelay $0x4  }
0x2d5: {  	v20 =	vshll.u32 v8, $0x2  }
0x2d6: {  	v21 =	vand.u32 $0xFFFF0000, v8;
	v8 =	vshrl.u32 v8, $0xE;
	v9 =	vand.u32 $0xFFFC, v20  }
0x2d7: {  	v8 =	vand.u32 $0x3, v8;
	v9 =	vor.u32 v21, v9  }
0x2d8: {  	v8 =	vor.u32 v8, v9  }
0x2d9: {  	[tilespmem:v2+s11+$0x0] =	vst.idx.msk $0xffff, v8  }
0x2da: {  	v8 =	vld [tilespmem:s0+$0x21B0];
	_ =	sdelay $0x4  }
0x2db: {  	v22 =	vshll.u32 v8, $0x2  }
0x2dc: {  	v23 =	vand.u32 $0xFFFF0000, v8;
	v8 =	vshrl.u32 v8, $0xE;
	v9 =	vand.u32 $0xFFFC, v22  }
0x2dd: {  	v8 =	vand.u32 $0x3, v8;
	v9 =	vor.u32 v23, v9  }
0x2de: {  	v8 =	vor.u32 v8, v9  }
0x2df: {  	[tilespmem:v3+s11+$0x0] =	vst.idx.msk $0xffff, v8  }
0x2e0: {  	v8 =	vld [tilespmem:s0+$0x41A0];
	_ =	sdelay $0x4  }
0x2e1: {  	v24 =	vshll.u32 v8, $0x2  }
0x2e2: {  	v25 =	vand.u32 $0xFFFF0000, v8;
	v8 =	vshrl.u32 v8, $0xE;
	v9 =	vand.u32 $0xFFFC, v24  }
0x2e3: {  	v8 =	vand.u32 $0x3, v8;
	v9 =	vor.u32 v25, v9  }
0x2e4: {  	v8 =	vor.u32 v8, v9  }
0x2e5: {  	[tilespmem:v4+s11+$0x0] =	vst.idx.msk $0xffff, v8  }
0x2e6: {  	v8 =	vld [tilespmem:s0+$0x41B0];
	_ =	sdelay $0x4  }
0x2e7: {  	v26 =	vshll.u32 v8, $0x2  }
0x2e8: {  	v27 =	vand.u32 $0xFFFF0000, v8;
	v8 =	vshrl.u32 v8, $0xE;
	v9 =	vand.u32 $0xFFFC, v26  }
0x2e9: {  	v8 =	vand.u32 $0x3, v8;
	v9 =	vor.u32 v27, v9  }
0x2ea: {  	v8 =	vor.u32 v8, v9  }
0x2eb: {  	[tilespmem:v5+s11+$0x0] =	vst.idx.msk $0xffff, v8  }
0x2ec: {  	v8 =	vld [tilespmem:s0+$0x61A0];
	_ =	sdelay $0x4  }
0x2ed: {  	v28 =	vshll.u32 v8, $0x2  }
0x2ee: {  	v29 =	vand.u32 $0xFFFF0000, v8;
	v8 =	vshrl.u32 v8, $0xE;
	v9 =	vand.u32 $0xFFFC, v28  }
0x2ef: {  	v8 =	vand.u32 $0x3, v8;
	v9 =	vor.u32 v29, v9  }
0x2f0: {  	v8 =	vor.u32 v8, v9  }
0x2f1: {  	[tilespmem:v6+s11+$0x0] =	vst.idx.msk $0xffff, v8  }
0x2f2: {  	v8 =	vld [tilespmem:s0+$0x61B0];
	_ =	sdelay $0x4  }
0x2f3: {  	v30 =	vshll.u32 v8, $0x2  }
0x2f4: {  	v31 =	vand.u32 $0xFFFF0000, v8;
	v8 =	vshrl.u32 v8, $0xE;
	v9 =	vand.u32 $0xFFFC, v30  }
0x2f5: {  	v8 =	vand.u32 $0x3, v8;
	v9 =	vor.u32 v31, v9  }
0x2f6: {  	v8 =	vor.u32 v8, v9  }
0x2f7: {  	[tilespmem:v7+s11+$0x0] =	vst.idx.msk $0xffff, v8  }
0x2f8: {  	v8 =	vld [tilespmem:s0+$0x1C0];
	_ =	sdelay $0x4  }
0x2f9: {  	v32 =	vshll.u32 v8, $0x2  }
0x2fa: {  	v33 =	vand.u32 $0xFFFF0000, v8;
	v8 =	vshrl.u32 v8, $0xE;
	v9 =	vand.u32 $0xFFFC, v32  }
0x2fb: {  	v8 =	vand.u32 $0x3, v8;
	v9 =	vor.u32 v33, v9  }
0x2fc: {  	v8 =	vor.u32 v8, v9  }
0x2fd: {  	[tilespmem:v0+s8+$0x0] =	vst.idx.msk $0xffff, v8  }
0x2fe: {  	v8 =	vld [tilespmem:s0+$0x1D0];
	_ =	sdelay $0x4  }
0x2ff: {  	v34 =	vshll.u32 v8, $0x2  }
0x300: {  	v35 =	vand.u32 $0xFFFF0000, v8;
	v8 =	vshrl.u32 v8, $0xE;
	v9 =	vand.u32 $0xFFFC, v34  }
0x301: {  	v8 =	vand.u32 $0x3, v8;
	v9 =	vor.u32 v35, v9  }
0x302: {  	v8 =	vor.u32 v8, v9  }
0x303: {  	[tilespmem:v1+s8+$0x0] =	vst.idx.msk $0xffff, v8  }
0x304: {  	v8 =	vld [tilespmem:s0+$0x21C0];
	_ =	sdelay $0x4  }
0x305: {  	v36 =	vshll.u32 v8, $0x2  }
0x306: {  	v37 =	vand.u32 $0xFFFF0000, v8;
	v8 =	vshrl.u32 v8, $0xE;
	v9 =	vand.u32 $0xFFFC, v36  }
0x307: {  	v8 =	vand.u32 $0x3, v8;
	v9 =	vor.u32 v37, v9  }
0x308: {  	v8 =	vor.u32 v8, v9  }
0x309: {  	[tilespmem:v2+s8+$0x0] =	vst.idx.msk $0xffff, v8  }
0x30a: {  	v8 =	vld [tilespmem:s0+$0x21D0];
	_ =	sdelay $0x4  }
0x30b: {  	v38 =	vshll.u32 v8, $0x2  }
0x30c: {  	v39 =	vand.u32 $0xFFFF0000, v8;
	v8 =	vshrl.u32 v8, $0xE;
	v9 =	vand.u32 $0xFFFC, v38  }
0x30d: {  	v8 =	vand.u32 $0x3, v8;
	v9 =	vor.u32 v39, v9  }
0x30e: {  	v8 =	vor.u32 v8, v9  }
0x30f: {  	[tilespmem:v3+s8+$0x0] =	vst.idx.msk $0xffff, v8  }
0x310: {  	v8 =	vld [tilespmem:s0+$0x41C0];
	_ =	sdelay $0x4  }
0x311: {  	v40 =	vshll.u32 v8, $0x2  }
0x312: {  	v41 =	vand.u32 $0xFFFF0000, v8;
	v8 =	vshrl.u32 v8, $0xE;
	v9 =	vand.u32 $0xFFFC, v40  }
0x313: {  	v8 =	vand.u32 $0x3, v8;
	v9 =	vor.u32 v41, v9  }
0x314: {  	v8 =	vor.u32 v8, v9  }
0x315: {  	[tilespmem:v4+s8+$0x0] =	vst.idx.msk $0xffff, v8  }
0x316: {  	v8 =	vld [tilespmem:s0+$0x41D0];
	_ =	sdelay $0x4  }
0x317: {  	v42 =	vshll.u32 v8, $0x2  }
0x318: {  	v43 =	vand.u32 $0xFFFF0000, v8;
	v8 =	vshrl.u32 v8, $0xE;
	v9 =	vand.u32 $0xFFFC, v42  }
0x319: {  	v8 =	vand.u32 $0x3, v8;
	v9 =	vor.u32 v43, v9  }
0x31a: {  	v8 =	vor.u32 v8, v9  }
0x31b: {  	[tilespmem:v5+s8+$0x0] =	vst.idx.msk $0xffff, v8  }
0x31c: {  	v8 =	vld [tilespmem:s0+$0x61C0];
	_ =	sdelay $0x4  }
0x31d: {  	v44 =	vshll.u32 v8, $0x2  }
0x31e: {  	v45 =	vand.u32 $0xFFFF0000, v8;
	v8 =	vshrl.u32 v8, $0xE;
	v9 =	vand.u32 $0xFFFC, v44  }
0x31f: {  	v8 =	vand.u32 $0x3, v8;
	v9 =	vor.u32 v45, v9  }
0x320: {  	v8 =	vor.u32 v8, v9  }
0x321: {  	[tilespmem:v6+s8+$0x0] =	vst.idx.msk $0xffff, v8  }
0x322: {  	v8 =	vld [tilespmem:s0+$0x61D0];
	_ =	sdelay $0x4  }
0x323: {  	v46 =	vshll.u32 v8, $0x2  }
0x324: {  	v47 =	vand.u32 $0xFFFF0000, v8;
	v8 =	vshrl.u32 v8, $0xE;
	v9 =	vand.u32 $0xFFFC, v46  }
0x325: {  	v8 =	vand.u32 $0x3, v8;
	v9 =	vor.u32 v47, v9  }
0x326: {  	v8 =	vor.u32 v8, v9  }
0x327: {  	[tilespmem:v7+s8+$0x0] =	vst.idx.msk $0xffff, v8  }
0x328: {  	v8 =	vld [tilespmem:s0+$0x1E0];
	_ =	sdelay $0x4  }
0x329: {  	v48 =	vshll.u32 v8, $0x2  }
0x32a: {  	v49 =	vand.u32 $0xFFFF0000, v8;
	v8 =	vshrl.u32 v8, $0xE;
	v9 =	vand.u32 $0xFFFC, v48  }
0x32b: {  	v8 =	vand.u32 $0x3, v8;
	v9 =	vor.u32 v49, v9  }
0x32c: {  	v8 =	vor.u32 v8, v9  }
0x32d: {  	[tilespmem:v0+s4+$0x0] =	vst.idx.msk $0xffff, v8  }
0x32e: {  	v8 =	vld [tilespmem:s0+$0x1F0];
	_ =	sdelay $0x4  }
0x32f: {  	v50 =	vshll.u32 v8, $0x2  }
0x330: {  	v51 =	vand.u32 $0xFFFF0000, v8;
	v8 =	vshrl.u32 v8, $0xE;
	v9 =	vand.u32 $0xFFFC, v50  }
0x331: {  	v8 =	vand.u32 $0x3, v8;
	v9 =	vor.u32 v51, v9  }
0x332: {  	v8 =	vor.u32 v8, v9  }
0x333: {  	[tilespmem:v1+s4+$0x0] =	vst.idx.msk $0xffff, v8  }
0x334: {  	v8 =	vld [tilespmem:s0+$0x21E0];
	_ =	sdelay $0x4  }
0x335: {  	v52 =	vshll.u32 v8, $0x2  }
0x336: {  	v53 =	vand.u32 $0xFFFF0000, v8;
	v8 =	vshrl.u32 v8, $0xE;
	v9 =	vand.u32 $0xFFFC, v52  }
0x337: {  	v8 =	vand.u32 $0x3, v8;
	v9 =	vor.u32 v53, v9  }
0x338: {  	v8 =	vor.u32 v8, v9  }
0x339: {  	[tilespmem:v2+s4+$0x0] =	vst.idx.msk $0xffff, v8  }
0x33a: {  	v8 =	vld [tilespmem:s0+$0x21F0];
	_ =	sdelay $0x4  }
0x33b: {  	v54 =	vshll.u32 v8, $0x2  }
0x33c: {  	v55 =	vand.u32 $0xFFFF0000, v8;
	v8 =	vshrl.u32 v8, $0xE;
	v9 =	vand.u32 $0xFFFC, v54  }
0x33d: {  	v8 =	vand.u32 $0x3, v8;
	v9 =	vor.u32 v55, v9  }
0x33e: {  	v8 =	vor.u32 v8, v9  }
0x33f: {  	[tilespmem:v3+s4+$0x0] =	vst.idx.msk $0xffff, v8  }
0x340: {  	v8 =	vld [tilespmem:s0+$0x41E0];
	_ =	sdelay $0x4  }
0x341: {  	v56 =	vshll.u32 v8, $0x2  }
0x342: {  	v57 =	vand.u32 $0xFFFF0000, v8;
	v8 =	vshrl.u32 v8, $0xE;
	v9 =	vand.u32 $0xFFFC, v56  }
0x343: {  	v8 =	vand.u32 $0x3, v8;
	v9 =	vor.u32 v57, v9  }
0x344: {  	v8 =	vor.u32 v8, v9  }
0x345: {  	[tilespmem:v4+s4+$0x0] =	vst.idx.msk $0xffff, v8  }
0x346: {  	v8 =	vld [tilespmem:s0+$0x41F0];
	_ =	sdelay $0x4  }
0x347: {  	v58 =	vshll.u32 v8, $0x2  }
0x348: {  	v59 =	vand.u32 $0xFFFF0000, v8;
	v8 =	vshrl.u32 v8, $0xE;
	v9 =	vand.u32 $0xFFFC, v58  }
0x349: {  	v8 =	vand.u32 $0x3, v8;
	v9 =	vor.u32 v59, v9  }
0x34a: {  	v8 =	vor.u32 v8, v9  }
0x34b: {  	[tilespmem:v5+s4+$0x0] =	vst.idx.msk $0xffff, v8  }
0x34c: {  	v8 =	vld [tilespmem:s0+$0x61E0];
	_ =	sdelay $0x4  }
0x34d: {  	v60 =	vshll.u32 v8, $0x2  }
0x34e: {  	v61 =	vand.u32 $0xFFFF0000, v8;
	v8 =	vshrl.u32 v8, $0xE;
	v9 =	vand.u32 $0xFFFC, v60  }
0x34f: {  	v8 =	vand.u32 $0x3, v8;
	v9 =	vor.u32 v61, v9  }
0x350: {  	v8 =	vor.u32 v8, v9  }
0x351: {  	[tilespmem:v6+s4+$0x0] =	vst.idx.msk $0xffff, v8  }
0x352: {  	v8 =	vld [tilespmem:s0+$0x61F0];
	_ =	sdelay $0x4  }
0x353: {  	v62 =	vshll.u32 v8, $0x2  }
0x354: {  	v63 =	vand.u32 $0xFFFF0000, v8;
	v8 =	vshrl.u32 v8, $0xE;
	v9 =	vand.u32 $0xFFFC, v62  }
0x355: {  	v8 =	vand.u32 $0x3, v8;
	v9 =	vor.u32 v63, v9  }
0x356: {  	v8 =	vor.u32 v8, v9  }
0x357: {  	[tilespmem:v7+s4+$0x0] =	vst.idx.msk $0xffff, v8  }
0x358: {  	_ =	swait.ge [sflag:s15], $0x8000  }
0x359: {  	[sflag:s15] =	ssyncset.done $0x0  }
0x35a: {  	[sflag:s15] =	ssyncadd.s32 $0xFFFF8000  }
0x35b: {  	[hbm4b:s3+s28] =	stream.indirect.scatter [tilespmem:s17], [sflag:$0x5], $0x20, s5, s28, $0xb8;
	[tilespmem:$0x18800] =	vst v63  }
0x35c: {  	s1 =	simm.s32 $0x11800  }
0x35d: {  	[hbm4b:s3+s28] =	stream.indirect.scatter [tilespmem:s1], [sflag:$0x5], $0x20, s6, s28, $0xb8;
	[tilespmem:$0x18800] =	vst v63  }
0x35e: {  	s12 =	simm.s32 $0x12800  }
0x35f: {  	[hbm4b:s3+s28] =	stream.indirect.scatter [tilespmem:s12], [sflag:$0x5], $0x20, s7, s28, $0xb8;
	[tilespmem:$0x18800] =	vst v63  }
0x360: {  	s16 =	simm.s32 $0x13800  }
0x361: {  	[hbm4b:s3+s28] =	stream.indirect.scatter [tilespmem:s16], [sflag:$0x5], $0x20, s9, s28, $0xb8;
	[tilespmem:$0x18800] =	vst v63  }
0x362: {  	s1 =	simm.s32 $0x14800  }
0x363: {  	[hbm4b:s3+s28] =	stream.indirect.scatter [tilespmem:s1], [sflag:$0x5], $0x20, s10, s28, $0xb8;
	[tilespmem:$0x18800] =	vst v63  }
0x364: {  	s12 =	simm.s32 $0x15800  }
0x365: {  	[hbm4b:s3+s28] =	stream.indirect.scatter [tilespmem:s12], [sflag:$0x5], $0x20, s11, s28, $0xb8;
	[tilespmem:$0x18800] =	vst v63  }
0x366: {  	s16 =	simm.s32 $0x16800  }
0x367: {  	[hbm4b:s3+s28] =	stream.indirect.scatter [tilespmem:s16], [sflag:$0x5], $0x20, s8, s28, $0xb8;
	[tilespmem:$0x18800] =	vst v63  }
0x368: {  	_ = 	snop  }
0x369: {  	[hbm4b:s3+s28] =	stream.indirect.scatter [tilespmem:s13], [sflag:$0x5], $0x20, s4, s28, $0xb8;
	[tilespmem:$0x18800] =	vst v63  }
0x36a: {  	_ =	swait.ge [sflag:s29], $0x1000  }
0x36b: {  	[sflag:s29] =	ssyncset.done $0x0  }
0x36c: {  	[sflag:s29] =	ssyncadd.s32 $0xFFFFF000  }
0x36d: {  	_ =	swait.ge [sflag:s29], $0x1000  }
0x36e: {  	[sflag:s29] =	ssyncset.done $0x0  }
0x36f: {  	[sflag:s29] =	ssyncadd.s32 $0xFFFFF000  }
0x370: {  	_ =	swait.ge [sflag:s29], $0x1000  }
0x371: {  	[sflag:s29] =	ssyncset.done $0x0  }
0x372: {  	[sflag:s29] =	ssyncadd.s32 $0xFFFFF000  }
0x373: {  	_ =	swait.ge [sflag:s29], $0x1000  }
0x374: {  	[sflag:s29] =	ssyncset.done $0x0  }
0x375: {  	[sflag:s29] =	ssyncadd.s32 $0xFFFFF000  }
0x376: {  	_ =	swait.ge [sflag:s29], $0x1000  }
0x377: {  	[sflag:s29] =	ssyncset.done $0x0  }
0x378: {  	[sflag:s29] =	ssyncadd.s32 $0xFFFFF000  }
0x379: {  	_ =	swait.ge [sflag:s29], $0x1000  }
0x37a: {  	[sflag:s29] =	ssyncset.done $0x0  }
0x37b: {  	[sflag:s29] =	ssyncadd.s32 $0xFFFFF000  }
0x37c: {  	_ =	swait.ge [sflag:s29], $0x1000  }
.Ltmp2:
0x37d: {  	[sflag:s29] =	ssyncset.done $0x0;
	(pc) =	sbr.rel @p0 .LBB2_4-.Ltmp2, $4  }
0x37e: {  	[sflag:s29] =	ssyncadd.s32 $0xFFFFF000  }
0x37f: {  	_ =	swait.ge [sflag:s29], $0x1000  }
0x380: {  	[sflag:s29] =	ssyncset.done $0x0  }
0x381: {  	[sflag:s29] =	ssyncadd.s32 $0xFFFFF000  }
.Ltmp3:
0x382: {  	(pc) =	sbr.rel .LBB2_2-.Ltmp3, $3  }
0x383: {  	_ =	sdelay $0x1  }
0x384: {  	[tilespmem:s17], [sflag:$0x3] =	stream.linear.gather [hbm4b:s31+s2], $0x8000, $0x38;
	[tilespmem:$0x18800] =	vst v63  }
0x385: {  	s31 =	sadd.s32 $0x2000, s31;
	s30 =	sadd.s32 $0x800, s30  }
.LBB2_5:
0x386: {  	_ =	sfence.sel $0x180000  }
0x387: {  	[bflag:$0x0] =	sbarrier.arrive $0xFFFF  }
0x388: {  	_ =	strace $0x90000047  }
0x389: {  	s0 =	stileid.u32;
	[bflag:$0x2] =	sbarrier.arrive $0xFFFF  }
0x38a: {  	p0 =	sne.s32 s0, $0x0;
	s0 =	rddreg [dreg:$0x3]  }
0x38b: {  	s0 =	sadd.s32 @!p0 $0x100000, s0  }
0x38c: {  	[sflag:s0] =	ssyncadd.tile.s32 @!p0 $0x1;
	_ =	shalt  }
.Lfunc_end2:
_tile_overlayer_lowered:
.L_overlay_start_2:
0x38d: {  	(tag) =	ssettag $0x2  }
0x38e: {  	s0 =	rddreg [dreg:$0x0];
	s2 =	stileid.u32  }
0x38f: {  	s1 =	rddreg [dreg:$0x1];
	p0 =	sne.s32 s2, $0x0  }
0x390: {  	s3 =	rddreg [dreg:$0x2];
	[bflag:$0x3] =	sbarrier.arrive $0xFFFF;
	s2 =	simm.s32 @!p0 $0x1C06  }
0x391: {  	[timem:s3], [sflag:s2] =	dma.local @!p0 [hbm:s0], s1  }
0x392: {  	s0 =	simm.s32 @!p0 $0x6  }
0x393: {  	_ =	swait.ge @!p0 [sflag:s0], s1  }
0x394: {  	s1 =	ssub.s32 @!p0 $0x0, s1;
	[sflag:s0] =	ssyncset.done @!p0 $0x0  }
0x395: {  	[sflag:s0] =	ssyncadd.s32 @!p0 s1  }
0x396: {  	[bflag:$0x3] =	sbarrier.arrive $0xFFFF  }
0x397: {  	_ =	shalt  }

</sc_bundles>
